<compile_context>
chip_gen: v7x
topology: tpu7x:2x2x1
jax: 0.10.2.dev20260603
libtpu: 0.0.44.dev20260713+nightly
codegen_flags: <defaults>
</compile_context>

<pallas_src>
import jax
import jax.numpy as jnp
from jax import lax
from jax.experimental import pallas as pl
from jax.experimental.pallas import tpu as pltpu
from jax.experimental.pallas import tpu_sc as plsc

B, N, C = 16, 2048, 256
K = 3
KM_ITERS = 10
SC_BISECT_ITERS = 27
NV = N // 16


def _heatmap_body(x_ref, hm_ref):
    hm_ref[...] = jnp.sum(x_ref[0], axis=-1) * (1.0 / C)


def _heatmap(x, off, nb):
    return pl.pallas_call(
        _heatmap_body,
        grid=(nb,),
        in_specs=[pl.BlockSpec((1, N, C), lambda b: (b + off, 0, 0))],
        out_specs=pl.BlockSpec((N,), lambda b: (b,)),
        out_shape=jax.ShapeDtypeStruct((nb * N,), jnp.float32),
    )(x)


def _sc_cluster_body(hm_hbm, lab_hbm, fence_hbm, hm_v, lab_v, stage_v, xch,
                     fence_v):
    cid = lax.axis_index("c")
    sid = lax.axis_index("s")
    b = cid * 4 + (sid % 8) // 2
    role = sid % 2
    part = sid ^ 1
    active = sid < 8

    pltpu.sync_copy(hm_hbm.at[pl.ds(b * N, N)], hm_v)

    def ld(i):
        return hm_v[pl.ds(i * 16, 16)]

    z16 = jnp.zeros((16,), jnp.float32)

    def _splat(s):
        return jnp.full((16,), s, jnp.float32)

    role1b = jnp.full((16,), role, jnp.int32) == 1

    def exchange(payload_a, payload_b, off):
        stage_v[pl.ds(0, 16)] = payload_a
        stage_v[pl.ds(16, 16)] = payload_b
        pltpu.sync_copy(stage_v.at[pl.ds(0, 32)],
                        xch.at[sid, pl.ds(off, 32)])
        plsc.subcore_barrier()
        pltpu.sync_copy(xch.at[part, pl.ds(off, 32)],
                        stage_v.at[pl.ds(32, 32)])
        return stage_v[pl.ds(32, 16)], stage_v[pl.ds(48, 16)]

    v0 = ld(0)

    def p1(i, carry):
        vmin, vmax, sa, sb = carry
        va = ld(2 * i)
        vb = ld(2 * i + 1)
        return (jnp.minimum(jnp.minimum(vmin, va), vb),
                jnp.maximum(jnp.maximum(vmax, va), vb),
                sa + va, sb + vb)

    v1 = ld(1)
    vmin, vmax, sa, sb = lax.fori_loop(
        1, NV // 2, p1,
        (jnp.minimum(v0, v1), jnp.maximum(v0, v1), v0, v1), unroll=4)
    c0 = _splat(jnp.min(vmin))
    c2 = _splat(jnp.max(vmax))
    total_s = _splat(jnp.sum(sa + sb))

    kthv = jnp.full((16,), role, jnp.float32) + float(N // 2)

    def bis(_, carry):
        lo, hi = carry
        m = 0.5 * (lo + hi)

        def cntb(i, cc):
            a, b2 = cc
            a = a + jnp.where(ld(2 * i) <= m, 1.0, 0.0)
            b2 = b2 + jnp.where(ld(2 * i + 1) <= m, 1.0, 0.0)
            return a, b2

        a, b2 = lax.fori_loop(0, NV // 2, cntb, (z16, z16), unroll=4)
        cnt = _splat(jnp.sum(a + b2))
        ge = cnt >= kthv
        return jnp.where(ge, lo, m), jnp.where(ge, m, hi)

    _, q = lax.fori_loop(0, SC_BISECT_ITERS, bis, (c0 - 1.0, c2))

    qp, _ = exchange(q, q, 0)
    c1 = 0.5 * (q + qp)

    def lloyd_iter(carry, off):
        c0_, c1_, c2_ = carry
        t01 = 0.5 * (c0_ + c1_)
        t12 = 0.5 * (c1_ + c2_)
        thr = jnp.where(role1b, t12, t01)

        def acc(i, cc):
            sa, sb, na, nb = cc
            va = ld(2 * i)
            vb = ld(2 * i + 1)
            ma = (va <= thr) != role1b
            mb = (vb <= thr) != role1b
            sa = sa + jnp.where(ma, va, 0.0)
            na = na + jnp.where(ma, 1.0, 0.0)
            sb = sb + jnp.where(mb, vb, 0.0)
            nb = nb + jnp.where(mb, 1.0, 0.0)
            return sa, sb, na, nb

        sa, sb, na, nb = lax.fori_loop(0, NV // 2, acc, (z16, z16, z16, z16),
                                       unroll=4)
        s_red = _splat(jnp.sum(sa + sb))
        n_red = _splat(jnp.sum(na + nb))
        sp, np_ = exchange(s_red, n_red, off)
        s0 = jnp.where(role1b, sp, s_red)
        n0 = jnp.where(role1b, np_, n_red)
        s2 = jnp.where(role1b, s_red, sp)
        n2 = jnp.where(role1b, n_red, np_)
        s1 = total_s - s0 - s2
        n1 = float(N) - n0 - n2
        c0_ = jnp.where(n0 > 0, s0 / jnp.maximum(n0, 1.0), c0_)
        c1_ = jnp.where(n1 > 0, s1 / jnp.maximum(n1, 1.0), c1_)
        c2_ = jnp.where(n2 > 0, s2 / jnp.maximum(n2, 1.0), c2_)
        return c0_, c1_, c2_

    def lloyd2(_, carry):
        return lloyd_iter(lloyd_iter(carry, 32), 0)

    c0, c1, c2 = lax.fori_loop(0, KM_ITERS // 2, lloyd2, (c0, c1, c2))

    t01 = 0.5 * (c0 + c1)
    t12 = 0.5 * (c1 + c2)
    a0 = jnp.where(c1 > c0, 1, 0) + jnp.where(c2 > c0, 1, 0)
    a1 = (jnp.where(c0 > c1, 1, 0) + jnp.where(c2 > c1, 1, 0)
          + jnp.where(c0 == c1, 1, 0))
    a2 = (jnp.where(c0 > c2, 1, 0) + jnp.where(c1 > c2, 1, 0)
          + jnp.where(c0 == c2, 1, 0) + jnp.where(c1 == c2, 1, 0))
    base = role * (NV // 2)

    def wr(i, carry):
        v = ld(base + i)
        lab = jnp.where(v > t01, 1, 0) + jnp.where(v > t12, 1, 0)
        adj = jnp.where(lab == 0, a0, jnp.where(lab == 1, a1, a2))
        lab_v[pl.ds(i * 16, 16)] = adj
        return carry

    lax.fori_loop(0, NV // 2, wr, 0, unroll=8)
    out_off = b * N + role * (N // 2)

    @pl.when(active)
    def _():
        pltpu.sync_copy(lab_v, lab_hbm.at[pl.ds(out_off, N // 2)])
    wid = sid * 2 + cid

    def wrf(i, carry):
        fence_v[pl.ds(i * 16, 16)] = jnp.zeros((16,), jnp.float32)
        return carry

    lax.fori_loop(0, 8, wrf, 0)
    pltpu.sync_copy(fence_v, fence_hbm.at[pl.ds(wid * 128, 128)])


def _cluster_sc(hm):
    mesh = plsc.VectorSubcoreMesh(core_axis_name="c", subcore_axis_name="s",
                                  num_cores=2, num_subcores=16)
    f = pl.kernel(
        _sc_cluster_body,
        out_type=(jax.ShapeDtypeStruct((GB * N,), jnp.int32),
                  jax.ShapeDtypeStruct((32 * 128,), jnp.float32)),
        mesh=mesh,
        compiler_params=pltpu.CompilerParams(needs_layout_passes=False),
        scratch_types=[pltpu.VMEM((N,), jnp.float32),
                       pltpu.VMEM((N // 2,), jnp.int32),
                       pltpu.VMEM((64,), jnp.float32),
                       pltpu.VMEM_SHARED((16, 64), jnp.float32),
                       pltpu.VMEM((128,), jnp.float32)],
    )
    labels, _ = f(hm)
    return labels


def _pool_body(x_ref, lab_ref, out_ref):
    lab = lab_ref[0, 0, :]
    oh = jnp.where(lab[None, :] == jax.lax.broadcasted_iota(jnp.int32, (K, N), 0),
                   1.0, 0.0)
    sums = jax.lax.dot(oh, x_ref[0], precision=jax.lax.Precision.HIGHEST,
                       preferred_element_type=jnp.float32)
    counts = jnp.sum(oh, axis=1, keepdims=True)
    out_ref[0] = sums / jnp.maximum(counts, 1.0)


def _pool(x, labels, off, nb):
    return pl.pallas_call(
        _pool_body,
        grid=(nb,),
        in_specs=[pl.BlockSpec((1, N, C), lambda b: (b + off, 0, 0)),
                  pl.BlockSpec((1, 1, N), lambda b: (b, 0, 0))],
        out_specs=pl.BlockSpec((1, K, C), lambda b: (b, 0, 0)),
        out_shape=jax.ShapeDtypeStruct((nb, K, C), jnp.float32),
    )(x, labels)


GB = B // 2


@jax.jit
def kernel(x):
    hm0 = _heatmap(x, 0, GB)
    hm1 = _heatmap(x, GB, GB)
    lab0 = _cluster_sc(hm0)
    lab1 = _cluster_sc(hm1)
    m0 = _pool(x, lab0.reshape(GB, 1, N), 0, GB)
    m1 = _pool(x, lab1.reshape(GB, 1, N), GB, GB)
    means = jnp.concatenate([m0, m1], axis=0)
    return tuple(means[:, i, :] for i in range(K))

# --- scband reference (transcript-rebuilt; emitter-appended) ---
"""Pipeline reference for scband-build-cluster-feature-2035814498640 (READ-ONLY COPY).

The authoritative reference and input builder live on the scoring server;
editing this copy changes nothing except your own understanding.
"""

import jax, jax.numpy as jnp
import numpy as np

BLOCK = 3
KM_ITERS = 10


def _kmeans_1d(vals, k, iters):
    # vals: [N] 1-D values (per-token channel means); deterministic Lloyd's
    # algorithm with percentile init (stands in for sklearn KMeans).
    qs = jnp.linspace(0.0, 100.0, k)
    centers = jnp.percentile(vals, qs)
    for _ in range(iters):
        d = jnp.abs(vals[:, None] - centers[None, :])
        labels = jnp.argmin(d, axis=1)
        ones = jnp.ones_like(vals)
        counts = jax.ops.segment_sum(ones, labels, num_segments=k)
        sums = jax.ops.segment_sum(vals, labels, num_segments=k)
        centers = jnp.where(counts > 0, sums / jnp.maximum(counts, 1.0), centers)
    d = jnp.abs(vals[:, None] - centers[None, :])
    labels = jnp.argmin(d, axis=1)
    return labels, centers


def _cluster_one(xs):
    # xs: [N, C] sorted part features for one batch element
    vals = jnp.mean(xs, axis=-1)  # torch.mean(x_sort[i].view(-1,C), dim=-1)
    labels, centers = _kmeans_1d(vals, BLOCK, KM_ITERS)
    # mean_centers == centers for 1-D clustering; relabel so that the cluster
    # with the largest center gets label 0 (descending argsort mapping)
    perm = jnp.argsort(-centers)
    mapping = jnp.zeros((BLOCK,), dtype=jnp.int32).at[perm].set(jnp.arange(BLOCK, dtype=jnp.int32))
    adjusted = mapping[labels]
    # per-cluster mean over tokens (segment reduce), stacked along dim=1 -> [C, BLOCK]
    counts = jax.ops.segment_sum(jnp.ones((xs.shape[0],), xs.dtype), adjusted, num_segments=BLOCK)
    sums = jax.ops.segment_sum(xs, adjusted, num_segments=BLOCK)  # [BLOCK, C]
    means = sums / jnp.maximum(counts, 1.0)[:, None]
    return means.T, adjusted  # [C, BLOCK], [N]


def setup_inputs(seed: int = 0) -> dict:
    key = jax.random.key(seed)
    x = jax.random.normal(key, (16, 2048, 256), dtype=jnp.float32)
    return {"x": x}


def reference(x):
    # get_heartmap_pool_cluster
    heatmap = jnp.mean(x, axis=-1)  # [B, N]
    arg = jnp.argsort(-heatmap, axis=1)  # descending
    x_sort = jnp.take_along_axis(x, arg[:, :, None], axis=1)  # [B, N, C]
    heat_result, adjusted_labels = jax.vmap(_cluster_one)(x_sort)  # [B, C, BLOCK]
    # part_classifier with cls_name='classifier_heat': ClassBlock.forward is the
    # identity (returns x in both training and eval), so each part passes through.
    features = tuple(heat_result[:, :, i] for i in range(BLOCK))
    return features

if __name__ == "__main__":
    import jax
    _d = setup_inputs()
    print(jax.jit(kernel)(*tuple(_d.values())))

</pallas_src>

<mosaic_0001>
#map = affine_map<(d0, d1) -> (0)>
module attributes {stable_mosaic.version = 14 : i64} {
  func.func @_sc_cluster_body(%arg0: i32, %arg1: i32, %arg2: memref<16384xf32, #tpu.memory_space<hbm>>, %arg3: memref<16384xi32, #tpu.memory_space<hbm>>, %arg4: memref<4096xf32, #tpu.memory_space<hbm>>, %arg5: memref<2048xf32, #tpu.memory_space<vmem>>, %arg6: memref<1024xi32, #tpu.memory_space<vmem>>, %arg7: memref<64xf32, #tpu.memory_space<vmem>>, %arg8: memref<16x64xf32, #tpu.memory_space<vmem_shared>>, %arg9: memref<128xf32, #tpu.memory_space<vmem>>) attributes {dimension_semantics = [#tpu.dimension_semantics<core_parallel>, #tpu.dimension_semantics<subcore_parallel>], iteration_bounds = array<i64: 2, 16>, scalar_prefetch = 0 : i64, scratch_operands = 5 : i64, tpu.core_type = #tpu.core_type<sc_vector_subcore>, window_params = [{transform_indices = #map}, {transform_indices = #map}, {transform_indices = #map}]} {
    %mul3A = arith.constant 4 : i32
    %mul3A_0 = arith.muli %arg0, %mul3A : i32
    %jit3A = arith.constant 8 : i32
    %eq3A = arith.constant 0 : i32
    %eq3A_1 = arith.cmpi eq, %jit3A, %eq3A : i32
    %jit3A_2 = arith.constant 1 : i32
    %select_n3A = arith.select %eq3A_1, %jit3A_2, %jit3A : i32
    %rem3A = arith.remsi %arg1, %select_n3A : i32
    %ne3A = arith.constant 0 : i32
    %ne3A_3 = arith.cmpi ne, %rem3A, %ne3A : i32
    %lt3A = arith.constant 0 : i32
    %lt3A_4 = arith.cmpi slt, %rem3A, %lt3A : i32
    %lt3A_5 = arith.constant 0 : i32
    %lt3A_6 = arith.cmpi slt, %select_n3A, %lt3A_5 : i32
    %ne3A_7 = arith.xori %lt3A_4, %lt3A_6 : i1
    %and3A = arith.andi %ne3A_7, %ne3A_3 : i1
    %add3A = arith.addi %rem3A, %select_n3A : i32
    %select_n3A_8 = arith.select %and3A, %add3A, %rem3A : i32
    %jit3A_9 = arith.constant 2 : i32
    %div3A = arith.divsi %select_n3A_8, %jit3A_9 : i32
    %sign3A = arith.constant 0 : i32
    %sign3A_10 = arith.cmpi sgt, %select_n3A_8, %sign3A : i32
    %sign3A_11 = arith.extui %sign3A_10 : i1 to i32
    %sign3A_12 = arith.constant 0 : i32
    %sign3A_13 = arith.cmpi slt, %select_n3A_8, %sign3A_12 : i32
    %sign3A_14 = arith.extui %sign3A_13 : i1 to i32
    %sign3A_15 = arith.subi %sign3A_11, %sign3A_14 : i32
    %sign3A_16 = arith.constant 0 : i32
    %sign3A_17 = arith.cmpi sgt, %jit3A_9, %sign3A_16 : i32
    %sign3A_18 = arith.extui %sign3A_17 : i1 to i32
    %sign3A_19 = arith.constant 0 : i32
    %sign3A_20 = arith.cmpi slt, %jit3A_9, %sign3A_19 : i32
    %sign3A_21 = arith.extui %sign3A_20 : i1 to i32
    %sign3A_22 = arith.subi %sign3A_18, %sign3A_21 : i32
    %ne3A_23 = arith.cmpi ne, %sign3A_15, %sign3A_22 : i32
    %rem3A_24 = arith.remsi %select_n3A_8, %jit3A_9 : i32
    %ne3A_25 = arith.constant 0 : i32
    %ne3A_26 = arith.cmpi ne, %rem3A_24, %ne3A_25 : i32
    %and3A_27 = arith.andi %ne3A_23, %ne3A_26 : i1
    %sub3A = arith.constant 1 : i32
    %sub3A_28 = arith.subi %div3A, %sub3A : i32
    %select_n3A_29 = arith.select %and3A_27, %sub3A_28, %div3A : i32
    %add3A_30 = arith.addi %mul3A_0, %select_n3A_29 : i32
    %jit3A_31 = arith.constant 2 : i32
    %eq3A_32 = arith.constant 0 : i32
    %eq3A_33 = arith.cmpi eq, %jit3A_31, %eq3A_32 : i32
    %jit3A_34 = arith.constant 1 : i32
    %select_n3A_35 = arith.select %eq3A_33, %jit3A_34, %jit3A_31 : i32
    %rem3A_36 = arith.remsi %arg1, %select_n3A_35 : i32
    %ne3A_37 = arith.constant 0 : i32
    %ne3A_38 = arith.cmpi ne, %rem3A_36, %ne3A_37 : i32
    %lt3A_39 = arith.constant 0 : i32
    %lt3A_40 = arith.cmpi slt, %rem3A_36, %lt3A_39 : i32
    %lt3A_41 = arith.constant 0 : i32
    %lt3A_42 = arith.cmpi slt, %select_n3A_35, %lt3A_41 : i32
    %ne3A_43 = arith.xori %lt3A_40, %lt3A_42 : i1
    %and3A_44 = arith.andi %ne3A_43, %ne3A_38 : i1
    %add3A_45 = arith.addi %rem3A_36, %select_n3A_35 : i32
    %select_n3A_46 = arith.select %and3A_44, %add3A_45, %rem3A_36 : i32
    %xor3A = arith.constant 1 : i32
    %xor3A_47 = arith.xori %arg1, %xor3A : i32
    %lt3A_48 = arith.constant 8 : i32
    %lt3A_49 = arith.cmpi slt, %arg1, %lt3A_48 : i32
    %mul3A_50 = arith.constant 2048 : i32
    %mul3A_51 = arith.muli %add3A_30, %mul3A_50 : i32
    "tpu.region"() ({
      %run_scoped3A = tpu.sem_alloc : memref<!tpu.dma_semaphore, #tpu.memory_space<semaphore_mem>>
      %dma_start3A = tpu.memref_slice %arg2[%mul3A_51] : memref<16384xf32, #tpu.memory_space<hbm>> -> memref<2048xf32, #tpu.memory_space<hbm>>
      %dma_start3A_267 = tpu.memref_slice %arg2[%mul3A_51] : memref<16384xf32, #tpu.memory_space<hbm>> -> memref<2048xf32, #tpu.memory_space<hbm>>
      tpu.enqueue_dma source(%dma_start3A_267 : memref<2048xf32, #tpu.memory_space<hbm>>) target(%arg5 : memref<2048xf32, #tpu.memory_space<vmem>>) target_semaphore(%run_scoped3A : memref<!tpu.dma_semaphore, #tpu.memory_space<semaphore_mem>>)
      %dma_wait3A = tpu.memref_slice %arg2[%mul3A_51] : memref<16384xf32, #tpu.memory_space<hbm>> -> memref<2048xf32, #tpu.memory_space<hbm>>
      %dma_wait3A_268 = tpu.memref_slice %arg2[%mul3A_51] : memref<16384xf32, #tpu.memory_space<hbm>> -> memref<2048xf32, #tpu.memory_space<hbm>>
      tpu.wait_dma2 semaphore(%run_scoped3A : memref<!tpu.dma_semaphore, #tpu.memory_space<semaphore_mem>>) src(%dma_wait3A_268 : memref<2048xf32, #tpu.memory_space<hbm>>) dst(%arg5 : memref<2048xf32, #tpu.memory_space<vmem>>)
      tpu.yield
    }) : () -> ()
    %broadcast_in_dim3A = arith.constant 0.000000e+00 : f32
    %broadcast_in_dim3A_52 = vector.broadcast %broadcast_in_dim3A : f32 to vector<16xf32>
    %broadcast_in_dim3A_53 = vector.broadcast %select_n3A_46 : i32 to vector<16xi32>
    %eq3A_54 = arith.constant 1 : i32
    %eq3A_55 = vector.broadcast %eq3A_54 : i32 to vector<16xi32>
    %eq3A_56 = arith.cmpi eq, %broadcast_in_dim3A_53, %eq3A_55 : vector<16xi32>
    %get3A = arith.constant 0 : index
    %get3A_57 = tpu.vector_load %arg5[%get3A] {strides = array<i32>} : memref<2048xf32, #tpu.memory_space<vmem>>, vector<16xf32>,
    %get3A_58 = arith.constant 16 : index
    %get3A_59 = tpu.vector_load %arg5[%get3A_58] {strides = array<i32>} : memref<2048xf32, #tpu.memory_space<vmem>>, vector<16xf32>,
    %min3A = arith.minimumf %get3A_57, %get3A_59 : vector<16xf32>
    %max3A = arith.maximumf %get3A_57, %get3A_59 : vector<16xf32>
    %scan3A = arith.constant 1 : i32
    %scan3A_60 = arith.constant 60 : i32
    %scan3A_61 = arith.addi %scan3A, %scan3A_60 : i32
    %scan3A_62 = arith.constant 4 : i32
    %scan3A_63:4 = scf.for %scan3A_267 = %scan3A to %scan3A_61 step %scan3A_62 iter_args(%scan3A_268 = %min3A, %scan3A_269 = %max3A, %scan3A_270 = %get3A_57, %scan3A_271 = %get3A_59) -> (vector<16xf32>, vector<16xf32>, vector<16xf32>, vector<16xf32>)  : i32 {
      %mul3A_272 = arith.constant 2 : i32
      %mul3A_273 = arith.muli %mul3A_272, %scan3A_267 : i32
      %mul3A_274 = arith.constant 16 : i32
      %mul3A_275 = arith.muli %mul3A_273, %mul3A_274 : i32
      %get3A_276 = arith.index_cast %mul3A_275 : i32 to index
      %get3A_277 = tpu.vector_load %arg5[%get3A_276] {strides = array<i32>} : memref<2048xf32, #tpu.memory_space<vmem>>, vector<16xf32>,
      %mul3A_278 = arith.constant 2 : i32
      %mul3A_279 = arith.muli %mul3A_278, %scan3A_267 : i32
      %add3A_280 = arith.constant 1 : i32
      %add3A_281 = arith.addi %mul3A_279, %add3A_280 : i32
      %mul3A_282 = arith.constant 16 : i32
      %mul3A_283 = arith.muli %add3A_281, %mul3A_282 : i32
      %get3A_284 = arith.index_cast %mul3A_283 : i32 to index
      %get3A_285 = tpu.vector_load %arg5[%get3A_284] {strides = array<i32>} : memref<2048xf32, #tpu.memory_space<vmem>>, vector<16xf32>,
      %min3A_286 = arith.minimumf %scan3A_268, %get3A_277 : vector<16xf32>
      %min3A_287 = arith.minimumf %min3A_286, %get3A_285 : vector<16xf32>
      %max3A_288 = arith.maximumf %scan3A_269, %get3A_277 : vector<16xf32>
      %max3A_289 = arith.maximumf %max3A_288, %get3A_285 : vector<16xf32>
      %add3A_290 = arith.addf %scan3A_270, %get3A_277 : vector<16xf32>
      %add3A_291 = arith.addf %scan3A_271, %get3A_285 : vector<16xf32>
      %scan3A_292 = arith.constant 1 : i32
      %scan3A_293 = arith.addi %scan3A_267, %scan3A_292 : i32
      %mul3A_294 = arith.constant 2 : i32
      %mul3A_295 = arith.muli %mul3A_294, %scan3A_293 : i32
      %mul3A_296 = arith.constant 16 : i32
      %mul3A_297 = arith.muli %mul3A_295, %mul3A_296 : i32
      %get3A_298 = arith.index_cast %mul3A_297 : i32 to index
      %get3A_299 = tpu.vector_load %arg5[%get3A_298] {strides = array<i32>} : memref<2048xf32, #tpu.memory_space<vmem>>, vector<16xf32>,
      %mul3A_300 = arith.constant 2 : i32
      %mul3A_301 = arith.muli %mul3A_300, %scan3A_293 : i32
      %add3A_302 = arith.constant 1 : i32
      %add3A_303 = arith.addi %mul3A_301, %add3A_302 : i32
      %mul3A_304 = arith.constant 16 : i32
      %mul3A_305 = arith.muli %add3A_303, %mul3A_304 : i32
      %get3A_306 = arith.index_cast %mul3A_305 : i32 to index
      %get3A_307 = tpu.vector_load %arg5[%get3A_306] {strides = array<i32>} : memref<2048xf32, #tpu.memory_space<vmem>>, vector<16xf32>,
      %min3A_308 = arith.minimumf %min3A_287, %get3A_299 : vector<16xf32>
      %min3A_309 = arith.minimumf %min3A_308, %get3A_307 : vector<16xf32>
      %max3A_310 = arith.maximumf %max3A_289, %get3A_299 : vector<16xf32>
      %max3A_311 = arith.maximumf %max3A_310, %get3A_307 : vector<16xf32>
      %add3A_312 = arith.addf %add3A_290, %get3A_299 : vector<16xf32>
      %add3A_313 = arith.addf %add3A_291, %get3A_307 : vector<16xf32>
      %scan3A_314 = arith.constant 2 : i32
      %scan3A_315 = arith.addi %scan3A_267, %scan3A_314 : i32
      %mul3A_316 = arith.constant 2 : i32
      %mul3A_317 = arith.muli %mul3A_316, %scan3A_315 : i32
      %mul3A_318 = arith.constant 16 : i32
      %mul3A_319 = arith.muli %mul3A_317, %mul3A_318 : i32
      %get3A_320 = arith.index_cast %mul3A_319 : i32 to index
      %get3A_321 = tpu.vector_load %arg5[%get3A_320] {strides = array<i32>} : memref<2048xf32, #tpu.memory_space<vmem>>, vector<16xf32>,
      %mul3A_322 = arith.constant 2 : i32
      %mul3A_323 = arith.muli %mul3A_322, %scan3A_315 : i32
      %add3A_324 = arith.constant 1 : i32
      %add3A_325 = arith.addi %mul3A_323, %add3A_324 : i32
      %mul3A_326 = arith.constant 16 : i32
      %mul3A_327 = arith.muli %add3A_325, %mul3A_326 : i32
      %get3A_328 = arith.index_cast %mul3A_327 : i32 to index
      %get3A_329 = tpu.vector_load %arg5[%get3A_328] {strides = array<i32>} : memref<2048xf32, #tpu.memory_space<vmem>>, vector<16xf32>,
      %min3A_330 = arith.minimumf %min3A_309, %get3A_321 : vector<16xf32>
      %min3A_331 = arith.minimumf %min3A_330, %get3A_329 : vector<16xf32>
      %max3A_332 = arith.maximumf %max3A_311, %get3A_321 : vector<16xf32>
      %max3A_333 = arith.maximumf %max3A_332, %get3A_329 : vector<16xf32>
      %add3A_334 = arith.addf %add3A_312, %get3A_321 : vector<16xf32>
      %add3A_335 = arith.addf %add3A_313, %get3A_329 : vector<16xf32>
      %scan3A_336 = arith.constant 3 : i32
      %scan3A_337 = arith.addi %scan3A_267, %scan3A_336 : i32
      %mul3A_338 = arith.constant 2 : i32
      %mul3A_339 = arith.muli %mul3A_338, %scan3A_337 : i32
      %mul3A_340 = arith.constant 16 : i32
      %mul3A_341 = arith.muli %mul3A_339, %mul3A_340 : i32
      %get3A_342 = arith.index_cast %mul3A_341 : i32 to index
      %get3A_343 = tpu.vector_load %arg5[%get3A_342] {strides = array<i32>} : memref<2048xf32, #tpu.memory_space<vmem>>, vector<16xf32>,
      %mul3A_344 = arith.constant 2 : i32
      %mul3A_345 = arith.muli %mul3A_344, %scan3A_337 : i32
      %add3A_346 = arith.constant 1 : i32
      %add3A_347 = arith.addi %mul3A_345, %add3A_346 : i32
      %mul3A_348 = arith.constant 16 : i32
      %mul3A_349 = arith.muli %add3A_347, %mul3A_348 : i32
      %get3A_350 = arith.index_cast %mul3A_349 : i32 to index
      %get3A_351 = tpu.vector_load %arg5[%get3A_350] {strides = array<i32>} : memref<2048xf32, #tpu.memory_space<vmem>>, vector<16xf32>,
      %min3A_352 = arith.minimumf %min3A_331, %get3A_343 : vector<16xf32>
      %min3A_353 = arith.minimumf %min3A_352, %get3A_351 : vector<16xf32>
      %max3A_354 = arith.maximumf %max3A_333, %get3A_343 : vector<16xf32>
      %max3A_355 = arith.maximumf %max3A_354, %get3A_351 : vector<16xf32>
      %add3A_356 = arith.addf %add3A_334, %get3A_343 : vector<16xf32>
      %add3A_357 = arith.addf %add3A_335, %get3A_351 : vector<16xf32>
      scf.yield %min3A_353, %max3A_355, %add3A_356, %add3A_357 : vector<16xf32>, vector<16xf32>, vector<16xf32>, vector<16xf32>
    }
    %scan3A_64 = arith.constant 60 : i32
    %scan3A_65 = arith.addi %scan3A, %scan3A_64 : i32
    %mul3A_66 = arith.constant 2 : i32
    %mul3A_67 = arith.muli %mul3A_66, %scan3A_65 : i32
    %mul3A_68 = arith.constant 16 : i32
    %mul3A_69 = arith.muli %mul3A_67, %mul3A_68 : i32
    %get3A_70 = arith.index_cast %mul3A_69 : i32 to index
    %get3A_71 = tpu.vector_load %arg5[%get3A_70] {strides = array<i32>} : memref<2048xf32, #tpu.memory_space<vmem>>, vector<16xf32>,
    %mul3A_72 = arith.constant 2 : i32
    %mul3A_73 = arith.muli %mul3A_72, %scan3A_65 : i32
    %add3A_74 = arith.constant 1 : i32
    %add3A_75 = arith.addi %mul3A_73, %add3A_74 : i32
    %mul3A_76 = arith.constant 16 : i32
    %mul3A_77 = arith.muli %add3A_75, %mul3A_76 : i32
    %get3A_78 = arith.index_cast %mul3A_77 : i32 to index
    %get3A_79 = tpu.vector_load %arg5[%get3A_78] {strides = array<i32>} : memref<2048xf32, #tpu.memory_space<vmem>>, vector<16xf32>,
    %min3A_80 = arith.minimumf %scan3A_63#0, %get3A_71 : vector<16xf32>
    %min3A_81 = arith.minimumf %min3A_80, %get3A_79 : vector<16xf32>
    %max3A_82 = arith.maximumf %scan3A_63#1, %get3A_71 : vector<16xf32>
    %max3A_83 = arith.maximumf %max3A_82, %get3A_79 : vector<16xf32>
    %add3A_84 = arith.addf %scan3A_63#2, %get3A_71 : vector<16xf32>
    %add3A_85 = arith.addf %scan3A_63#3, %get3A_79 : vector<16xf32>
    %scan3A_86 = arith.constant 61 : i32
    %scan3A_87 = arith.addi %scan3A, %scan3A_86 : i32
    %mul3A_88 = arith.constant 2 : i32
    %mul3A_89 = arith.muli %mul3A_88, %scan3A_87 : i32
    %mul3A_90 = arith.constant 16 : i32
    %mul3A_91 = arith.muli %mul3A_89, %mul3A_90 : i32
    %get3A_92 = arith.index_cast %mul3A_91 : i32 to index
    %get3A_93 = tpu.vector_load %arg5[%get3A_92] {strides = array<i32>} : memref<2048xf32, #tpu.memory_space<vmem>>, vector<16xf32>,
    %mul3A_94 = arith.constant 2 : i32
    %mul3A_95 = arith.muli %mul3A_94, %scan3A_87 : i32
    %add3A_96 = arith.constant 1 : i32
    %add3A_97 = arith.addi %mul3A_95, %add3A_96 : i32
    %mul3A_98 = arith.constant 16 : i32
    %mul3A_99 = arith.muli %add3A_97, %mul3A_98 : i32
    %get3A_100 = arith.index_cast %mul3A_99 : i32 to index
    %get3A_101 = tpu.vector_load %arg5[%get3A_100] {strides = array<i32>} : memref<2048xf32, #tpu.memory_space<vmem>>, vector<16xf32>,
    %min3A_102 = arith.minimumf %min3A_81, %get3A_93 : vector<16xf32>
    %min3A_103 = arith.minimumf %min3A_102, %get3A_101 : vector<16xf32>
    %max3A_104 = arith.maximumf %max3A_83, %get3A_93 : vector<16xf32>
    %max3A_105 = arith.maximumf %max3A_104, %get3A_101 : vector<16xf32>
    %add3A_106 = arith.addf %add3A_84, %get3A_93 : vector<16xf32>
    %add3A_107 = arith.addf %add3A_85, %get3A_101 : vector<16xf32>
    %scan3A_108 = arith.constant 62 : i32
    %scan3A_109 = arith.addi %scan3A, %scan3A_108 : i32
    %mul3A_110 = arith.constant 2 : i32
    %mul3A_111 = arith.muli %mul3A_110, %scan3A_109 : i32
    %mul3A_112 = arith.constant 16 : i32
    %mul3A_113 = arith.muli %mul3A_111, %mul3A_112 : i32
    %get3A_114 = arith.index_cast %mul3A_113 : i32 to index
    %get3A_115 = tpu.vector_load %arg5[%get3A_114] {strides = array<i32>} : memref<2048xf32, #tpu.memory_space<vmem>>, vector<16xf32>,
    %mul3A_116 = arith.constant 2 : i32
    %mul3A_117 = arith.muli %mul3A_116, %scan3A_109 : i32
    %add3A_118 = arith.constant 1 : i32
    %add3A_119 = arith.addi %mul3A_117, %add3A_118 : i32
    %mul3A_120 = arith.constant 16 : i32
    %mul3A_121 = arith.muli %add3A_119, %mul3A_120 : i32
    %get3A_122 = arith.index_cast %mul3A_121 : i32 to index
    %get3A_123 = tpu.vector_load %arg5[%get3A_122] {strides = array<i32>} : memref<2048xf32, #tpu.memory_space<vmem>>, vector<16xf32>,
    %min3A_124 = arith.minimumf %min3A_103, %get3A_115 : vector<16xf32>
    %min3A_125 = arith.minimumf %min3A_124, %get3A_123 : vector<16xf32>
    %max3A_126 = arith.maximumf %max3A_105, %get3A_115 : vector<16xf32>
    %max3A_127 = arith.maximumf %max3A_126, %get3A_123 : vector<16xf32>
    %add3A_128 = arith.addf %add3A_106, %get3A_115 : vector<16xf32>
    %add3A_129 = arith.addf %add3A_107, %get3A_123 : vector<16xf32>
    %scan3A_130 = arith.constant 63 : i32
    %reduce_min3A = arith.constant true
    %reduce_min3A_131 = vector.broadcast %reduce_min3A : i1 to vector<16xi1>
    %reduce_min3A_132 = tpu.scan <min>, %min3A_125 masked %reduce_min3A_131 : vector<16xf32>, vector<16xi1> -> vector<16xf32>
    %reduce_min3A_133 = vector.extract %reduce_min3A_132[15] : f32 from vector<16xf32>
    %broadcast_in_dim3A_134 = vector.broadcast %reduce_min3A_133 : f32 to vector<16xf32>
    %reduce_max3A = arith.constant true
    %reduce_max3A_135 = vector.broadcast %reduce_max3A : i1 to vector<16xi1>
    %reduce_max3A_136 = tpu.scan <max>, %max3A_127 masked %reduce_max3A_135 : vector<16xf32>, vector<16xi1> -> vector<16xf32>
    %reduce_max3A_137 = vector.extract %reduce_max3A_136[15] : f32 from vector<16xf32>
    %broadcast_in_dim3A_138 = vector.broadcast %reduce_max3A_137 : f32 to vector<16xf32>
    %add3A_139 = arith.addf %add3A_128, %add3A_129 : vector<16xf32>
    %reduce_sum3A = arith.constant true
    %reduce_sum3A_140 = vector.broadcast %reduce_sum3A : i1 to vector<16xi1>
    %reduce_sum3A_141 = tpu.scan <sum>, %add3A_139 masked %reduce_sum3A_140 : vector<16xf32>, vector<16xi1> -> vector<16xf32>
    %reduce_sum3A_142 = vector.extract %reduce_sum3A_141[15] : f32 from vector<16xf32>
    %broadcast_in_dim3A_143 = vector.broadcast %reduce_sum3A_142 : f32 to vector<16xf32>
    %convert_element_type3A = arith.sitofp %select_n3A_46 : i32 to f32
    %broadcast_in_dim3A_144 = vector.broadcast %convert_element_type3A : f32 to vector<16xf32>
    %add3A_145 = arith.constant 1.024000e+03 : f32
    %add3A_146 = vector.broadcast %add3A_145 : f32 to vector<16xf32>
    %add3A_147 = arith.addf %broadcast_in_dim3A_144, %add3A_146 : vector<16xf32>
    %sub3A_148 = arith.constant 1.000000e+00 : f32
    %sub3A_149 = vector.broadcast %sub3A_148 : f32 to vector<16xf32>
    %sub3A_150 = arith.subf %broadcast_in_dim3A_134, %sub3A_149 : vector<16xf32>
    %scan3A_151 = arith.constant 0 : i32
    %scan3A_152 = arith.constant 27 : i32
    %scan3A_153 = arith.addi %scan3A_151, %scan3A_152 : i32
    %scan3A_154 = arith.constant 1 : i32
    %scan3A_155:2 = scf.for %scan3A_267 = %scan3A_151 to %scan3A_153 step %scan3A_154 iter_args(%scan3A_268 = %sub3A_150, %scan3A_269 = %broadcast_in_dim3A_138) -> (vector<16xf32>, vector<16xf32>)  : i32 {
      %add3A_270 = arith.addf %scan3A_268, %scan3A_269 : vector<16xf32>
      %mul3A_271 = arith.constant 5.000000e-01 : f32
      %mul3A_272 = vector.broadcast %mul3A_271 : f32 to vector<16xf32>
      %mul3A_273 = arith.mulf %mul3A_272, %add3A_270 : vector<16xf32>
      %scan3A_274 = arith.constant 0 : i32
      %scan3A_275 = arith.constant 64 : i32
      %scan3A_276 = arith.addi %scan3A_274, %scan3A_275 : i32
      %scan3A_277 = arith.constant 4 : i32
      %scan3A_278:2 = scf.for %scan3A_288 = %scan3A_274 to %scan3A_276 step %scan3A_277 iter_args(%scan3A_289 = %broadcast_in_dim3A_52, %scan3A_290 = %broadcast_in_dim3A_52) -> (vector<16xf32>, vector<16xf32>)  : i32 {
        %mul3A_291 = arith.constant 2 : i32
        %mul3A_292 = arith.muli %mul3A_291, %scan3A_288 : i32
        %mul3A_293 = arith.constant 16 : i32
        %mul3A_294 = arith.muli %mul3A_292, %mul3A_293 : i32
        %get3A_295 = arith.index_cast %mul3A_294 : i32 to index
        %get3A_296 = tpu.vector_load %arg5[%get3A_295] {strides = array<i32>} : memref<2048xf32, #tpu.memory_space<vmem>>, vector<16xf32>,
        %le3A = arith.cmpf ole, %get3A_296, %mul3A_273 : vector<16xf32>
        %jit3A_297 = arith.constant 1.000000e+00 : f32
        %jit3A_298 = arith.constant 0.000000e+00 : f32
        %broadcast_in_dim3A_299 = vector.broadcast %jit3A_297 : f32 to vector<16xf32>
        %broadcast_in_dim3A_300 = vector.broadcast %jit3A_298 : f32 to vector<16xf32>
        %select_n3A_301 = arith.select %le3A, %broadcast_in_dim3A_299, %broadcast_in_dim3A_300 : vector<16xi1>, vector<16xf32>
        %add3A_302 = arith.addf %scan3A_289, %select_n3A_301 : vector<16xf32>
        %mul3A_303 = arith.constant 2 : i32
        %mul3A_304 = arith.muli %mul3A_303, %scan3A_288 : i32
        %add3A_305 = arith.constant 1 : i32
        %add3A_306 = arith.addi %mul3A_304, %add3A_305 : i32
        %mul3A_307 = arith.constant 16 : i32
        %mul3A_308 = arith.muli %add3A_306, %mul3A_307 : i32
        %get3A_309 = arith.index_cast %mul3A_308 : i32 to index
        %get3A_310 = tpu.vector_load %arg5[%get3A_309] {strides = array<i32>} : memref<2048xf32, #tpu.memory_space<vmem>>, vector<16xf32>,
        %le3A_311 = arith.cmpf ole, %get3A_310, %mul3A_273 : vector<16xf32>
        %jit3A_312 = arith.constant 1.000000e+00 : f32
        %jit3A_313 = arith.constant 0.000000e+00 : f32
        %broadcast_in_dim3A_314 = vector.broadcast %jit3A_312 : f32 to vector<16xf32>
        %broadcast_in_dim3A_315 = vector.broadcast %jit3A_313 : f32 to vector<16xf32>
        %select_n3A_316 = arith.select %le3A_311, %broadcast_in_dim3A_314, %broadcast_in_dim3A_315 : vector<16xi1>, vector<16xf32>
        %add3A_317 = arith.addf %scan3A_290, %select_n3A_316 : vector<16xf32>
        %scan3A_318 = arith.constant 1 : i32
        %scan3A_319 = arith.addi %scan3A_288, %scan3A_318 : i32
        %mul3A_320 = arith.constant 2 : i32
        %mul3A_321 = arith.muli %mul3A_320, %scan3A_319 : i32
        %mul3A_322 = arith.constant 16 : i32
        %mul3A_323 = arith.muli %mul3A_321, %mul3A_322 : i32
        %get3A_324 = arith.index_cast %mul3A_323 : i32 to index
        %get3A_325 = tpu.vector_load %arg5[%get3A_324] {strides = array<i32>} : memref<2048xf32, #tpu.memory_space<vmem>>, vector<16xf32>,
        %le3A_326 = arith.cmpf ole, %get3A_325, %mul3A_273 : vector<16xf32>
        %jit3A_327 = arith.constant 1.000000e+00 : f32
        %jit3A_328 = arith.constant 0.000000e+00 : f32
        %broadcast_in_dim3A_329 = vector.broadcast %jit3A_327 : f32 to vector<16xf32>
        %broadcast_in_dim3A_330 = vector.broadcast %jit3A_328 : f32 to vector<16xf32>
        %select_n3A_331 = arith.select %le3A_326, %broadcast_in_dim3A_329, %broadcast_in_dim3A_330 : vector<16xi1>, vector<16xf32>
        %add3A_332 = arith.addf %add3A_302, %select_n3A_331 : vector<16xf32>
        %mul3A_333 = arith.constant 2 : i32
        %mul3A_334 = arith.muli %mul3A_333, %scan3A_319 : i32
        %add3A_335 = arith.constant 1 : i32
        %add3A_336 = arith.addi %mul3A_334, %add3A_335 : i32
        %mul3A_337 = arith.constant 16 : i32
        %mul3A_338 = arith.muli %add3A_336, %mul3A_337 : i32
        %get3A_339 = arith.index_cast %mul3A_338 : i32 to index
        %get3A_340 = tpu.vector_load %arg5[%get3A_339] {strides = array<i32>} : memref<2048xf32, #tpu.memory_space<vmem>>, vector<16xf32>,
        %le3A_341 = arith.cmpf ole, %get3A_340, %mul3A_273 : vector<16xf32>
        %jit3A_342 = arith.constant 1.000000e+00 : f32
        %jit3A_343 = arith.constant 0.000000e+00 : f32
        %broadcast_in_dim3A_344 = vector.broadcast %jit3A_342 : f32 to vector<16xf32>
        %broadcast_in_dim3A_345 = vector.broadcast %jit3A_343 : f32 to vector<16xf32>
        %select_n3A_346 = arith.select %le3A_341, %broadcast_in_dim3A_344, %broadcast_in_dim3A_345 : vector<16xi1>, vector<16xf32>
        %add3A_347 = arith.addf %add3A_317, %select_n3A_346 : vector<16xf32>
        %scan3A_348 = arith.constant 2 : i32
        %scan3A_349 = arith.addi %scan3A_288, %scan3A_348 : i32
        %mul3A_350 = arith.constant 2 : i32
        %mul3A_351 = arith.muli %mul3A_350, %scan3A_349 : i32
        %mul3A_352 = arith.constant 16 : i32
        %mul3A_353 = arith.muli %mul3A_351, %mul3A_352 : i32
        %get3A_354 = arith.index_cast %mul3A_353 : i32 to index
        %get3A_355 = tpu.vector_load %arg5[%get3A_354] {strides = array<i32>} : memref<2048xf32, #tpu.memory_space<vmem>>, vector<16xf32>,
        %le3A_356 = arith.cmpf ole, %get3A_355, %mul3A_273 : vector<16xf32>
        %jit3A_357 = arith.constant 1.000000e+00 : f32
        %jit3A_358 = arith.constant 0.000000e+00 : f32
        %broadcast_in_dim3A_359 = vector.broadcast %jit3A_357 : f32 to vector<16xf32>
        %broadcast_in_dim3A_360 = vector.broadcast %jit3A_358 : f32 to vector<16xf32>
        %select_n3A_361 = arith.select %le3A_356, %broadcast_in_dim3A_359, %broadcast_in_dim3A_360 : vector<16xi1>, vector<16xf32>
        %add3A_362 = arith.addf %add3A_332, %select_n3A_361 : vector<16xf32>
        %mul3A_363 = arith.constant 2 : i32
        %mul3A_364 = arith.muli %mul3A_363, %scan3A_349 : i32
        %add3A_365 = arith.constant 1 : i32
        %add3A_366 = arith.addi %mul3A_364, %add3A_365 : i32
        %mul3A_367 = arith.constant 16 : i32
        %mul3A_368 = arith.muli %add3A_366, %mul3A_367 : i32
        %get3A_369 = arith.index_cast %mul3A_368 : i32 to index
        %get3A_370 = tpu.vector_load %arg5[%get3A_369] {strides = array<i32>} : memref<2048xf32, #tpu.memory_space<vmem>>, vector<16xf32>,
        %le3A_371 = arith.cmpf ole, %get3A_370, %mul3A_273 : vector<16xf32>
        %jit3A_372 = arith.constant 1.000000e+00 : f32
        %jit3A_373 = arith.constant 0.000000e+00 : f32
        %broadcast_in_dim3A_374 = vector.broadcast %jit3A_372 : f32 to vector<16xf32>
        %broadcast_in_dim3A_375 = vector.broadcast %jit3A_373 : f32 to vector<16xf32>
        %select_n3A_376 = arith.select %le3A_371, %broadcast_in_dim3A_374, %broadcast_in_dim3A_375 : vector<16xi1>, vector<16xf32>
        %add3A_377 = arith.addf %add3A_347, %select_n3A_376 : vector<16xf32>
        %scan3A_378 = arith.constant 3 : i32
        %scan3A_379 = arith.addi %scan3A_288, %scan3A_378 : i32
        %mul3A_380 = arith.constant 2 : i32
        %mul3A_381 = arith.muli %mul3A_380, %scan3A_379 : i32
        %mul3A_382 = arith.constant 16 : i32
        %mul3A_383 = arith.muli %mul3A_381, %mul3A_382 : i32
        %get3A_384 = arith.index_cast %mul3A_383 : i32 to index
        %get3A_385 = tpu.vector_load %arg5[%get3A_384] {strides = array<i32>} : memref<2048xf32, #tpu.memory_space<vmem>>, vector<16xf32>,
        %le3A_386 = arith.cmpf ole, %get3A_385, %mul3A_273 : vector<16xf32>
        %jit3A_387 = arith.constant 1.000000e+00 : f32
        %jit3A_388 = arith.constant 0.000000e+00 : f32
        %broadcast_in_dim3A_389 = vector.broadcast %jit3A_387 : f32 to vector<16xf32>
        %broadcast_in_dim3A_390 = vector.broadcast %jit3A_388 : f32 to vector<16xf32>
        %select_n3A_391 = arith.select %le3A_386, %broadcast_in_dim3A_389, %broadcast_in_dim3A_390 : vector<16xi1>, vector<16xf32>
        %add3A_392 = arith.addf %add3A_362, %select_n3A_391 : vector<16xf32>
        %mul3A_393 = arith.constant 2 : i32
        %mul3A_394 = arith.muli %mul3A_393, %scan3A_379 : i32
        %add3A_395 = arith.constant 1 : i32
        %add3A_396 = arith.addi %mul3A_394, %add3A_395 : i32
        %mul3A_397 = arith.constant 16 : i32
        %mul3A_398 = arith.muli %add3A_396, %mul3A_397 : i32
        %get3A_399 = arith.index_cast %mul3A_398 : i32 to index
        %get3A_400 = tpu.vector_load %arg5[%get3A_399] {strides = array<i32>} : memref<2048xf32, #tpu.memory_space<vmem>>, vector<16xf32>,
        %le3A_401 = arith.cmpf ole, %get3A_400, %mul3A_273 : vector<16xf32>
        %jit3A_402 = arith.constant 1.000000e+00 : f32
        %jit3A_403 = arith.constant 0.000000e+00 : f32
        %broadcast_in_dim3A_404 = vector.broadcast %jit3A_402 : f32 to vector<16xf32>
        %broadcast_in_dim3A_405 = vector.broadcast %jit3A_403 : f32 to vector<16xf32>
        %select_n3A_406 = arith.select %le3A_401, %broadcast_in_dim3A_404, %broadcast_in_dim3A_405 : vector<16xi1>, vector<16xf32>
        %add3A_407 = arith.addf %add3A_377, %select_n3A_406 : vector<16xf32>
        scf.yield %add3A_392, %add3A_407 : vector<16xf32>, vector<16xf32>
      }
      %scan3A_279 = arith.constant 64 : i32
      %add3A_280 = arith.addf %scan3A_278#0, %scan3A_278#1 : vector<16xf32>
      %reduce_sum3A_281 = arith.constant true
      %reduce_sum3A_282 = vector.broadcast %reduce_sum3A_281 : i1 to vector<16xi1>
      %reduce_sum3A_283 = tpu.scan <sum>, %add3A_280 masked %reduce_sum3A_282 : vector<16xf32>, vector<16xi1> -> vector<16xf32>
      %reduce_sum3A_284 = vector.extract %reduce_sum3A_283[15] : f32 from vector<16xf32>
      %broadcast_in_dim3A_285 = vector.broadcast %reduce_sum3A_284 : f32 to vector<16xf32>
      %ge3A = arith.cmpf oge, %broadcast_in_dim3A_285, %add3A_147 : vector<16xf32>
      %select_n3A_286 = arith.select %ge3A, %scan3A_268, %mul3A_273 : vector<16xi1>, vector<16xf32>
      %select_n3A_287 = arith.select %ge3A, %mul3A_273, %scan3A_269 : vector<16xi1>, vector<16xf32>
      scf.yield %select_n3A_286, %select_n3A_287 : vector<16xf32>, vector<16xf32>
    }
    %scan3A_156 = arith.constant 27 : i32
    %swap3A = arith.constant 0 : index
    %swap3A_157 = tpu.vector_load %arg7[%swap3A] {strides = array<i32>} : memref<64xf32, #tpu.memory_space<vmem>>, vector<16xf32>,
    tpu.vector_store %arg7[%swap3A], %scan3A_155#1 {strides = array<i32>} : memref<64xf32, #tpu.memory_space<vmem>>, vector<16xf32>,
    %swap3A_158 = arith.constant 16 : index
    %swap3A_159 = tpu.vector_load %arg7[%swap3A_158] {strides = array<i32>} : memref<64xf32, #tpu.memory_space<vmem>>, vector<16xf32>,
    tpu.vector_store %arg7[%swap3A_158], %scan3A_155#1 {strides = array<i32>} : memref<64xf32, #tpu.memory_space<vmem>>, vector<16xf32>,
    "tpu.region"() ({
      %run_scoped3A = tpu.sem_alloc : memref<!tpu.dma_semaphore, #tpu.memory_space<semaphore_mem>>
      %dma_start3A = arith.constant 0 : i32
      %dma_start3A_267 = tpu.memref_slice %arg7[%dma_start3A] : memref<64xf32, #tpu.memory_space<vmem>> -> memref<32xf32, #tpu.memory_space<vmem>>
      %dma_start3A_268 = arith.constant 0 : i32
      %dma_start3A_269 = tpu.memref_slice %arg8[%arg1, %dma_start3A_268] : memref<16x64xf32, #tpu.memory_space<vmem_shared>> -> memref<1x32xf32, #tpu.memory_space<vmem_shared>>
      %dma_start3A_270 = tpu.memref_squeeze %dma_start3A_269 : memref<1x32xf32, #tpu.memory_space<vmem_shared>> -> memref<32xf32, #tpu.memory_space<vmem_shared>>
      %dma_start3A_271 = arith.constant 0 : i32
      %dma_start3A_272 = tpu.memref_slice %arg8[%arg1, %dma_start3A_271] : memref<16x64xf32, #tpu.memory_space<vmem_shared>> -> memref<1x32xf32, #tpu.memory_space<vmem_shared>>
      %dma_start3A_273 = tpu.memref_squeeze %dma_start3A_272 : memref<1x32xf32, #tpu.memory_space<vmem_shared>> -> memref<32xf32, #tpu.memory_space<vmem_shared>>
      %dma_start3A_274 = arith.constant 0 : i32
      %dma_start3A_275 = tpu.memref_slice %arg7[%dma_start3A_274] : memref<64xf32, #tpu.memory_space<vmem>> -> memref<32xf32, #tpu.memory_space<vmem>>
      tpu.enqueue_dma source(%dma_start3A_275 : memref<32xf32, #tpu.memory_space<vmem>>) target(%dma_start3A_273 : memref<32xf32, #tpu.memory_space<vmem_shared>>) target_semaphore(%run_scoped3A : memref<!tpu.dma_semaphore, #tpu.memory_space<semaphore_mem>>)
      %dma_wait3A = arith.constant 0 : i32
      %dma_wait3A_276 = tpu.memref_slice %arg7[%dma_wait3A] : memref<64xf32, #tpu.memory_space<vmem>> -> memref<32xf32, #tpu.memory_space<vmem>>
      %dma_wait3A_277 = arith.constant 0 : i32
      %dma_wait3A_278 = tpu.memref_slice %arg8[%arg1, %dma_wait3A_277] : memref<16x64xf32, #tpu.memory_space<vmem_shared>> -> memref<1x32xf32, #tpu.memory_space<vmem_shared>>
      %dma_wait3A_279 = tpu.memref_squeeze %dma_wait3A_278 : memref<1x32xf32, #tpu.memory_space<vmem_shared>> -> memref<32xf32, #tpu.memory_space<vmem_shared>>
      %dma_wait3A_280 = arith.constant 0 : i32
      %dma_wait3A_281 = tpu.memref_slice %arg8[%arg1, %dma_wait3A_280] : memref<16x64xf32, #tpu.memory_space<vmem_shared>> -> memref<1x32xf32, #tpu.memory_space<vmem_shared>>
      %dma_wait3A_282 = tpu.memref_squeeze %dma_wait3A_281 : memref<1x32xf32, #tpu.memory_space<vmem_shared>> -> memref<32xf32, #tpu.memory_space<vmem_shared>>
      %dma_wait3A_283 = arith.constant 0 : i32
      %dma_wait3A_284 = tpu.memref_slice %arg7[%dma_wait3A_283] : memref<64xf32, #tpu.memory_space<vmem>> -> memref<32xf32, #tpu.memory_space<vmem>>
      tpu.wait_dma2 semaphore(%run_scoped3A : memref<!tpu.dma_semaphore, #tpu.memory_space<semaphore_mem>>) src(%dma_wait3A_284 : memref<32xf32, #tpu.memory_space<vmem>>) dst(%dma_wait3A_282 : memref<32xf32, #tpu.memory_space<vmem_shared>>)
      tpu.yield
    }) : () -> ()
    %barrier3A = arith.constant 0 : index
    tpu.barrier barrier_id(%barrier3A)
    "tpu.region"() ({
      %run_scoped3A = tpu.sem_alloc : memref<!tpu.dma_semaphore, #tpu.memory_space<semaphore_mem>>
      %dma_start3A = arith.constant 32 : i32
      %dma_start3A_267 = tpu.memref_slice %arg7[%dma_start3A] : memref<64xf32, #tpu.memory_space<vmem>> -> memref<32xf32, #tpu.memory_space<vmem>>
      %dma_start3A_268 = arith.constant 0 : i32
      %dma_start3A_269 = tpu.memref_slice %arg8[%xor3A_47, %dma_start3A_268] : memref<16x64xf32, #tpu.memory_space<vmem_shared>> -> memref<1x32xf32, #tpu.memory_space<vmem_shared>>
      %dma_start3A_270 = tpu.memref_squeeze %dma_start3A_269 : memref<1x32xf32, #tpu.memory_space<vmem_shared>> -> memref<32xf32, #tpu.memory_space<vmem_shared>>
      %dma_start3A_271 = arith.constant 32 : i32
      %dma_start3A_272 = tpu.memref_slice %arg7[%dma_start3A_271] : memref<64xf32, #tpu.memory_space<vmem>> -> memref<32xf32, #tpu.memory_space<vmem>>
      %dma_start3A_273 = arith.constant 0 : i32
      %dma_start3A_274 = tpu.memref_slice %arg8[%xor3A_47, %dma_start3A_273] : memref<16x64xf32, #tpu.memory_space<vmem_shared>> -> memref<1x32xf32, #tpu.memory_space<vmem_shared>>
      %dma_start3A_275 = tpu.memref_squeeze %dma_start3A_274 : memref<1x32xf32, #tpu.memory_space<vmem_shared>> -> memref<32xf32, #tpu.memory_space<vmem_shared>>
      tpu.enqueue_dma source(%dma_start3A_275 : memref<32xf32, #tpu.memory_space<vmem_shared>>) target(%dma_start3A_272 : memref<32xf32, #tpu.memory_space<vmem>>) target_semaphore(%run_scoped3A : memref<!tpu.dma_semaphore, #tpu.memory_space<semaphore_mem>>)
      %dma_wait3A = arith.constant 32 : i32
      %dma_wait3A_276 = tpu.memref_slice %arg7[%dma_wait3A] : memref<64xf32, #tpu.memory_space<vmem>> -> memref<32xf32, #tpu.memory_space<vmem>>
      %dma_wait3A_277 = arith.constant 0 : i32
      %dma_wait3A_278 = tpu.memref_slice %arg8[%xor3A_47, %dma_wait3A_277] : memref<16x64xf32, #tpu.memory_space<vmem_shared>> -> memref<1x32xf32, #tpu.memory_space<vmem_shared>>
      %dma_wait3A_279 = tpu.memref_squeeze %dma_wait3A_278 : memref<1x32xf32, #tpu.memory_space<vmem_shared>> -> memref<32xf32, #tpu.memory_space<vmem_shared>>
      %dma_wait3A_280 = arith.constant 32 : i32
      %dma_wait3A_281 = tpu.memref_slice %arg7[%dma_wait3A_280] : memref<64xf32, #tpu.memory_space<vmem>> -> memref<32xf32, #tpu.memory_space<vmem>>
      %dma_wait3A_282 = arith.constant 0 : i32
      %dma_wait3A_283 = tpu.memref_slice %arg8[%xor3A_47, %dma_wait3A_282] : memref<16x64xf32, #tpu.memory_space<vmem_shared>> -> memref<1x32xf32, #tpu.memory_space<vmem_shared>>
      %dma_wait3A_284 = tpu.memref_squeeze %dma_wait3A_283 : memref<1x32xf32, #tpu.memory_space<vmem_shared>> -> memref<32xf32, #tpu.memory_space<vmem_shared>>
      tpu.wait_dma2 semaphore(%run_scoped3A : memref<!tpu.dma_semaphore, #tpu.memory_space<semaphore_mem>>) src(%dma_wait3A_284 : memref<32xf32, #tpu.memory_space<vmem_shared>>) dst(%dma_wait3A_281 : memref<32xf32, #tpu.memory_space<vmem>>)
      tpu.yield
    }) : () -> ()
    %get3A_160 = arith.constant 32 : index
    %get3A_161 = tpu.vector_load %arg7[%get3A_160] {strides = array<i32>} : memref<64xf32, #tpu.memory_space<vmem>>, vector<16xf32>,
    %get3A_162 = arith.constant 48 : index
    %get3A_163 = tpu.vector_load %arg7[%get3A_162] {strides = array<i32>} : memref<64xf32, #tpu.memory_space<vmem>>, vector<16xf32>,
    %add3A_164 = arith.addf %scan3A_155#1, %get3A_161 : vector<16xf32>
    %mul3A_165 = arith.constant 5.000000e-01 : f32
    %mul3A_166 = vector.broadcast %mul3A_165 : f32 to vector<16xf32>
    %mul3A_167 = arith.mulf %mul3A_166, %add3A_164 : vector<16xf32>
    %scan3A_168 = arith.constant 0 : i32
    %scan3A_169 = arith.constant 5 : i32
    %scan3A_170 = arith.addi %scan3A_168, %scan3A_169 : i32
    %scan3A_171 = arith.constant 1 : i32
    %scan3A_172:3 = scf.for %scan3A_267 = %scan3A_168 to %scan3A_170 step %scan3A_171 iter_args(%scan3A_268 = %broadcast_in_dim3A_134, %scan3A_269 = %mul3A_167, %scan3A_270 = %broadcast_in_dim3A_138) -> (vector<16xf32>, vector<16xf32>, vector<16xf32>)  : i32 {
      %add3A_271 = arith.addf %scan3A_268, %scan3A_269 : vector<16xf32>
      %mul3A_272 = arith.constant 5.000000e-01 : f32
      %mul3A_273 = vector.broadcast %mul3A_272 : f32 to vector<16xf32>
      %mul3A_274 = arith.mulf %mul3A_273, %add3A_271 : vector<16xf32>
      %add3A_275 = arith.addf %scan3A_269, %scan3A_270 : vector<16xf32>
      %mul3A_276 = arith.constant 5.000000e-01 : f32
      %mul3A_277 = vector.broadcast %mul3A_276 : f32 to vector<16xf32>
      %mul3A_278 = arith.mulf %mul3A_277, %add3A_275 : vector<16xf32>
      %select_n3A_279 = arith.select %eq3A_56, %mul3A_278, %mul3A_274 : vector<16xi1>, vector<16xf32>
      %scan3A_280 = arith.constant 0 : i32
      %scan3A_281 = arith.constant 64 : i32
      %scan3A_282 = arith.addi %scan3A_280, %scan3A_281 : i32
      %scan3A_283 = arith.constant 4 : i32
      %scan3A_284:4 = scf.for %scan3A_411 = %scan3A_280 to %scan3A_282 step %scan3A_283 iter_args(%scan3A_412 = %broadcast_in_dim3A_52, %scan3A_413 = %broadcast_in_dim3A_52, %scan3A_414 = %broadcast_in_dim3A_52, %scan3A_415 = %broadcast_in_dim3A_52) -> (vector<16xf32>, vector<16xf32>, vector<16xf32>, vector<16xf32>)  : i32 {
        %mul3A_416 = arith.constant 2 : i32
        %mul3A_417 = arith.muli %mul3A_416, %scan3A_411 : i32
        %mul3A_418 = arith.constant 16 : i32
        %mul3A_419 = arith.muli %mul3A_417, %mul3A_418 : i32
        %get3A_420 = arith.index_cast %mul3A_419 : i32 to index
        %get3A_421 = tpu.vector_load %arg5[%get3A_420] {strides = array<i32>} : memref<2048xf32, #tpu.memory_space<vmem>>, vector<16xf32>,
        %mul3A_422 = arith.constant 2 : i32
        %mul3A_423 = arith.muli %mul3A_422, %scan3A_411 : i32
        %add3A_424 = arith.constant 1 : i32
        %add3A_425 = arith.addi %mul3A_423, %add3A_424 : i32
        %mul3A_426 = arith.constant 16 : i32
        %mul3A_427 = arith.muli %add3A_425, %mul3A_426 : i32
        %get3A_428 = arith.index_cast %mul3A_427 : i32 to index
        %get3A_429 = tpu.vector_load %arg5[%get3A_428] {strides = array<i32>} : memref<2048xf32, #tpu.memory_space<vmem>>, vector<16xf32>,
        %le3A = arith.cmpf ole, %get3A_421, %select_n3A_279 : vector<16xf32>
        %ne3A_430 = arith.xori %le3A, %eq3A_56 : vector<16xi1>
        %le3A_431 = arith.cmpf ole, %get3A_429, %select_n3A_279 : vector<16xf32>
        %ne3A_432 = arith.xori %le3A_431, %eq3A_56 : vector<16xi1>
        %jit3A_433 = arith.constant 0.000000e+00 : f32
        %broadcast_in_dim3A_434 = vector.broadcast %jit3A_433 : f32 to vector<16xf32>
        %select_n3A_435 = arith.select %ne3A_430, %get3A_421, %broadcast_in_dim3A_434 : vector<16xi1>, vector<16xf32>
        %add3A_436 = arith.addf %scan3A_412, %select_n3A_435 : vector<16xf32>
        %jit3A_437 = arith.constant 1.000000e+00 : f32
        %jit3A_438 = arith.constant 0.000000e+00 : f32
        %broadcast_in_dim3A_439 = vector.broadcast %jit3A_437 : f32 to vector<16xf32>
        %broadcast_in_dim3A_440 = vector.broadcast %jit3A_438 : f32 to vector<16xf32>
        %select_n3A_441 = arith.select %ne3A_430, %broadcast_in_dim3A_439, %broadcast_in_dim3A_440 : vector<16xi1>, vector<16xf32>
        %add3A_442 = arith.addf %scan3A_414, %select_n3A_441 : vector<16xf32>
        %jit3A_443 = arith.constant 0.000000e+00 : f32
        %broadcast_in_dim3A_444 = vector.broadcast %jit3A_443 : f32 to vector<16xf32>
        %select_n3A_445 = arith.select %ne3A_432, %get3A_429, %broadcast_in_dim3A_444 : vector<16xi1>, vector<16xf32>
        %add3A_446 = arith.addf %scan3A_413, %select_n3A_445 : vector<16xf32>
        %jit3A_447 = arith.constant 1.000000e+00 : f32
        %jit3A_448 = arith.constant 0.000000e+00 : f32
        %broadcast_in_dim3A_449 = vector.broadcast %jit3A_447 : f32 to vector<16xf32>
        %broadcast_in_dim3A_450 = vector.broadcast %jit3A_448 : f32 to vector<16xf32>
        %select_n3A_451 = arith.select %ne3A_432, %broadcast_in_dim3A_449, %broadcast_in_dim3A_450 : vector<16xi1>, vector<16xf32>
        %add3A_452 = arith.addf %scan3A_415, %select_n3A_451 : vector<16xf32>
        %scan3A_453 = arith.constant 1 : i32
        %scan3A_454 = arith.addi %scan3A_411, %scan3A_453 : i32
        %mul3A_455 = arith.constant 2 : i32
        %mul3A_456 = arith.muli %mul3A_455, %scan3A_454 : i32
        %mul3A_457 = arith.constant 16 : i32
        %mul3A_458 = arith.muli %mul3A_456, %mul3A_457 : i32
        %get3A_459 = arith.index_cast %mul3A_458 : i32 to index
        %get3A_460 = tpu.vector_load %arg5[%get3A_459] {strides = array<i32>} : memref<2048xf32, #tpu.memory_space<vmem>>, vector<16xf32>,
        %mul3A_461 = arith.constant 2 : i32
        %mul3A_462 = arith.muli %mul3A_461, %scan3A_454 : i32
        %add3A_463 = arith.constant 1 : i32
        %add3A_464 = arith.addi %mul3A_462, %add3A_463 : i32
        %mul3A_465 = arith.constant 16 : i32
        %mul3A_466 = arith.muli %add3A_464, %mul3A_465 : i32
        %get3A_467 = arith.index_cast %mul3A_466 : i32 to index
        %get3A_468 = tpu.vector_load %arg5[%get3A_467] {strides = array<i32>} : memref<2048xf32, #tpu.memory_space<vmem>>, vector<16xf32>,
        %le3A_469 = arith.cmpf ole, %get3A_460, %select_n3A_279 : vector<16xf32>
        %ne3A_470 = arith.xori %le3A_469, %eq3A_56 : vector<16xi1>
        %le3A_471 = arith.cmpf ole, %get3A_468, %select_n3A_279 : vector<16xf32>
        %ne3A_472 = arith.xori %le3A_471, %eq3A_56 : vector<16xi1>
        %jit3A_473 = arith.constant 0.000000e+00 : f32
        %broadcast_in_dim3A_474 = vector.broadcast %jit3A_473 : f32 to vector<16xf32>
        %select_n3A_475 = arith.select %ne3A_470, %get3A_460, %broadcast_in_dim3A_474 : vector<16xi1>, vector<16xf32>
        %add3A_476 = arith.addf %add3A_436, %select_n3A_475 : vector<16xf32>
        %jit3A_477 = arith.constant 1.000000e+00 : f32
        %jit3A_478 = arith.constant 0.000000e+00 : f32
        %broadcast_in_dim3A_479 = vector.broadcast %jit3A_477 : f32 to vector<16xf32>
        %broadcast_in_dim3A_480 = vector.broadcast %jit3A_478 : f32 to vector<16xf32>
        %select_n3A_481 = arith.select %ne3A_470, %broadcast_in_dim3A_479, %broadcast_in_dim3A_480 : vector<16xi1>, vector<16xf32>
        %add3A_482 = arith.addf %add3A_442, %select_n3A_481 : vector<16xf32>
        %jit3A_483 = arith.constant 0.000000e+00 : f32
        %broadcast_in_dim3A_484 = vector.broadcast %jit3A_483 : f32 to vector<16xf32>
        %select_n3A_485 = arith.select %ne3A_472, %get3A_468, %broadcast_in_dim3A_484 : vector<16xi1>, vector<16xf32>
        %add3A_486 = arith.addf %add3A_446, %select_n3A_485 : vector<16xf32>
        %jit3A_487 = arith.constant 1.000000e+00 : f32
        %jit3A_488 = arith.constant 0.000000e+00 : f32
        %broadcast_in_dim3A_489 = vector.broadcast %jit3A_487 : f32 to vector<16xf32>
        %broadcast_in_dim3A_490 = vector.broadcast %jit3A_488 : f32 to vector<16xf32>
        %select_n3A_491 = arith.select %ne3A_472, %broadcast_in_dim3A_489, %broadcast_in_dim3A_490 : vector<16xi1>, vector<16xf32>
        %add3A_492 = arith.addf %add3A_452, %select_n3A_491 : vector<16xf32>
        %scan3A_493 = arith.constant 2 : i32
        %scan3A_494 = arith.addi %scan3A_411, %scan3A_493 : i32
        %mul3A_495 = arith.constant 2 : i32
        %mul3A_496 = arith.muli %mul3A_495, %scan3A_494 : i32
        %mul3A_497 = arith.constant 16 : i32
        %mul3A_498 = arith.muli %mul3A_496, %mul3A_497 : i32
        %get3A_499 = arith.index_cast %mul3A_498 : i32 to index
        %get3A_500 = tpu.vector_load %arg5[%get3A_499] {strides = array<i32>} : memref<2048xf32, #tpu.memory_space<vmem>>, vector<16xf32>,
        %mul3A_501 = arith.constant 2 : i32
        %mul3A_502 = arith.muli %mul3A_501, %scan3A_494 : i32
        %add3A_503 = arith.constant 1 : i32
        %add3A_504 = arith.addi %mul3A_502, %add3A_503 : i32
        %mul3A_505 = arith.constant 16 : i32
        %mul3A_506 = arith.muli %add3A_504, %mul3A_505 : i32
        %get3A_507 = arith.index_cast %mul3A_506 : i32 to index
        %get3A_508 = tpu.vector_load %arg5[%get3A_507] {strides = array<i32>} : memref<2048xf32, #tpu.memory_space<vmem>>, vector<16xf32>,
        %le3A_509 = arith.cmpf ole, %get3A_500, %select_n3A_279 : vector<16xf32>
        %ne3A_510 = arith.xori %le3A_509, %eq3A_56 : vector<16xi1>
        %le3A_511 = arith.cmpf ole, %get3A_508, %select_n3A_279 : vector<16xf32>
        %ne3A_512 = arith.xori %le3A_511, %eq3A_56 : vector<16xi1>
        %jit3A_513 = arith.constant 0.000000e+00 : f32
        %broadcast_in_dim3A_514 = vector.broadcast %jit3A_513 : f32 to vector<16xf32>
        %select_n3A_515 = arith.select %ne3A_510, %get3A_500, %broadcast_in_dim3A_514 : vector<16xi1>, vector<16xf32>
        %add3A_516 = arith.addf %add3A_476, %select_n3A_515 : vector<16xf32>
        %jit3A_517 = arith.constant 1.000000e+00 : f32
        %jit3A_518 = arith.constant 0.000000e+00 : f32
        %broadcast_in_dim3A_519 = vector.broadcast %jit3A_517 : f32 to vector<16xf32>
        %broadcast_in_dim3A_520 = vector.broadcast %jit3A_518 : f32 to vector<16xf32>
        %select_n3A_521 = arith.select %ne3A_510, %broadcast_in_dim3A_519, %broadcast_in_dim3A_520 : vector<16xi1>, vector<16xf32>
        %add3A_522 = arith.addf %add3A_482, %select_n3A_521 : vector<16xf32>
        %jit3A_523 = arith.constant 0.000000e+00 : f32
        %broadcast_in_dim3A_524 = vector.broadcast %jit3A_523 : f32 to vector<16xf32>
        %select_n3A_525 = arith.select %ne3A_512, %get3A_508, %broadcast_in_dim3A_524 : vector<16xi1>, vector<16xf32>
        %add3A_526 = arith.addf %add3A_486, %select_n3A_525 : vector<16xf32>
        %jit3A_527 = arith.constant 1.000000e+00 : f32
        %jit3A_528 = arith.constant 0.000000e+00 : f32
        %broadcast_in_dim3A_529 = vector.broadcast %jit3A_527 : f32 to vector<16xf32>
        %broadcast_in_dim3A_530 = vector.broadcast %jit3A_528 : f32 to vector<16xf32>
        %select_n3A_531 = arith.select %ne3A_512, %broadcast_in_dim3A_529, %broadcast_in_dim3A_530 : vector<16xi1>, vector<16xf32>
        %add3A_532 = arith.addf %add3A_492, %select_n3A_531 : vector<16xf32>
        %scan3A_533 = arith.constant 3 : i32
        %scan3A_534 = arith.addi %scan3A_411, %scan3A_533 : i32
        %mul3A_535 = arith.constant 2 : i32
        %mul3A_536 = arith.muli %mul3A_535, %scan3A_534 : i32
        %mul3A_537 = arith.constant 16 : i32
        %mul3A_538 = arith.muli %mul3A_536, %mul3A_537 : i32
        %get3A_539 = arith.index_cast %mul3A_538 : i32 to index
        %get3A_540 = tpu.vector_load %arg5[%get3A_539] {strides = array<i32>} : memref<2048xf32, #tpu.memory_space<vmem>>, vector<16xf32>,
        %mul3A_541 = arith.constant 2 : i32
        %mul3A_542 = arith.muli %mul3A_541, %scan3A_534 : i32
        %add3A_543 = arith.constant 1 : i32
        %add3A_544 = arith.addi %mul3A_542, %add3A_543 : i32
        %mul3A_545 = arith.constant 16 : i32
        %mul3A_546 = arith.muli %add3A_544, %mul3A_545 : i32
        %get3A_547 = arith.index_cast %mul3A_546 : i32 to index
        %get3A_548 = tpu.vector_load %arg5[%get3A_547] {strides = array<i32>} : memref<2048xf32, #tpu.memory_space<vmem>>, vector<16xf32>,
        %le3A_549 = arith.cmpf ole, %get3A_540, %select_n3A_279 : vector<16xf32>
        %ne3A_550 = arith.xori %le3A_549, %eq3A_56 : vector<16xi1>
        %le3A_551 = arith.cmpf ole, %get3A_548, %select_n3A_279 : vector<16xf32>
        %ne3A_552 = arith.xori %le3A_551, %eq3A_56 : vector<16xi1>
        %jit3A_553 = arith.constant 0.000000e+00 : f32
        %broadcast_in_dim3A_554 = vector.broadcast %jit3A_553 : f32 to vector<16xf32>
        %select_n3A_555 = arith.select %ne3A_550, %get3A_540, %broadcast_in_dim3A_554 : vector<16xi1>, vector<16xf32>
        %add3A_556 = arith.addf %add3A_516, %select_n3A_555 : vector<16xf32>
        %jit3A_557 = arith.constant 1.000000e+00 : f32
        %jit3A_558 = arith.constant 0.000000e+00 : f32
        %broadcast_in_dim3A_559 = vector.broadcast %jit3A_557 : f32 to vector<16xf32>
        %broadcast_in_dim3A_560 = vector.broadcast %jit3A_558 : f32 to vector<16xf32>
        %select_n3A_561 = arith.select %ne3A_550, %broadcast_in_dim3A_559, %broadcast_in_dim3A_560 : vector<16xi1>, vector<16xf32>
        %add3A_562 = arith.addf %add3A_522, %select_n3A_561 : vector<16xf32>
        %jit3A_563 = arith.constant 0.000000e+00 : f32
        %broadcast_in_dim3A_564 = vector.broadcast %jit3A_563 : f32 to vector<16xf32>
        %select_n3A_565 = arith.select %ne3A_552, %get3A_548, %broadcast_in_dim3A_564 : vector<16xi1>, vector<16xf32>
        %add3A_566 = arith.addf %add3A_526, %select_n3A_565 : vector<16xf32>
        %jit3A_567 = arith.constant 1.000000e+00 : f32
        %jit3A_568 = arith.constant 0.000000e+00 : f32
        %broadcast_in_dim3A_569 = vector.broadcast %jit3A_567 : f32 to vector<16xf32>
        %broadcast_in_dim3A_570 = vector.broadcast %jit3A_568 : f32 to vector<16xf32>
        %select_n3A_571 = arith.select %ne3A_552, %broadcast_in_dim3A_569, %broadcast_in_dim3A_570 : vector<16xi1>, vector<16xf32>
        %add3A_572 = arith.addf %add3A_532, %select_n3A_571 : vector<16xf32>
        scf.yield %add3A_556, %add3A_566, %add3A_562, %add3A_572 : vector<16xf32>, vector<16xf32>, vector<16xf32>, vector<16xf32>
      }
      %scan3A_285 = arith.constant 64 : i32
      %add3A_286 = arith.addf %scan3A_284#0, %scan3A_284#1 : vector<16xf32>
      %reduce_sum3A_287 = arith.constant true
      %reduce_sum3A_288 = vector.broadcast %reduce_sum3A_287 : i1 to vector<16xi1>
      %reduce_sum3A_289 = tpu.scan <sum>, %add3A_286 masked %reduce_sum3A_288 : vector<16xf32>, vector<16xi1> -> vector<16xf32>
      %reduce_sum3A_290 = vector.extract %reduce_sum3A_289[15] : f32 from vector<16xf32>
      %broadcast_in_dim3A_291 = vector.broadcast %reduce_sum3A_290 : f32 to vector<16xf32>
      %add3A_292 = arith.addf %scan3A_284#2, %scan3A_284#3 : vector<16xf32>
      %reduce_sum3A_293 = arith.constant true
      %reduce_sum3A_294 = vector.broadcast %reduce_sum3A_293 : i1 to vector<16xi1>
      %reduce_sum3A_295 = tpu.scan <sum>, %add3A_292 masked %reduce_sum3A_294 : vector<16xf32>, vector<16xi1> -> vector<16xf32>
      %reduce_sum3A_296 = vector.extract %reduce_sum3A_295[15] : f32 from vector<16xf32>
      %broadcast_in_dim3A_297 = vector.broadcast %reduce_sum3A_296 : f32 to vector<16xf32>
      %swap3A_298 = arith.constant 0 : index
      %swap3A_299 = tpu.vector_load %arg7[%swap3A_298] {strides = array<i32>} : memref<64xf32, #tpu.memory_space<vmem>>, vector<16xf32>,
      tpu.vector_store %arg7[%swap3A_298], %broadcast_in_dim3A_291 {strides = array<i32>} : memref<64xf32, #tpu.memory_space<vmem>>, vector<16xf32>,
      %swap3A_300 = arith.constant 16 : index
      %swap3A_301 = tpu.vector_load %arg7[%swap3A_300] {strides = array<i32>} : memref<64xf32, #tpu.memory_space<vmem>>, vector<16xf32>,
      tpu.vector_store %arg7[%swap3A_300], %broadcast_in_dim3A_297 {strides = array<i32>} : memref<64xf32, #tpu.memory_space<vmem>>, vector<16xf32>,
      "tpu.region"() ({
        %run_scoped3A = tpu.sem_alloc : memref<!tpu.dma_semaphore, #tpu.memory_space<semaphore_mem>>
        %dma_start3A = arith.constant 0 : i32
        %dma_start3A_411 = tpu.memref_slice %arg7[%dma_start3A] : memref<64xf32, #tpu.memory_space<vmem>> -> memref<32xf32, #tpu.memory_space<vmem>>
        %dma_start3A_412 = arith.constant 32 : i32
        %dma_start3A_413 = tpu.memref_slice %arg8[%arg1, %dma_start3A_412] : memref<16x64xf32, #tpu.memory_space<vmem_shared>> -> memref<1x32xf32, #tpu.memory_space<vmem_shared>>
        %dma_start3A_414 = tpu.memref_squeeze %dma_start3A_413 : memref<1x32xf32, #tpu.memory_space<vmem_shared>> -> memref<32xf32, #tpu.memory_space<vmem_shared>>
        %dma_start3A_415 = arith.constant 32 : i32
        %dma_start3A_416 = tpu.memref_slice %arg8[%arg1, %dma_start3A_415] : memref<16x64xf32, #tpu.memory_space<vmem_shared>> -> memref<1x32xf32, #tpu.memory_space<vmem_shared>>
        %dma_start3A_417 = tpu.memref_squeeze %dma_start3A_416 : memref<1x32xf32, #tpu.memory_space<vmem_shared>> -> memref<32xf32, #tpu.memory_space<vmem_shared>>
        %dma_start3A_418 = arith.constant 0 : i32
        %dma_start3A_419 = tpu.memref_slice %arg7[%dma_start3A_418] : memref<64xf32, #tpu.memory_space<vmem>> -> memref<32xf32, #tpu.memory_space<vmem>>
        tpu.enqueue_dma source(%dma_start3A_419 : memref<32xf32, #tpu.memory_space<vmem>>) target(%dma_start3A_417 : memref<32xf32, #tpu.memory_space<vmem_shared>>) target_semaphore(%run_scoped3A : memref<!tpu.dma_semaphore, #tpu.memory_space<semaphore_mem>>)
        %dma_wait3A = arith.constant 0 : i32
        %dma_wait3A_420 = tpu.memref_slice %arg7[%dma_wait3A] : memref<64xf32, #tpu.memory_space<vmem>> -> memref<32xf32, #tpu.memory_space<vmem>>
        %dma_wait3A_421 = arith.constant 32 : i32
        %dma_wait3A_422 = tpu.memref_slice %arg8[%arg1, %dma_wait3A_421] : memref<16x64xf32, #tpu.memory_space<vmem_shared>> -> memref<1x32xf32, #tpu.memory_space<vmem_shared>>
        %dma_wait3A_423 = tpu.memref_squeeze %dma_wait3A_422 : memref<1x32xf32, #tpu.memory_space<vmem_shared>> -> memref<32xf32, #tpu.memory_space<vmem_shared>>
        %dma_wait3A_424 = arith.constant 32 : i32
        %dma_wait3A_425 = tpu.memref_slice %arg8[%arg1, %dma_wait3A_424] : memref<16x64xf32, #tpu.memory_space<vmem_shared>> -> memref<1x32xf32, #tpu.memory_space<vmem_shared>>
        %dma_wait3A_426 = tpu.memref_squeeze %dma_wait3A_425 : memref<1x32xf32, #tpu.memory_space<vmem_shared>> -> memref<32xf32, #tpu.memory_space<vmem_shared>>
        %dma_wait3A_427 = arith.constant 0 : i32
        %dma_wait3A_428 = tpu.memref_slice %arg7[%dma_wait3A_427] : memref<64xf32, #tpu.memory_space<vmem>> -> memref<32xf32, #tpu.memory_space<vmem>>
        tpu.wait_dma2 semaphore(%run_scoped3A : memref<!tpu.dma_semaphore, #tpu.memory_space<semaphore_mem>>) src(%dma_wait3A_428 : memref<32xf32, #tpu.memory_space<vmem>>) dst(%dma_wait3A_426 : memref<32xf32, #tpu.memory_space<vmem_shared>>)
        tpu.yield
      }) : () -> ()
      %barrier3A_302 = arith.constant 0 : index
      tpu.barrier barrier_id(%barrier3A_302)
      "tpu.region"() ({
        %run_scoped3A = tpu.sem_alloc : memref<!tpu.dma_semaphore, #tpu.memory_space<semaphore_mem>>
        %dma_start3A = arith.constant 32 : i32
        %dma_start3A_411 = tpu.memref_slice %arg7[%dma_start3A] : memref<64xf32, #tpu.memory_space<vmem>> -> memref<32xf32, #tpu.memory_space<vmem>>
        %dma_start3A_412 = arith.constant 32 : i32
        %dma_start3A_413 = tpu.memref_slice %arg8[%xor3A_47, %dma_start3A_412] : memref<16x64xf32, #tpu.memory_space<vmem_shared>> -> memref<1x32xf32, #tpu.memory_space<vmem_shared>>
        %dma_start3A_414 = tpu.memref_squeeze %dma_start3A_413 : memref<1x32xf32, #tpu.memory_space<vmem_shared>> -> memref<32xf32, #tpu.memory_space<vmem_shared>>
        %dma_start3A_415 = arith.constant 32 : i32
        %dma_start3A_416 = tpu.memref_slice %arg7[%dma_start3A_415] : memref<64xf32, #tpu.memory_space<vmem>> -> memref<32xf32, #tpu.memory_space<vmem>>
        %dma_start3A_417 = arith.constant 32 : i32
        %dma_start3A_418 = tpu.memref_slice %arg8[%xor3A_47, %dma_start3A_417] : memref<16x64xf32, #tpu.memory_space<vmem_shared>> -> memref<1x32xf32, #tpu.memory_space<vmem_shared>>
        %dma_start3A_419 = tpu.memref_squeeze %dma_start3A_418 : memref<1x32xf32, #tpu.memory_space<vmem_shared>> -> memref<32xf32, #tpu.memory_space<vmem_shared>>
        tpu.enqueue_dma source(%dma_start3A_419 : memref<32xf32, #tpu.memory_space<vmem_shared>>) target(%dma_start3A_416 : memref<32xf32, #tpu.memory_space<vmem>>) target_semaphore(%run_scoped3A : memref<!tpu.dma_semaphore, #tpu.memory_space<semaphore_mem>>)
        %dma_wait3A = arith.constant 32 : i32
        %dma_wait3A_420 = tpu.memref_slice %arg7[%dma_wait3A] : memref<64xf32, #tpu.memory_space<vmem>> -> memref<32xf32, #tpu.memory_space<vmem>>
        %dma_wait3A_421 = arith.constant 32 : i32
        %dma_wait3A_422 = tpu.memref_slice %arg8[%xor3A_47, %dma_wait3A_421] : memref<16x64xf32, #tpu.memory_space<vmem_shared>> -> memref<1x32xf32, #tpu.memory_space<vmem_shared>>
        %dma_wait3A_423 = tpu.memref_squeeze %dma_wait3A_422 : memref<1x32xf32, #tpu.memory_space<vmem_shared>> -> memref<32xf32, #tpu.memory_space<vmem_shared>>
        %dma_wait3A_424 = arith.constant 32 : i32
        %dma_wait3A_425 = tpu.memref_slice %arg7[%dma_wait3A_424] : memref<64xf32, #tpu.memory_space<vmem>> -> memref<32xf32, #tpu.memory_space<vmem>>
        %dma_wait3A_426 = arith.constant 32 : i32
        %dma_wait3A_427 = tpu.memref_slice %arg8[%xor3A_47, %dma_wait3A_426] : memref<16x64xf32, #tpu.memory_space<vmem_shared>> -> memref<1x32xf32, #tpu.memory_space<vmem_shared>>
        %dma_wait3A_428 = tpu.memref_squeeze %dma_wait3A_427 : memref<1x32xf32, #tpu.memory_space<vmem_shared>> -> memref<32xf32, #tpu.memory_space<vmem_shared>>
        tpu.wait_dma2 semaphore(%run_scoped3A : memref<!tpu.dma_semaphore, #tpu.memory_space<semaphore_mem>>) src(%dma_wait3A_428 : memref<32xf32, #tpu.memory_space<vmem_shared>>) dst(%dma_wait3A_425 : memref<32xf32, #tpu.memory_space<vmem>>)
        tpu.yield
      }) : () -> ()
      %get3A_303 = arith.constant 32 : index
      %get3A_304 = tpu.vector_load %arg7[%get3A_303] {strides = array<i32>} : memref<64xf32, #tpu.memory_space<vmem>>, vector<16xf32>,
      %get3A_305 = arith.constant 48 : index
      %get3A_306 = tpu.vector_load %arg7[%get3A_305] {strides = array<i32>} : memref<64xf32, #tpu.memory_space<vmem>>, vector<16xf32>,
      %select_n3A_307 = arith.select %eq3A_56, %get3A_304, %broadcast_in_dim3A_291 : vector<16xi1>, vector<16xf32>
      %select_n3A_308 = arith.select %eq3A_56, %get3A_306, %broadcast_in_dim3A_297 : vector<16xi1>, vector<16xf32>
      %select_n3A_309 = arith.select %eq3A_56, %broadcast_in_dim3A_291, %get3A_304 : vector<16xi1>, vector<16xf32>
      %select_n3A_310 = arith.select %eq3A_56, %broadcast_in_dim3A_297, %get3A_306 : vector<16xi1>, vector<16xf32>
      %sub3A_311 = arith.subf %broadcast_in_dim3A_143, %select_n3A_307 : vector<16xf32>
      %sub3A_312 = arith.subf %sub3A_311, %select_n3A_309 : vector<16xf32>
      %sub3A_313 = arith.constant 2.048000e+03 : f32
      %sub3A_314 = vector.broadcast %sub3A_313 : f32 to vector<16xf32>
      %sub3A_315 = arith.subf %sub3A_314, %select_n3A_308 : vector<16xf32>
      %sub3A_316 = arith.subf %sub3A_315, %select_n3A_310 : vector<16xf32>
      %gt3A_317 = arith.constant 0.000000e+00 : f32
      %gt3A_318 = vector.broadcast %gt3A_317 : f32 to vector<16xf32>
      %gt3A_319 = arith.cmpf ogt, %select_n3A_308, %gt3A_318 : vector<16xf32>
      %max3A_320 = arith.constant 1.000000e+00 : f32
      %max3A_321 = vector.broadcast %max3A_320 : f32 to vector<16xf32>
      %max3A_322 = arith.maximumf %select_n3A_308, %max3A_321 : vector<16xf32>
      %div3A_323 = arith.divf %select_n3A_307, %max3A_322 : vector<16xf32>
      %select_n3A_324 = arith.select %gt3A_319, %div3A_323, %scan3A_268 : vector<16xi1>, vector<16xf32>
      %gt3A_325 = arith.constant 0.000000e+00 : f32
      %gt3A_326 = vector.broadcast %gt3A_325 : f32 to vector<16xf32>
      %gt3A_327 = arith.cmpf ogt, %sub3A_316, %gt3A_326 : vector<16xf32>
      %max3A_328 = arith.constant 1.000000e+00 : f32
      %max3A_329 = vector.broadcast %max3A_328 : f32 to vector<16xf32>
      %max3A_330 = arith.maximumf %sub3A_316, %max3A_329 : vector<16xf32>
      %div3A_331 = arith.divf %sub3A_312, %max3A_330 : vector<16xf32>
      %select_n3A_332 = arith.select %gt3A_327, %div3A_331, %scan3A_269 : vector<16xi1>, vector<16xf32>
      %gt3A_333 = arith.constant 0.000000e+00 : f32
      %gt3A_334 = vector.broadcast %gt3A_333 : f32 to vector<16xf32>
      %gt3A_335 = arith.cmpf ogt, %select_n3A_310, %gt3A_334 : vector<16xf32>
      %max3A_336 = arith.constant 1.000000e+00 : f32
      %max3A_337 = vector.broadcast %max3A_336 : f32 to vector<16xf32>
      %max3A_338 = arith.maximumf %select_n3A_310, %max3A_337 : vector<16xf32>
      %div3A_339 = arith.divf %select_n3A_309, %max3A_338 : vector<16xf32>
      %select_n3A_340 = arith.select %gt3A_335, %div3A_339, %scan3A_270 : vector<16xi1>, vector<16xf32>
      %add3A_341 = arith.addf %select_n3A_324, %select_n3A_332 : vector<16xf32>
      %mul3A_342 = arith.constant 5.000000e-01 : f32
      %mul3A_343 = vector.broadcast %mul3A_342 : f32 to vector<16xf32>
      %mul3A_344 = arith.mulf %mul3A_343, %add3A_341 : vector<16xf32>
      %add3A_345 = arith.addf %select_n3A_332, %select_n3A_340 : vector<16xf32>
      %mul3A_346 = arith.constant 5.000000e-01 : f32
      %mul3A_347 = vector.broadcast %mul3A_346 : f32 to vector<16xf32>
      %mul3A_348 = arith.mulf %mul3A_347, %add3A_345 : vector<16xf32>
      %select_n3A_349 = arith.select %eq3A_56, %mul3A_348, %mul3A_344 : vector<16xi1>, vector<16xf32>
      %scan3A_350 = arith.constant 0 : i32
      %scan3A_351 = arith.constant 64 : i32
      %scan3A_352 = arith.addi %scan3A_350, %scan3A_351 : i32
      %scan3A_353 = arith.constant 4 : i32
      %scan3A_354:4 = scf.for %scan3A_411 = %scan3A_350 to %scan3A_352 step %scan3A_353 iter_args(%scan3A_412 = %broadcast_in_dim3A_52, %scan3A_413 = %broadcast_in_dim3A_52, %scan3A_414 = %broadcast_in_dim3A_52, %scan3A_415 = %broadcast_in_dim3A_52) -> (vector<16xf32>, vector<16xf32>, vector<16xf32>, vector<16xf32>)  : i32 {
        %mul3A_416 = arith.constant 2 : i32
        %mul3A_417 = arith.muli %mul3A_416, %scan3A_411 : i32
        %mul3A_418 = arith.constant 16 : i32
        %mul3A_419 = arith.muli %mul3A_417, %mul3A_418 : i32
        %get3A_420 = arith.index_cast %mul3A_419 : i32 to index
        %get3A_421 = tpu.vector_load %arg5[%get3A_420] {strides = array<i32>} : memref<2048xf32, #tpu.memory_space<vmem>>, vector<16xf32>,
        %mul3A_422 = arith.constant 2 : i32
        %mul3A_423 = arith.muli %mul3A_422, %scan3A_411 : i32
        %add3A_424 = arith.constant 1 : i32
        %add3A_425 = arith.addi %mul3A_423, %add3A_424 : i32
        %mul3A_426 = arith.constant 16 : i32
        %mul3A_427 = arith.muli %add3A_425, %mul3A_426 : i32
        %get3A_428 = arith.index_cast %mul3A_427 : i32 to index
        %get3A_429 = tpu.vector_load %arg5[%get3A_428] {strides = array<i32>} : memref<2048xf32, #tpu.memory_space<vmem>>, vector<16xf32>,
        %le3A = arith.cmpf ole, %get3A_421, %select_n3A_349 : vector<16xf32>
        %ne3A_430 = arith.xori %le3A, %eq3A_56 : vector<16xi1>
        %le3A_431 = arith.cmpf ole, %get3A_429, %select_n3A_349 : vector<16xf32>
        %ne3A_432 = arith.xori %le3A_431, %eq3A_56 : vector<16xi1>
        %jit3A_433 = arith.constant 0.000000e+00 : f32
        %broadcast_in_dim3A_434 = vector.broadcast %jit3A_433 : f32 to vector<16xf32>
        %select_n3A_435 = arith.select %ne3A_430, %get3A_421, %broadcast_in_dim3A_434 : vector<16xi1>, vector<16xf32>
        %add3A_436 = arith.addf %scan3A_412, %select_n3A_435 : vector<16xf32>
        %jit3A_437 = arith.constant 1.000000e+00 : f32
        %jit3A_438 = arith.constant 0.000000e+00 : f32
        %broadcast_in_dim3A_439 = vector.broadcast %jit3A_437 : f32 to vector<16xf32>
        %broadcast_in_dim3A_440 = vector.broadcast %jit3A_438 : f32 to vector<16xf32>
        %select_n3A_441 = arith.select %ne3A_430, %broadcast_in_dim3A_439, %broadcast_in_dim3A_440 : vector<16xi1>, vector<16xf32>
        %add3A_442 = arith.addf %scan3A_414, %select_n3A_441 : vector<16xf32>
        %jit3A_443 = arith.constant 0.000000e+00 : f32
        %broadcast_in_dim3A_444 = vector.broadcast %jit3A_443 : f32 to vector<16xf32>
        %select_n3A_445 = arith.select %ne3A_432, %get3A_429, %broadcast_in_dim3A_444 : vector<16xi1>, vector<16xf32>
        %add3A_446 = arith.addf %scan3A_413, %select_n3A_445 : vector<16xf32>
        %jit3A_447 = arith.constant 1.000000e+00 : f32
        %jit3A_448 = arith.constant 0.000000e+00 : f32
        %broadcast_in_dim3A_449 = vector.broadcast %jit3A_447 : f32 to vector<16xf32>
        %broadcast_in_dim3A_450 = vector.broadcast %jit3A_448 : f32 to vector<16xf32>
        %select_n3A_451 = arith.select %ne3A_432, %broadcast_in_dim3A_449, %broadcast_in_dim3A_450 : vector<16xi1>, vector<16xf32>
        %add3A_452 = arith.addf %scan3A_415, %select_n3A_451 : vector<16xf32>
        %scan3A_453 = arith.constant 1 : i32
        %scan3A_454 = arith.addi %scan3A_411, %scan3A_453 : i32
        %mul3A_455 = arith.constant 2 : i32
        %mul3A_456 = arith.muli %mul3A_455, %scan3A_454 : i32
        %mul3A_457 = arith.constant 16 : i32
        %mul3A_458 = arith.muli %mul3A_456, %mul3A_457 : i32
        %get3A_459 = arith.index_cast %mul3A_458 : i32 to index
        %get3A_460 = tpu.vector_load %arg5[%get3A_459] {strides = array<i32>} : memref<2048xf32, #tpu.memory_space<vmem>>, vector<16xf32>,
        %mul3A_461 = arith.constant 2 : i32
        %mul3A_462 = arith.muli %mul3A_461, %scan3A_454 : i32
        %add3A_463 = arith.constant 1 : i32
        %add3A_464 = arith.addi %mul3A_462, %add3A_463 : i32
        %mul3A_465 = arith.constant 16 : i32
        %mul3A_466 = arith.muli %add3A_464, %mul3A_465 : i32
        %get3A_467 = arith.index_cast %mul3A_466 : i32 to index
        %get3A_468 = tpu.vector_load %arg5[%get3A_467] {strides = array<i32>} : memref<2048xf32, #tpu.memory_space<vmem>>, vector<16xf32>,
        %le3A_469 = arith.cmpf ole, %get3A_460, %select_n3A_349 : vector<16xf32>
        %ne3A_470 = arith.xori %le3A_469, %eq3A_56 : vector<16xi1>
        %le3A_471 = arith.cmpf ole, %get3A_468, %select_n3A_349 : vector<16xf32>
        %ne3A_472 = arith.xori %le3A_471, %eq3A_56 : vector<16xi1>
        %jit3A_473 = arith.constant 0.000000e+00 : f32
        %broadcast_in_dim3A_474 = vector.broadcast %jit3A_473 : f32 to vector<16xf32>
        %select_n3A_475 = arith.select %ne3A_470, %get3A_460, %broadcast_in_dim3A_474 : vector<16xi1>, vector<16xf32>
        %add3A_476 = arith.addf %add3A_436, %select_n3A_475 : vector<16xf32>
        %jit3A_477 = arith.constant 1.000000e+00 : f32
        %jit3A_478 = arith.constant 0.000000e+00 : f32
        %broadcast_in_dim3A_479 = vector.broadcast %jit3A_477 : f32 to vector<16xf32>
        %broadcast_in_dim3A_480 = vector.broadcast %jit3A_478 : f32 to vector<16xf32>
        %select_n3A_481 = arith.select %ne3A_470, %broadcast_in_dim3A_479, %broadcast_in_dim3A_480 : vector<16xi1>, vector<16xf32>
        %add3A_482 = arith.addf %add3A_442, %select_n3A_481 : vector<16xf32>
        %jit3A_483 = arith.constant 0.000000e+00 : f32
        %broadcast_in_dim3A_484 = vector.broadcast %jit3A_483 : f32 to vector<16xf32>
        %select_n3A_485 = arith.select %ne3A_472, %get3A_468, %broadcast_in_dim3A_484 : vector<16xi1>, vector<16xf32>
        %add3A_486 = arith.addf %add3A_446, %select_n3A_485 : vector<16xf32>
        %jit3A_487 = arith.constant 1.000000e+00 : f32
        %jit3A_488 = arith.constant 0.000000e+00 : f32
        %broadcast_in_dim3A_489 = vector.broadcast %jit3A_487 : f32 to vector<16xf32>
        %broadcast_in_dim3A_490 = vector.broadcast %jit3A_488 : f32 to vector<16xf32>
        %select_n3A_491 = arith.select %ne3A_472, %broadcast_in_dim3A_489, %broadcast_in_dim3A_490 : vector<16xi1>, vector<16xf32>
        %add3A_492 = arith.addf %add3A_452, %select_n3A_491 : vector<16xf32>
        %scan3A_493 = arith.constant 2 : i32
        %scan3A_494 = arith.addi %scan3A_411, %scan3A_493 : i32
        %mul3A_495 = arith.constant 2 : i32
        %mul3A_496 = arith.muli %mul3A_495, %scan3A_494 : i32
        %mul3A_497 = arith.constant 16 : i32
        %mul3A_498 = arith.muli %mul3A_496, %mul3A_497 : i32
        %get3A_499 = arith.index_cast %mul3A_498 : i32 to index
        %get3A_500 = tpu.vector_load %arg5[%get3A_499] {strides = array<i32>} : memref<2048xf32, #tpu.memory_space<vmem>>, vector<16xf32>,
        %mul3A_501 = arith.constant 2 : i32
        %mul3A_502 = arith.muli %mul3A_501, %scan3A_494 : i32
        %add3A_503 = arith.constant 1 : i32
        %add3A_504 = arith.addi %mul3A_502, %add3A_503 : i32
        %mul3A_505 = arith.constant 16 : i32
        %mul3A_506 = arith.muli %add3A_504, %mul3A_505 : i32
        %get3A_507 = arith.index_cast %mul3A_506 : i32 to index
        %get3A_508 = tpu.vector_load %arg5[%get3A_507] {strides = array<i32>} : memref<2048xf32, #tpu.memory_space<vmem>>, vector<16xf32>,
        %le3A_509 = arith.cmpf ole, %get3A_500, %select_n3A_349 : vector<16xf32>
        %ne3A_510 = arith.xori %le3A_509, %eq3A_56 : vector<16xi1>
        %le3A_511 = arith.cmpf ole, %get3A_508, %select_n3A_349 : vector<16xf32>
        %ne3A_512 = arith.xori %le3A_511, %eq3A_56 : vector<16xi1>
        %jit3A_513 = arith.constant 0.000000e+00 : f32
        %broadcast_in_dim3A_514 = vector.broadcast %jit3A_513 : f32 to vector<16xf32>
        %select_n3A_515 = arith.select %ne3A_510, %get3A_500, %broadcast_in_dim3A_514 : vector<16xi1>, vector<16xf32>
        %add3A_516 = arith.addf %add3A_476, %select_n3A_515 : vector<16xf32>
        %jit3A_517 = arith.constant 1.000000e+00 : f32
        %jit3A_518 = arith.constant 0.000000e+00 : f32
        %broadcast_in_dim3A_519 = vector.broadcast %jit3A_517 : f32 to vector<16xf32>
        %broadcast_in_dim3A_520 = vector.broadcast %jit3A_518 : f32 to vector<16xf32>
        %select_n3A_521 = arith.select %ne3A_510, %broadcast_in_dim3A_519, %broadcast_in_dim3A_520 : vector<16xi1>, vector<16xf32>
        %add3A_522 = arith.addf %add3A_482, %select_n3A_521 : vector<16xf32>
        %jit3A_523 = arith.constant 0.000000e+00 : f32
        %broadcast_in_dim3A_524 = vector.broadcast %jit3A_523 : f32 to vector<16xf32>
        %select_n3A_525 = arith.select %ne3A_512, %get3A_508, %broadcast_in_dim3A_524 : vector<16xi1>, vector<16xf32>
        %add3A_526 = arith.addf %add3A_486, %select_n3A_525 : vector<16xf32>
        %jit3A_527 = arith.constant 1.000000e+00 : f32
        %jit3A_528 = arith.constant 0.000000e+00 : f32
        %broadcast_in_dim3A_529 = vector.broadcast %jit3A_527 : f32 to vector<16xf32>
        %broadcast_in_dim3A_530 = vector.broadcast %jit3A_528 : f32 to vector<16xf32>
        %select_n3A_531 = arith.select %ne3A_512, %broadcast_in_dim3A_529, %broadcast_in_dim3A_530 : vector<16xi1>, vector<16xf32>
        %add3A_532 = arith.addf %add3A_492, %select_n3A_531 : vector<16xf32>
        %scan3A_533 = arith.constant 3 : i32
        %scan3A_534 = arith.addi %scan3A_411, %scan3A_533 : i32
        %mul3A_535 = arith.constant 2 : i32
        %mul3A_536 = arith.muli %mul3A_535, %scan3A_534 : i32
        %mul3A_537 = arith.constant 16 : i32
        %mul3A_538 = arith.muli %mul3A_536, %mul3A_537 : i32
        %get3A_539 = arith.index_cast %mul3A_538 : i32 to index
        %get3A_540 = tpu.vector_load %arg5[%get3A_539] {strides = array<i32>} : memref<2048xf32, #tpu.memory_space<vmem>>, vector<16xf32>,
        %mul3A_541 = arith.constant 2 : i32
        %mul3A_542 = arith.muli %mul3A_541, %scan3A_534 : i32
        %add3A_543 = arith.constant 1 : i32
        %add3A_544 = arith.addi %mul3A_542, %add3A_543 : i32
        %mul3A_545 = arith.constant 16 : i32
        %mul3A_546 = arith.muli %add3A_544, %mul3A_545 : i32
        %get3A_547 = arith.index_cast %mul3A_546 : i32 to index
        %get3A_548 = tpu.vector_load %arg5[%get3A_547] {strides = array<i32>} : memref<2048xf32, #tpu.memory_space<vmem>>, vector<16xf32>,
        %le3A_549 = arith.cmpf ole, %get3A_540, %select_n3A_349 : vector<16xf32>
        %ne3A_550 = arith.xori %le3A_549, %eq3A_56 : vector<16xi1>
        %le3A_551 = arith.cmpf ole, %get3A_548, %select_n3A_349 : vector<16xf32>
        %ne3A_552 = arith.xori %le3A_551, %eq3A_56 : vector<16xi1>
        %jit3A_553 = arith.constant 0.000000e+00 : f32
        %broadcast_in_dim3A_554 = vector.broadcast %jit3A_553 : f32 to vector<16xf32>
        %select_n3A_555 = arith.select %ne3A_550, %get3A_540, %broadcast_in_dim3A_554 : vector<16xi1>, vector<16xf32>
        %add3A_556 = arith.addf %add3A_516, %select_n3A_555 : vector<16xf32>
        %jit3A_557 = arith.constant 1.000000e+00 : f32
        %jit3A_558 = arith.constant 0.000000e+00 : f32
        %broadcast_in_dim3A_559 = vector.broadcast %jit3A_557 : f32 to vector<16xf32>
        %broadcast_in_dim3A_560 = vector.broadcast %jit3A_558 : f32 to vector<16xf32>
        %select_n3A_561 = arith.select %ne3A_550, %broadcast_in_dim3A_559, %broadcast_in_dim3A_560 : vector<16xi1>, vector<16xf32>
        %add3A_562 = arith.addf %add3A_522, %select_n3A_561 : vector<16xf32>
        %jit3A_563 = arith.constant 0.000000e+00 : f32
        %broadcast_in_dim3A_564 = vector.broadcast %jit3A_563 : f32 to vector<16xf32>
        %select_n3A_565 = arith.select %ne3A_552, %get3A_548, %broadcast_in_dim3A_564 : vector<16xi1>, vector<16xf32>
        %add3A_566 = arith.addf %add3A_526, %select_n3A_565 : vector<16xf32>
        %jit3A_567 = arith.constant 1.000000e+00 : f32
        %jit3A_568 = arith.constant 0.000000e+00 : f32
        %broadcast_in_dim3A_569 = vector.broadcast %jit3A_567 : f32 to vector<16xf32>
        %broadcast_in_dim3A_570 = vector.broadcast %jit3A_568 : f32 to vector<16xf32>
        %select_n3A_571 = arith.select %ne3A_552, %broadcast_in_dim3A_569, %broadcast_in_dim3A_570 : vector<16xi1>, vector<16xf32>
        %add3A_572 = arith.addf %add3A_532, %select_n3A_571 : vector<16xf32>
        scf.yield %add3A_556, %add3A_566, %add3A_562, %add3A_572 : vector<16xf32>, vector<16xf32>, vector<16xf32>, vector<16xf32>
      }
      %scan3A_355 = arith.constant 64 : i32
      %add3A_356 = arith.addf %scan3A_354#0, %scan3A_354#1 : vector<16xf32>
      %reduce_sum3A_357 = arith.constant true
      %reduce_sum3A_358 = vector.broadcast %reduce_sum3A_357 : i1 to vector<16xi1>
      %reduce_sum3A_359 = tpu.scan <sum>, %add3A_356 masked %reduce_sum3A_358 : vector<16xf32>, vector<16xi1> -> vector<16xf32>
      %reduce_sum3A_360 = vector.extract %reduce_sum3A_359[15] : f32 from vector<16xf32>
      %broadcast_in_dim3A_361 = vector.broadcast %reduce_sum3A_360 : f32 to vector<16xf32>
      %add3A_362 = arith.addf %scan3A_354#2, %scan3A_354#3 : vector<16xf32>
      %reduce_sum3A_363 = arith.constant true
      %reduce_sum3A_364 = vector.broadcast %reduce_sum3A_363 : i1 to vector<16xi1>
      %reduce_sum3A_365 = tpu.scan <sum>, %add3A_362 masked %reduce_sum3A_364 : vector<16xf32>, vector<16xi1> -> vector<16xf32>
      %reduce_sum3A_366 = vector.extract %reduce_sum3A_365[15] : f32 from vector<16xf32>
      %broadcast_in_dim3A_367 = vector.broadcast %reduce_sum3A_366 : f32 to vector<16xf32>
      %swap3A_368 = arith.constant 0 : index
      %swap3A_369 = tpu.vector_load %arg7[%swap3A_368] {strides = array<i32>} : memref<64xf32, #tpu.memory_space<vmem>>, vector<16xf32>,
      tpu.vector_store %arg7[%swap3A_368], %broadcast_in_dim3A_361 {strides = array<i32>} : memref<64xf32, #tpu.memory_space<vmem>>, vector<16xf32>,
      %swap3A_370 = arith.constant 16 : index
      %swap3A_371 = tpu.vector_load %arg7[%swap3A_370] {strides = array<i32>} : memref<64xf32, #tpu.memory_space<vmem>>, vector<16xf32>,
      tpu.vector_store %arg7[%swap3A_370], %broadcast_in_dim3A_367 {strides = array<i32>} : memref<64xf32, #tpu.memory_space<vmem>>, vector<16xf32>,
      "tpu.region"() ({
        %run_scoped3A = tpu.sem_alloc : memref<!tpu.dma_semaphore, #tpu.memory_space<semaphore_mem>>
        %dma_start3A = arith.constant 0 : i32
        %dma_start3A_411 = tpu.memref_slice %arg7[%dma_start3A] : memref<64xf32, #tpu.memory_space<vmem>> -> memref<32xf32, #tpu.memory_space<vmem>>
        %dma_start3A_412 = arith.constant 0 : i32
        %dma_start3A_413 = tpu.memref_slice %arg8[%arg1, %dma_start3A_412] : memref<16x64xf32, #tpu.memory_space<vmem_shared>> -> memref<1x32xf32, #tpu.memory_space<vmem_shared>>
        %dma_start3A_414 = tpu.memref_squeeze %dma_start3A_413 : memref<1x32xf32, #tpu.memory_space<vmem_shared>> -> memref<32xf32, #tpu.memory_space<vmem_shared>>
        %dma_start3A_415 = arith.constant 0 : i32
        %dma_start3A_416 = tpu.memref_slice %arg8[%arg1, %dma_start3A_415] : memref<16x64xf32, #tpu.memory_space<vmem_shared>> -> memref<1x32xf32, #tpu.memory_space<vmem_shared>>
        %dma_start3A_417 = tpu.memref_squeeze %dma_start3A_416 : memref<1x32xf32, #tpu.memory_space<vmem_shared>> -> memref<32xf32, #tpu.memory_space<vmem_shared>>
        %dma_start3A_418 = arith.constant 0 : i32
        %dma_start3A_419 = tpu.memref_slice %arg7[%dma_start3A_418] : memref<64xf32, #tpu.memory_space<vmem>> -> memref<32xf32, #tpu.memory_space<vmem>>
        tpu.enqueue_dma source(%dma_start3A_419 : memref<32xf32, #tpu.memory_space<vmem>>) target(%dma_start3A_417 : memref<32xf32, #tpu.memory_space<vmem_shared>>) target_semaphore(%run_scoped3A : memref<!tpu.dma_semaphore, #tpu.memory_space<semaphore_mem>>)
        %dma_wait3A = arith.constant 0 : i32
        %dma_wait3A_420 = tpu.memref_slice %arg7[%dma_wait3A] : memref<64xf32, #tpu.memory_space<vmem>> -> memref<32xf32, #tpu.memory_space<vmem>>
        %dma_wait3A_421 = arith.constant 0 : i32
        %dma_wait3A_422 = tpu.memref_slice %arg8[%arg1, %dma_wait3A_421] : memref<16x64xf32, #tpu.memory_space<vmem_shared>> -> memref<1x32xf32, #tpu.memory_space<vmem_shared>>
        %dma_wait3A_423 = tpu.memref_squeeze %dma_wait3A_422 : memref<1x32xf32, #tpu.memory_space<vmem_shared>> -> memref<32xf32, #tpu.memory_space<vmem_shared>>
        %dma_wait3A_424 = arith.constant 0 : i32
        %dma_wait3A_425 = tpu.memref_slice %arg8[%arg1, %dma_wait3A_424] : memref<16x64xf32, #tpu.memory_space<vmem_shared>> -> memref<1x32xf32, #tpu.memory_space<vmem_shared>>
        %dma_wait3A_426 = tpu.memref_squeeze %dma_wait3A_425 : memref<1x32xf32, #tpu.memory_space<vmem_shared>> -> memref<32xf32, #tpu.memory_space<vmem_shared>>
        %dma_wait3A_427 = arith.constant 0 : i32
        %dma_wait3A_428 = tpu.memref_slice %arg7[%dma_wait3A_427] : memref<64xf32, #tpu.memory_space<vmem>> -> memref<32xf32, #tpu.memory_space<vmem>>
        tpu.wait_dma2 semaphore(%run_scoped3A : memref<!tpu.dma_semaphore, #tpu.memory_space<semaphore_mem>>) src(%dma_wait3A_428 : memref<32xf32, #tpu.memory_space<vmem>>) dst(%dma_wait3A_426 : memref<32xf32, #tpu.memory_space<vmem_shared>>)
        tpu.yield
      }) : () -> ()
      %barrier3A_372 = arith.constant 0 : index
      tpu.barrier barrier_id(%barrier3A_372)
      "tpu.region"() ({
        %run_scoped3A = tpu.sem_alloc : memref<!tpu.dma_semaphore, #tpu.memory_space<semaphore_mem>>
        %dma_start3A = arith.constant 32 : i32
        %dma_start3A_411 = tpu.memref_slice %arg7[%dma_start3A] : memref<64xf32, #tpu.memory_space<vmem>> -> memref<32xf32, #tpu.memory_space<vmem>>
        %dma_start3A_412 = arith.constant 0 : i32
        %dma_start3A_413 = tpu.memref_slice %arg8[%xor3A_47, %dma_start3A_412] : memref<16x64xf32, #tpu.memory_space<vmem_shared>> -> memref<1x32xf32, #tpu.memory_space<vmem_shared>>
        %dma_start3A_414 = tpu.memref_squeeze %dma_start3A_413 : memref<1x32xf32, #tpu.memory_space<vmem_shared>> -> memref<32xf32, #tpu.memory_space<vmem_shared>>
        %dma_start3A_415 = arith.constant 32 : i32
        %dma_start3A_416 = tpu.memref_slice %arg7[%dma_start3A_415] : memref<64xf32, #tpu.memory_space<vmem>> -> memref<32xf32, #tpu.memory_space<vmem>>
        %dma_start3A_417 = arith.constant 0 : i32
        %dma_start3A_418 = tpu.memref_slice %arg8[%xor3A_47, %dma_start3A_417] : memref<16x64xf32, #tpu.memory_space<vmem_shared>> -> memref<1x32xf32, #tpu.memory_space<vmem_shared>>
        %dma_start3A_419 = tpu.memref_squeeze %dma_start3A_418 : memref<1x32xf32, #tpu.memory_space<vmem_shared>> -> memref<32xf32, #tpu.memory_space<vmem_shared>>
        tpu.enqueue_dma source(%dma_start3A_419 : memref<32xf32, #tpu.memory_space<vmem_shared>>) target(%dma_start3A_416 : memref<32xf32, #tpu.memory_space<vmem>>) target_semaphore(%run_scoped3A : memref<!tpu.dma_semaphore, #tpu.memory_space<semaphore_mem>>)
        %dma_wait3A = arith.constant 32 : i32
        %dma_wait3A_420 = tpu.memref_slice %arg7[%dma_wait3A] : memref<64xf32, #tpu.memory_space<vmem>> -> memref<32xf32, #tpu.memory_space<vmem>>
        %dma_wait3A_421 = arith.constant 0 : i32
        %dma_wait3A_422 = tpu.memref_slice %arg8[%xor3A_47, %dma_wait3A_421] : memref<16x64xf32, #tpu.memory_space<vmem_shared>> -> memref<1x32xf32, #tpu.memory_space<vmem_shared>>
        %dma_wait3A_423 = tpu.memref_squeeze %dma_wait3A_422 : memref<1x32xf32, #tpu.memory_space<vmem_shared>> -> memref<32xf32, #tpu.memory_space<vmem_shared>>
        %dma_wait3A_424 = arith.constant 32 : i32
        %dma_wait3A_425 = tpu.memref_slice %arg7[%dma_wait3A_424] : memref<64xf32, #tpu.memory_space<vmem>> -> memref<32xf32, #tpu.memory_space<vmem>>
        %dma_wait3A_426 = arith.constant 0 : i32
        %dma_wait3A_427 = tpu.memref_slice %arg8[%xor3A_47, %dma_wait3A_426] : memref<16x64xf32, #tpu.memory_space<vmem_shared>> -> memref<1x32xf32, #tpu.memory_space<vmem_shared>>
        %dma_wait3A_428 = tpu.memref_squeeze %dma_wait3A_427 : memref<1x32xf32, #tpu.memory_space<vmem_shared>> -> memref<32xf32, #tpu.memory_space<vmem_shared>>
        tpu.wait_dma2 semaphore(%run_scoped3A : memref<!tpu.dma_semaphore, #tpu.memory_space<semaphore_mem>>) src(%dma_wait3A_428 : memref<32xf32, #tpu.memory_space<vmem_shared>>) dst(%dma_wait3A_425 : memref<32xf32, #tpu.memory_space<vmem>>)
        tpu.yield
      }) : () -> ()
      %get3A_373 = arith.constant 32 : index
      %get3A_374 = tpu.vector_load %arg7[%get3A_373] {strides = array<i32>} : memref<64xf32, #tpu.memory_space<vmem>>, vector<16xf32>,
      %get3A_375 = arith.constant 48 : index
      %get3A_376 = tpu.vector_load %arg7[%get3A_375] {strides = array<i32>} : memref<64xf32, #tpu.memory_space<vmem>>, vector<16xf32>,
      %select_n3A_377 = arith.select %eq3A_56, %get3A_374, %broadcast_in_dim3A_361 : vector<16xi1>, vector<16xf32>
      %select_n3A_378 = arith.select %eq3A_56, %get3A_376, %broadcast_in_dim3A_367 : vector<16xi1>, vector<16xf32>
      %select_n3A_379 = arith.select %eq3A_56, %broadcast_in_dim3A_361, %get3A_374 : vector<16xi1>, vector<16xf32>
      %select_n3A_380 = arith.select %eq3A_56, %broadcast_in_dim3A_367, %get3A_376 : vector<16xi1>, vector<16xf32>
      %sub3A_381 = arith.subf %broadcast_in_dim3A_143, %select_n3A_377 : vector<16xf32>
      %sub3A_382 = arith.subf %sub3A_381, %select_n3A_379 : vector<16xf32>
      %sub3A_383 = arith.constant 2.048000e+03 : f32
      %sub3A_384 = vector.broadcast %sub3A_383 : f32 to vector<16xf32>
      %sub3A_385 = arith.subf %sub3A_384, %select_n3A_378 : vector<16xf32>
      %sub3A_386 = arith.subf %sub3A_385, %select_n3A_380 : vector<16xf32>
      %gt3A_387 = arith.constant 0.000000e+00 : f32
      %gt3A_388 = vector.broadcast %gt3A_387 : f32 to vector<16xf32>
      %gt3A_389 = arith.cmpf ogt, %select_n3A_378, %gt3A_388 : vector<16xf32>
      %max3A_390 = arith.constant 1.000000e+00 : f32
      %max3A_391 = vector.broadcast %max3A_390 : f32 to vector<16xf32>
      %max3A_392 = arith.maximumf %select_n3A_378, %max3A_391 : vector<16xf32>
      %div3A_393 = arith.divf %select_n3A_377, %max3A_392 : vector<16xf32>
      %select_n3A_394 = arith.select %gt3A_389, %div3A_393, %select_n3A_324 : vector<16xi1>, vector<16xf32>
      %gt3A_395 = arith.constant 0.000000e+00 : f32
      %gt3A_396 = vector.broadcast %gt3A_395 : f32 to vector<16xf32>
      %gt3A_397 = arith.cmpf ogt, %sub3A_386, %gt3A_396 : vector<16xf32>
      %max3A_398 = arith.constant 1.000000e+00 : f32
      %max3A_399 = vector.broadcast %max3A_398 : f32 to vector<16xf32>
      %max3A_400 = arith.maximumf %sub3A_386, %max3A_399 : vector<16xf32>
      %div3A_401 = arith.divf %sub3A_382, %max3A_400 : vector<16xf32>
      %select_n3A_402 = arith.select %gt3A_397, %div3A_401, %select_n3A_332 : vector<16xi1>, vector<16xf32>
      %gt3A_403 = arith.constant 0.000000e+00 : f32
      %gt3A_404 = vector.broadcast %gt3A_403 : f32 to vector<16xf32>
      %gt3A_405 = arith.cmpf ogt, %select_n3A_380, %gt3A_404 : vector<16xf32>
      %max3A_406 = arith.constant 1.000000e+00 : f32
      %max3A_407 = vector.broadcast %max3A_406 : f32 to vector<16xf32>
      %max3A_408 = arith.maximumf %select_n3A_380, %max3A_407 : vector<16xf32>
      %div3A_409 = arith.divf %select_n3A_379, %max3A_408 : vector<16xf32>
      %select_n3A_410 = arith.select %gt3A_405, %div3A_409, %select_n3A_340 : vector<16xi1>, vector<16xf32>
      scf.yield %select_n3A_394, %select_n3A_402, %select_n3A_410 : vector<16xf32>, vector<16xf32>, vector<16xf32>
    }
    %scan3A_173 = arith.constant 5 : i32
    %add3A_174 = arith.addf %scan3A_172#0, %scan3A_172#1 : vector<16xf32>
    %mul3A_175 = arith.constant 5.000000e-01 : f32
    %mul3A_176 = vector.broadcast %mul3A_175 : f32 to vector<16xf32>
    %mul3A_177 = arith.mulf %mul3A_176, %add3A_174 : vector<16xf32>
    %add3A_178 = arith.addf %scan3A_172#1, %scan3A_172#2 : vector<16xf32>
    %mul3A_179 = arith.constant 5.000000e-01 : f32
    %mul3A_180 = vector.broadcast %mul3A_179 : f32 to vector<16xf32>
    %mul3A_181 = arith.mulf %mul3A_180, %add3A_178 : vector<16xf32>
    %gt3A = arith.cmpf ogt, %scan3A_172#1, %scan3A_172#0 : vector<16xf32>
    %jit3A_182 = arith.constant 1 : i32
    %jit3A_183 = arith.constant 0 : i32
    %broadcast_in_dim3A_184 = vector.broadcast %jit3A_182 : i32 to vector<16xi32>
    %broadcast_in_dim3A_185 = vector.broadcast %jit3A_183 : i32 to vector<16xi32>
    %select_n3A_186 = arith.select %gt3A, %broadcast_in_dim3A_184, %broadcast_in_dim3A_185 : vector<16xi1>, vector<16xi32>
    %gt3A_187 = arith.cmpf ogt, %scan3A_172#2, %scan3A_172#0 : vector<16xf32>
    %jit3A_188 = arith.constant 1 : i32
    %jit3A_189 = arith.constant 0 : i32
    %broadcast_in_dim3A_190 = vector.broadcast %jit3A_188 : i32 to vector<16xi32>
    %broadcast_in_dim3A_191 = vector.broadcast %jit3A_189 : i32 to vector<16xi32>
    %select_n3A_192 = arith.select %gt3A_187, %broadcast_in_dim3A_190, %broadcast_in_dim3A_191 : vector<16xi1>, vector<16xi32>
    %add3A_193 = arith.addi %select_n3A_186, %select_n3A_192 : vector<16xi32>
    %gt3A_194 = arith.cmpf ogt, %scan3A_172#0, %scan3A_172#1 : vector<16xf32>
    %jit3A_195 = arith.constant 1 : i32
    %jit3A_196 = arith.constant 0 : i32
    %broadcast_in_dim3A_197 = vector.broadcast %jit3A_195 : i32 to vector<16xi32>
    %broadcast_in_dim3A_198 = vector.broadcast %jit3A_196 : i32 to vector<16xi32>
    %select_n3A_199 = arith.select %gt3A_194, %broadcast_in_dim3A_197, %broadcast_in_dim3A_198 : vector<16xi1>, vector<16xi32>
    %gt3A_200 = arith.cmpf ogt, %scan3A_172#2, %scan3A_172#1 : vector<16xf32>
    %jit3A_201 = arith.constant 1 : i32
    %jit3A_202 = arith.constant 0 : i32
    %broadcast_in_dim3A_203 = vector.broadcast %jit3A_201 : i32 to vector<16xi32>
    %broadcast_in_dim3A_204 = vector.broadcast %jit3A_202 : i32 to vector<16xi32>
    %select_n3A_205 = arith.select %gt3A_200, %broadcast_in_dim3A_203, %broadcast_in_dim3A_204 : vector<16xi1>, vector<16xi32>
    %add3A_206 = arith.addi %select_n3A_199, %select_n3A_205 : vector<16xi32>
    %eq3A_207 = arith.cmpf oeq, %scan3A_172#0, %scan3A_172#1 : vector<16xf32>
    %jit3A_208 = arith.constant 1 : i32
    %jit3A_209 = arith.constant 0 : i32
    %broadcast_in_dim3A_210 = vector.broadcast %jit3A_208 : i32 to vector<16xi32>
    %broadcast_in_dim3A_211 = vector.broadcast %jit3A_209 : i32 to vector<16xi32>
    %select_n3A_212 = arith.select %eq3A_207, %broadcast_in_dim3A_210, %broadcast_in_dim3A_211 : vector<16xi1>, vector<16xi32>
    %add3A_213 = arith.addi %add3A_206, %select_n3A_212 : vector<16xi32>
    %gt3A_214 = arith.cmpf ogt, %scan3A_172#0, %scan3A_172#2 : vector<16xf32>
    %jit3A_215 = arith.constant 1 : i32
    %jit3A_216 = arith.constant 0 : i32
    %broadcast_in_dim3A_217 = vector.broadcast %jit3A_215 : i32 to vector<16xi32>
    %broadcast_in_dim3A_218 = vector.broadcast %jit3A_216 : i32 to vector<16xi32>
    %select_n3A_219 = arith.select %gt3A_214, %broadcast_in_dim3A_217, %broadcast_in_dim3A_218 : vector<16xi1>, vector<16xi32>
    %gt3A_220 = arith.cmpf ogt, %scan3A_172#1, %scan3A_172#2 : vector<16xf32>
    %jit3A_221 = arith.constant 1 : i32
    %jit3A_222 = arith.constant 0 : i32
    %broadcast_in_dim3A_223 = vector.broadcast %jit3A_221 : i32 to vector<16xi32>
    %broadcast_in_dim3A_224 = vector.broadcast %jit3A_222 : i32 to vector<16xi32>
    %select_n3A_225 = arith.select %gt3A_220, %broadcast_in_dim3A_223, %broadcast_in_dim3A_224 : vector<16xi1>, vector<16xi32>
    %add3A_226 = arith.addi %select_n3A_219, %select_n3A_225 : vector<16xi32>
    %eq3A_227 = arith.cmpf oeq, %scan3A_172#0, %scan3A_172#2 : vector<16xf32>
    %jit3A_228 = arith.constant 1 : i32
    %jit3A_229 = arith.constant 0 : i32
    %broadcast_in_dim3A_230 = vector.broadcast %jit3A_228 : i32 to vector<16xi32>
    %broadcast_in_dim3A_231 = vector.broadcast %jit3A_229 : i32 to vector<16xi32>
    %select_n3A_232 = arith.select %eq3A_227, %broadcast_in_dim3A_230, %broadcast_in_dim3A_231 : vector<16xi1>, vector<16xi32>
    %add3A_233 = arith.addi %add3A_226, %select_n3A_232 : vector<16xi32>
    %eq3A_234 = arith.cmpf oeq, %scan3A_172#1, %scan3A_172#2 : vector<16xf32>
    %jit3A_235 = arith.constant 1 : i32
    %jit3A_236 = arith.constant 0 : i32
    %broadcast_in_dim3A_237 = vector.broadcast %jit3A_235 : i32 to vector<16xi32>
    %broadcast_in_dim3A_238 = vector.broadcast %jit3A_236 : i32 to vector<16xi32>
    %select_n3A_239 = arith.select %eq3A_234, %broadcast_in_dim3A_237, %broadcast_in_dim3A_238 : vector<16xi1>, vector<16xi32>
    %add3A_240 = arith.addi %add3A_233, %select_n3A_239 : vector<16xi32>
    %mul3A_241 = arith.constant 64 : i32
    %mul3A_242 = arith.muli %select_n3A_46, %mul3A_241 : i32
    %scan3A_243 = arith.constant 0 : i32
    %scan3A_244 = arith.constant 0 : i32
    %scan3A_245 = arith.constant 64 : i32
    %scan3A_246 = arith.addi %scan3A_244, %scan3A_245 : i32
    %scan3A_247 = arith.constant 8 : i32
    scf.for %scan3A_267 = %scan3A_244 to %scan3A_246 step %scan3A_247  : i32 {
      %add3A_268 = arith.addi %mul3A_242, %scan3A_267 : i32
      %mul3A_269 = arith.constant 16 : i32
      %mul3A_270 = arith.muli %add3A_268, %mul3A_269 : i32
      %get3A_271 = arith.index_cast %mul3A_270 : i32 to index
      %get3A_272 = tpu.vector_load %arg5[%get3A_271] {strides = array<i32>} : memref<2048xf32, #tpu.memory_space<vmem>>, vector<16xf32>,
      %gt3A_273 = arith.cmpf ogt, %get3A_272, %mul3A_177 : vector<16xf32>
      %jit3A_274 = arith.constant 1 : i32
      %jit3A_275 = arith.constant 0 : i32
      %broadcast_in_dim3A_276 = vector.broadcast %jit3A_274 : i32 to vector<16xi32>
      %broadcast_in_dim3A_277 = vector.broadcast %jit3A_275 : i32 to vector<16xi32>
      %select_n3A_278 = arith.select %gt3A_273, %broadcast_in_dim3A_276, %broadcast_in_dim3A_277 : vector<16xi1>, vector<16xi32>
      %gt3A_279 = arith.cmpf ogt, %get3A_272, %mul3A_181 : vector<16xf32>
      %jit3A_280 = arith.constant 1 : i32
      %jit3A_281 = arith.constant 0 : i32
      %broadcast_in_dim3A_282 = vector.broadcast %jit3A_280 : i32 to vector<16xi32>
      %broadcast_in_dim3A_283 = vector.broadcast %jit3A_281 : i32 to vector<16xi32>
      %select_n3A_284 = arith.select %gt3A_279, %broadcast_in_dim3A_282, %broadcast_in_dim3A_283 : vector<16xi1>, vector<16xi32>
      %add3A_285 = arith.addi %select_n3A_278, %select_n3A_284 : vector<16xi32>
      %eq3A_286 = arith.constant 0 : i32
      %eq3A_287 = vector.broadcast %eq3A_286 : i32 to vector<16xi32>
      %eq3A_288 = arith.cmpi eq, %add3A_285, %eq3A_287 : vector<16xi32>
      %eq3A_289 = arith.constant 1 : i32
      %eq3A_290 = vector.broadcast %eq3A_289 : i32 to vector<16xi32>
      %eq3A_291 = arith.cmpi eq, %add3A_285, %eq3A_290 : vector<16xi32>
      %select_n3A_292 = arith.select %eq3A_291, %add3A_213, %add3A_240 : vector<16xi1>, vector<16xi32>
      %select_n3A_293 = arith.select %eq3A_288, %add3A_193, %select_n3A_292 : vector<16xi1>, vector<16xi32>
      %mul3A_294 = arith.constant 16 : i32
      %mul3A_295 = arith.muli %scan3A_267, %mul3A_294 : i32
      %swap3A_296 = arith.index_cast %mul3A_295 : i32 to index
      %swap3A_297 = tpu.vector_load %arg6[%swap3A_296] {strides = array<i32>} : memref<1024xi32, #tpu.memory_space<vmem>>, vector<16xi32>,
      tpu.vector_store %arg6[%swap3A_296], %select_n3A_293 {strides = array<i32>} : memref<1024xi32, #tpu.memory_space<vmem>>, vector<16xi32>,
      %scan3A_298 = arith.constant 1 : i32
      %scan3A_299 = arith.addi %scan3A_267, %scan3A_298 : i32
      %add3A_300 = arith.addi %mul3A_242, %scan3A_299 : i32
      %mul3A_301 = arith.constant 16 : i32
      %mul3A_302 = arith.muli %add3A_300, %mul3A_301 : i32
      %get3A_303 = arith.index_cast %mul3A_302 : i32 to index
      %get3A_304 = tpu.vector_load %arg5[%get3A_303] {strides = array<i32>} : memref<2048xf32, #tpu.memory_space<vmem>>, vector<16xf32>,
      %gt3A_305 = arith.cmpf ogt, %get3A_304, %mul3A_177 : vector<16xf32>
      %jit3A_306 = arith.constant 1 : i32
      %jit3A_307 = arith.constant 0 : i32
      %broadcast_in_dim3A_308 = vector.broadcast %jit3A_306 : i32 to vector<16xi32>
      %broadcast_in_dim3A_309 = vector.broadcast %jit3A_307 : i32 to vector<16xi32>
      %select_n3A_310 = arith.select %gt3A_305, %broadcast_in_dim3A_308, %broadcast_in_dim3A_309 : vector<16xi1>, vector<16xi32>
      %gt3A_311 = arith.cmpf ogt, %get3A_304, %mul3A_181 : vector<16xf32>
      %jit3A_312 = arith.constant 1 : i32
      %jit3A_313 = arith.constant 0 : i32
      %broadcast_in_dim3A_314 = vector.broadcast %jit3A_312 : i32 to vector<16xi32>
      %broadcast_in_dim3A_315 = vector.broadcast %jit3A_313 : i32 to vector<16xi32>
      %select_n3A_316 = arith.select %gt3A_311, %broadcast_in_dim3A_314, %broadcast_in_dim3A_315 : vector<16xi1>, vector<16xi32>
      %add3A_317 = arith.addi %select_n3A_310, %select_n3A_316 : vector<16xi32>
      %eq3A_318 = arith.constant 0 : i32
      %eq3A_319 = vector.broadcast %eq3A_318 : i32 to vector<16xi32>
      %eq3A_320 = arith.cmpi eq, %add3A_317, %eq3A_319 : vector<16xi32>
      %eq3A_321 = arith.constant 1 : i32
      %eq3A_322 = vector.broadcast %eq3A_321 : i32 to vector<16xi32>
      %eq3A_323 = arith.cmpi eq, %add3A_317, %eq3A_322 : vector<16xi32>
      %select_n3A_324 = arith.select %eq3A_323, %add3A_213, %add3A_240 : vector<16xi1>, vector<16xi32>
      %select_n3A_325 = arith.select %eq3A_320, %add3A_193, %select_n3A_324 : vector<16xi1>, vector<16xi32>
      %mul3A_326 = arith.constant 16 : i32
      %mul3A_327 = arith.muli %scan3A_299, %mul3A_326 : i32
      %swap3A_328 = arith.index_cast %mul3A_327 : i32 to index
      %swap3A_329 = tpu.vector_load %arg6[%swap3A_328] {strides = array<i32>} : memref<1024xi32, #tpu.memory_space<vmem>>, vector<16xi32>,
      tpu.vector_store %arg6[%swap3A_328], %select_n3A_325 {strides = array<i32>} : memref<1024xi32, #tpu.memory_space<vmem>>, vector<16xi32>,
      %scan3A_330 = arith.constant 2 : i32
      %scan3A_331 = arith.addi %scan3A_267, %scan3A_330 : i32
      %add3A_332 = arith.addi %mul3A_242, %scan3A_331 : i32
      %mul3A_333 = arith.constant 16 : i32
      %mul3A_334 = arith.muli %add3A_332, %mul3A_333 : i32
      %get3A_335 = arith.index_cast %mul3A_334 : i32 to index
      %get3A_336 = tpu.vector_load %arg5[%get3A_335] {strides = array<i32>} : memref<2048xf32, #tpu.memory_space<vmem>>, vector<16xf32>,
      %gt3A_337 = arith.cmpf ogt, %get3A_336, %mul3A_177 : vector<16xf32>
      %jit3A_338 = arith.constant 1 : i32
      %jit3A_339 = arith.constant 0 : i32
      %broadcast_in_dim3A_340 = vector.broadcast %jit3A_338 : i32 to vector<16xi32>
      %broadcast_in_dim3A_341 = vector.broadcast %jit3A_339 : i32 to vector<16xi32>
      %select_n3A_342 = arith.select %gt3A_337, %broadcast_in_dim3A_340, %broadcast_in_dim3A_341 : vector<16xi1>, vector<16xi32>
      %gt3A_343 = arith.cmpf ogt, %get3A_336, %mul3A_181 : vector<16xf32>
      %jit3A_344 = arith.constant 1 : i32
      %jit3A_345 = arith.constant 0 : i32
      %broadcast_in_dim3A_346 = vector.broadcast %jit3A_344 : i32 to vector<16xi32>
      %broadcast_in_dim3A_347 = vector.broadcast %jit3A_345 : i32 to vector<16xi32>
      %select_n3A_348 = arith.select %gt3A_343, %broadcast_in_dim3A_346, %broadcast_in_dim3A_347 : vector<16xi1>, vector<16xi32>
      %add3A_349 = arith.addi %select_n3A_342, %select_n3A_348 : vector<16xi32>
      %eq3A_350 = arith.constant 0 : i32
      %eq3A_351 = vector.broadcast %eq3A_350 : i32 to vector<16xi32>
      %eq3A_352 = arith.cmpi eq, %add3A_349, %eq3A_351 : vector<16xi32>
      %eq3A_353 = arith.constant 1 : i32
      %eq3A_354 = vector.broadcast %eq3A_353 : i32 to vector<16xi32>
      %eq3A_355 = arith.cmpi eq, %add3A_349, %eq3A_354 : vector<16xi32>
      %select_n3A_356 = arith.select %eq3A_355, %add3A_213, %add3A_240 : vector<16xi1>, vector<16xi32>
      %select_n3A_357 = arith.select %eq3A_352, %add3A_193, %select_n3A_356 : vector<16xi1>, vector<16xi32>
      %mul3A_358 = arith.constant 16 : i32
      %mul3A_359 = arith.muli %scan3A_331, %mul3A_358 : i32
      %swap3A_360 = arith.index_cast %mul3A_359 : i32 to index
      %swap3A_361 = tpu.vector_load %arg6[%swap3A_360] {strides = array<i32>} : memref<1024xi32, #tpu.memory_space<vmem>>, vector<16xi32>,
      tpu.vector_store %arg6[%swap3A_360], %select_n3A_357 {strides = array<i32>} : memref<1024xi32, #tpu.memory_space<vmem>>, vector<16xi32>,
      %scan3A_362 = arith.constant 3 : i32
      %scan3A_363 = arith.addi %scan3A_267, %scan3A_362 : i32
      %add3A_364 = arith.addi %mul3A_242, %scan3A_363 : i32
      %mul3A_365 = arith.constant 16 : i32
      %mul3A_366 = arith.muli %add3A_364, %mul3A_365 : i32
      %get3A_367 = arith.index_cast %mul3A_366 : i32 to index
      %get3A_368 = tpu.vector_load %arg5[%get3A_367] {strides = array<i32>} : memref<2048xf32, #tpu.memory_space<vmem>>, vector<16xf32>,
      %gt3A_369 = arith.cmpf ogt, %get3A_368, %mul3A_177 : vector<16xf32>
      %jit3A_370 = arith.constant 1 : i32
      %jit3A_371 = arith.constant 0 : i32
      %broadcast_in_dim3A_372 = vector.broadcast %jit3A_370 : i32 to vector<16xi32>
      %broadcast_in_dim3A_373 = vector.broadcast %jit3A_371 : i32 to vector<16xi32>
      %select_n3A_374 = arith.select %gt3A_369, %broadcast_in_dim3A_372, %broadcast_in_dim3A_373 : vector<16xi1>, vector<16xi32>
      %gt3A_375 = arith.cmpf ogt, %get3A_368, %mul3A_181 : vector<16xf32>
      %jit3A_376 = arith.constant 1 : i32
      %jit3A_377 = arith.constant 0 : i32
      %broadcast_in_dim3A_378 = vector.broadcast %jit3A_376 : i32 to vector<16xi32>
      %broadcast_in_dim3A_379 = vector.broadcast %jit3A_377 : i32 to vector<16xi32>
      %select_n3A_380 = arith.select %gt3A_375, %broadcast_in_dim3A_378, %broadcast_in_dim3A_379 : vector<16xi1>, vector<16xi32>
      %add3A_381 = arith.addi %select_n3A_374, %select_n3A_380 : vector<16xi32>
      %eq3A_382 = arith.constant 0 : i32
      %eq3A_383 = vector.broadcast %eq3A_382 : i32 to vector<16xi32>
      %eq3A_384 = arith.cmpi eq, %add3A_381, %eq3A_383 : vector<16xi32>
      %eq3A_385 = arith.constant 1 : i32
      %eq3A_386 = vector.broadcast %eq3A_385 : i32 to vector<16xi32>
      %eq3A_387 = arith.cmpi eq, %add3A_381, %eq3A_386 : vector<16xi32>
      %select_n3A_388 = arith.select %eq3A_387, %add3A_213, %add3A_240 : vector<16xi1>, vector<16xi32>
      %select_n3A_389 = arith.select %eq3A_384, %add3A_193, %select_n3A_388 : vector<16xi1>, vector<16xi32>
      %mul3A_390 = arith.constant 16 : i32
      %mul3A_391 = arith.muli %scan3A_363, %mul3A_390 : i32
      %swap3A_392 = arith.index_cast %mul3A_391 : i32 to index
      %swap3A_393 = tpu.vector_load %arg6[%swap3A_392] {strides = array<i32>} : memref<1024xi32, #tpu.memory_space<vmem>>, vector<16xi32>,
      tpu.vector_store %arg6[%swap3A_392], %select_n3A_389 {strides = array<i32>} : memref<1024xi32, #tpu.memory_space<vmem>>, vector<16xi32>,
      %scan3A_394 = arith.constant 4 : i32
      %scan3A_395 = arith.addi %scan3A_267, %scan3A_394 : i32
      %add3A_396 = arith.addi %mul3A_242, %scan3A_395 : i32
      %mul3A_397 = arith.constant 16 : i32
      %mul3A_398 = arith.muli %add3A_396, %mul3A_397 : i32
      %get3A_399 = arith.index_cast %mul3A_398 : i32 to index
      %get3A_400 = tpu.vector_load %arg5[%get3A_399] {strides = array<i32>} : memref<2048xf32, #tpu.memory_space<vmem>>, vector<16xf32>,
      %gt3A_401 = arith.cmpf ogt, %get3A_400, %mul3A_177 : vector<16xf32>
      %jit3A_402 = arith.constant 1 : i32
      %jit3A_403 = arith.constant 0 : i32
      %broadcast_in_dim3A_404 = vector.broadcast %jit3A_402 : i32 to vector<16xi32>
      %broadcast_in_dim3A_405 = vector.broadcast %jit3A_403 : i32 to vector<16xi32>
      %select_n3A_406 = arith.select %gt3A_401, %broadcast_in_dim3A_404, %broadcast_in_dim3A_405 : vector<16xi1>, vector<16xi32>
      %gt3A_407 = arith.cmpf ogt, %get3A_400, %mul3A_181 : vector<16xf32>
      %jit3A_408 = arith.constant 1 : i32
      %jit3A_409 = arith.constant 0 : i32
      %broadcast_in_dim3A_410 = vector.broadcast %jit3A_408 : i32 to vector<16xi32>
      %broadcast_in_dim3A_411 = vector.broadcast %jit3A_409 : i32 to vector<16xi32>
      %select_n3A_412 = arith.select %gt3A_407, %broadcast_in_dim3A_410, %broadcast_in_dim3A_411 : vector<16xi1>, vector<16xi32>
      %add3A_413 = arith.addi %select_n3A_406, %select_n3A_412 : vector<16xi32>
      %eq3A_414 = arith.constant 0 : i32
      %eq3A_415 = vector.broadcast %eq3A_414 : i32 to vector<16xi32>
      %eq3A_416 = arith.cmpi eq, %add3A_413, %eq3A_415 : vector<16xi32>
      %eq3A_417 = arith.constant 1 : i32
      %eq3A_418 = vector.broadcast %eq3A_417 : i32 to vector<16xi32>
      %eq3A_419 = arith.cmpi eq, %add3A_413, %eq3A_418 : vector<16xi32>
      %select_n3A_420 = arith.select %eq3A_419, %add3A_213, %add3A_240 : vector<16xi1>, vector<16xi32>
      %select_n3A_421 = arith.select %eq3A_416, %add3A_193, %select_n3A_420 : vector<16xi1>, vector<16xi32>
      %mul3A_422 = arith.constant 16 : i32
      %mul3A_423 = arith.muli %scan3A_395, %mul3A_422 : i32
      %swap3A_424 = arith.index_cast %mul3A_423 : i32 to index
      %swap3A_425 = tpu.vector_load %arg6[%swap3A_424] {strides = array<i32>} : memref<1024xi32, #tpu.memory_space<vmem>>, vector<16xi32>,
      tpu.vector_store %arg6[%swap3A_424], %select_n3A_421 {strides = array<i32>} : memref<1024xi32, #tpu.memory_space<vmem>>, vector<16xi32>,
      %scan3A_426 = arith.constant 5 : i32
      %scan3A_427 = arith.addi %scan3A_267, %scan3A_426 : i32
      %add3A_428 = arith.addi %mul3A_242, %scan3A_427 : i32
      %mul3A_429 = arith.constant 16 : i32
      %mul3A_430 = arith.muli %add3A_428, %mul3A_429 : i32
      %get3A_431 = arith.index_cast %mul3A_430 : i32 to index
      %get3A_432 = tpu.vector_load %arg5[%get3A_431] {strides = array<i32>} : memref<2048xf32, #tpu.memory_space<vmem>>, vector<16xf32>,
      %gt3A_433 = arith.cmpf ogt, %get3A_432, %mul3A_177 : vector<16xf32>
      %jit3A_434 = arith.constant 1 : i32
      %jit3A_435 = arith.constant 0 : i32
      %broadcast_in_dim3A_436 = vector.broadcast %jit3A_434 : i32 to vector<16xi32>
      %broadcast_in_dim3A_437 = vector.broadcast %jit3A_435 : i32 to vector<16xi32>
      %select_n3A_438 = arith.select %gt3A_433, %broadcast_in_dim3A_436, %broadcast_in_dim3A_437 : vector<16xi1>, vector<16xi32>
      %gt3A_439 = arith.cmpf ogt, %get3A_432, %mul3A_181 : vector<16xf32>
      %jit3A_440 = arith.constant 1 : i32
      %jit3A_441 = arith.constant 0 : i32
      %broadcast_in_dim3A_442 = vector.broadcast %jit3A_440 : i32 to vector<16xi32>
      %broadcast_in_dim3A_443 = vector.broadcast %jit3A_441 : i32 to vector<16xi32>
      %select_n3A_444 = arith.select %gt3A_439, %broadcast_in_dim3A_442, %broadcast_in_dim3A_443 : vector<16xi1>, vector<16xi32>
      %add3A_445 = arith.addi %select_n3A_438, %select_n3A_444 : vector<16xi32>
      %eq3A_446 = arith.constant 0 : i32
      %eq3A_447 = vector.broadcast %eq3A_446 : i32 to vector<16xi32>
      %eq3A_448 = arith.cmpi eq, %add3A_445, %eq3A_447 : vector<16xi32>
      %eq3A_449 = arith.constant 1 : i32
      %eq3A_450 = vector.broadcast %eq3A_449 : i32 to vector<16xi32>
      %eq3A_451 = arith.cmpi eq, %add3A_445, %eq3A_450 : vector<16xi32>
      %select_n3A_452 = arith.select %eq3A_451, %add3A_213, %add3A_240 : vector<16xi1>, vector<16xi32>
      %select_n3A_453 = arith.select %eq3A_448, %add3A_193, %select_n3A_452 : vector<16xi1>, vector<16xi32>
      %mul3A_454 = arith.constant 16 : i32
      %mul3A_455 = arith.muli %scan3A_427, %mul3A_454 : i32
      %swap3A_456 = arith.index_cast %mul3A_455 : i32 to index
      %swap3A_457 = tpu.vector_load %arg6[%swap3A_456] {strides = array<i32>} : memref<1024xi32, #tpu.memory_space<vmem>>, vector<16xi32>,
      tpu.vector_store %arg6[%swap3A_456], %select_n3A_453 {strides = array<i32>} : memref<1024xi32, #tpu.memory_space<vmem>>, vector<16xi32>,
      %scan3A_458 = arith.constant 6 : i32
      %scan3A_459 = arith.addi %scan3A_267, %scan3A_458 : i32
      %add3A_460 = arith.addi %mul3A_242, %scan3A_459 : i32
      %mul3A_461 = arith.constant 16 : i32
      %mul3A_462 = arith.muli %add3A_460, %mul3A_461 : i32
      %get3A_463 = arith.index_cast %mul3A_462 : i32 to index
      %get3A_464 = tpu.vector_load %arg5[%get3A_463] {strides = array<i32>} : memref<2048xf32, #tpu.memory_space<vmem>>, vector<16xf32>,
      %gt3A_465 = arith.cmpf ogt, %get3A_464, %mul3A_177 : vector<16xf32>
      %jit3A_466 = arith.constant 1 : i32
      %jit3A_467 = arith.constant 0 : i32
      %broadcast_in_dim3A_468 = vector.broadcast %jit3A_466 : i32 to vector<16xi32>
      %broadcast_in_dim3A_469 = vector.broadcast %jit3A_467 : i32 to vector<16xi32>
      %select_n3A_470 = arith.select %gt3A_465, %broadcast_in_dim3A_468, %broadcast_in_dim3A_469 : vector<16xi1>, vector<16xi32>
      %gt3A_471 = arith.cmpf ogt, %get3A_464, %mul3A_181 : vector<16xf32>
      %jit3A_472 = arith.constant 1 : i32
      %jit3A_473 = arith.constant 0 : i32
      %broadcast_in_dim3A_474 = vector.broadcast %jit3A_472 : i32 to vector<16xi32>
      %broadcast_in_dim3A_475 = vector.broadcast %jit3A_473 : i32 to vector<16xi32>
      %select_n3A_476 = arith.select %gt3A_471, %broadcast_in_dim3A_474, %broadcast_in_dim3A_475 : vector<16xi1>, vector<16xi32>
      %add3A_477 = arith.addi %select_n3A_470, %select_n3A_476 : vector<16xi32>
      %eq3A_478 = arith.constant 0 : i32
      %eq3A_479 = vector.broadcast %eq3A_478 : i32 to vector<16xi32>
      %eq3A_480 = arith.cmpi eq, %add3A_477, %eq3A_479 : vector<16xi32>
      %eq3A_481 = arith.constant 1 : i32
      %eq3A_482 = vector.broadcast %eq3A_481 : i32 to vector<16xi32>
      %eq3A_483 = arith.cmpi eq, %add3A_477, %eq3A_482 : vector<16xi32>
      %select_n3A_484 = arith.select %eq3A_483, %add3A_213, %add3A_240 : vector<16xi1>, vector<16xi32>
      %select_n3A_485 = arith.select %eq3A_480, %add3A_193, %select_n3A_484 : vector<16xi1>, vector<16xi32>
      %mul3A_486 = arith.constant 16 : i32
      %mul3A_487 = arith.muli %scan3A_459, %mul3A_486 : i32
      %swap3A_488 = arith.index_cast %mul3A_487 : i32 to index
      %swap3A_489 = tpu.vector_load %arg6[%swap3A_488] {strides = array<i32>} : memref<1024xi32, #tpu.memory_space<vmem>>, vector<16xi32>,
      tpu.vector_store %arg6[%swap3A_488], %select_n3A_485 {strides = array<i32>} : memref<1024xi32, #tpu.memory_space<vmem>>, vector<16xi32>,
      %scan3A_490 = arith.constant 7 : i32
      %scan3A_491 = arith.addi %scan3A_267, %scan3A_490 : i32
      %add3A_492 = arith.addi %mul3A_242, %scan3A_491 : i32
      %mul3A_493 = arith.constant 16 : i32
      %mul3A_494 = arith.muli %add3A_492, %mul3A_493 : i32
      %get3A_495 = arith.index_cast %mul3A_494 : i32 to index
      %get3A_496 = tpu.vector_load %arg5[%get3A_495] {strides = array<i32>} : memref<2048xf32, #tpu.memory_space<vmem>>, vector<16xf32>,
      %gt3A_497 = arith.cmpf ogt, %get3A_496, %mul3A_177 : vector<16xf32>
      %jit3A_498 = arith.constant 1 : i32
      %jit3A_499 = arith.constant 0 : i32
      %broadcast_in_dim3A_500 = vector.broadcast %jit3A_498 : i32 to vector<16xi32>
      %broadcast_in_dim3A_501 = vector.broadcast %jit3A_499 : i32 to vector<16xi32>
      %select_n3A_502 = arith.select %gt3A_497, %broadcast_in_dim3A_500, %broadcast_in_dim3A_501 : vector<16xi1>, vector<16xi32>
      %gt3A_503 = arith.cmpf ogt, %get3A_496, %mul3A_181 : vector<16xf32>
      %jit3A_504 = arith.constant 1 : i32
      %jit3A_505 = arith.constant 0 : i32
      %broadcast_in_dim3A_506 = vector.broadcast %jit3A_504 : i32 to vector<16xi32>
      %broadcast_in_dim3A_507 = vector.broadcast %jit3A_505 : i32 to vector<16xi32>
      %select_n3A_508 = arith.select %gt3A_503, %broadcast_in_dim3A_506, %broadcast_in_dim3A_507 : vector<16xi1>, vector<16xi32>
      %add3A_509 = arith.addi %select_n3A_502, %select_n3A_508 : vector<16xi32>
      %eq3A_510 = arith.constant 0 : i32
      %eq3A_511 = vector.broadcast %eq3A_510 : i32 to vector<16xi32>
      %eq3A_512 = arith.cmpi eq, %add3A_509, %eq3A_511 : vector<16xi32>
      %eq3A_513 = arith.constant 1 : i32
      %eq3A_514 = vector.broadcast %eq3A_513 : i32 to vector<16xi32>
      %eq3A_515 = arith.cmpi eq, %add3A_509, %eq3A_514 : vector<16xi32>
      %select_n3A_516 = arith.select %eq3A_515, %add3A_213, %add3A_240 : vector<16xi1>, vector<16xi32>
      %select_n3A_517 = arith.select %eq3A_512, %add3A_193, %select_n3A_516 : vector<16xi1>, vector<16xi32>
      %mul3A_518 = arith.constant 16 : i32
      %mul3A_519 = arith.muli %scan3A_491, %mul3A_518 : i32
      %swap3A_520 = arith.index_cast %mul3A_519 : i32 to index
      %swap3A_521 = tpu.vector_load %arg6[%swap3A_520] {strides = array<i32>} : memref<1024xi32, #tpu.memory_space<vmem>>, vector<16xi32>,
      tpu.vector_store %arg6[%swap3A_520], %select_n3A_517 {strides = array<i32>} : memref<1024xi32, #tpu.memory_space<vmem>>, vector<16xi32>,
    }
    %scan3A_248 = arith.constant 64 : i32
    %mul3A_249 = arith.constant 2048 : i32
    %mul3A_250 = arith.muli %add3A_30, %mul3A_249 : i32
    %mul3A_251 = arith.constant 1024 : i32
    %mul3A_252 = arith.muli %select_n3A_46, %mul3A_251 : i32
    %add3A_253 = arith.addi %mul3A_250, %mul3A_252 : i32
    %convert_element_type3A_254 = arith.extui %lt3A_49 : i1 to i32
    %cond3A = arith.constant 0 : i32
    %cond3A_255 = arith.cmpi ne, %convert_element_type3A_254, %cond3A : i32
    scf.if %cond3A_255 {
      "tpu.region"() ({
        %run_scoped3A = tpu.sem_alloc : memref<!tpu.dma_semaphore, #tpu.memory_space<semaphore_mem>>
        %dma_start3A = tpu.memref_slice %arg3[%add3A_253] : memref<16384xi32, #tpu.memory_space<hbm>> -> memref<1024xi32, #tpu.memory_space<hbm>>
        %dma_start3A_267 = tpu.memref_slice %arg3[%add3A_253] : memref<16384xi32, #tpu.memory_space<hbm>> -> memref<1024xi32, #tpu.memory_space<hbm>>
        tpu.enqueue_dma source(%arg6 : memref<1024xi32, #tpu.memory_space<vmem>>) target(%dma_start3A_267 : memref<1024xi32, #tpu.memory_space<hbm>>) target_semaphore(%run_scoped3A : memref<!tpu.dma_semaphore, #tpu.memory_space<semaphore_mem>>)
        %dma_wait3A = tpu.memref_slice %arg3[%add3A_253] : memref<16384xi32, #tpu.memory_space<hbm>> -> memref<1024xi32, #tpu.memory_space<hbm>>
        %dma_wait3A_268 = tpu.memref_slice %arg3[%add3A_253] : memref<16384xi32, #tpu.memory_space<hbm>> -> memref<1024xi32, #tpu.memory_space<hbm>>
        tpu.wait_dma2 semaphore(%run_scoped3A : memref<!tpu.dma_semaphore, #tpu.memory_space<semaphore_mem>>) src(%arg6 : memref<1024xi32, #tpu.memory_space<vmem>>) dst(%dma_wait3A_268 : memref<1024xi32, #tpu.memory_space<hbm>>)
        tpu.yield
      }) : () -> ()
    } else {
    }
    %mul3A_256 = arith.constant 2 : i32
    %mul3A_257 = arith.muli %arg1, %mul3A_256 : i32
    %add3A_258 = arith.addi %mul3A_257, %arg0 : i32
    %scan3A_259 = arith.constant 0 : i32
    %scan3A_260 = arith.constant 0 : i32
    %scan3A_261 = arith.constant 8 : i32
    %scan3A_262 = arith.addi %scan3A_260, %scan3A_261 : i32
    %scan3A_263 = arith.constant 1 : i32
    scf.for %scan3A_267 = %scan3A_260 to %scan3A_262 step %scan3A_263  : i32 {
      %broadcast_in_dim3A_268 = arith.constant 0.000000e+00 : f32
      %broadcast_in_dim3A_269 = vector.broadcast %broadcast_in_dim3A_268 : f32 to vector<16xf32>
      %mul3A_270 = arith.constant 16 : i32
      %mul3A_271 = arith.muli %scan3A_267, %mul3A_270 : i32
      %swap3A_272 = arith.index_cast %mul3A_271 : i32 to index
      %swap3A_273 = tpu.vector_load %arg9[%swap3A_272] {strides = array<i32>} : memref<128xf32, #tpu.memory_space<vmem>>, vector<16xf32>,
      tpu.vector_store %arg9[%swap3A_272], %broadcast_in_dim3A_269 {strides = array<i32>} : memref<128xf32, #tpu.memory_space<vmem>>, vector<16xf32>,
    }
    %scan3A_264 = arith.constant 8 : i32
    %mul3A_265 = arith.constant 128 : i32
    %mul3A_266 = arith.muli %add3A_258, %mul3A_265 : i32
    "tpu.region"() ({
      %run_scoped3A = tpu.sem_alloc : memref<!tpu.dma_semaphore, #tpu.memory_space<semaphore_mem>>
      %dma_start3A = tpu.memref_slice %arg4[%mul3A_266] : memref<4096xf32, #tpu.memory_space<hbm>> -> memref<128xf32, #tpu.memory_space<hbm>>
      %dma_start3A_267 = tpu.memref_slice %arg4[%mul3A_266] : memref<4096xf32, #tpu.memory_space<hbm>> -> memref<128xf32, #tpu.memory_space<hbm>>
      tpu.enqueue_dma source(%arg9 : memref<128xf32, #tpu.memory_space<vmem>>) target(%dma_start3A_267 : memref<128xf32, #tpu.memory_space<hbm>>) target_semaphore(%run_scoped3A : memref<!tpu.dma_semaphore, #tpu.memory_space<semaphore_mem>>)
      %dma_wait3A = tpu.memref_slice %arg4[%mul3A_266] : memref<4096xf32, #tpu.memory_space<hbm>> -> memref<128xf32, #tpu.memory_space<hbm>>
      %dma_wait3A_268 = tpu.memref_slice %arg4[%mul3A_266] : memref<4096xf32, #tpu.memory_space<hbm>> -> memref<128xf32, #tpu.memory_space<hbm>>
      tpu.wait_dma2 semaphore(%run_scoped3A : memref<!tpu.dma_semaphore, #tpu.memory_space<semaphore_mem>>) src(%arg9 : memref<128xf32, #tpu.memory_space<vmem>>) dst(%dma_wait3A_268 : memref<128xf32, #tpu.memory_space<hbm>>)
      tpu.yield
    }) : () -> ()
    return
  }
}

#map = affine_map<(d0, d1) -> (0)>
module attributes {stable_mosaic.version = 14 : i64} {
  func.func @_sc_cluster_body(%arg0: i32, %arg1: i32, %arg2: memref<16384xf32, #tpu.memory_space<hbm>>, %arg3: memref<16384xi32, #tpu.memory_space<hbm>>, %arg4: memref<4096xf32, #tpu.memory_space<hbm>>, %arg5: memref<2048xf32, #tpu.memory_space<vmem>>, %arg6: memref<1024xi32, #tpu.memory_space<vmem>>, %arg7: memref<64xf32, #tpu.memory_space<vmem>>, %arg8: memref<16x64xf32, #tpu.memory_space<vmem_shared>>, %arg9: memref<128xf32, #tpu.memory_space<vmem>>) attributes {dimension_semantics = [#tpu.dimension_semantics<core_parallel>, #tpu.dimension_semantics<subcore_parallel>], iteration_bounds = array<i64: 2, 16>, scalar_prefetch = 0 : i64, scratch_operands = 5 : i64, tpu.core_type = #tpu.core_type<sc_vector_subcore>, window_params = [{transform_indices = #map}, {transform_indices = #map}, {transform_indices = #map}]} {
    %mul3A = arith.constant 4 : i32
    %mul3A_0 = arith.muli %arg0, %mul3A : i32
    %jit3A = arith.constant 8 : i32
    %eq3A = arith.constant 0 : i32
    %eq3A_1 = arith.cmpi eq, %jit3A, %eq3A : i32
    %jit3A_2 = arith.constant 1 : i32
    %select_n3A = arith.select %eq3A_1, %jit3A_2, %jit3A : i32
    %rem3A = arith.remsi %arg1, %select_n3A : i32
    %ne3A = arith.constant 0 : i32
    %ne3A_3 = arith.cmpi ne, %rem3A, %ne3A : i32
    %lt3A = arith.constant 0 : i32
    %lt3A_4 = arith.cmpi slt, %rem3A, %lt3A : i32
    %lt3A_5 = arith.constant 0 : i32
    %lt3A_6 = arith.cmpi slt, %select_n3A, %lt3A_5 : i32
    %ne3A_7 = arith.xori %lt3A_4, %lt3A_6 : i1
    %and3A = arith.andi %ne3A_7, %ne3A_3 : i1
    %add3A = arith.addi %rem3A, %select_n3A : i32
    %select_n3A_8 = arith.select %and3A, %add3A, %rem3A : i32
    %jit3A_9 = arith.constant 2 : i32
    %div3A = arith.divsi %select_n3A_8, %jit3A_9 : i32
    %sign3A = arith.constant 0 : i32
    %sign3A_10 = arith.cmpi sgt, %select_n3A_8, %sign3A : i32
    %sign3A_11 = arith.extui %sign3A_10 : i1 to i32
    %sign3A_12 = arith.constant 0 : i32
    %sign3A_13 = arith.cmpi slt, %select_n3A_8, %sign3A_12 : i32
    %sign3A_14 = arith.extui %sign3A_13 : i1 to i32
    %sign3A_15 = arith.subi %sign3A_11, %sign3A_14 : i32
    %sign3A_16 = arith.constant 0 : i32
    %sign3A_17 = arith.cmpi sgt, %jit3A_9, %sign3A_16 : i32
    %sign3A_18 = arith.extui %sign3A_17 : i1 to i32
    %sign3A_19 = arith.constant 0 : i32
    %sign3A_20 = arith.cmpi slt, %jit3A_9, %sign3A_19 : i32
    %sign3A_21 = arith.extui %sign3A_20 : i1 to i32
    %sign3A_22 = arith.subi %sign3A_18, %sign3A_21 : i32
    %ne3A_23 = arith.cmpi ne, %sign3A_15, %sign3A_22 : i32
    %rem3A_24 = arith.remsi %select_n3A_8, %jit3A_9 : i32
    %ne3A_25 = arith.constant 0 : i32
    %ne3A_26 = arith.cmpi ne, %rem3A_24, %ne3A_25 : i32
    %and3A_27 = arith.andi %ne3A_23, %ne3A_26 : i1
    %sub3A = arith.constant 1 : i32
    %sub3A_28 = arith.subi %div3A, %sub3A : i32
    %select_n3A_29 = arith.select %and3A_27, %sub3A_28, %div3A : i32
    %add3A_30 = arith.addi %mul3A_0, %select_n3A_29 : i32
    %jit3A_31 = arith.constant 2 : i32
    %eq3A_32 = arith.constant 0 : i32
    %eq3A_33 = arith.cmpi eq, %jit3A_31, %eq3A_32 : i32
    %jit3A_34 = arith.constant 1 : i32
    %select_n3A_35 = arith.select %eq3A_33, %jit3A_34, %jit3A_31 : i32
    %rem3A_36 = arith.remsi %arg1, %select_n3A_35 : i32
    %ne3A_37 = arith.constant 0 : i32
    %ne3A_38 = arith.cmpi ne, %rem3A_36, %ne3A_37 : i32
    %lt3A_39 = arith.constant 0 : i32
    %lt3A_40 = arith.cmpi slt, %rem3A_36, %lt3A_39 : i32
    %lt3A_41 = arith.constant 0 : i32
    %lt3A_42 = arith.cmpi slt, %select_n3A_35, %lt3A_41 : i32
    %ne3A_43 = arith.xori %lt3A_40, %lt3A_42 : i1
    %and3A_44 = arith.andi %ne3A_43, %ne3A_38 : i1
    %add3A_45 = arith.addi %rem3A_36, %select_n3A_35 : i32
    %select_n3A_46 = arith.select %and3A_44, %add3A_45, %rem3A_36 : i32
    %xor3A = arith.constant 1 : i32
    %xor3A_47 = arith.xori %arg1, %xor3A : i32
    %lt3A_48 = arith.constant 8 : i32
    %lt3A_49 = arith.cmpi slt, %arg1, %lt3A_48 : i32
    %mul3A_50 = arith.constant 2048 : i32
    %mul3A_51 = arith.muli %add3A_30, %mul3A_50 : i32
    "tpu.region"() ({
      %run_scoped3A = tpu.sem_alloc : memref<!tpu.dma_semaphore, #tpu.memory_space<semaphore_mem>>
      %dma_start3A = tpu.memref_slice %arg2[%mul3A_51] : memref<16384xf32, #tpu.memory_space<hbm>> -> memref<2048xf32, #tpu.memory_space<hbm>>
      %dma_start3A_267 = tpu.memref_slice %arg2[%mul3A_51] : memref<16384xf32, #tpu.memory_space<hbm>> -> memref<2048xf32, #tpu.memory_space<hbm>>
      tpu.enqueue_dma source(%dma_start3A_267 : memref<2048xf32, #tpu.memory_space<hbm>>) target(%arg5 : memref<2048xf32, #tpu.memory_space<vmem>>) target_semaphore(%run_scoped3A : memref<!tpu.dma_semaphore, #tpu.memory_space<semaphore_mem>>)
      %dma_wait3A = tpu.memref_slice %arg2[%mul3A_51] : memref<16384xf32, #tpu.memory_space<hbm>> -> memref<2048xf32, #tpu.memory_space<hbm>>
      %dma_wait3A_268 = tpu.memref_slice %arg2[%mul3A_51] : memref<16384xf32, #tpu.memory_space<hbm>> -> memref<2048xf32, #tpu.memory_space<hbm>>
      tpu.wait_dma2 semaphore(%run_scoped3A : memref<!tpu.dma_semaphore, #tpu.memory_space<semaphore_mem>>) src(%dma_wait3A_268 : memref<2048xf32, #tpu.memory_space<hbm>>) dst(%arg5 : memref<2048xf32, #tpu.memory_space<vmem>>)
      tpu.yield
    }) : () -> ()
    %broadcast_in_dim3A = arith.constant 0.000000e+00 : f32
    %broadcast_in_dim3A_52 = vector.broadcast %broadcast_in_dim3A : f32 to vector<16xf32>
    %broadcast_in_dim3A_53 = vector.broadcast %select_n3A_46 : i32 to vector<16xi32>
    %eq3A_54 = arith.constant 1 : i32
    %eq3A_55 = vector.broadcast %eq3A_54 : i32 to vector<16xi32>
    %eq3A_56 = arith.cmpi eq, %broadcast_in_dim3A_53, %eq3A_55 : vector<16xi32>
    %get3A = arith.constant 0 : index
    %get3A_57 = tpu.vector_load %arg5[%get3A] {strides = array<i32>} : memref<2048xf32, #tpu.memory_space<vmem>>, vector<16xf32>,
    %get3A_58 = arith.constant 16 : index
    %get3A_59 = tpu.vector_load %arg5[%get3A_58] {strides = array<i32>} : memref<2048xf32, #tpu.memory_space<vmem>>, vector<16xf32>,
    %min3A = arith.minimumf %get3A_57, %get3A_59 : vector<16xf32>
    %max3A = arith.maximumf %get3A_57, %get3A_59 : vector<16xf32>
    %scan3A = arith.constant 1 : i32
    %scan3A_60 = arith.constant 60 : i32
    %scan3A_61 = arith.addi %scan3A, %scan3A_60 : i32
    %scan3A_62 = arith.constant 4 : i32
    %scan3A_63:4 = scf.for %scan3A_267 = %scan3A to %scan3A_61 step %scan3A_62 iter_args(%scan3A_268 = %min3A, %scan3A_269 = %max3A, %scan3A_270 = %get3A_57, %scan3A_271 = %get3A_59) -> (vector<16xf32>, vector<16xf32>, vector<16xf32>, vector<16xf32>)  : i32 {
      %mul3A_272 = arith.constant 2 : i32
      %mul3A_273 = arith.muli %mul3A_272, %scan3A_267 : i32
      %mul3A_274 = arith.constant 16 : i32
      %mul3A_275 = arith.muli %mul3A_273, %mul3A_274 : i32
      %get3A_276 = arith.index_cast %mul3A_275 : i32 to index
      %get3A_277 = tpu.vector_load %arg5[%get3A_276] {strides = array<i32>} : memref<2048xf32, #tpu.memory_space<vmem>>, vector<16xf32>,
      %mul3A_278 = arith.constant 2 : i32
      %mul3A_279 = arith.muli %mul3A_278, %scan3A_267 : i32
      %add3A_280 = arith.constant 1 : i32
      %add3A_281 = arith.addi %mul3A_279, %add3A_280 : i32
      %mul3A_282 = arith.constant 16 : i32
      %mul3A_283 = arith.muli %add3A_281, %mul3A_282 : i32
      %get3A_284 = arith.index_cast %mul3A_283 : i32 to index
      %get3A_285 = tpu.vector_load %arg5[%get3A_284] {strides = array<i32>} : memref<2048xf32, #tpu.memory_space<vmem>>, vector<16xf32>,
      %min3A_286 = arith.minimumf %scan3A_268, %get3A_277 : vector<16xf32>
      %min3A_287 = arith.minimumf %min3A_286, %get3A_285 : vector<16xf32>
      %max3A_288 = arith.maximumf %scan3A_269, %get3A_277 : vector<16xf32>
      %max3A_289 = arith.maximumf %max3A_288, %get3A_285 : vector<16xf32>
      %add3A_290 = arith.addf %scan3A_270, %get3A_277 : vector<16xf32>
      %add3A_291 = arith.addf %scan3A_271, %get3A_285 : vector<16xf32>
      %scan3A_292 = arith.constant 1 : i32
      %scan3A_293 = arith.addi %scan3A_267, %scan3A_292 : i32
      %mul3A_294 = arith.constant 2 : i32
      %mul3A_295 = arith.muli %mul3A_294, %scan3A_293 : i32
      %mul3A_296 = arith.constant 16 : i32
      %mul3A_297 = arith.muli %mul3A_295, %mul3A_296 : i32
      %get3A_298 = arith.index_cast %mul3A_297 : i32 to index
      %get3A_299 = tpu.vector_load %arg5[%get3A_298] {strides = array<i32>} : memref<2048xf32, #tpu.memory_space<vmem>>, vector<16xf32>,
      %mul3A_300 = arith.constant 2 : i32
      %mul3A_301 = arith.muli %mul3A_300, %scan3A_293 : i32
      %add3A_302 = arith.constant 1 : i32
      %add3A_303 = arith.addi %mul3A_301, %add3A_302 : i32
      %mul3A_304 = arith.constant 16 : i32
      %mul3A_305 = arith.muli %add3A_303, %mul3A_304 : i32
      %get3A_306 = arith.index_cast %mul3A_305 : i32 to index
      %get3A_307 = tpu.vector_load %arg5[%get3A_306] {strides = array<i32>} : memref<2048xf32, #tpu.memory_space<vmem>>, vector<16xf32>,
      %min3A_308 = arith.minimumf %min3A_287, %get3A_299 : vector<16xf32>
      %min3A_309 = arith.minimumf %min3A_308, %get3A_307 : vector<16xf32>
      %max3A_310 = arith.maximumf %max3A_289, %get3A_299 : vector<16xf32>
      %max3A_311 = arith.maximumf %max3A_310, %get3A_307 : vector<16xf32>
      %add3A_312 = arith.addf %add3A_290, %get3A_299 : vector<16xf32>
      %add3A_313 = arith.addf %add3A_291, %get3A_307 : vector<16xf32>
      %scan3A_314 = arith.constant 2 : i32
      %scan3A_315 = arith.addi %scan3A_267, %scan3A_314 : i32
      %mul3A_316 = arith.constant 2 : i32
      %mul3A_317 = arith.muli %mul3A_316, %scan3A_315 : i32
      %mul3A_318 = arith.constant 16 : i32
      %mul3A_319 = arith.muli %mul3A_317, %mul3A_318 : i32
      %get3A_320 = arith.index_cast %mul3A_319 : i32 to index
      %get3A_321 = tpu.vector_load %arg5[%get3A_320] {strides = array<i32>} : memref<2048xf32, #tpu.memory_space<vmem>>, vector<16xf32>,
      %mul3A_322 = arith.constant 2 : i32
      %mul3A_323 = arith.muli %mul3A_322, %scan3A_315 : i32
      %add3A_324 = arith.constant 1 : i32
      %add3A_325 = arith.addi %mul3A_323, %add3A_324 : i32
      %mul3A_326 = arith.constant 16 : i32
      %mul3A_327 = arith.muli %add3A_325, %mul3A_326 : i32
      %get3A_328 = arith.index_cast %mul3A_327 : i32 to index
      %get3A_329 = tpu.vector_load %arg5[%get3A_328] {strides = array<i32>} : memref<2048xf32, #tpu.memory_space<vmem>>, vector<16xf32>,
      %min3A_330 = arith.minimumf %min3A_309, %get3A_321 : vector<16xf32>
      %min3A_331 = arith.minimumf %min3A_330, %get3A_329 : vector<16xf32>
      %max3A_332 = arith.maximumf %max3A_311, %get3A_321 : vector<16xf32>
      %max3A_333 = arith.maximumf %max3A_332, %get3A_329 : vector<16xf32>
      %add3A_334 = arith.addf %add3A_312, %get3A_321 : vector<16xf32>
      %add3A_335 = arith.addf %add3A_313, %get3A_329 : vector<16xf32>
      %scan3A_336 = arith.constant 3 : i32
      %scan3A_337 = arith.addi %scan3A_267, %scan3A_336 : i32
      %mul3A_338 = arith.constant 2 : i32
      %mul3A_339 = arith.muli %mul3A_338, %scan3A_337 : i32
      %mul3A_340 = arith.constant 16 : i32
      %mul3A_341 = arith.muli %mul3A_339, %mul3A_340 : i32
      %get3A_342 = arith.index_cast %mul3A_341 : i32 to index
      %get3A_343 = tpu.vector_load %arg5[%get3A_342] {strides = array<i32>} : memref<2048xf32, #tpu.memory_space<vmem>>, vector<16xf32>,
      %mul3A_344 = arith.constant 2 : i32
      %mul3A_345 = arith.muli %mul3A_344, %scan3A_337 : i32
      %add3A_346 = arith.constant 1 : i32
      %add3A_347 = arith.addi %mul3A_345, %add3A_346 : i32
      %mul3A_348 = arith.constant 16 : i32
      %mul3A_349 = arith.muli %add3A_347, %mul3A_348 : i32
      %get3A_350 = arith.index_cast %mul3A_349 : i32 to index
      %get3A_351 = tpu.vector_load %arg5[%get3A_350] {strides = array<i32>} : memref<2048xf32, #tpu.memory_space<vmem>>, vector<16xf32>,
      %min3A_352 = arith.minimumf %min3A_331, %get3A_343 : vector<16xf32>
      %min3A_353 = arith.minimumf %min3A_352, %get3A_351 : vector<16xf32>
      %max3A_354 = arith.maximumf %max3A_333, %get3A_343 : vector<16xf32>
      %max3A_355 = arith.maximumf %max3A_354, %get3A_351 : vector<16xf32>
      %add3A_356 = arith.addf %add3A_334, %get3A_343 : vector<16xf32>
      %add3A_357 = arith.addf %add3A_335, %get3A_351 : vector<16xf32>
      scf.yield %min3A_353, %max3A_355, %add3A_356, %add3A_357 : vector<16xf32>, vector<16xf32>, vector<16xf32>, vector<16xf32>
    }
    %scan3A_64 = arith.constant 60 : i32
    %scan3A_65 = arith.addi %scan3A, %scan3A_64 : i32
    %mul3A_66 = arith.constant 2 : i32
    %mul3A_67 = arith.muli %mul3A_66, %scan3A_65 : i32
    %mul3A_68 = arith.constant 16 : i32
    %mul3A_69 = arith.muli %mul3A_67, %mul3A_68 : i32
    %get3A_70 = arith.index_cast %mul3A_69 : i32 to index
    %get3A_71 = tpu.vector_load %arg5[%get3A_70] {strides = array<i32>} : memref<2048xf32, #tpu.memory_space<vmem>>, vector<16xf32>,
    %mul3A_72 = arith.constant 2 : i32
    %mul3A_73 = arith.muli %mul3A_72, %scan3A_65 : i32
    %add3A_74 = arith.constant 1 : i32
    %add3A_75 = arith.addi %mul3A_73, %add3A_74 : i32
    %mul3A_76 = arith.constant 16 : i32
    %mul3A_77 = arith.muli %add3A_75, %mul3A_76 : i32
    %get3A_78 = arith.index_cast %mul3A_77 : i32 to index
    %get3A_79 = tpu.vector_load %arg5[%get3A_78] {strides = array<i32>} : memref<2048xf32, #tpu.memory_space<vmem>>, vector<16xf32>,
    %min3A_80 = arith.minimumf %scan3A_63#0, %get3A_71 : vector<16xf32>
    %min3A_81 = arith.minimumf %min3A_80, %get3A_79 : vector<16xf32>
    %max3A_82 = arith.maximumf %scan3A_63#1, %get3A_71 : vector<16xf32>
    %max3A_83 = arith.maximumf %max3A_82, %get3A_79 : vector<16xf32>
    %add3A_84 = arith.addf %scan3A_63#2, %get3A_71 : vector<16xf32>
    %add3A_85 = arith.addf %scan3A_63#3, %get3A_79 : vector<16xf32>
    %scan3A_86 = arith.constant 61 : i32
    %scan3A_87 = arith.addi %scan3A, %scan3A_86 : i32
    %mul3A_88 = arith.constant 2 : i32
    %mul3A_89 = arith.muli %mul3A_88, %scan3A_87 : i32
    %mul3A_90 = arith.constant 16 : i32
    %mul3A_91 = arith.muli %mul3A_89, %mul3A_90 : i32
    %get3A_92 = arith.index_cast %mul3A_91 : i32 to index
    %get3A_93 = tpu.vector_load %arg5[%get3A_92] {strides = array<i32>} : memref<2048xf32, #tpu.memory_space<vmem>>, vector<16xf32>,
    %mul3A_94 = arith.constant 2 : i32
    %mul3A_95 = arith.muli %mul3A_94, %scan3A_87 : i32
    %add3A_96 = arith.constant 1 : i32
    %add3A_97 = arith.addi %mul3A_95, %add3A_96 : i32
    %mul3A_98 = arith.constant 16 : i32
    %mul3A_99 = arith.muli %add3A_97, %mul3A_98 : i32
    %get3A_100 = arith.index_cast %mul3A_99 : i32 to index
    %get3A_101 = tpu.vector_load %arg5[%get3A_100] {strides = array<i32>} : memref<2048xf32, #tpu.memory_space<vmem>>, vector<16xf32>,
    %min3A_102 = arith.minimumf %min3A_81, %get3A_93 : vector<16xf32>
    %min3A_103 = arith.minimumf %min3A_102, %get3A_101 : vector<16xf32>
    %max3A_104 = arith.maximumf %max3A_83, %get3A_93 : vector<16xf32>
    %max3A_105 = arith.maximumf %max3A_104, %get3A_101 : vector<16xf32>
    %add3A_106 = arith.addf %add3A_84, %get3A_93 : vector<16xf32>
    %add3A_107 = arith.addf %add3A_85, %get3A_101 : vector<16xf32>
    %scan3A_108 = arith.constant 62 : i32
    %scan3A_109 = arith.addi %scan3A, %scan3A_108 : i32
    %mul3A_110 = arith.constant 2 : i32
    %mul3A_111 = arith.muli %mul3A_110, %scan3A_109 : i32
    %mul3A_112 = arith.constant 16 : i32
    %mul3A_113 = arith.muli %mul3A_111, %mul3A_112 : i32
    %get3A_114 = arith.index_cast %mul3A_113 : i32 to index
    %get3A_115 = tpu.vector_load %arg5[%get3A_114] {strides = array<i32>} : memref<2048xf32, #tpu.memory_space<vmem>>, vector<16xf32>,
    %mul3A_116 = arith.constant 2 : i32
    %mul3A_117 = arith.muli %mul3A_116, %scan3A_109 : i32
    %add3A_118 = arith.constant 1 : i32
    %add3A_119 = arith.addi %mul3A_117, %add3A_118 : i32
    %mul3A_120 = arith.constant 16 : i32
    %mul3A_121 = arith.muli %add3A_119, %mul3A_120 : i32
    %get3A_122 = arith.index_cast %mul3A_121 : i32 to index
    %get3A_123 = tpu.vector_load %arg5[%get3A_122] {strides = array<i32>} : memref<2048xf32, #tpu.memory_space<vmem>>, vector<16xf32>,
    %min3A_124 = arith.minimumf %min3A_103, %get3A_115 : vector<16xf32>
    %min3A_125 = arith.minimumf %min3A_124, %get3A_123 : vector<16xf32>
    %max3A_126 = arith.maximumf %max3A_105, %get3A_115 : vector<16xf32>
    %max3A_127 = arith.maximumf %max3A_126, %get3A_123 : vector<16xf32>
    %add3A_128 = arith.addf %add3A_106, %get3A_115 : vector<16xf32>
    %add3A_129 = arith.addf %add3A_107, %get3A_123 : vector<16xf32>
    %scan3A_130 = arith.constant 63 : i32
    %reduce_min3A = arith.constant true
    %reduce_min3A_131 = vector.broadcast %reduce_min3A : i1 to vector<16xi1>
    %reduce_min3A_132 = tpu.scan <min>, %min3A_125 masked %reduce_min3A_131 : vector<16xf32>, vector<16xi1> -> vector<16xf32>
    %reduce_min3A_133 = vector.extract %reduce_min3A_132[15] : f32 from vector<16xf32>
    %broadcast_in_dim3A_134 = vector.broadcast %reduce_min3A_133 : f32 to vector<16xf32>
    %reduce_max3A = arith.constant true
    %reduce_max3A_135 = vector.broadcast %reduce_max3A : i1 to vector<16xi1>
    %reduce_max3A_136 = tpu.scan <max>, %max3A_127 masked %reduce_max3A_135 : vector<16xf32>, vector<16xi1> -> vector<16xf32>
    %reduce_max3A_137 = vector.extract %reduce_max3A_136[15] : f32 from vector<16xf32>
    %broadcast_in_dim3A_138 = vector.broadcast %reduce_max3A_137 : f32 to vector<16xf32>
    %add3A_139 = arith.addf %add3A_128, %add3A_129 : vector<16xf32>
    %reduce_sum3A = arith.constant true
    %reduce_sum3A_140 = vector.broadcast %reduce_sum3A : i1 to vector<16xi1>
    %reduce_sum3A_141 = tpu.scan <sum>, %add3A_139 masked %reduce_sum3A_140 : vector<16xf32>, vector<16xi1> -> vector<16xf32>
    %reduce_sum3A_142 = vector.extract %reduce_sum3A_141[15] : f32 from vector<16xf32>
    %broadcast_in_dim3A_143 = vector.broadcast %reduce_sum3A_142 : f32 to vector<16xf32>
    %convert_element_type3A = arith.sitofp %select_n3A_46 : i32 to f32
    %broadcast_in_dim3A_144 = vector.broadcast %convert_element_type3A : f32 to vector<16xf32>
    %add3A_145 = arith.constant 1.024000e+03 : f32
    %add3A_146 = vector.broadcast %add3A_145 : f32 to vector<16xf32>
    %add3A_147 = arith.addf %broadcast_in_dim3A_144, %add3A_146 : vector<16xf32>
    %sub3A_148 = arith.constant 1.000000e+00 : f32
    %sub3A_149 = vector.broadcast %sub3A_148 : f32 to vector<16xf32>
    %sub3A_150 = arith.subf %broadcast_in_dim3A_134, %sub3A_149 : vector<16xf32>
    %scan3A_151 = arith.constant 0 : i32
    %scan3A_152 = arith.constant 27 : i32
    %scan3A_153 = arith.addi %scan3A_151, %scan3A_152 : i32
    %scan3A_154 = arith.constant 1 : i32
    %scan3A_155:2 = scf.for %scan3A_267 = %scan3A_151 to %scan3A_153 step %scan3A_154 iter_args(%scan3A_268 = %sub3A_150, %scan3A_269 = %broadcast_in_dim3A_138) -> (vector<16xf32>, vector<16xf32>)  : i32 {
      %add3A_270 = arith.addf %scan3A_268, %scan3A_269 : vector<16xf32>
      %mul3A_271 = arith.constant 5.000000e-01 : f32
      %mul3A_272 = vector.broadcast %mul3A_271 : f32 to vector<16xf32>
      %mul3A_273 = arith.mulf %mul3A_272, %add3A_270 : vector<16xf32>
      %scan3A_274 = arith.constant 0 : i32
      %scan3A_275 = arith.constant 64 : i32
      %scan3A_276 = arith.addi %scan3A_274, %scan3A_275 : i32
      %scan3A_277 = arith.constant 4 : i32
      %scan3A_278:2 = scf.for %scan3A_288 = %scan3A_274 to %scan3A_276 step %scan3A_277 iter_args(%scan3A_289 = %broadcast_in_dim3A_52, %scan3A_290 = %broadcast_in_dim3A_52) -> (vector<16xf32>, vector<16xf32>)  : i32 {
        %mul3A_291 = arith.constant 2 : i32
        %mul3A_292 = arith.muli %mul3A_291, %scan3A_288 : i32
        %mul3A_293 = arith.constant 16 : i32
        %mul3A_294 = arith.muli %mul3A_292, %mul3A_293 : i32
        %get3A_295 = arith.index_cast %mul3A_294 : i32 to index
        %get3A_296 = tpu.vector_load %arg5[%get3A_295] {strides = array<i32>} : memref<2048xf32, #tpu.memory_space<vmem>>, vector<16xf32>,
        %le3A = arith.cmpf ole, %get3A_296, %mul3A_273 : vector<16xf32>
        %jit3A_297 = arith.constant 1.000000e+00 : f32
        %jit3A_298 = arith.constant 0.000000e+00 : f32
        %broadcast_in_dim3A_299 = vector.broadcast %jit3A_297 : f32 to vector<16xf32>
        %broadcast_in_dim3A_300 = vector.broadcast %jit3A_298 : f32 to vector<16xf32>
        %select_n3A_301 = arith.select %le3A, %broadcast_in_dim3A_299, %broadcast_in_dim3A_300 : vector<16xi1>, vector<16xf32>
        %add3A_302 = arith.addf %scan3A_289, %select_n3A_301 : vector<16xf32>
        %mul3A_303 = arith.constant 2 : i32
        %mul3A_304 = arith.muli %mul3A_303, %scan3A_288 : i32
        %add3A_305 = arith.constant 1 : i32
        %add3A_306 = arith.addi %mul3A_304, %add3A_305 : i32
        %mul3A_307 = arith.constant 16 : i32
        %mul3A_308 = arith.muli %add3A_306, %mul3A_307 : i32
        %get3A_309 = arith.index_cast %mul3A_308 : i32 to index
        %get3A_310 = tpu.vector_load %arg5[%get3A_309] {strides = array<i32>} : memref<2048xf32, #tpu.memory_space<vmem>>, vector<16xf32>,
        %le3A_311 = arith.cmpf ole, %get3A_310, %mul3A_273 : vector<16xf32>
        %jit3A_312 = arith.constant 1.000000e+00 : f32
        %jit3A_313 = arith.constant 0.000000e+00 : f32
        %broadcast_in_dim3A_314 = vector.broadcast %jit3A_312 : f32 to vector<16xf32>
        %broadcast_in_dim3A_315 = vector.broadcast %jit3A_313 : f32 to vector<16xf32>
        %select_n3A_316 = arith.select %le3A_311, %broadcast_in_dim3A_314, %broadcast_in_dim3A_315 : vector<16xi1>, vector<16xf32>
        %add3A_317 = arith.addf %scan3A_290, %select_n3A_316 : vector<16xf32>
        %scan3A_318 = arith.constant 1 : i32
        %scan3A_319 = arith.addi %scan3A_288, %scan3A_318 : i32
        %mul3A_320 = arith.constant 2 : i32
        %mul3A_321 = arith.muli %mul3A_320, %scan3A_319 : i32
        %mul3A_322 = arith.constant 16 : i32
        %mul3A_323 = arith.muli %mul3A_321, %mul3A_322 : i32
        %get3A_324 = arith.index_cast %mul3A_323 : i32 to index
        %get3A_325 = tpu.vector_load %arg5[%get3A_324] {strides = array<i32>} : memref<2048xf32, #tpu.memory_space<vmem>>, vector<16xf32>,
        %le3A_326 = arith.cmpf ole, %get3A_325, %mul3A_273 : vector<16xf32>
        %jit3A_327 = arith.constant 1.000000e+00 : f32
        %jit3A_328 = arith.constant 0.000000e+00 : f32
        %broadcast_in_dim3A_329 = vector.broadcast %jit3A_327 : f32 to vector<16xf32>
        %broadcast_in_dim3A_330 = vector.broadcast %jit3A_328 : f32 to vector<16xf32>
        %select_n3A_331 = arith.select %le3A_326, %broadcast_in_dim3A_329, %broadcast_in_dim3A_330 : vector<16xi1>, vector<16xf32>
        %add3A_332 = arith.addf %add3A_302, %select_n3A_331 : vector<16xf32>
        %mul3A_333 = arith.constant 2 : i32
        %mul3A_334 = arith.muli %mul3A_333, %scan3A_319 : i32
        %add3A_335 = arith.constant 1 : i32
        %add3A_336 = arith.addi %mul3A_334, %add3A_335 : i32
        %mul3A_337 = arith.constant 16 : i32
        %mul3A_338 = arith.muli %add3A_336, %mul3A_337 : i32
        %get3A_339 = arith.index_cast %mul3A_338 : i32 to index
        %get3A_340 = tpu.vector_load %arg5[%get3A_339] {strides = array<i32>} : memref<2048xf32, #tpu.memory_space<vmem>>, vector<16xf32>,
        %le3A_341 = arith.cmpf ole, %get3A_340, %mul3A_273 : vector<16xf32>
        %jit3A_342 = arith.constant 1.000000e+00 : f32
        %jit3A_343 = arith.constant 0.000000e+00 : f32
        %broadcast_in_dim3A_344 = vector.broadcast %jit3A_342 : f32 to vector<16xf32>
        %broadcast_in_dim3A_345 = vector.broadcast %jit3A_343 : f32 to vector<16xf32>
        %select_n3A_346 = arith.select %le3A_341, %broadcast_in_dim3A_344, %broadcast_in_dim3A_345 : vector<16xi1>, vector<16xf32>
        %add3A_347 = arith.addf %add3A_317, %select_n3A_346 : vector<16xf32>
        %scan3A_348 = arith.constant 2 : i32
        %scan3A_349 = arith.addi %scan3A_288, %scan3A_348 : i32
        %mul3A_350 = arith.constant 2 : i32
        %mul3A_351 = arith.muli %mul3A_350, %scan3A_349 : i32
        %mul3A_352 = arith.constant 16 : i32
        %mul3A_353 = arith.muli %mul3A_351, %mul3A_352 : i32
        %get3A_354 = arith.index_cast %mul3A_353 : i32 to index
        %get3A_355 = tpu.vector_load %arg5[%get3A_354] {strides = array<i32>} : memref<2048xf32, #tpu.memory_space<vmem>>, vector<16xf32>,
        %le3A_356 = arith.cmpf ole, %get3A_355, %mul3A_273 : vector<16xf32>
        %jit3A_357 = arith.constant 1.000000e+00 : f32
        %jit3A_358 = arith.constant 0.000000e+00 : f32
        %broadcast_in_dim3A_359 = vector.broadcast %jit3A_357 : f32 to vector<16xf32>
        %broadcast_in_dim3A_360 = vector.broadcast %jit3A_358 : f32 to vector<16xf32>
        %select_n3A_361 = arith.select %le3A_356, %broadcast_in_dim3A_359, %broadcast_in_dim3A_360 : vector<16xi1>, vector<16xf32>
        %add3A_362 = arith.addf %add3A_332, %select_n3A_361 : vector<16xf32>
        %mul3A_363 = arith.constant 2 : i32
        %mul3A_364 = arith.muli %mul3A_363, %scan3A_349 : i32
        %add3A_365 = arith.constant 1 : i32
        %add3A_366 = arith.addi %mul3A_364, %add3A_365 : i32
        %mul3A_367 = arith.constant 16 : i32
        %mul3A_368 = arith.muli %add3A_366, %mul3A_367 : i32
        %get3A_369 = arith.index_cast %mul3A_368 : i32 to index
        %get3A_370 = tpu.vector_load %arg5[%get3A_369] {strides = array<i32>} : memref<2048xf32, #tpu.memory_space<vmem>>, vector<16xf32>,
        %le3A_371 = arith.cmpf ole, %get3A_370, %mul3A_273 : vector<16xf32>
        %jit3A_372 = arith.constant 1.000000e+00 : f32
        %jit3A_373 = arith.constant 0.000000e+00 : f32
        %broadcast_in_dim3A_374 = vector.broadcast %jit3A_372 : f32 to vector<16xf32>
        %broadcast_in_dim3A_375 = vector.broadcast %jit3A_373 : f32 to vector<16xf32>
        %select_n3A_376 = arith.select %le3A_371, %broadcast_in_dim3A_374, %broadcast_in_dim3A_375 : vector<16xi1>, vector<16xf32>
        %add3A_377 = arith.addf %add3A_347, %select_n3A_376 : vector<16xf32>
        %scan3A_378 = arith.constant 3 : i32
        %scan3A_379 = arith.addi %scan3A_288, %scan3A_378 : i32
        %mul3A_380 = arith.constant 2 : i32
        %mul3A_381 = arith.muli %mul3A_380, %scan3A_379 : i32
        %mul3A_382 = arith.constant 16 : i32
        %mul3A_383 = arith.muli %mul3A_381, %mul3A_382 : i32
        %get3A_384 = arith.index_cast %mul3A_383 : i32 to index
        %get3A_385 = tpu.vector_load %arg5[%get3A_384] {strides = array<i32>} : memref<2048xf32, #tpu.memory_space<vmem>>, vector<16xf32>,
        %le3A_386 = arith.cmpf ole, %get3A_385, %mul3A_273 : vector<16xf32>
        %jit3A_387 = arith.constant 1.000000e+00 : f32
        %jit3A_388 = arith.constant 0.000000e+00 : f32
        %broadcast_in_dim3A_389 = vector.broadcast %jit3A_387 : f32 to vector<16xf32>
        %broadcast_in_dim3A_390 = vector.broadcast %jit3A_388 : f32 to vector<16xf32>
        %select_n3A_391 = arith.select %le3A_386, %broadcast_in_dim3A_389, %broadcast_in_dim3A_390 : vector<16xi1>, vector<16xf32>
        %add3A_392 = arith.addf %add3A_362, %select_n3A_391 : vector<16xf32>
        %mul3A_393 = arith.constant 2 : i32
        %mul3A_394 = arith.muli %mul3A_393, %scan3A_379 : i32
        %add3A_395 = arith.constant 1 : i32
        %add3A_396 = arith.addi %mul3A_394, %add3A_395 : i32
        %mul3A_397 = arith.constant 16 : i32
        %mul3A_398 = arith.muli %add3A_396, %mul3A_397 : i32
        %get3A_399 = arith.index_cast %mul3A_398 : i32 to index
        %get3A_400 = tpu.vector_load %arg5[%get3A_399] {strides = array<i32>} : memref<2048xf32, #tpu.memory_space<vmem>>, vector<16xf32>,
        %le3A_401 = arith.cmpf ole, %get3A_400, %mul3A_273 : vector<16xf32>
        %jit3A_402 = arith.constant 1.000000e+00 : f32
        %jit3A_403 = arith.constant 0.000000e+00 : f32
        %broadcast_in_dim3A_404 = vector.broadcast %jit3A_402 : f32 to vector<16xf32>
        %broadcast_in_dim3A_405 = vector.broadcast %jit3A_403 : f32 to vector<16xf32>
        %select_n3A_406 = arith.select %le3A_401, %broadcast_in_dim3A_404, %broadcast_in_dim3A_405 : vector<16xi1>, vector<16xf32>
        %add3A_407 = arith.addf %add3A_377, %select_n3A_406 : vector<16xf32>
        scf.yield %add3A_392, %add3A_407 : vector<16xf32>, vector<16xf32>
      }
      %scan3A_279 = arith.constant 64 : i32
      %add3A_280 = arith.addf %scan3A_278#0, %scan3A_278#1 : vector<16xf32>
      %reduce_sum3A_281 = arith.constant true
      %reduce_sum3A_282 = vector.broadcast %reduce_sum3A_281 : i1 to vector<16xi1>
      %reduce_sum3A_283 = tpu.scan <sum>, %add3A_280 masked %reduce_sum3A_282 : vector<16xf32>, vector<16xi1> -> vector<16xf32>
      %reduce_sum3A_284 = vector.extract %reduce_sum3A_283[15] : f32 from vector<16xf32>
      %broadcast_in_dim3A_285 = vector.broadcast %reduce_sum3A_284 : f32 to vector<16xf32>
      %ge3A = arith.cmpf oge, %broadcast_in_dim3A_285, %add3A_147 : vector<16xf32>
      %select_n3A_286 = arith.select %ge3A, %scan3A_268, %mul3A_273 : vector<16xi1>, vector<16xf32>
      %select_n3A_287 = arith.select %ge3A, %mul3A_273, %scan3A_269 : vector<16xi1>, vector<16xf32>
      scf.yield %select_n3A_286, %select_n3A_287 : vector<16xf32>, vector<16xf32>
    }
    %scan3A_156 = arith.constant 27 : i32
    %swap3A = arith.constant 0 : index
    %swap3A_157 = tpu.vector_load %arg7[%swap3A] {strides = array<i32>} : memref<64xf32, #tpu.memory_space<vmem>>, vector<16xf32>,
    tpu.vector_store %arg7[%swap3A], %scan3A_155#1 {strides = array<i32>} : memref<64xf32, #tpu.memory_space<vmem>>, vector<16xf32>,
    %swap3A_158 = arith.constant 16 : index
    %swap3A_159 = tpu.vector_load %arg7[%swap3A_158] {strides = array<i32>} : memref<64xf32, #tpu.memory_space<vmem>>, vector<16xf32>,
    tpu.vector_store %arg7[%swap3A_158], %scan3A_155#1 {strides = array<i32>} : memref<64xf32, #tpu.memory_space<vmem>>, vector<16xf32>,
    "tpu.region"() ({
      %run_scoped3A = tpu.sem_alloc : memref<!tpu.dma_semaphore, #tpu.memory_space<semaphore_mem>>
      %dma_start3A = arith.constant 0 : i32
      %dma_start3A_267 = tpu.memref_slice %arg7[%dma_start3A] : memref<64xf32, #tpu.memory_space<vmem>> -> memref<32xf32, #tpu.memory_space<vmem>>
      %dma_start3A_268 = arith.constant 0 : i32
      %dma_start3A_269 = tpu.memref_slice %arg8[%arg1, %dma_start3A_268] : memref<16x64xf32, #tpu.memory_space<vmem_shared>> -> memref<1x32xf32, #tpu.memory_space<vmem_shared>>
      %dma_start3A_270 = tpu.memref_squeeze %dma_start3A_269 : memref<1x32xf32, #tpu.memory_space<vmem_shared>> -> memref<32xf32, #tpu.memory_space<vmem_shared>>
      %dma_start3A_271 = arith.constant 0 : i32
      %dma_start3A_272 = tpu.memref_slice %arg8[%arg1, %dma_start3A_271] : memref<16x64xf32, #tpu.memory_space<vmem_shared>> -> memref<1x32xf32, #tpu.memory_space<vmem_shared>>
      %dma_start3A_273 = tpu.memref_squeeze %dma_start3A_272 : memref<1x32xf32, #tpu.memory_space<vmem_shared>> -> memref<32xf32, #tpu.memory_space<vmem_shared>>
      %dma_start3A_274 = arith.constant 0 : i32
      %dma_start3A_275 = tpu.memref_slice %arg7[%dma_start3A_274] : memref<64xf32, #tpu.memory_space<vmem>> -> memref<32xf32, #tpu.memory_space<vmem>>
      tpu.enqueue_dma source(%dma_start3A_275 : memref<32xf32, #tpu.memory_space<vmem>>) target(%dma_start3A_273 : memref<32xf32, #tpu.memory_space<vmem_shared>>) target_semaphore(%run_scoped3A : memref<!tpu.dma_semaphore, #tpu.memory_space<semaphore_mem>>)
      %dma_wait3A = arith.constant 0 : i32
      %dma_wait3A_276 = tpu.memref_slice %arg7[%dma_wait3A] : memref<64xf32, #tpu.memory_space<vmem>> -> memref<32xf32, #tpu.memory_space<vmem>>
      %dma_wait3A_277 = arith.constant 0 : i32
      %dma_wait3A_278 = tpu.memref_slice %arg8[%arg1, %dma_wait3A_277] : memref<16x64xf32, #tpu.memory_space<vmem_shared>> -> memref<1x32xf32, #tpu.memory_space<vmem_shared>>
      %dma_wait3A_279 = tpu.memref_squeeze %dma_wait3A_278 : memref<1x32xf32, #tpu.memory_space<vmem_shared>> -> memref<32xf32, #tpu.memory_space<vmem_shared>>
      %dma_wait3A_280 = arith.constant 0 : i32
      %dma_wait3A_281 = tpu.memref_slice %arg8[%arg1, %dma_wait3A_280] : memref<16x64xf32, #tpu.memory_space<vmem_shared>> -> memref<1x32xf32, #tpu.memory_space<vmem_shared>>
      %dma_wait3A_282 = tpu.memref_squeeze %dma_wait3A_281 : memref<1x32xf32, #tpu.memory_space<vmem_shared>> -> memref<32xf32, #tpu.memory_space<vmem_shared>>
      %dma_wait3A_283 = arith.constant 0 : i32
      %dma_wait3A_284 = tpu.memref_slice %arg7[%dma_wait3A_283] : memref<64xf32, #tpu.memory_space<vmem>> -> memref<32xf32, #tpu.memory_space<vmem>>
      tpu.wait_dma2 semaphore(%run_scoped3A : memref<!tpu.dma_semaphore, #tpu.memory_space<semaphore_mem>>) src(%dma_wait3A_284 : memref<32xf32, #tpu.memory_space<vmem>>) dst(%dma_wait3A_282 : memref<32xf32, #tpu.memory_space<vmem_shared>>)
      tpu.yield
    }) : () -> ()
    %barrier3A = arith.constant 0 : index
    tpu.barrier barrier_id(%barrier3A)
    "tpu.region"() ({
      %run_scoped3A = tpu.sem_alloc : memref<!tpu.dma_semaphore, #tpu.memory_space<semaphore_mem>>
      %dma_start3A = arith.constant 32 : i32
      %dma_start3A_267 = tpu.memref_slice %arg7[%dma_start3A] : memref<64xf32, #tpu.memory_space<vmem>> -> memref<32xf32, #tpu.memory_space<vmem>>
      %dma_start3A_268 = arith.constant 0 : i32
      %dma_start3A_269 = tpu.memref_slice %arg8[%xor3A_47, %dma_start3A_268] : memref<16x64xf32, #tpu.memory_space<vmem_shared>> -> memref<1x32xf32, #tpu.memory_space<vmem_shared>>
      %dma_start3A_270 = tpu.memref_squeeze %dma_start3A_269 : memref<1x32xf32, #tpu.memory_space<vmem_shared>> -> memref<32xf32, #tpu.memory_space<vmem_shared>>
      %dma_start3A_271 = arith.constant 32 : i32
      %dma_start3A_272 = tpu.memref_slice %arg7[%dma_start3A_271] : memref<64xf32, #tpu.memory_space<vmem>> -> memref<32xf32, #tpu.memory_space<vmem>>
      %dma_start3A_273 = arith.constant 0 : i32
      %dma_start3A_274 = tpu.memref_slice %arg8[%xor3A_47, %dma_start3A_273] : memref<16x64xf32, #tpu.memory_space<vmem_shared>> -> memref<1x32xf32, #tpu.memory_space<vmem_shared>>
      %dma_start3A_275 = tpu.memref_squeeze %dma_start3A_274 : memref<1x32xf32, #tpu.memory_space<vmem_shared>> -> memref<32xf32, #tpu.memory_space<vmem_shared>>
      tpu.enqueue_dma source(%dma_start3A_275 : memref<32xf32, #tpu.memory_space<vmem_shared>>) target(%dma_start3A_272 : memref<32xf32, #tpu.memory_space<vmem>>) target_semaphore(%run_scoped3A : memref<!tpu.dma_semaphore, #tpu.memory_space<semaphore_mem>>)
      %dma_wait3A = arith.constant 32 : i32
      %dma_wait3A_276 = tpu.memref_slice %arg7[%dma_wait3A] : memref<64xf32, #tpu.memory_space<vmem>> -> memref<32xf32, #tpu.memory_space<vmem>>
      %dma_wait3A_277 = arith.constant 0 : i32
      %dma_wait3A_278 = tpu.memref_slice %arg8[%xor3A_47, %dma_wait3A_277] : memref<16x64xf32, #tpu.memory_space<vmem_shared>> -> memref<1x32xf32, #tpu.memory_space<vmem_shared>>
      %dma_wait3A_279 = tpu.memref_squeeze %dma_wait3A_278 : memref<1x32xf32, #tpu.memory_space<vmem_shared>> -> memref<32xf32, #tpu.memory_space<vmem_shared>>
      %dma_wait3A_280 = arith.constant 32 : i32
      %dma_wait3A_281 = tpu.memref_slice %arg7[%dma_wait3A_280] : memref<64xf32, #tpu.memory_space<vmem>> -> memref<32xf32, #tpu.memory_space<vmem>>
      %dma_wait3A_282 = arith.constant 0 : i32
      %dma_wait3A_283 = tpu.memref_slice %arg8[%xor3A_47, %dma_wait3A_282] : memref<16x64xf32, #tpu.memory_space<vmem_shared>> -> memref<1x32xf32, #tpu.memory_space<vmem_shared>>
      %dma_wait3A_284 = tpu.memref_squeeze %dma_wait3A_283 : memref<1x32xf32, #tpu.memory_space<vmem_shared>> -> memref<32xf32, #tpu.memory_space<vmem_shared>>
      tpu.wait_dma2 semaphore(%run_scoped3A : memref<!tpu.dma_semaphore, #tpu.memory_space<semaphore_mem>>) src(%dma_wait3A_284 : memref<32xf32, #tpu.memory_space<vmem_shared>>) dst(%dma_wait3A_281 : memref<32xf32, #tpu.memory_space<vmem>>)
      tpu.yield
    }) : () -> ()
    %get3A_160 = arith.constant 32 : index
    %get3A_161 = tpu.vector_load %arg7[%get3A_160] {strides = array<i32>} : memref<64xf32, #tpu.memory_space<vmem>>, vector<16xf32>,
    %get3A_162 = arith.constant 48 : index
    %get3A_163 = tpu.vector_load %arg7[%get3A_162] {strides = array<i32>} : memref<64xf32, #tpu.memory_space<vmem>>, vector<16xf32>,
    %add3A_164 = arith.addf %scan3A_155#1, %get3A_161 : vector<16xf32>
    %mul3A_165 = arith.constant 5.000000e-01 : f32
    %mul3A_166 = vector.broadcast %mul3A_165 : f32 to vector<16xf32>
    %mul3A_167 = arith.mulf %mul3A_166, %add3A_164 : vector<16xf32>
    %scan3A_168 = arith.constant 0 : i32
    %scan3A_169 = arith.constant 5 : i32
    %scan3A_170 = arith.addi %scan3A_168, %scan3A_169 : i32
    %scan3A_171 = arith.constant 1 : i32
    %scan3A_172:3 = scf.for %scan3A_267 = %scan3A_168 to %scan3A_170 step %scan3A_171 iter_args(%scan3A_268 = %broadcast_in_dim3A_134, %scan3A_269 = %mul3A_167, %scan3A_270 = %broadcast_in_dim3A_138) -> (vector<16xf32>, vector<16xf32>, vector<16xf32>)  : i32 {
      %add3A_271 = arith.addf %scan3A_268, %scan3A_269 : vector<16xf32>
      %mul3A_272 = arith.constant 5.000000e-01 : f32
      %mul3A_273 = vector.broadcast %mul3A_272 : f32 to vector<16xf32>
      %mul3A_274 = arith.mulf %mul3A_273, %add3A_271 : vector<16xf32>
      %add3A_275 = arith.addf %scan3A_269, %scan3A_270 : vector<16xf32>
      %mul3A_276 = arith.constant 5.000000e-01 : f32
      %mul3A_277 = vector.broadcast %mul3A_276 : f32 to vector<16xf32>
      %mul3A_278 = arith.mulf %mul3A_277, %add3A_275 : vector<16xf32>
      %select_n3A_279 = arith.select %eq3A_56, %mul3A_278, %mul3A_274 : vector<16xi1>, vector<16xf32>
      %scan3A_280 = arith.constant 0 : i32
      %scan3A_281 = arith.constant 64 : i32
      %scan3A_282 = arith.addi %scan3A_280, %scan3A_281 : i32
      %scan3A_283 = arith.constant 4 : i32
      %scan3A_284:4 = scf.for %scan3A_411 = %scan3A_280 to %scan3A_282 step %scan3A_283 iter_args(%scan3A_412 = %broadcast_in_dim3A_52, %scan3A_413 = %broadcast_in_dim3A_52, %scan3A_414 = %broadcast_in_dim3A_52, %scan3A_415 = %broadcast_in_dim3A_52) -> (vector<16xf32>, vector<16xf32>, vector<16xf32>, vector<16xf32>)  : i32 {
        %mul3A_416 = arith.constant 2 : i32
        %mul3A_417 = arith.muli %mul3A_416, %scan3A_411 : i32
        %mul3A_418 = arith.constant 16 : i32
        %mul3A_419 = arith.muli %mul3A_417, %mul3A_418 : i32
        %get3A_420 = arith.index_cast %mul3A_419 : i32 to index
        %get3A_421 = tpu.vector_load %arg5[%get3A_420] {strides = array<i32>} : memref<2048xf32, #tpu.memory_space<vmem>>, vector<16xf32>,
        %mul3A_422 = arith.constant 2 : i32
        %mul3A_423 = arith.muli %mul3A_422, %scan3A_411 : i32
        %add3A_424 = arith.constant 1 : i32
        %add3A_425 = arith.addi %mul3A_423, %add3A_424 : i32
        %mul3A_426 = arith.constant 16 : i32
        %mul3A_427 = arith.muli %add3A_425, %mul3A_426 : i32
        %get3A_428 = arith.index_cast %mul3A_427 : i32 to index
        %get3A_429 = tpu.vector_load %arg5[%get3A_428] {strides = array<i32>} : memref<2048xf32, #tpu.memory_space<vmem>>, vector<16xf32>,
        %le3A = arith.cmpf ole, %get3A_421, %select_n3A_279 : vector<16xf32>
        %ne3A_430 = arith.xori %le3A, %eq3A_56 : vector<16xi1>
        %le3A_431 = arith.cmpf ole, %get3A_429, %select_n3A_279 : vector<16xf32>
        %ne3A_432 = arith.xori %le3A_431, %eq3A_56 : vector<16xi1>
        %jit3A_433 = arith.constant 0.000000e+00 : f32
        %broadcast_in_dim3A_434 = vector.broadcast %jit3A_433 : f32 to vector<16xf32>
        %select_n3A_435 = arith.select %ne3A_430, %get3A_421, %broadcast_in_dim3A_434 : vector<16xi1>, vector<16xf32>
        %add3A_436 = arith.addf %scan3A_412, %select_n3A_435 : vector<16xf32>
        %jit3A_437 = arith.constant 1.000000e+00 : f32
        %jit3A_438 = arith.constant 0.000000e+00 : f32
        %broadcast_in_dim3A_439 = vector.broadcast %jit3A_437 : f32 to vector<16xf32>
        %broadcast_in_dim3A_440 = vector.broadcast %jit3A_438 : f32 to vector<16xf32>
        %select_n3A_441 = arith.select %ne3A_430, %broadcast_in_dim3A_439, %broadcast_in_dim3A_440 : vector<16xi1>, vector<16xf32>
        %add3A_442 = arith.addf %scan3A_414, %select_n3A_441 : vector<16xf32>
        %jit3A_443 = arith.constant 0.000000e+00 : f32
        %broadcast_in_dim3A_444 = vector.broadcast %jit3A_443 : f32 to vector<16xf32>
        %select_n3A_445 = arith.select %ne3A_432, %get3A_429, %broadcast_in_dim3A_444 : vector<16xi1>, vector<16xf32>
        %add3A_446 = arith.addf %scan3A_413, %select_n3A_445 : vector<16xf32>
        %jit3A_447 = arith.constant 1.000000e+00 : f32
        %jit3A_448 = arith.constant 0.000000e+00 : f32
        %broadcast_in_dim3A_449 = vector.broadcast %jit3A_447 : f32 to vector<16xf32>
        %broadcast_in_dim3A_450 = vector.broadcast %jit3A_448 : f32 to vector<16xf32>
        %select_n3A_451 = arith.select %ne3A_432, %broadcast_in_dim3A_449, %broadcast_in_dim3A_450 : vector<16xi1>, vector<16xf32>
        %add3A_452 = arith.addf %scan3A_415, %select_n3A_451 : vector<16xf32>
        %scan3A_453 = arith.constant 1 : i32
        %scan3A_454 = arith.addi %scan3A_411, %scan3A_453 : i32
        %mul3A_455 = arith.constant 2 : i32
        %mul3A_456 = arith.muli %mul3A_455, %scan3A_454 : i32
        %mul3A_457 = arith.constant 16 : i32
        %mul3A_458 = arith.muli %mul3A_456, %mul3A_457 : i32
        %get3A_459 = arith.index_cast %mul3A_458 : i32 to index
        %get3A_460 = tpu.vector_load %arg5[%get3A_459] {strides = array<i32>} : memref<2048xf32, #tpu.memory_space<vmem>>, vector<16xf32>,
        %mul3A_461 = arith.constant 2 : i32
        %mul3A_462 = arith.muli %mul3A_461, %scan3A_454 : i32
        %add3A_463 = arith.constant 1 : i32
        %add3A_464 = arith.addi %mul3A_462, %add3A_463 : i32
        %mul3A_465 = arith.constant 16 : i32
        %mul3A_466 = arith.muli %add3A_464, %mul3A_465 : i32
        %get3A_467 = arith.index_cast %mul3A_466 : i32 to index
        %get3A_468 = tpu.vector_load %arg5[%get3A_467] {strides = array<i32>} : memref<2048xf32, #tpu.memory_space<vmem>>, vector<16xf32>,
        %le3A_469 = arith.cmpf ole, %get3A_460, %select_n3A_279 : vector<16xf32>
        %ne3A_470 = arith.xori %le3A_469, %eq3A_56 : vector<16xi1>
        %le3A_471 = arith.cmpf ole, %get3A_468, %select_n3A_279 : vector<16xf32>
        %ne3A_472 = arith.xori %le3A_471, %eq3A_56 : vector<16xi1>
        %jit3A_473 = arith.constant 0.000000e+00 : f32
        %broadcast_in_dim3A_474 = vector.broadcast %jit3A_473 : f32 to vector<16xf32>
        %select_n3A_475 = arith.select %ne3A_470, %get3A_460, %broadcast_in_dim3A_474 : vector<16xi1>, vector<16xf32>
        %add3A_476 = arith.addf %add3A_436, %select_n3A_475 : vector<16xf32>
        %jit3A_477 = arith.constant 1.000000e+00 : f32
        %jit3A_478 = arith.constant 0.000000e+00 : f32
        %broadcast_in_dim3A_479 = vector.broadcast %jit3A_477 : f32 to vector<16xf32>
        %broadcast_in_dim3A_480 = vector.broadcast %jit3A_478 : f32 to vector<16xf32>
        %select_n3A_481 = arith.select %ne3A_470, %broadcast_in_dim3A_479, %broadcast_in_dim3A_480 : vector<16xi1>, vector<16xf32>
        %add3A_482 = arith.addf %add3A_442, %select_n3A_481 : vector<16xf32>
        %jit3A_483 = arith.constant 0.000000e+00 : f32
        %broadcast_in_dim3A_484 = vector.broadcast %jit3A_483 : f32 to vector<16xf32>
        %select_n3A_485 = arith.select %ne3A_472, %get3A_468, %broadcast_in_dim3A_484 : vector<16xi1>, vector<16xf32>
        %add3A_486 = arith.addf %add3A_446, %select_n3A_485 : vector<16xf32>
        %jit3A_487 = arith.constant 1.000000e+00 : f32
        %jit3A_488 = arith.constant 0.000000e+00 : f32
        %broadcast_in_dim3A_489 = vector.broadcast %jit3A_487 : f32 to vector<16xf32>
        %broadcast_in_dim3A_490 = vector.broadcast %jit3A_488 : f32 to vector<16xf32>
        %select_n3A_491 = arith.select %ne3A_472, %broadcast_in_dim3A_489, %broadcast_in_dim3A_490 : vector<16xi1>, vector<16xf32>
        %add3A_492 = arith.addf %add3A_452, %select_n3A_491 : vector<16xf32>
        %scan3A_493 = arith.constant 2 : i32
        %scan3A_494 = arith.addi %scan3A_411, %scan3A_493 : i32
        %mul3A_495 = arith.constant 2 : i32
        %mul3A_496 = arith.muli %mul3A_495, %scan3A_494 : i32
        %mul3A_497 = arith.constant 16 : i32
        %mul3A_498 = arith.muli %mul3A_496, %mul3A_497 : i32
        %get3A_499 = arith.index_cast %mul3A_498 : i32 to index
        %get3A_500 = tpu.vector_load %arg5[%get3A_499] {strides = array<i32>} : memref<2048xf32, #tpu.memory_space<vmem>>, vector<16xf32>,
        %mul3A_501 = arith.constant 2 : i32
        %mul3A_502 = arith.muli %mul3A_501, %scan3A_494 : i32
        %add3A_503 = arith.constant 1 : i32
        %add3A_504 = arith.addi %mul3A_502, %add3A_503 : i32
        %mul3A_505 = arith.constant 16 : i32
        %mul3A_506 = arith.muli %add3A_504, %mul3A_505 : i32
        %get3A_507 = arith.index_cast %mul3A_506 : i32 to index
        %get3A_508 = tpu.vector_load %arg5[%get3A_507] {strides = array<i32>} : memref<2048xf32, #tpu.memory_space<vmem>>, vector<16xf32>,
        %le3A_509 = arith.cmpf ole, %get3A_500, %select_n3A_279 : vector<16xf32>
        %ne3A_510 = arith.xori %le3A_509, %eq3A_56 : vector<16xi1>
        %le3A_511 = arith.cmpf ole, %get3A_508, %select_n3A_279 : vector<16xf32>
        %ne3A_512 = arith.xori %le3A_511, %eq3A_56 : vector<16xi1>
        %jit3A_513 = arith.constant 0.000000e+00 : f32
        %broadcast_in_dim3A_514 = vector.broadcast %jit3A_513 : f32 to vector<16xf32>
        %select_n3A_515 = arith.select %ne3A_510, %get3A_500, %broadcast_in_dim3A_514 : vector<16xi1>, vector<16xf32>
        %add3A_516 = arith.addf %add3A_476, %select_n3A_515 : vector<16xf32>
        %jit3A_517 = arith.constant 1.000000e+00 : f32
        %jit3A_518 = arith.constant 0.000000e+00 : f32
        %broadcast_in_dim3A_519 = vector.broadcast %jit3A_517 : f32 to vector<16xf32>
        %broadcast_in_dim3A_520 = vector.broadcast %jit3A_518 : f32 to vector<16xf32>
        %select_n3A_521 = arith.select %ne3A_510, %broadcast_in_dim3A_519, %broadcast_in_dim3A_520 : vector<16xi1>, vector<16xf32>
        %add3A_522 = arith.addf %add3A_482, %select_n3A_521 : vector<16xf32>
        %jit3A_523 = arith.constant 0.000000e+00 : f32
        %broadcast_in_dim3A_524 = vector.broadcast %jit3A_523 : f32 to vector<16xf32>
        %select_n3A_525 = arith.select %ne3A_512, %get3A_508, %broadcast_in_dim3A_524 : vector<16xi1>, vector<16xf32>
        %add3A_526 = arith.addf %add3A_486, %select_n3A_525 : vector<16xf32>
        %jit3A_527 = arith.constant 1.000000e+00 : f32
        %jit3A_528 = arith.constant 0.000000e+00 : f32
        %broadcast_in_dim3A_529 = vector.broadcast %jit3A_527 : f32 to vector<16xf32>
        %broadcast_in_dim3A_530 = vector.broadcast %jit3A_528 : f32 to vector<16xf32>
        %select_n3A_531 = arith.select %ne3A_512, %broadcast_in_dim3A_529, %broadcast_in_dim3A_530 : vector<16xi1>, vector<16xf32>
        %add3A_532 = arith.addf %add3A_492, %select_n3A_531 : vector<16xf32>
        %scan3A_533 = arith.constant 3 : i32
        %scan3A_534 = arith.addi %scan3A_411, %scan3A_533 : i32
        %mul3A_535 = arith.constant 2 : i32
        %mul3A_536 = arith.muli %mul3A_535, %scan3A_534 : i32
        %mul3A_537 = arith.constant 16 : i32
        %mul3A_538 = arith.muli %mul3A_536, %mul3A_537 : i32
        %get3A_539 = arith.index_cast %mul3A_538 : i32 to index
        %get3A_540 = tpu.vector_load %arg5[%get3A_539] {strides = array<i32>} : memref<2048xf32, #tpu.memory_space<vmem>>, vector<16xf32>,
        %mul3A_541 = arith.constant 2 : i32
        %mul3A_542 = arith.muli %mul3A_541, %scan3A_534 : i32
        %add3A_543 = arith.constant 1 : i32
        %add3A_544 = arith.addi %mul3A_542, %add3A_543 : i32
        %mul3A_545 = arith.constant 16 : i32
        %mul3A_546 = arith.muli %add3A_544, %mul3A_545 : i32
        %get3A_547 = arith.index_cast %mul3A_546 : i32 to index
        %get3A_548 = tpu.vector_load %arg5[%get3A_547] {strides = array<i32>} : memref<2048xf32, #tpu.memory_space<vmem>>, vector<16xf32>,
        %le3A_549 = arith.cmpf ole, %get3A_540, %select_n3A_279 : vector<16xf32>
        %ne3A_550 = arith.xori %le3A_549, %eq3A_56 : vector<16xi1>
        %le3A_551 = arith.cmpf ole, %get3A_548, %select_n3A_279 : vector<16xf32>
        %ne3A_552 = arith.xori %le3A_551, %eq3A_56 : vector<16xi1>
        %jit3A_553 = arith.constant 0.000000e+00 : f32
        %broadcast_in_dim3A_554 = vector.broadcast %jit3A_553 : f32 to vector<16xf32>
        %select_n3A_555 = arith.select %ne3A_550, %get3A_540, %broadcast_in_dim3A_554 : vector<16xi1>, vector<16xf32>
        %add3A_556 = arith.addf %add3A_516, %select_n3A_555 : vector<16xf32>
        %jit3A_557 = arith.constant 1.000000e+00 : f32
        %jit3A_558 = arith.constant 0.000000e+00 : f32
        %broadcast_in_dim3A_559 = vector.broadcast %jit3A_557 : f32 to vector<16xf32>
        %broadcast_in_dim3A_560 = vector.broadcast %jit3A_558 : f32 to vector<16xf32>
        %select_n3A_561 = arith.select %ne3A_550, %broadcast_in_dim3A_559, %broadcast_in_dim3A_560 : vector<16xi1>, vector<16xf32>
        %add3A_562 = arith.addf %add3A_522, %select_n3A_561 : vector<16xf32>
        %jit3A_563 = arith.constant 0.000000e+00 : f32
        %broadcast_in_dim3A_564 = vector.broadcast %jit3A_563 : f32 to vector<16xf32>
        %select_n3A_565 = arith.select %ne3A_552, %get3A_548, %broadcast_in_dim3A_564 : vector<16xi1>, vector<16xf32>
        %add3A_566 = arith.addf %add3A_526, %select_n3A_565 : vector<16xf32>
        %jit3A_567 = arith.constant 1.000000e+00 : f32
        %jit3A_568 = arith.constant 0.000000e+00 : f32
        %broadcast_in_dim3A_569 = vector.broadcast %jit3A_567 : f32 to vector<16xf32>
        %broadcast_in_dim3A_570 = vector.broadcast %jit3A_568 : f32 to vector<16xf32>
        %select_n3A_571 = arith.select %ne3A_552, %broadcast_in_dim3A_569, %broadcast_in_dim3A_570 : vector<16xi1>, vector<16xf32>
        %add3A_572 = arith.addf %add3A_532, %select_n3A_571 : vector<16xf32>
        scf.yield %add3A_556, %add3A_566, %add3A_562, %add3A_572 : vector<16xf32>, vector<16xf32>, vector<16xf32>, vector<16xf32>
      }
      %scan3A_285 = arith.constant 64 : i32
      %add3A_286 = arith.addf %scan3A_284#0, %scan3A_284#1 : vector<16xf32>
      %reduce_sum3A_287 = arith.constant true
      %reduce_sum3A_288 = vector.broadcast %reduce_sum3A_287 : i1 to vector<16xi1>
      %reduce_sum3A_289 = tpu.scan <sum>, %add3A_286 masked %reduce_sum3A_288 : vector<16xf32>, vector<16xi1> -> vector<16xf32>
      %reduce_sum3A_290 = vector.extract %reduce_sum3A_289[15] : f32 from vector<16xf32>
      %broadcast_in_dim3A_291 = vector.broadcast %reduce_sum3A_290 : f32 to vector<16xf32>
      %add3A_292 = arith.addf %scan3A_284#2, %scan3A_284#3 : vector<16xf32>
      %reduce_sum3A_293 = arith.constant true
      %reduce_sum3A_294 = vector.broadcast %reduce_sum3A_293 : i1 to vector<16xi1>
      %reduce_sum3A_295 = tpu.scan <sum>, %add3A_292 masked %reduce_sum3A_294 : vector<16xf32>, vector<16xi1> -> vector<16xf32>
      %reduce_sum3A_296 = vector.extract %reduce_sum3A_295[15] : f32 from vector<16xf32>
      %broadcast_in_dim3A_297 = vector.broadcast %reduce_sum3A_296 : f32 to vector<16xf32>
      %swap3A_298 = arith.constant 0 : index
      %swap3A_299 = tpu.vector_load %arg7[%swap3A_298] {strides = array<i32>} : memref<64xf32, #tpu.memory_space<vmem>>, vector<16xf32>,
      tpu.vector_store %arg7[%swap3A_298], %broadcast_in_dim3A_291 {strides = array<i32>} : memref<64xf32, #tpu.memory_space<vmem>>, vector<16xf32>,
      %swap3A_300 = arith.constant 16 : index
      %swap3A_301 = tpu.vector_load %arg7[%swap3A_300] {strides = array<i32>} : memref<64xf32, #tpu.memory_space<vmem>>, vector<16xf32>,
      tpu.vector_store %arg7[%swap3A_300], %broadcast_in_dim3A_297 {strides = array<i32>} : memref<64xf32, #tpu.memory_space<vmem>>, vector<16xf32>,
      "tpu.region"() ({
        %run_scoped3A = tpu.sem_alloc : memref<!tpu.dma_semaphore, #tpu.memory_space<semaphore_mem>>
        %dma_start3A = arith.constant 0 : i32
        %dma_start3A_411 = tpu.memref_slice %arg7[%dma_start3A] : memref<64xf32, #tpu.memory_space<vmem>> -> memref<32xf32, #tpu.memory_space<vmem>>
        %dma_start3A_412 = arith.constant 32 : i32
        %dma_start3A_413 = tpu.memref_slice %arg8[%arg1, %dma_start3A_412] : memref<16x64xf32, #tpu.memory_space<vmem_shared>> -> memref<1x32xf32, #tpu.memory_space<vmem_shared>>
        %dma_start3A_414 = tpu.memref_squeeze %dma_start3A_413 : memref<1x32xf32, #tpu.memory_space<vmem_shared>> -> memref<32xf32, #tpu.memory_space<vmem_shared>>
        %dma_start3A_415 = arith.constant 32 : i32
        %dma_start3A_416 = tpu.memref_slice %arg8[%arg1, %dma_start3A_415] : memref<16x64xf32, #tpu.memory_space<vmem_shared>> -> memref<1x32xf32, #tpu.memory_space<vmem_shared>>
        %dma_start3A_417 = tpu.memref_squeeze %dma_start3A_416 : memref<1x32xf32, #tpu.memory_space<vmem_shared>> -> memref<32xf32, #tpu.memory_space<vmem_shared>>
        %dma_start3A_418 = arith.constant 0 : i32
        %dma_start3A_419 = tpu.memref_slice %arg7[%dma_start3A_418] : memref<64xf32, #tpu.memory_space<vmem>> -> memref<32xf32, #tpu.memory_space<vmem>>
        tpu.enqueue_dma source(%dma_start3A_419 : memref<32xf32, #tpu.memory_space<vmem>>) target(%dma_start3A_417 : memref<32xf32, #tpu.memory_space<vmem_shared>>) target_semaphore(%run_scoped3A : memref<!tpu.dma_semaphore, #tpu.memory_space<semaphore_mem>>)
        %dma_wait3A = arith.constant 0 : i32
        %dma_wait3A_420 = tpu.memref_slice %arg7[%dma_wait3A] : memref<64xf32, #tpu.memory_space<vmem>> -> memref<32xf32, #tpu.memory_space<vmem>>
        %dma_wait3A_421 = arith.constant 32 : i32
        %dma_wait3A_422 = tpu.memref_slice %arg8[%arg1, %dma_wait3A_421] : memref<16x64xf32, #tpu.memory_space<vmem_shared>> -> memref<1x32xf32, #tpu.memory_space<vmem_shared>>
        %dma_wait3A_423 = tpu.memref_squeeze %dma_wait3A_422 : memref<1x32xf32, #tpu.memory_space<vmem_shared>> -> memref<32xf32, #tpu.memory_space<vmem_shared>>
        %dma_wait3A_424 = arith.constant 32 : i32
        %dma_wait3A_425 = tpu.memref_slice %arg8[%arg1, %dma_wait3A_424] : memref<16x64xf32, #tpu.memory_space<vmem_shared>> -> memref<1x32xf32, #tpu.memory_space<vmem_shared>>
        %dma_wait3A_426 = tpu.memref_squeeze %dma_wait3A_425 : memref<1x32xf32, #tpu.memory_space<vmem_shared>> -> memref<32xf32, #tpu.memory_space<vmem_shared>>
        %dma_wait3A_427 = arith.constant 0 : i32
        %dma_wait3A_428 = tpu.memref_slice %arg7[%dma_wait3A_427] : memref<64xf32, #tpu.memory_space<vmem>> -> memref<32xf32, #tpu.memory_space<vmem>>
        tpu.wait_dma2 semaphore(%run_scoped3A : memref<!tpu.dma_semaphore, #tpu.memory_space<semaphore_mem>>) src(%dma_wait3A_428 : memref<32xf32, #tpu.memory_space<vmem>>) dst(%dma_wait3A_426 : memref<32xf32, #tpu.memory_space<vmem_shared>>)
        tpu.yield
      }) : () -> ()
      %barrier3A_302 = arith.constant 0 : index
      tpu.barrier barrier_id(%barrier3A_302)
      "tpu.region"() ({
        %run_scoped3A = tpu.sem_alloc : memref<!tpu.dma_semaphore, #tpu.memory_space<semaphore_mem>>
        %dma_start3A = arith.constant 32 : i32
        %dma_start3A_411 = tpu.memref_slice %arg7[%dma_start3A] : memref<64xf32, #tpu.memory_space<vmem>> -> memref<32xf32, #tpu.memory_space<vmem>>
        %dma_start3A_412 = arith.constant 32 : i32
        %dma_start3A_413 = tpu.memref_slice %arg8[%xor3A_47, %dma_start3A_412] : memref<16x64xf32, #tpu.memory_space<vmem_shared>> -> memref<1x32xf32, #tpu.memory_space<vmem_shared>>
        %dma_start3A_414 = tpu.memref_squeeze %dma_start3A_413 : memref<1x32xf32, #tpu.memory_space<vmem_shared>> -> memref<32xf32, #tpu.memory_space<vmem_shared>>
        %dma_start3A_415 = arith.constant 32 : i32
        %dma_start3A_416 = tpu.memref_slice %arg7[%dma_start3A_415] : memref<64xf32, #tpu.memory_space<vmem>> -> memref<32xf32, #tpu.memory_space<vmem>>
        %dma_start3A_417 = arith.constant 32 : i32
        %dma_start3A_418 = tpu.memref_slice %arg8[%xor3A_47, %dma_start3A_417] : memref<16x64xf32, #tpu.memory_space<vmem_shared>> -> memref<1x32xf32, #tpu.memory_space<vmem_shared>>
        %dma_start3A_419 = tpu.memref_squeeze %dma_start3A_418 : memref<1x32xf32, #tpu.memory_space<vmem_shared>> -> memref<32xf32, #tpu.memory_space<vmem_shared>>
        tpu.enqueue_dma source(%dma_start3A_419 : memref<32xf32, #tpu.memory_space<vmem_shared>>) target(%dma_start3A_416 : memref<32xf32, #tpu.memory_space<vmem>>) target_semaphore(%run_scoped3A : memref<!tpu.dma_semaphore, #tpu.memory_space<semaphore_mem>>)
        %dma_wait3A = arith.constant 32 : i32
        %dma_wait3A_420 = tpu.memref_slice %arg7[%dma_wait3A] : memref<64xf32, #tpu.memory_space<vmem>> -> memref<32xf32, #tpu.memory_space<vmem>>
        %dma_wait3A_421 = arith.constant 32 : i32
        %dma_wait3A_422 = tpu.memref_slice %arg8[%xor3A_47, %dma_wait3A_421] : memref<16x64xf32, #tpu.memory_space<vmem_shared>> -> memref<1x32xf32, #tpu.memory_space<vmem_shared>>
        %dma_wait3A_423 = tpu.memref_squeeze %dma_wait3A_422 : memref<1x32xf32, #tpu.memory_space<vmem_shared>> -> memref<32xf32, #tpu.memory_space<vmem_shared>>
        %dma_wait3A_424 = arith.constant 32 : i32
        %dma_wait3A_425 = tpu.memref_slice %arg7[%dma_wait3A_424] : memref<64xf32, #tpu.memory_space<vmem>> -> memref<32xf32, #tpu.memory_space<vmem>>
        %dma_wait3A_426 = arith.constant 32 : i32
        %dma_wait3A_427 = tpu.memref_slice %arg8[%xor3A_47, %dma_wait3A_426] : memref<16x64xf32, #tpu.memory_space<vmem_shared>> -> memref<1x32xf32, #tpu.memory_space<vmem_shared>>
        %dma_wait3A_428 = tpu.memref_squeeze %dma_wait3A_427 : memref<1x32xf32, #tpu.memory_space<vmem_shared>> -> memref<32xf32, #tpu.memory_space<vmem_shared>>
        tpu.wait_dma2 semaphore(%run_scoped3A : memref<!tpu.dma_semaphore, #tpu.memory_space<semaphore_mem>>) src(%dma_wait3A_428 : memref<32xf32, #tpu.memory_space<vmem_shared>>) dst(%dma_wait3A_425 : memref<32xf32, #tpu.memory_space<vmem>>)
        tpu.yield
      }) : () -> ()
      %get3A_303 = arith.constant 32 : index
      %get3A_304 = tpu.vector_load %arg7[%get3A_303] {strides = array<i32>} : memref<64xf32, #tpu.memory_space<vmem>>, vector<16xf32>,
      %get3A_305 = arith.constant 48 : index
      %get3A_306 = tpu.vector_load %arg7[%get3A_305] {strides = array<i32>} : memref<64xf32, #tpu.memory_space<vmem>>, vector<16xf32>,
      %select_n3A_307 = arith.select %eq3A_56, %get3A_304, %broadcast_in_dim3A_291 : vector<16xi1>, vector<16xf32>
      %select_n3A_308 = arith.select %eq3A_56, %get3A_306, %broadcast_in_dim3A_297 : vector<16xi1>, vector<16xf32>
      %select_n3A_309 = arith.select %eq3A_56, %broadcast_in_dim3A_291, %get3A_304 : vector<16xi1>, vector<16xf32>
      %select_n3A_310 = arith.select %eq3A_56, %broadcast_in_dim3A_297, %get3A_306 : vector<16xi1>, vector<16xf32>
      %sub3A_311 = arith.subf %broadcast_in_dim3A_143, %select_n3A_307 : vector<16xf32>
      %sub3A_312 = arith.subf %sub3A_311, %select_n3A_309 : vector<16xf32>
      %sub3A_313 = arith.constant 2.048000e+03 : f32
      %sub3A_314 = vector.broadcast %sub3A_313 : f32 to vector<16xf32>
      %sub3A_315 = arith.subf %sub3A_314, %select_n3A_308 : vector<16xf32>
      %sub3A_316 = arith.subf %sub3A_315, %select_n3A_310 : vector<16xf32>
      %gt3A_317 = arith.constant 0.000000e+00 : f32
      %gt3A_318 = vector.broadcast %gt3A_317 : f32 to vector<16xf32>
      %gt3A_319 = arith.cmpf ogt, %select_n3A_308, %gt3A_318 : vector<16xf32>
      %max3A_320 = arith.constant 1.000000e+00 : f32
      %max3A_321 = vector.broadcast %max3A_320 : f32 to vector<16xf32>
      %max3A_322 = arith.maximumf %select_n3A_308, %max3A_321 : vector<16xf32>
      %div3A_323 = arith.divf %select_n3A_307, %max3A_322 : vector<16xf32>
      %select_n3A_324 = arith.select %gt3A_319, %div3A_323, %scan3A_268 : vector<16xi1>, vector<16xf32>
      %gt3A_325 = arith.constant 0.000000e+00 : f32
      %gt3A_326 = vector.broadcast %gt3A_325 : f32 to vector<16xf32>
      %gt3A_327 = arith.cmpf ogt, %sub3A_316, %gt3A_326 : vector<16xf32>
      %max3A_328 = arith.constant 1.000000e+00 : f32
      %max3A_329 = vector.broadcast %max3A_328 : f32 to vector<16xf32>
      %max3A_330 = arith.maximumf %sub3A_316, %max3A_329 : vector<16xf32>
      %div3A_331 = arith.divf %sub3A_312, %max3A_330 : vector<16xf32>
      %select_n3A_332 = arith.select %gt3A_327, %div3A_331, %scan3A_269 : vector<16xi1>, vector<16xf32>
      %gt3A_333 = arith.constant 0.000000e+00 : f32
      %gt3A_334 = vector.broadcast %gt3A_333 : f32 to vector<16xf32>
      %gt3A_335 = arith.cmpf ogt, %select_n3A_310, %gt3A_334 : vector<16xf32>
      %max3A_336 = arith.constant 1.000000e+00 : f32
      %max3A_337 = vector.broadcast %max3A_336 : f32 to vector<16xf32>
      %max3A_338 = arith.maximumf %select_n3A_310, %max3A_337 : vector<16xf32>
      %div3A_339 = arith.divf %select_n3A_309, %max3A_338 : vector<16xf32>
      %select_n3A_340 = arith.select %gt3A_335, %div3A_339, %scan3A_270 : vector<16xi1>, vector<16xf32>
      %add3A_341 = arith.addf %select_n3A_324, %select_n3A_332 : vector<16xf32>
      %mul3A_342 = arith.constant 5.000000e-01 : f32
      %mul3A_343 = vector.broadcast %mul3A_342 : f32 to vector<16xf32>
      %mul3A_344 = arith.mulf %mul3A_343, %add3A_341 : vector<16xf32>
      %add3A_345 = arith.addf %select_n3A_332, %select_n3A_340 : vector<16xf32>
      %mul3A_346 = arith.constant 5.000000e-01 : f32
      %mul3A_347 = vector.broadcast %mul3A_346 : f32 to vector<16xf32>
      %mul3A_348 = arith.mulf %mul3A_347, %add3A_345 : vector<16xf32>
      %select_n3A_349 = arith.select %eq3A_56, %mul3A_348, %mul3A_344 : vector<16xi1>, vector<16xf32>
      %scan3A_350 = arith.constant 0 : i32
      %scan3A_351 = arith.constant 64 : i32
      %scan3A_352 = arith.addi %scan3A_350, %scan3A_351 : i32
      %scan3A_353 = arith.constant 4 : i32
      %scan3A_354:4 = scf.for %scan3A_411 = %scan3A_350 to %scan3A_352 step %scan3A_353 iter_args(%scan3A_412 = %broadcast_in_dim3A_52, %scan3A_413 = %broadcast_in_dim3A_52, %scan3A_414 = %broadcast_in_dim3A_52, %scan3A_415 = %broadcast_in_dim3A_52) -> (vector<16xf32>, vector<16xf32>, vector<16xf32>, vector<16xf32>)  : i32 {
        %mul3A_416 = arith.constant 2 : i32
        %mul3A_417 = arith.muli %mul3A_416, %scan3A_411 : i32
        %mul3A_418 = arith.constant 16 : i32
        %mul3A_419 = arith.muli %mul3A_417, %mul3A_418 : i32
        %get3A_420 = arith.index_cast %mul3A_419 : i32 to index
        %get3A_421 = tpu.vector_load %arg5[%get3A_420] {strides = array<i32>} : memref<2048xf32, #tpu.memory_space<vmem>>, vector<16xf32>,
        %mul3A_422 = arith.constant 2 : i32
        %mul3A_423 = arith.muli %mul3A_422, %scan3A_411 : i32
        %add3A_424 = arith.constant 1 : i32
        %add3A_425 = arith.addi %mul3A_423, %add3A_424 : i32
        %mul3A_426 = arith.constant 16 : i32
        %mul3A_427 = arith.muli %add3A_425, %mul3A_426 : i32
        %get3A_428 = arith.index_cast %mul3A_427 : i32 to index
        %get3A_429 = tpu.vector_load %arg5[%get3A_428] {strides = array<i32>} : memref<2048xf32, #tpu.memory_space<vmem>>, vector<16xf32>,
        %le3A = arith.cmpf ole, %get3A_421, %select_n3A_349 : vector<16xf32>
        %ne3A_430 = arith.xori %le3A, %eq3A_56 : vector<16xi1>
        %le3A_431 = arith.cmpf ole, %get3A_429, %select_n3A_349 : vector<16xf32>
        %ne3A_432 = arith.xori %le3A_431, %eq3A_56 : vector<16xi1>
        %jit3A_433 = arith.constant 0.000000e+00 : f32
        %broadcast_in_dim3A_434 = vector.broadcast %jit3A_433 : f32 to vector<16xf32>
        %select_n3A_435 = arith.select %ne3A_430, %get3A_421, %broadcast_in_dim3A_434 : vector<16xi1>, vector<16xf32>
        %add3A_436 = arith.addf %scan3A_412, %select_n3A_435 : vector<16xf32>
        %jit3A_437 = arith.constant 1.000000e+00 : f32
        %jit3A_438 = arith.constant 0.000000e+00 : f32
        %broadcast_in_dim3A_439 = vector.broadcast %jit3A_437 : f32 to vector<16xf32>
        %broadcast_in_dim3A_440 = vector.broadcast %jit3A_438 : f32 to vector<16xf32>
        %select_n3A_441 = arith.select %ne3A_430, %broadcast_in_dim3A_439, %broadcast_in_dim3A_440 : vector<16xi1>, vector<16xf32>
        %add3A_442 = arith.addf %scan3A_414, %select_n3A_441 : vector<16xf32>
        %jit3A_443 = arith.constant 0.000000e+00 : f32
        %broadcast_in_dim3A_444 = vector.broadcast %jit3A_443 : f32 to vector<16xf32>
        %select_n3A_445 = arith.select %ne3A_432, %get3A_429, %broadcast_in_dim3A_444 : vector<16xi1>, vector<16xf32>
        %add3A_446 = arith.addf %scan3A_413, %select_n3A_445 : vector<16xf32>
        %jit3A_447 = arith.constant 1.000000e+00 : f32
        %jit3A_448 = arith.constant 0.000000e+00 : f32
        %broadcast_in_dim3A_449 = vector.broadcast %jit3A_447 : f32 to vector<16xf32>
        %broadcast_in_dim3A_450 = vector.broadcast %jit3A_448 : f32 to vector<16xf32>
        %select_n3A_451 = arith.select %ne3A_432, %broadcast_in_dim3A_449, %broadcast_in_dim3A_450 : vector<16xi1>, vector<16xf32>
        %add3A_452 = arith.addf %scan3A_415, %select_n3A_451 : vector<16xf32>
        %scan3A_453 = arith.constant 1 : i32
        %scan3A_454 = arith.addi %scan3A_411, %scan3A_453 : i32
        %mul3A_455 = arith.constant 2 : i32
        %mul3A_456 = arith.muli %mul3A_455, %scan3A_454 : i32
        %mul3A_457 = arith.constant 16 : i32
        %mul3A_458 = arith.muli %mul3A_456, %mul3A_457 : i32
        %get3A_459 = arith.index_cast %mul3A_458 : i32 to index
        %get3A_460 = tpu.vector_load %arg5[%get3A_459] {strides = array<i32>} : memref<2048xf32, #tpu.memory_space<vmem>>, vector<16xf32>,
        %mul3A_461 = arith.constant 2 : i32
        %mul3A_462 = arith.muli %mul3A_461, %scan3A_454 : i32
        %add3A_463 = arith.constant 1 : i32
        %add3A_464 = arith.addi %mul3A_462, %add3A_463 : i32
        %mul3A_465 = arith.constant 16 : i32
        %mul3A_466 = arith.muli %add3A_464, %mul3A_465 : i32
        %get3A_467 = arith.index_cast %mul3A_466 : i32 to index
        %get3A_468 = tpu.vector_load %arg5[%get3A_467] {strides = array<i32>} : memref<2048xf32, #tpu.memory_space<vmem>>, vector<16xf32>,
        %le3A_469 = arith.cmpf ole, %get3A_460, %select_n3A_349 : vector<16xf32>
        %ne3A_470 = arith.xori %le3A_469, %eq3A_56 : vector<16xi1>
        %le3A_471 = arith.cmpf ole, %get3A_468, %select_n3A_349 : vector<16xf32>
        %ne3A_472 = arith.xori %le3A_471, %eq3A_56 : vector<16xi1>
        %jit3A_473 = arith.constant 0.000000e+00 : f32
        %broadcast_in_dim3A_474 = vector.broadcast %jit3A_473 : f32 to vector<16xf32>
        %select_n3A_475 = arith.select %ne3A_470, %get3A_460, %broadcast_in_dim3A_474 : vector<16xi1>, vector<16xf32>
        %add3A_476 = arith.addf %add3A_436, %select_n3A_475 : vector<16xf32>
        %jit3A_477 = arith.constant 1.000000e+00 : f32
        %jit3A_478 = arith.constant 0.000000e+00 : f32
        %broadcast_in_dim3A_479 = vector.broadcast %jit3A_477 : f32 to vector<16xf32>
        %broadcast_in_dim3A_480 = vector.broadcast %jit3A_478 : f32 to vector<16xf32>
        %select_n3A_481 = arith.select %ne3A_470, %broadcast_in_dim3A_479, %broadcast_in_dim3A_480 : vector<16xi1>, vector<16xf32>
        %add3A_482 = arith.addf %add3A_442, %select_n3A_481 : vector<16xf32>
        %jit3A_483 = arith.constant 0.000000e+00 : f32
        %broadcast_in_dim3A_484 = vector.broadcast %jit3A_483 : f32 to vector<16xf32>
        %select_n3A_485 = arith.select %ne3A_472, %get3A_468, %broadcast_in_dim3A_484 : vector<16xi1>, vector<16xf32>
        %add3A_486 = arith.addf %add3A_446, %select_n3A_485 : vector<16xf32>
        %jit3A_487 = arith.constant 1.000000e+00 : f32
        %jit3A_488 = arith.constant 0.000000e+00 : f32
        %broadcast_in_dim3A_489 = vector.broadcast %jit3A_487 : f32 to vector<16xf32>
        %broadcast_in_dim3A_490 = vector.broadcast %jit3A_488 : f32 to vector<16xf32>
        %select_n3A_491 = arith.select %ne3A_472, %broadcast_in_dim3A_489, %broadcast_in_dim3A_490 : vector<16xi1>, vector<16xf32>
        %add3A_492 = arith.addf %add3A_452, %select_n3A_491 : vector<16xf32>
        %scan3A_493 = arith.constant 2 : i32
        %scan3A_494 = arith.addi %scan3A_411, %scan3A_493 : i32
        %mul3A_495 = arith.constant 2 : i32
        %mul3A_496 = arith.muli %mul3A_495, %scan3A_494 : i32
        %mul3A_497 = arith.constant 16 : i32
        %mul3A_498 = arith.muli %mul3A_496, %mul3A_497 : i32
        %get3A_499 = arith.index_cast %mul3A_498 : i32 to index
        %get3A_500 = tpu.vector_load %arg5[%get3A_499] {strides = array<i32>} : memref<2048xf32, #tpu.memory_space<vmem>>, vector<16xf32>,
        %mul3A_501 = arith.constant 2 : i32
        %mul3A_502 = arith.muli %mul3A_501, %scan3A_494 : i32
        %add3A_503 = arith.constant 1 : i32
        %add3A_504 = arith.addi %mul3A_502, %add3A_503 : i32
        %mul3A_505 = arith.constant 16 : i32
        %mul3A_506 = arith.muli %add3A_504, %mul3A_505 : i32
        %get3A_507 = arith.index_cast %mul3A_506 : i32 to index
        %get3A_508 = tpu.vector_load %arg5[%get3A_507] {strides = array<i32>} : memref<2048xf32, #tpu.memory_space<vmem>>, vector<16xf32>,
        %le3A_509 = arith.cmpf ole, %get3A_500, %select_n3A_349 : vector<16xf32>
        %ne3A_510 = arith.xori %le3A_509, %eq3A_56 : vector<16xi1>
        %le3A_511 = arith.cmpf ole, %get3A_508, %select_n3A_349 : vector<16xf32>
        %ne3A_512 = arith.xori %le3A_511, %eq3A_56 : vector<16xi1>
        %jit3A_513 = arith.constant 0.000000e+00 : f32
        %broadcast_in_dim3A_514 = vector.broadcast %jit3A_513 : f32 to vector<16xf32>
        %select_n3A_515 = arith.select %ne3A_510, %get3A_500, %broadcast_in_dim3A_514 : vector<16xi1>, vector<16xf32>
        %add3A_516 = arith.addf %add3A_476, %select_n3A_515 : vector<16xf32>
        %jit3A_517 = arith.constant 1.000000e+00 : f32
        %jit3A_518 = arith.constant 0.000000e+00 : f32
        %broadcast_in_dim3A_519 = vector.broadcast %jit3A_517 : f32 to vector<16xf32>
        %broadcast_in_dim3A_520 = vector.broadcast %jit3A_518 : f32 to vector<16xf32>
        %select_n3A_521 = arith.select %ne3A_510, %broadcast_in_dim3A_519, %broadcast_in_dim3A_520 : vector<16xi1>, vector<16xf32>
        %add3A_522 = arith.addf %add3A_482, %select_n3A_521 : vector<16xf32>
        %jit3A_523 = arith.constant 0.000000e+00 : f32
        %broadcast_in_dim3A_524 = vector.broadcast %jit3A_523 : f32 to vector<16xf32>
        %select_n3A_525 = arith.select %ne3A_512, %get3A_508, %broadcast_in_dim3A_524 : vector<16xi1>, vector<16xf32>
        %add3A_526 = arith.addf %add3A_486, %select_n3A_525 : vector<16xf32>
        %jit3A_527 = arith.constant 1.000000e+00 : f32
        %jit3A_528 = arith.constant 0.000000e+00 : f32
        %broadcast_in_dim3A_529 = vector.broadcast %jit3A_527 : f32 to vector<16xf32>
        %broadcast_in_dim3A_530 = vector.broadcast %jit3A_528 : f32 to vector<16xf32>
        %select_n3A_531 = arith.select %ne3A_512, %broadcast_in_dim3A_529, %broadcast_in_dim3A_530 : vector<16xi1>, vector<16xf32>
        %add3A_532 = arith.addf %add3A_492, %select_n3A_531 : vector<16xf32>
        %scan3A_533 = arith.constant 3 : i32
        %scan3A_534 = arith.addi %scan3A_411, %scan3A_533 : i32
        %mul3A_535 = arith.constant 2 : i32
        %mul3A_536 = arith.muli %mul3A_535, %scan3A_534 : i32
        %mul3A_537 = arith.constant 16 : i32
        %mul3A_538 = arith.muli %mul3A_536, %mul3A_537 : i32
        %get3A_539 = arith.index_cast %mul3A_538 : i32 to index
        %get3A_540 = tpu.vector_load %arg5[%get3A_539] {strides = array<i32>} : memref<2048xf32, #tpu.memory_space<vmem>>, vector<16xf32>,
        %mul3A_541 = arith.constant 2 : i32
        %mul3A_542 = arith.muli %mul3A_541, %scan3A_534 : i32
        %add3A_543 = arith.constant 1 : i32
        %add3A_544 = arith.addi %mul3A_542, %add3A_543 : i32
        %mul3A_545 = arith.constant 16 : i32
        %mul3A_546 = arith.muli %add3A_544, %mul3A_545 : i32
        %get3A_547 = arith.index_cast %mul3A_546 : i32 to index
        %get3A_548 = tpu.vector_load %arg5[%get3A_547] {strides = array<i32>} : memref<2048xf32, #tpu.memory_space<vmem>>, vector<16xf32>,
        %le3A_549 = arith.cmpf ole, %get3A_540, %select_n3A_349 : vector<16xf32>
        %ne3A_550 = arith.xori %le3A_549, %eq3A_56 : vector<16xi1>
        %le3A_551 = arith.cmpf ole, %get3A_548, %select_n3A_349 : vector<16xf32>
        %ne3A_552 = arith.xori %le3A_551, %eq3A_56 : vector<16xi1>
        %jit3A_553 = arith.constant 0.000000e+00 : f32
        %broadcast_in_dim3A_554 = vector.broadcast %jit3A_553 : f32 to vector<16xf32>
        %select_n3A_555 = arith.select %ne3A_550, %get3A_540, %broadcast_in_dim3A_554 : vector<16xi1>, vector<16xf32>
        %add3A_556 = arith.addf %add3A_516, %select_n3A_555 : vector<16xf32>
        %jit3A_557 = arith.constant 1.000000e+00 : f32
        %jit3A_558 = arith.constant 0.000000e+00 : f32
        %broadcast_in_dim3A_559 = vector.broadcast %jit3A_557 : f32 to vector<16xf32>
        %broadcast_in_dim3A_560 = vector.broadcast %jit3A_558 : f32 to vector<16xf32>
        %select_n3A_561 = arith.select %ne3A_550, %broadcast_in_dim3A_559, %broadcast_in_dim3A_560 : vector<16xi1>, vector<16xf32>
        %add3A_562 = arith.addf %add3A_522, %select_n3A_561 : vector<16xf32>
        %jit3A_563 = arith.constant 0.000000e+00 : f32
        %broadcast_in_dim3A_564 = vector.broadcast %jit3A_563 : f32 to vector<16xf32>
        %select_n3A_565 = arith.select %ne3A_552, %get3A_548, %broadcast_in_dim3A_564 : vector<16xi1>, vector<16xf32>
        %add3A_566 = arith.addf %add3A_526, %select_n3A_565 : vector<16xf32>
        %jit3A_567 = arith.constant 1.000000e+00 : f32
        %jit3A_568 = arith.constant 0.000000e+00 : f32
        %broadcast_in_dim3A_569 = vector.broadcast %jit3A_567 : f32 to vector<16xf32>
        %broadcast_in_dim3A_570 = vector.broadcast %jit3A_568 : f32 to vector<16xf32>
        %select_n3A_571 = arith.select %ne3A_552, %broadcast_in_dim3A_569, %broadcast_in_dim3A_570 : vector<16xi1>, vector<16xf32>
        %add3A_572 = arith.addf %add3A_532, %select_n3A_571 : vector<16xf32>
        scf.yield %add3A_556, %add3A_566, %add3A_562, %add3A_572 : vector<16xf32>, vector<16xf32>, vector<16xf32>, vector<16xf32>
      }
      %scan3A_355 = arith.constant 64 : i32
      %add3A_356 = arith.addf %scan3A_354#0, %scan3A_354#1 : vector<16xf32>
      %reduce_sum3A_357 = arith.constant true
      %reduce_sum3A_358 = vector.broadcast %reduce_sum3A_357 : i1 to vector<16xi1>
      %reduce_sum3A_359 = tpu.scan <sum>, %add3A_356 masked %reduce_sum3A_358 : vector<16xf32>, vector<16xi1> -> vector<16xf32>
      %reduce_sum3A_360 = vector.extract %reduce_sum3A_359[15] : f32 from vector<16xf32>
      %broadcast_in_dim3A_361 = vector.broadcast %reduce_sum3A_360 : f32 to vector<16xf32>
      %add3A_362 = arith.addf %scan3A_354#2, %scan3A_354#3 : vector<16xf32>
      %reduce_sum3A_363 = arith.constant true
      %reduce_sum3A_364 = vector.broadcast %reduce_sum3A_363 : i1 to vector<16xi1>
      %reduce_sum3A_365 = tpu.scan <sum>, %add3A_362 masked %reduce_sum3A_364 : vector<16xf32>, vector<16xi1> -> vector<16xf32>
      %reduce_sum3A_366 = vector.extract %reduce_sum3A_365[15] : f32 from vector<16xf32>
      %broadcast_in_dim3A_367 = vector.broadcast %reduce_sum3A_366 : f32 to vector<16xf32>
      %swap3A_368 = arith.constant 0 : index
      %swap3A_369 = tpu.vector_load %arg7[%swap3A_368] {strides = array<i32>} : memref<64xf32, #tpu.memory_space<vmem>>, vector<16xf32>,
      tpu.vector_store %arg7[%swap3A_368], %broadcast_in_dim3A_361 {strides = array<i32>} : memref<64xf32, #tpu.memory_space<vmem>>, vector<16xf32>,
      %swap3A_370 = arith.constant 16 : index
      %swap3A_371 = tpu.vector_load %arg7[%swap3A_370] {strides = array<i32>} : memref<64xf32, #tpu.memory_space<vmem>>, vector<16xf32>,
      tpu.vector_store %arg7[%swap3A_370], %broadcast_in_dim3A_367 {strides = array<i32>} : memref<64xf32, #tpu.memory_space<vmem>>, vector<16xf32>,
      "tpu.region"() ({
        %run_scoped3A = tpu.sem_alloc : memref<!tpu.dma_semaphore, #tpu.memory_space<semaphore_mem>>
        %dma_start3A = arith.constant 0 : i32
        %dma_start3A_411 = tpu.memref_slice %arg7[%dma_start3A] : memref<64xf32, #tpu.memory_space<vmem>> -> memref<32xf32, #tpu.memory_space<vmem>>
        %dma_start3A_412 = arith.constant 0 : i32
        %dma_start3A_413 = tpu.memref_slice %arg8[%arg1, %dma_start3A_412] : memref<16x64xf32, #tpu.memory_space<vmem_shared>> -> memref<1x32xf32, #tpu.memory_space<vmem_shared>>
        %dma_start3A_414 = tpu.memref_squeeze %dma_start3A_413 : memref<1x32xf32, #tpu.memory_space<vmem_shared>> -> memref<32xf32, #tpu.memory_space<vmem_shared>>
        %dma_start3A_415 = arith.constant 0 : i32
        %dma_start3A_416 = tpu.memref_slice %arg8[%arg1, %dma_start3A_415] : memref<16x64xf32, #tpu.memory_space<vmem_shared>> -> memref<1x32xf32, #tpu.memory_space<vmem_shared>>
        %dma_start3A_417 = tpu.memref_squeeze %dma_start3A_416 : memref<1x32xf32, #tpu.memory_space<vmem_shared>> -> memref<32xf32, #tpu.memory_space<vmem_shared>>
        %dma_start3A_418 = arith.constant 0 : i32
        %dma_start3A_419 = tpu.memref_slice %arg7[%dma_start3A_418] : memref<64xf32, #tpu.memory_space<vmem>> -> memref<32xf32, #tpu.memory_space<vmem>>
        tpu.enqueue_dma source(%dma_start3A_419 : memref<32xf32, #tpu.memory_space<vmem>>) target(%dma_start3A_417 : memref<32xf32, #tpu.memory_space<vmem_shared>>) target_semaphore(%run_scoped3A : memref<!tpu.dma_semaphore, #tpu.memory_space<semaphore_mem>>)
        %dma_wait3A = arith.constant 0 : i32
        %dma_wait3A_420 = tpu.memref_slice %arg7[%dma_wait3A] : memref<64xf32, #tpu.memory_space<vmem>> -> memref<32xf32, #tpu.memory_space<vmem>>
        %dma_wait3A_421 = arith.constant 0 : i32
        %dma_wait3A_422 = tpu.memref_slice %arg8[%arg1, %dma_wait3A_421] : memref<16x64xf32, #tpu.memory_space<vmem_shared>> -> memref<1x32xf32, #tpu.memory_space<vmem_shared>>
        %dma_wait3A_423 = tpu.memref_squeeze %dma_wait3A_422 : memref<1x32xf32, #tpu.memory_space<vmem_shared>> -> memref<32xf32, #tpu.memory_space<vmem_shared>>
        %dma_wait3A_424 = arith.constant 0 : i32
        %dma_wait3A_425 = tpu.memref_slice %arg8[%arg1, %dma_wait3A_424] : memref<16x64xf32, #tpu.memory_space<vmem_shared>> -> memref<1x32xf32, #tpu.memory_space<vmem_shared>>
        %dma_wait3A_426 = tpu.memref_squeeze %dma_wait3A_425 : memref<1x32xf32, #tpu.memory_space<vmem_shared>> -> memref<32xf32, #tpu.memory_space<vmem_shared>>
        %dma_wait3A_427 = arith.constant 0 : i32
        %dma_wait3A_428 = tpu.memref_slice %arg7[%dma_wait3A_427] : memref<64xf32, #tpu.memory_space<vmem>> -> memref<32xf32, #tpu.memory_space<vmem>>
        tpu.wait_dma2 semaphore(%run_scoped3A : memref<!tpu.dma_semaphore, #tpu.memory_space<semaphore_mem>>) src(%dma_wait3A_428 : memref<32xf32, #tpu.memory_space<vmem>>) dst(%dma_wait3A_426 : memref<32xf32, #tpu.memory_space<vmem_shared>>)
        tpu.yield
      }) : () -> ()
      %barrier3A_372 = arith.constant 0 : index
      tpu.barrier barrier_id(%barrier3A_372)
      "tpu.region"() ({
        %run_scoped3A = tpu.sem_alloc : memref<!tpu.dma_semaphore, #tpu.memory_space<semaphore_mem>>
        %dma_start3A = arith.constant 32 : i32
        %dma_start3A_411 = tpu.memref_slice %arg7[%dma_start3A] : memref<64xf32, #tpu.memory_space<vmem>> -> memref<32xf32, #tpu.memory_space<vmem>>
        %dma_start3A_412 = arith.constant 0 : i32
        %dma_start3A_413 = tpu.memref_slice %arg8[%xor3A_47, %dma_start3A_412] : memref<16x64xf32, #tpu.memory_space<vmem_shared>> -> memref<1x32xf32, #tpu.memory_space<vmem_shared>>
        %dma_start3A_414 = tpu.memref_squeeze %dma_start3A_413 : memref<1x32xf32, #tpu.memory_space<vmem_shared>> -> memref<32xf32, #tpu.memory_space<vmem_shared>>
        %dma_start3A_415 = arith.constant 32 : i32
        %dma_start3A_416 = tpu.memref_slice %arg7[%dma_start3A_415] : memref<64xf32, #tpu.memory_space<vmem>> -> memref<32xf32, #tpu.memory_space<vmem>>
        %dma_start3A_417 = arith.constant 0 : i32
        %dma_start3A_418 = tpu.memref_slice %arg8[%xor3A_47, %dma_start3A_417] : memref<16x64xf32, #tpu.memory_space<vmem_shared>> -> memref<1x32xf32, #tpu.memory_space<vmem_shared>>
        %dma_start3A_419 = tpu.memref_squeeze %dma_start3A_418 : memref<1x32xf32, #tpu.memory_space<vmem_shared>> -> memref<32xf32, #tpu.memory_space<vmem_shared>>
        tpu.enqueue_dma source(%dma_start3A_419 : memref<32xf32, #tpu.memory_space<vmem_shared>>) target(%dma_start3A_416 : memref<32xf32, #tpu.memory_space<vmem>>) target_semaphore(%run_scoped3A : memref<!tpu.dma_semaphore, #tpu.memory_space<semaphore_mem>>)
        %dma_wait3A = arith.constant 32 : i32
        %dma_wait3A_420 = tpu.memref_slice %arg7[%dma_wait3A] : memref<64xf32, #tpu.memory_space<vmem>> -> memref<32xf32, #tpu.memory_space<vmem>>
        %dma_wait3A_421 = arith.constant 0 : i32
        %dma_wait3A_422 = tpu.memref_slice %arg8[%xor3A_47, %dma_wait3A_421] : memref<16x64xf32, #tpu.memory_space<vmem_shared>> -> memref<1x32xf32, #tpu.memory_space<vmem_shared>>
        %dma_wait3A_423 = tpu.memref_squeeze %dma_wait3A_422 : memref<1x32xf32, #tpu.memory_space<vmem_shared>> -> memref<32xf32, #tpu.memory_space<vmem_shared>>
        %dma_wait3A_424 = arith.constant 32 : i32
        %dma_wait3A_425 = tpu.memref_slice %arg7[%dma_wait3A_424] : memref<64xf32, #tpu.memory_space<vmem>> -> memref<32xf32, #tpu.memory_space<vmem>>
        %dma_wait3A_426 = arith.constant 0 : i32
        %dma_wait3A_427 = tpu.memref_slice %arg8[%xor3A_47, %dma_wait3A_426] : memref<16x64xf32, #tpu.memory_space<vmem_shared>> -> memref<1x32xf32, #tpu.memory_space<vmem_shared>>
        %dma_wait3A_428 = tpu.memref_squeeze %dma_wait3A_427 : memref<1x32xf32, #tpu.memory_space<vmem_shared>> -> memref<32xf32, #tpu.memory_space<vmem_shared>>
        tpu.wait_dma2 semaphore(%run_scoped3A : memref<!tpu.dma_semaphore, #tpu.memory_space<semaphore_mem>>) src(%dma_wait3A_428 : memref<32xf32, #tpu.memory_space<vmem_shared>>) dst(%dma_wait3A_425 : memref<32xf32, #tpu.memory_space<vmem>>)
        tpu.yield
      }) : () -> ()
      %get3A_373 = arith.constant 32 : index
      %get3A_374 = tpu.vector_load %arg7[%get3A_373] {strides = array<i32>} : memref<64xf32, #tpu.memory_space<vmem>>, vector<16xf32>,
      %get3A_375 = arith.constant 48 : index
      %get3A_376 = tpu.vector_load %arg7[%get3A_375] {strides = array<i32>} : memref<64xf32, #tpu.memory_space<vmem>>, vector<16xf32>,
      %select_n3A_377 = arith.select %eq3A_56, %get3A_374, %broadcast_in_dim3A_361 : vector<16xi1>, vector<16xf32>
      %select_n3A_378 = arith.select %eq3A_56, %get3A_376, %broadcast_in_dim3A_367 : vector<16xi1>, vector<16xf32>
      %select_n3A_379 = arith.select %eq3A_56, %broadcast_in_dim3A_361, %get3A_374 : vector<16xi1>, vector<16xf32>
      %select_n3A_380 = arith.select %eq3A_56, %broadcast_in_dim3A_367, %get3A_376 : vector<16xi1>, vector<16xf32>
      %sub3A_381 = arith.subf %broadcast_in_dim3A_143, %select_n3A_377 : vector<16xf32>
      %sub3A_382 = arith.subf %sub3A_381, %select_n3A_379 : vector<16xf32>
      %sub3A_383 = arith.constant 2.048000e+03 : f32
      %sub3A_384 = vector.broadcast %sub3A_383 : f32 to vector<16xf32>
      %sub3A_385 = arith.subf %sub3A_384, %select_n3A_378 : vector<16xf32>
      %sub3A_386 = arith.subf %sub3A_385, %select_n3A_380 : vector<16xf32>
      %gt3A_387 = arith.constant 0.000000e+00 : f32
      %gt3A_388 = vector.broadcast %gt3A_387 : f32 to vector<16xf32>
      %gt3A_389 = arith.cmpf ogt, %select_n3A_378, %gt3A_388 : vector<16xf32>
      %max3A_390 = arith.constant 1.000000e+00 : f32
      %max3A_391 = vector.broadcast %max3A_390 : f32 to vector<16xf32>
      %max3A_392 = arith.maximumf %select_n3A_378, %max3A_391 : vector<16xf32>
      %div3A_393 = arith.divf %select_n3A_377, %max3A_392 : vector<16xf32>
      %select_n3A_394 = arith.select %gt3A_389, %div3A_393, %select_n3A_324 : vector<16xi1>, vector<16xf32>
      %gt3A_395 = arith.constant 0.000000e+00 : f32
      %gt3A_396 = vector.broadcast %gt3A_395 : f32 to vector<16xf32>
      %gt3A_397 = arith.cmpf ogt, %sub3A_386, %gt3A_396 : vector<16xf32>
      %max3A_398 = arith.constant 1.000000e+00 : f32
      %max3A_399 = vector.broadcast %max3A_398 : f32 to vector<16xf32>
      %max3A_400 = arith.maximumf %sub3A_386, %max3A_399 : vector<16xf32>
      %div3A_401 = arith.divf %sub3A_382, %max3A_400 : vector<16xf32>
      %select_n3A_402 = arith.select %gt3A_397, %div3A_401, %select_n3A_332 : vector<16xi1>, vector<16xf32>
      %gt3A_403 = arith.constant 0.000000e+00 : f32
      %gt3A_404 = vector.broadcast %gt3A_403 : f32 to vector<16xf32>
      %gt3A_405 = arith.cmpf ogt, %select_n3A_380, %gt3A_404 : vector<16xf32>
      %max3A_406 = arith.constant 1.000000e+00 : f32
      %max3A_407 = vector.broadcast %max3A_406 : f32 to vector<16xf32>
      %max3A_408 = arith.maximumf %select_n3A_380, %max3A_407 : vector<16xf32>
      %div3A_409 = arith.divf %select_n3A_379, %max3A_408 : vector<16xf32>
      %select_n3A_410 = arith.select %gt3A_405, %div3A_409, %select_n3A_340 : vector<16xi1>, vector<16xf32>
      scf.yield %select_n3A_394, %select_n3A_402, %select_n3A_410 : vector<16xf32>, vector<16xf32>, vector<16xf32>
    }
    %scan3A_173 = arith.constant 5 : i32
    %add3A_174 = arith.addf %scan3A_172#0, %scan3A_172#1 : vector<16xf32>
    %mul3A_175 = arith.constant 5.000000e-01 : f32
    %mul3A_176 = vector.broadcast %mul3A_175 : f32 to vector<16xf32>
    %mul3A_177 = arith.mulf %mul3A_176, %add3A_174 : vector<16xf32>
    %add3A_178 = arith.addf %scan3A_172#1, %scan3A_172#2 : vector<16xf32>
    %mul3A_179 = arith.constant 5.000000e-01 : f32
    %mul3A_180 = vector.broadcast %mul3A_179 : f32 to vector<16xf32>
    %mul3A_181 = arith.mulf %mul3A_180, %add3A_178 : vector<16xf32>
    %gt3A = arith.cmpf ogt, %scan3A_172#1, %scan3A_172#0 : vector<16xf32>
    %jit3A_182 = arith.constant 1 : i32
    %jit3A_183 = arith.constant 0 : i32
    %broadcast_in_dim3A_184 = vector.broadcast %jit3A_182 : i32 to vector<16xi32>
    %broadcast_in_dim3A_185 = vector.broadcast %jit3A_183 : i32 to vector<16xi32>
    %select_n3A_186 = arith.select %gt3A, %broadcast_in_dim3A_184, %broadcast_in_dim3A_185 : vector<16xi1>, vector<16xi32>
    %gt3A_187 = arith.cmpf ogt, %scan3A_172#2, %scan3A_172#0 : vector<16xf32>
    %jit3A_188 = arith.constant 1 : i32
    %jit3A_189 = arith.constant 0 : i32
    %broadcast_in_dim3A_190 = vector.broadcast %jit3A_188 : i32 to vector<16xi32>
    %broadcast_in_dim3A_191 = vector.broadcast %jit3A_189 : i32 to vector<16xi32>
    %select_n3A_192 = arith.select %gt3A_187, %broadcast_in_dim3A_190, %broadcast_in_dim3A_191 : vector<16xi1>, vector<16xi32>
    %add3A_193 = arith.addi %select_n3A_186, %select_n3A_192 : vector<16xi32>
    %gt3A_194 = arith.cmpf ogt, %scan3A_172#0, %scan3A_172#1 : vector<16xf32>
    %jit3A_195 = arith.constant 1 : i32
    %jit3A_196 = arith.constant 0 : i32
    %broadcast_in_dim3A_197 = vector.broadcast %jit3A_195 : i32 to vector<16xi32>
    %broadcast_in_dim3A_198 = vector.broadcast %jit3A_196 : i32 to vector<16xi32>
    %select_n3A_199 = arith.select %gt3A_194, %broadcast_in_dim3A_197, %broadcast_in_dim3A_198 : vector<16xi1>, vector<16xi32>
    %gt3A_200 = arith.cmpf ogt, %scan3A_172#2, %scan3A_172#1 : vector<16xf32>
    %jit3A_201 = arith.constant 1 : i32
    %jit3A_202 = arith.constant 0 : i32
    %broadcast_in_dim3A_203 = vector.broadcast %jit3A_201 : i32 to vector<16xi32>
    %broadcast_in_dim3A_204 = vector.broadcast %jit3A_202 : i32 to vector<16xi32>
    %select_n3A_205 = arith.select %gt3A_200, %broadcast_in_dim3A_203, %broadcast_in_dim3A_204 : vector<16xi1>, vector<16xi32>
    %add3A_206 = arith.addi %select_n3A_199, %select_n3A_205 : vector<16xi32>
    %eq3A_207 = arith.cmpf oeq, %scan3A_172#0, %scan3A_172#1 : vector<16xf32>
    %jit3A_208 = arith.constant 1 : i32
    %jit3A_209 = arith.constant 0 : i32
    %broadcast_in_dim3A_210 = vector.broadcast %jit3A_208 : i32 to vector<16xi32>
    %broadcast_in_dim3A_211 = vector.broadcast %jit3A_209 : i32 to vector<16xi32>
    %select_n3A_212 = arith.select %eq3A_207, %broadcast_in_dim3A_210, %broadcast_in_dim3A_211 : vector<16xi1>, vector<16xi32>
    %add3A_213 = arith.addi %add3A_206, %select_n3A_212 : vector<16xi32>
    %gt3A_214 = arith.cmpf ogt, %scan3A_172#0, %scan3A_172#2 : vector<16xf32>
    %jit3A_215 = arith.constant 1 : i32
    %jit3A_216 = arith.constant 0 : i32
    %broadcast_in_dim3A_217 = vector.broadcast %jit3A_215 : i32 to vector<16xi32>
    %broadcast_in_dim3A_218 = vector.broadcast %jit3A_216 : i32 to vector<16xi32>
    %select_n3A_219 = arith.select %gt3A_214, %broadcast_in_dim3A_217, %broadcast_in_dim3A_218 : vector<16xi1>, vector<16xi32>
    %gt3A_220 = arith.cmpf ogt, %scan3A_172#1, %scan3A_172#2 : vector<16xf32>
    %jit3A_221 = arith.constant 1 : i32
    %jit3A_222 = arith.constant 0 : i32
    %broadcast_in_dim3A_223 = vector.broadcast %jit3A_221 : i32 to vector<16xi32>
    %broadcast_in_dim3A_224 = vector.broadcast %jit3A_222 : i32 to vector<16xi32>
    %select_n3A_225 = arith.select %gt3A_220, %broadcast_in_dim3A_223, %broadcast_in_dim3A_224 : vector<16xi1>, vector<16xi32>
    %add3A_226 = arith.addi %select_n3A_219, %select_n3A_225 : vector<16xi32>
    %eq3A_227 = arith.cmpf oeq, %scan3A_172#0, %scan3A_172#2 : vector<16xf32>
    %jit3A_228 = arith.constant 1 : i32
    %jit3A_229 = arith.constant 0 : i32
    %broadcast_in_dim3A_230 = vector.broadcast %jit3A_228 : i32 to vector<16xi32>
    %broadcast_in_dim3A_231 = vector.broadcast %jit3A_229 : i32 to vector<16xi32>
    %select_n3A_232 = arith.select %eq3A_227, %broadcast_in_dim3A_230, %broadcast_in_dim3A_231 : vector<16xi1>, vector<16xi32>
    %add3A_233 = arith.addi %add3A_226, %select_n3A_232 : vector<16xi32>
    %eq3A_234 = arith.cmpf oeq, %scan3A_172#1, %scan3A_172#2 : vector<16xf32>
    %jit3A_235 = arith.constant 1 : i32
    %jit3A_236 = arith.constant 0 : i32
    %broadcast_in_dim3A_237 = vector.broadcast %jit3A_235 : i32 to vector<16xi32>
    %broadcast_in_dim3A_238 = vector.broadcast %jit3A_236 : i32 to vector<16xi32>
    %select_n3A_239 = arith.select %eq3A_234, %broadcast_in_dim3A_237, %broadcast_in_dim3A_238 : vector<16xi1>, vector<16xi32>
    %add3A_240 = arith.addi %add3A_233, %select_n3A_239 : vector<16xi32>
    %mul3A_241 = arith.constant 64 : i32
    %mul3A_242 = arith.muli %select_n3A_46, %mul3A_241 : i32
    %scan3A_243 = arith.constant 0 : i32
    %scan3A_244 = arith.constant 0 : i32
    %scan3A_245 = arith.constant 64 : i32
    %scan3A_246 = arith.addi %scan3A_244, %scan3A_245 : i32
    %scan3A_247 = arith.constant 8 : i32
    scf.for %scan3A_267 = %scan3A_244 to %scan3A_246 step %scan3A_247  : i32 {
      %add3A_268 = arith.addi %mul3A_242, %scan3A_267 : i32
      %mul3A_269 = arith.constant 16 : i32
      %mul3A_270 = arith.muli %add3A_268, %mul3A_269 : i32
      %get3A_271 = arith.index_cast %mul3A_270 : i32 to index
      %get3A_272 = tpu.vector_load %arg5[%get3A_271] {strides = array<i32>} : memref<2048xf32, #tpu.memory_space<vmem>>, vector<16xf32>,
      %gt3A_273 = arith.cmpf ogt, %get3A_272, %mul3A_177 : vector<16xf32>
      %jit3A_274 = arith.constant 1 : i32
      %jit3A_275 = arith.constant 0 : i32
      %broadcast_in_dim3A_276 = vector.broadcast %jit3A_274 : i32 to vector<16xi32>
      %broadcast_in_dim3A_277 = vector.broadcast %jit3A_275 : i32 to vector<16xi32>
      %select_n3A_278 = arith.select %gt3A_273, %broadcast_in_dim3A_276, %broadcast_in_dim3A_277 : vector<16xi1>, vector<16xi32>
      %gt3A_279 = arith.cmpf ogt, %get3A_272, %mul3A_181 : vector<16xf32>
      %jit3A_280 = arith.constant 1 : i32
      %jit3A_281 = arith.constant 0 : i32
      %broadcast_in_dim3A_282 = vector.broadcast %jit3A_280 : i32 to vector<16xi32>
      %broadcast_in_dim3A_283 = vector.broadcast %jit3A_281 : i32 to vector<16xi32>
      %select_n3A_284 = arith.select %gt3A_279, %broadcast_in_dim3A_282, %broadcast_in_dim3A_283 : vector<16xi1>, vector<16xi32>
      %add3A_285 = arith.addi %select_n3A_278, %select_n3A_284 : vector<16xi32>
      %eq3A_286 = arith.constant 0 : i32
      %eq3A_287 = vector.broadcast %eq3A_286 : i32 to vector<16xi32>
      %eq3A_288 = arith.cmpi eq, %add3A_285, %eq3A_287 : vector<16xi32>
      %eq3A_289 = arith.constant 1 : i32
      %eq3A_290 = vector.broadcast %eq3A_289 : i32 to vector<16xi32>
      %eq3A_291 = arith.cmpi eq, %add3A_285, %eq3A_290 : vector<16xi32>
      %select_n3A_292 = arith.select %eq3A_291, %add3A_213, %add3A_240 : vector<16xi1>, vector<16xi32>
      %select_n3A_293 = arith.select %eq3A_288, %add3A_193, %select_n3A_292 : vector<16xi1>, vector<16xi32>
      %mul3A_294 = arith.constant 16 : i32
      %mul3A_295 = arith.muli %scan3A_267, %mul3A_294 : i32
      %swap3A_296 = arith.index_cast %mul3A_295 : i32 to index
      %swap3A_297 = tpu.vector_load %arg6[%swap3A_296] {strides = array<i32>} : memref<1024xi32, #tpu.memory_space<vmem>>, vector<16xi32>,
      tpu.vector_store %arg6[%swap3A_296], %select_n3A_293 {strides = array<i32>} : memref<1024xi32, #tpu.memory_space<vmem>>, vector<16xi32>,
      %scan3A_298 = arith.constant 1 : i32
      %scan3A_299 = arith.addi %scan3A_267, %scan3A_298 : i32
      %add3A_300 = arith.addi %mul3A_242, %scan3A_299 : i32
      %mul3A_301 = arith.constant 16 : i32
      %mul3A_302 = arith.muli %add3A_300, %mul3A_301 : i32
      %get3A_303 = arith.index_cast %mul3A_302 : i32 to index
      %get3A_304 = tpu.vector_load %arg5[%get3A_303] {strides = array<i32>} : memref<2048xf32, #tpu.memory_space<vmem>>, vector<16xf32>,
      %gt3A_305 = arith.cmpf ogt, %get3A_304, %mul3A_177 : vector<16xf32>
      %jit3A_306 = arith.constant 1 : i32
      %jit3A_307 = arith.constant 0 : i32
      %broadcast_in_dim3A_308 = vector.broadcast %jit3A_306 : i32 to vector<16xi32>
      %broadcast_in_dim3A_309 = vector.broadcast %jit3A_307 : i32 to vector<16xi32>
      %select_n3A_310 = arith.select %gt3A_305, %broadcast_in_dim3A_308, %broadcast_in_dim3A_309 : vector<16xi1>, vector<16xi32>
      %gt3A_311 = arith.cmpf ogt, %get3A_304, %mul3A_181 : vector<16xf32>
      %jit3A_312 = arith.constant 1 : i32
      %jit3A_313 = arith.constant 0 : i32
      %broadcast_in_dim3A_314 = vector.broadcast %jit3A_312 : i32 to vector<16xi32>
      %broadcast_in_dim3A_315 = vector.broadcast %jit3A_313 : i32 to vector<16xi32>
      %select_n3A_316 = arith.select %gt3A_311, %broadcast_in_dim3A_314, %broadcast_in_dim3A_315 : vector<16xi1>, vector<16xi32>
      %add3A_317 = arith.addi %select_n3A_310, %select_n3A_316 : vector<16xi32>
      %eq3A_318 = arith.constant 0 : i32
      %eq3A_319 = vector.broadcast %eq3A_318 : i32 to vector<16xi32>
      %eq3A_320 = arith.cmpi eq, %add3A_317, %eq3A_319 : vector<16xi32>
      %eq3A_321 = arith.constant 1 : i32
      %eq3A_322 = vector.broadcast %eq3A_321 : i32 to vector<16xi32>
      %eq3A_323 = arith.cmpi eq, %add3A_317, %eq3A_322 : vector<16xi32>
      %select_n3A_324 = arith.select %eq3A_323, %add3A_213, %add3A_240 : vector<16xi1>, vector<16xi32>
      %select_n3A_325 = arith.select %eq3A_320, %add3A_193, %select_n3A_324 : vector<16xi1>, vector<16xi32>
      %mul3A_326 = arith.constant 16 : i32
      %mul3A_327 = arith.muli %scan3A_299, %mul3A_326 : i32
      %swap3A_328 = arith.index_cast %mul3A_327 : i32 to index
      %swap3A_329 = tpu.vector_load %arg6[%swap3A_328] {strides = array<i32>} : memref<1024xi32, #tpu.memory_space<vmem>>, vector<16xi32>,
      tpu.vector_store %arg6[%swap3A_328], %select_n3A_325 {strides = array<i32>} : memref<1024xi32, #tpu.memory_space<vmem>>, vector<16xi32>,
      %scan3A_330 = arith.constant 2 : i32
      %scan3A_331 = arith.addi %scan3A_267, %scan3A_330 : i32
      %add3A_332 = arith.addi %mul3A_242, %scan3A_331 : i32
      %mul3A_333 = arith.constant 16 : i32
      %mul3A_334 = arith.muli %add3A_332, %mul3A_333 : i32
      %get3A_335 = arith.index_cast %mul3A_334 : i32 to index
      %get3A_336 = tpu.vector_load %arg5[%get3A_335] {strides = array<i32>} : memref<2048xf32, #tpu.memory_space<vmem>>, vector<16xf32>,
      %gt3A_337 = arith.cmpf ogt, %get3A_336, %mul3A_177 : vector<16xf32>
      %jit3A_338 = arith.constant 1 : i32
      %jit3A_339 = arith.constant 0 : i32
      %broadcast_in_dim3A_340 = vector.broadcast %jit3A_338 : i32 to vector<16xi32>
      %broadcast_in_dim3A_341 = vector.broadcast %jit3A_339 : i32 to vector<16xi32>
      %select_n3A_342 = arith.select %gt3A_337, %broadcast_in_dim3A_340, %broadcast_in_dim3A_341 : vector<16xi1>, vector<16xi32>
      %gt3A_343 = arith.cmpf ogt, %get3A_336, %mul3A_181 : vector<16xf32>
      %jit3A_344 = arith.constant 1 : i32
      %jit3A_345 = arith.constant 0 : i32
      %broadcast_in_dim3A_346 = vector.broadcast %jit3A_344 : i32 to vector<16xi32>
      %broadcast_in_dim3A_347 = vector.broadcast %jit3A_345 : i32 to vector<16xi32>
      %select_n3A_348 = arith.select %gt3A_343, %broadcast_in_dim3A_346, %broadcast_in_dim3A_347 : vector<16xi1>, vector<16xi32>
      %add3A_349 = arith.addi %select_n3A_342, %select_n3A_348 : vector<16xi32>
      %eq3A_350 = arith.constant 0 : i32
      %eq3A_351 = vector.broadcast %eq3A_350 : i32 to vector<16xi32>
      %eq3A_352 = arith.cmpi eq, %add3A_349, %eq3A_351 : vector<16xi32>
      %eq3A_353 = arith.constant 1 : i32
      %eq3A_354 = vector.broadcast %eq3A_353 : i32 to vector<16xi32>
      %eq3A_355 = arith.cmpi eq, %add3A_349, %eq3A_354 : vector<16xi32>
      %select_n3A_356 = arith.select %eq3A_355, %add3A_213, %add3A_240 : vector<16xi1>, vector<16xi32>
      %select_n3A_357 = arith.select %eq3A_352, %add3A_193, %select_n3A_356 : vector<16xi1>, vector<16xi32>
      %mul3A_358 = arith.constant 16 : i32
      %mul3A_359 = arith.muli %scan3A_331, %mul3A_358 : i32
      %swap3A_360 = arith.index_cast %mul3A_359 : i32 to index
      %swap3A_361 = tpu.vector_load %arg6[%swap3A_360] {strides = array<i32>} : memref<1024xi32, #tpu.memory_space<vmem>>, vector<16xi32>,
      tpu.vector_store %arg6[%swap3A_360], %select_n3A_357 {strides = array<i32>} : memref<1024xi32, #tpu.memory_space<vmem>>, vector<16xi32>,
      %scan3A_362 = arith.constant 3 : i32
      %scan3A_363 = arith.addi %scan3A_267, %scan3A_362 : i32
      %add3A_364 = arith.addi %mul3A_242, %scan3A_363 : i32
      %mul3A_365 = arith.constant 16 : i32
      %mul3A_366 = arith.muli %add3A_364, %mul3A_365 : i32
      %get3A_367 = arith.index_cast %mul3A_366 : i32 to index
      %get3A_368 = tpu.vector_load %arg5[%get3A_367] {strides = array<i32>} : memref<2048xf32, #tpu.memory_space<vmem>>, vector<16xf32>,
      %gt3A_369 = arith.cmpf ogt, %get3A_368, %mul3A_177 : vector<16xf32>
      %jit3A_370 = arith.constant 1 : i32
      %jit3A_371 = arith.constant 0 : i32
      %broadcast_in_dim3A_372 = vector.broadcast %jit3A_370 : i32 to vector<16xi32>
      %broadcast_in_dim3A_373 = vector.broadcast %jit3A_371 : i32 to vector<16xi32>
      %select_n3A_374 = arith.select %gt3A_369, %broadcast_in_dim3A_372, %broadcast_in_dim3A_373 : vector<16xi1>, vector<16xi32>
      %gt3A_375 = arith.cmpf ogt, %get3A_368, %mul3A_181 : vector<16xf32>
      %jit3A_376 = arith.constant 1 : i32
      %jit3A_377 = arith.constant 0 : i32
      %broadcast_in_dim3A_378 = vector.broadcast %jit3A_376 : i32 to vector<16xi32>
      %broadcast_in_dim3A_379 = vector.broadcast %jit3A_377 : i32 to vector<16xi32>
      %select_n3A_380 = arith.select %gt3A_375, %broadcast_in_dim3A_378, %broadcast_in_dim3A_379 : vector<16xi1>, vector<16xi32>
      %add3A_381 = arith.addi %select_n3A_374, %select_n3A_380 : vector<16xi32>
      %eq3A_382 = arith.constant 0 : i32
      %eq3A_383 = vector.broadcast %eq3A_382 : i32 to vector<16xi32>
      %eq3A_384 = arith.cmpi eq, %add3A_381, %eq3A_383 : vector<16xi32>
      %eq3A_385 = arith.constant 1 : i32
      %eq3A_386 = vector.broadcast %eq3A_385 : i32 to vector<16xi32>
      %eq3A_387 = arith.cmpi eq, %add3A_381, %eq3A_386 : vector<16xi32>
      %select_n3A_388 = arith.select %eq3A_387, %add3A_213, %add3A_240 : vector<16xi1>, vector<16xi32>
      %select_n3A_389 = arith.select %eq3A_384, %add3A_193, %select_n3A_388 : vector<16xi1>, vector<16xi32>
      %mul3A_390 = arith.constant 16 : i32
      %mul3A_391 = arith.muli %scan3A_363, %mul3A_390 : i32
      %swap3A_392 = arith.index_cast %mul3A_391 : i32 to index
      %swap3A_393 = tpu.vector_load %arg6[%swap3A_392] {strides = array<i32>} : memref<1024xi32, #tpu.memory_space<vmem>>, vector<16xi32>,
      tpu.vector_store %arg6[%swap3A_392], %select_n3A_389 {strides = array<i32>} : memref<1024xi32, #tpu.memory_space<vmem>>, vector<16xi32>,
      %scan3A_394 = arith.constant 4 : i32
      %scan3A_395 = arith.addi %scan3A_267, %scan3A_394 : i32
      %add3A_396 = arith.addi %mul3A_242, %scan3A_395 : i32
      %mul3A_397 = arith.constant 16 : i32
      %mul3A_398 = arith.muli %add3A_396, %mul3A_397 : i32
      %get3A_399 = arith.index_cast %mul3A_398 : i32 to index
      %get3A_400 = tpu.vector_load %arg5[%get3A_399] {strides = array<i32>} : memref<2048xf32, #tpu.memory_space<vmem>>, vector<16xf32>,
      %gt3A_401 = arith.cmpf ogt, %get3A_400, %mul3A_177 : vector<16xf32>
      %jit3A_402 = arith.constant 1 : i32
      %jit3A_403 = arith.constant 0 : i32
      %broadcast_in_dim3A_404 = vector.broadcast %jit3A_402 : i32 to vector<16xi32>
      %broadcast_in_dim3A_405 = vector.broadcast %jit3A_403 : i32 to vector<16xi32>
      %select_n3A_406 = arith.select %gt3A_401, %broadcast_in_dim3A_404, %broadcast_in_dim3A_405 : vector<16xi1>, vector<16xi32>
      %gt3A_407 = arith.cmpf ogt, %get3A_400, %mul3A_181 : vector<16xf32>
      %jit3A_408 = arith.constant 1 : i32
      %jit3A_409 = arith.constant 0 : i32
      %broadcast_in_dim3A_410 = vector.broadcast %jit3A_408 : i32 to vector<16xi32>
      %broadcast_in_dim3A_411 = vector.broadcast %jit3A_409 : i32 to vector<16xi32>
      %select_n3A_412 = arith.select %gt3A_407, %broadcast_in_dim3A_410, %broadcast_in_dim3A_411 : vector<16xi1>, vector<16xi32>
      %add3A_413 = arith.addi %select_n3A_406, %select_n3A_412 : vector<16xi32>
      %eq3A_414 = arith.constant 0 : i32
      %eq3A_415 = vector.broadcast %eq3A_414 : i32 to vector<16xi32>
      %eq3A_416 = arith.cmpi eq, %add3A_413, %eq3A_415 : vector<16xi32>
      %eq3A_417 = arith.constant 1 : i32
      %eq3A_418 = vector.broadcast %eq3A_417 : i32 to vector<16xi32>
      %eq3A_419 = arith.cmpi eq, %add3A_413, %eq3A_418 : vector<16xi32>
      %select_n3A_420 = arith.select %eq3A_419, %add3A_213, %add3A_240 : vector<16xi1>, vector<16xi32>
      %select_n3A_421 = arith.select %eq3A_416, %add3A_193, %select_n3A_420 : vector<16xi1>, vector<16xi32>
      %mul3A_422 = arith.constant 16 : i32
      %mul3A_423 = arith.muli %scan3A_395, %mul3A_422 : i32
      %swap3A_424 = arith.index_cast %mul3A_423 : i32 to index
      %swap3A_425 = tpu.vector_load %arg6[%swap3A_424] {strides = array<i32>} : memref<1024xi32, #tpu.memory_space<vmem>>, vector<16xi32>,
      tpu.vector_store %arg6[%swap3A_424], %select_n3A_421 {strides = array<i32>} : memref<1024xi32, #tpu.memory_space<vmem>>, vector<16xi32>,
      %scan3A_426 = arith.constant 5 : i32
      %scan3A_427 = arith.addi %scan3A_267, %scan3A_426 : i32
      %add3A_428 = arith.addi %mul3A_242, %scan3A_427 : i32
      %mul3A_429 = arith.constant 16 : i32
      %mul3A_430 = arith.muli %add3A_428, %mul3A_429 : i32
      %get3A_431 = arith.index_cast %mul3A_430 : i32 to index
      %get3A_432 = tpu.vector_load %arg5[%get3A_431] {strides = array<i32>} : memref<2048xf32, #tpu.memory_space<vmem>>, vector<16xf32>,
      %gt3A_433 = arith.cmpf ogt, %get3A_432, %mul3A_177 : vector<16xf32>
      %jit3A_434 = arith.constant 1 : i32
      %jit3A_435 = arith.constant 0 : i32
      %broadcast_in_dim3A_436 = vector.broadcast %jit3A_434 : i32 to vector<16xi32>
      %broadcast_in_dim3A_437 = vector.broadcast %jit3A_435 : i32 to vector<16xi32>
      %select_n3A_438 = arith.select %gt3A_433, %broadcast_in_dim3A_436, %broadcast_in_dim3A_437 : vector<16xi1>, vector<16xi32>
      %gt3A_439 = arith.cmpf ogt, %get3A_432, %mul3A_181 : vector<16xf32>
      %jit3A_440 = arith.constant 1 : i32
      %jit3A_441 = arith.constant 0 : i32
      %broadcast_in_dim3A_442 = vector.broadcast %jit3A_440 : i32 to vector<16xi32>
      %broadcast_in_dim3A_443 = vector.broadcast %jit3A_441 : i32 to vector<16xi32>
      %select_n3A_444 = arith.select %gt3A_439, %broadcast_in_dim3A_442, %broadcast_in_dim3A_443 : vector<16xi1>, vector<16xi32>
      %add3A_445 = arith.addi %select_n3A_438, %select_n3A_444 : vector<16xi32>
      %eq3A_446 = arith.constant 0 : i32
      %eq3A_447 = vector.broadcast %eq3A_446 : i32 to vector<16xi32>
      %eq3A_448 = arith.cmpi eq, %add3A_445, %eq3A_447 : vector<16xi32>
      %eq3A_449 = arith.constant 1 : i32
      %eq3A_450 = vector.broadcast %eq3A_449 : i32 to vector<16xi32>
      %eq3A_451 = arith.cmpi eq, %add3A_445, %eq3A_450 : vector<16xi32>
      %select_n3A_452 = arith.select %eq3A_451, %add3A_213, %add3A_240 : vector<16xi1>, vector<16xi32>
      %select_n3A_453 = arith.select %eq3A_448, %add3A_193, %select_n3A_452 : vector<16xi1>, vector<16xi32>
      %mul3A_454 = arith.constant 16 : i32
      %mul3A_455 = arith.muli %scan3A_427, %mul3A_454 : i32
      %swap3A_456 = arith.index_cast %mul3A_455 : i32 to index
      %swap3A_457 = tpu.vector_load %arg6[%swap3A_456] {strides = array<i32>} : memref<1024xi32, #tpu.memory_space<vmem>>, vector<16xi32>,
      tpu.vector_store %arg6[%swap3A_456], %select_n3A_453 {strides = array<i32>} : memref<1024xi32, #tpu.memory_space<vmem>>, vector<16xi32>,
      %scan3A_458 = arith.constant 6 : i32
      %scan3A_459 = arith.addi %scan3A_267, %scan3A_458 : i32
      %add3A_460 = arith.addi %mul3A_242, %scan3A_459 : i32
      %mul3A_461 = arith.constant 16 : i32
      %mul3A_462 = arith.muli %add3A_460, %mul3A_461 : i32
      %get3A_463 = arith.index_cast %mul3A_462 : i32 to index
      %get3A_464 = tpu.vector_load %arg5[%get3A_463] {strides = array<i32>} : memref<2048xf32, #tpu.memory_space<vmem>>, vector<16xf32>,
      %gt3A_465 = arith.cmpf ogt, %get3A_464, %mul3A_177 : vector<16xf32>
      %jit3A_466 = arith.constant 1 : i32
      %jit3A_467 = arith.constant 0 : i32
      %broadcast_in_dim3A_468 = vector.broadcast %jit3A_466 : i32 to vector<16xi32>
      %broadcast_in_dim3A_469 = vector.broadcast %jit3A_467 : i32 to vector<16xi32>
      %select_n3A_470 = arith.select %gt3A_465, %broadcast_in_dim3A_468, %broadcast_in_dim3A_469 : vector<16xi1>, vector<16xi32>
      %gt3A_471 = arith.cmpf ogt, %get3A_464, %mul3A_181 : vector<16xf32>
      %jit3A_472 = arith.constant 1 : i32
      %jit3A_473 = arith.constant 0 : i32
      %broadcast_in_dim3A_474 = vector.broadcast %jit3A_472 : i32 to vector<16xi32>
      %broadcast_in_dim3A_475 = vector.broadcast %jit3A_473 : i32 to vector<16xi32>
      %select_n3A_476 = arith.select %gt3A_471, %broadcast_in_dim3A_474, %broadcast_in_dim3A_475 : vector<16xi1>, vector<16xi32>
      %add3A_477 = arith.addi %select_n3A_470, %select_n3A_476 : vector<16xi32>
      %eq3A_478 = arith.constant 0 : i32
      %eq3A_479 = vector.broadcast %eq3A_478 : i32 to vector<16xi32>
      %eq3A_480 = arith.cmpi eq, %add3A_477, %eq3A_479 : vector<16xi32>
      %eq3A_481 = arith.constant 1 : i32
      %eq3A_482 = vector.broadcast %eq3A_481 : i32 to vector<16xi32>
      %eq3A_483 = arith.cmpi eq, %add3A_477, %eq3A_482 : vector<16xi32>
      %select_n3A_484 = arith.select %eq3A_483, %add3A_213, %add3A_240 : vector<16xi1>, vector<16xi32>
      %select_n3A_485 = arith.select %eq3A_480, %add3A_193, %select_n3A_484 : vector<16xi1>, vector<16xi32>
      %mul3A_486 = arith.constant 16 : i32
      %mul3A_487 = arith.muli %scan3A_459, %mul3A_486 : i32
      %swap3A_488 = arith.index_cast %mul3A_487 : i32 to index
      %swap3A_489 = tpu.vector_load %arg6[%swap3A_488] {strides = array<i32>} : memref<1024xi32, #tpu.memory_space<vmem>>, vector<16xi32>,
      tpu.vector_store %arg6[%swap3A_488], %select_n3A_485 {strides = array<i32>} : memref<1024xi32, #tpu.memory_space<vmem>>, vector<16xi32>,
      %scan3A_490 = arith.constant 7 : i32
      %scan3A_491 = arith.addi %scan3A_267, %scan3A_490 : i32
      %add3A_492 = arith.addi %mul3A_242, %scan3A_491 : i32
      %mul3A_493 = arith.constant 16 : i32
      %mul3A_494 = arith.muli %add3A_492, %mul3A_493 : i32
      %get3A_495 = arith.index_cast %mul3A_494 : i32 to index
      %get3A_496 = tpu.vector_load %arg5[%get3A_495] {strides = array<i32>} : memref<2048xf32, #tpu.memory_space<vmem>>, vector<16xf32>,
      %gt3A_497 = arith.cmpf ogt, %get3A_496, %mul3A_177 : vector<16xf32>
      %jit3A_498 = arith.constant 1 : i32
      %jit3A_499 = arith.constant 0 : i32
      %broadcast_in_dim3A_500 = vector.broadcast %jit3A_498 : i32 to vector<16xi32>
      %broadcast_in_dim3A_501 = vector.broadcast %jit3A_499 : i32 to vector<16xi32>
      %select_n3A_502 = arith.select %gt3A_497, %broadcast_in_dim3A_500, %broadcast_in_dim3A_501 : vector<16xi1>, vector<16xi32>
      %gt3A_503 = arith.cmpf ogt, %get3A_496, %mul3A_181 : vector<16xf32>
      %jit3A_504 = arith.constant 1 : i32
      %jit3A_505 = arith.constant 0 : i32
      %broadcast_in_dim3A_506 = vector.broadcast %jit3A_504 : i32 to vector<16xi32>
      %broadcast_in_dim3A_507 = vector.broadcast %jit3A_505 : i32 to vector<16xi32>
      %select_n3A_508 = arith.select %gt3A_503, %broadcast_in_dim3A_506, %broadcast_in_dim3A_507 : vector<16xi1>, vector<16xi32>
      %add3A_509 = arith.addi %select_n3A_502, %select_n3A_508 : vector<16xi32>
      %eq3A_510 = arith.constant 0 : i32
      %eq3A_511 = vector.broadcast %eq3A_510 : i32 to vector<16xi32>
      %eq3A_512 = arith.cmpi eq, %add3A_509, %eq3A_511 : vector<16xi32>
      %eq3A_513 = arith.constant 1 : i32
      %eq3A_514 = vector.broadcast %eq3A_513 : i32 to vector<16xi32>
      %eq3A_515 = arith.cmpi eq, %add3A_509, %eq3A_514 : vector<16xi32>
      %select_n3A_516 = arith.select %eq3A_515, %add3A_213, %add3A_240 : vector<16xi1>, vector<16xi32>
      %select_n3A_517 = arith.select %eq3A_512, %add3A_193, %select_n3A_516 : vector<16xi1>, vector<16xi32>
      %mul3A_518 = arith.constant 16 : i32
      %mul3A_519 = arith.muli %scan3A_491, %mul3A_518 : i32
      %swap3A_520 = arith.index_cast %mul3A_519 : i32 to index
      %swap3A_521 = tpu.vector_load %arg6[%swap3A_520] {strides = array<i32>} : memref<1024xi32, #tpu.memory_space<vmem>>, vector<16xi32>,
      tpu.vector_store %arg6[%swap3A_520], %select_n3A_517 {strides = array<i32>} : memref<1024xi32, #tpu.memory_space<vmem>>, vector<16xi32>,
    }
    %scan3A_248 = arith.constant 64 : i32
    %mul3A_249 = arith.constant 2048 : i32
    %mul3A_250 = arith.muli %add3A_30, %mul3A_249 : i32
    %mul3A_251 = arith.constant 1024 : i32
    %mul3A_252 = arith.muli %select_n3A_46, %mul3A_251 : i32
    %add3A_253 = arith.addi %mul3A_250, %mul3A_252 : i32
    %convert_element_type3A_254 = arith.extui %lt3A_49 : i1 to i32
    %cond3A = arith.constant 0 : i32
    %cond3A_255 = arith.cmpi ne, %convert_element_type3A_254, %cond3A : i32
    scf.if %cond3A_255 {
      "tpu.region"() ({
        %run_scoped3A = tpu.sem_alloc : memref<!tpu.dma_semaphore, #tpu.memory_space<semaphore_mem>>
        %dma_start3A = tpu.memref_slice %arg3[%add3A_253] : memref<16384xi32, #tpu.memory_space<hbm>> -> memref<1024xi32, #tpu.memory_space<hbm>>
        %dma_start3A_267 = tpu.memref_slice %arg3[%add3A_253] : memref<16384xi32, #tpu.memory_space<hbm>> -> memref<1024xi32, #tpu.memory_space<hbm>>
        tpu.enqueue_dma source(%arg6 : memref<1024xi32, #tpu.memory_space<vmem>>) target(%dma_start3A_267 : memref<1024xi32, #tpu.memory_space<hbm>>) target_semaphore(%run_scoped3A : memref<!tpu.dma_semaphore, #tpu.memory_space<semaphore_mem>>)
        %dma_wait3A = tpu.memref_slice %arg3[%add3A_253] : memref<16384xi32, #tpu.memory_space<hbm>> -> memref<1024xi32, #tpu.memory_space<hbm>>
        %dma_wait3A_268 = tpu.memref_slice %arg3[%add3A_253] : memref<16384xi32, #tpu.memory_space<hbm>> -> memref<1024xi32, #tpu.memory_space<hbm>>
        tpu.wait_dma2 semaphore(%run_scoped3A : memref<!tpu.dma_semaphore, #tpu.memory_space<semaphore_mem>>) src(%arg6 : memref<1024xi32, #tpu.memory_space<vmem>>) dst(%dma_wait3A_268 : memref<1024xi32, #tpu.memory_space<hbm>>)
        tpu.yield
      }) : () -> ()
    } else {
    }
    %mul3A_256 = arith.constant 2 : i32
    %mul3A_257 = arith.muli %arg1, %mul3A_256 : i32
    %add3A_258 = arith.addi %mul3A_257, %arg0 : i32
    %scan3A_259 = arith.constant 0 : i32
    %scan3A_260 = arith.constant 0 : i32
    %scan3A_261 = arith.constant 8 : i32
    %scan3A_262 = arith.addi %scan3A_260, %scan3A_261 : i32
    %scan3A_263 = arith.constant 1 : i32
    scf.for %scan3A_267 = %scan3A_260 to %scan3A_262 step %scan3A_263  : i32 {
      %broadcast_in_dim3A_268 = arith.constant 0.000000e+00 : f32
      %broadcast_in_dim3A_269 = vector.broadcast %broadcast_in_dim3A_268 : f32 to vector<16xf32>
      %mul3A_270 = arith.constant 16 : i32
      %mul3A_271 = arith.muli %scan3A_267, %mul3A_270 : i32
      %swap3A_272 = arith.index_cast %mul3A_271 : i32 to index
      %swap3A_273 = tpu.vector_load %arg9[%swap3A_272] {strides = array<i32>} : memref<128xf32, #tpu.memory_space<vmem>>, vector<16xf32>,
      tpu.vector_store %arg9[%swap3A_272], %broadcast_in_dim3A_269 {strides = array<i32>} : memref<128xf32, #tpu.memory_space<vmem>>, vector<16xf32>,
    }
    %scan3A_264 = arith.constant 8 : i32
    %mul3A_265 = arith.constant 128 : i32
    %mul3A_266 = arith.muli %add3A_258, %mul3A_265 : i32
    "tpu.region"() ({
      %run_scoped3A = tpu.sem_alloc : memref<!tpu.dma_semaphore, #tpu.memory_space<semaphore_mem>>
      %dma_start3A = tpu.memref_slice %arg4[%mul3A_266] : memref<4096xf32, #tpu.memory_space<hbm>> -> memref<128xf32, #tpu.memory_space<hbm>>
      %dma_start3A_267 = tpu.memref_slice %arg4[%mul3A_266] : memref<4096xf32, #tpu.memory_space<hbm>> -> memref<128xf32, #tpu.memory_space<hbm>>
      tpu.enqueue_dma source(%arg9 : memref<128xf32, #tpu.memory_space<vmem>>) target(%dma_start3A_267 : memref<128xf32, #tpu.memory_space<hbm>>) target_semaphore(%run_scoped3A : memref<!tpu.dma_semaphore, #tpu.memory_space<semaphore_mem>>)
      %dma_wait3A = tpu.memref_slice %arg4[%mul3A_266] : memref<4096xf32, #tpu.memory_space<hbm>> -> memref<128xf32, #tpu.memory_space<hbm>>
      %dma_wait3A_268 = tpu.memref_slice %arg4[%mul3A_266] : memref<4096xf32, #tpu.memory_space<hbm>> -> memref<128xf32, #tpu.memory_space<hbm>>
      tpu.wait_dma2 semaphore(%run_scoped3A : memref<!tpu.dma_semaphore, #tpu.memory_space<semaphore_mem>>) src(%arg9 : memref<128xf32, #tpu.memory_space<vmem>>) dst(%dma_wait3A_268 : memref<128xf32, #tpu.memory_space<hbm>>)
      tpu.yield
    }) : () -> ()
    return
  }
}

module attributes {stable_mosaic.version = 14 : i64} {
  func.func @_heatmap_body(%arg0: i32, %arg1: memref<1x2048x256xf32, #tpu.memory_space<vmem>>, %arg2: memref<2048xf32, #tpu.memory_space<vmem>>) attributes {dimension_semantics = [#tpu.dimension_semantics<arbitrary>], iteration_bounds = array<i64: 8>, scalar_prefetch = 0 : i64, scratch_operands = 0 : i64, tpu.core_type = #tpu.core_type<tc>, window_params = [{transform_indices = @transform_0, window_bounds = array<i64: 1, 2048, 256>}, {transform_indices = @transform_1, window_bounds = array<i64: 2048>}]} {
    %get3A = arith.constant 0 : index
    %get3A_0 = arith.constant 0 : index
    %get3A_1 = arith.constant 0 : index
    %get3A_2 = vector.load %arg1[%get3A, %get3A_0, %get3A_1] : memref<1x2048x256xf32, #tpu.memory_space<vmem>>, vector<1x2048x256xf32>
    %get3A_3 = vector.shape_cast %get3A_2 : vector<1x2048x256xf32> to vector<2048x256xf32>
    %reduce_sum3A = arith.constant dense<0.000000e+00> : vector<2048xf32>
    %reduce_sum3A_4 = vector.multi_reduction <add>, %get3A_3, %reduce_sum3A [1] : vector<2048x256xf32> to vector<2048xf32>
    %mul3A = arith.constant 3.906250e-03 : f32
    %mul3A_5 = vector.broadcast %mul3A : f32 to vector<2048xf32>
    %mul3A_6 = arith.mulf %reduce_sum3A_4, %mul3A_5 : vector<2048xf32>
    %swap3A = arith.constant 0 : index
    %swap3A_7 = vector.load %arg2[%swap3A] : memref<2048xf32, #tpu.memory_space<vmem>>, vector<2048xf32>
    tpu.vector_store %arg2[%swap3A], %mul3A_6 {strides = array<i32>} : memref<2048xf32, #tpu.memory_space<vmem>>, vector<2048xf32>,
    return
  }
  func.func @transform_0(%arg0: i32) -> (i32, i32, i32) {
    %add3A = arith.constant 8 : i32
    %add3A_0 = arith.addi %arg0, %add3A : i32
    %c0_i32 = arith.constant 0 : i32
    %c0_i32_1 = arith.constant 0 : i32
    %c0_i32_2 = arith.constant 0 : i32
    return %add3A_0, %c0_i32, %c0_i32_1 : i32, i32, i32
  }
  func.func @transform_1(%arg0: i32) -> i32 {
    %c0_i32 = arith.constant 0 : i32
    return %arg0 : i32
  }
}

module attributes {stable_mosaic.version = 14 : i64} {
  func.func @_pool_body(%arg0: i32, %arg1: memref<1x2048x256xf32, #tpu.memory_space<vmem>>, %arg2: memref<1x1x2048xi32, #tpu.memory_space<vmem>>, %arg3: memref<1x3x256xf32, #tpu.memory_space<vmem>>) attributes {dimension_semantics = [#tpu.dimension_semantics<arbitrary>], iteration_bounds = array<i64: 8>, scalar_prefetch = 0 : i64, scratch_operands = 0 : i64, tpu.core_type = #tpu.core_type<tc>, window_params = [{transform_indices = @transform_0, window_bounds = array<i64: 1, 2048, 256>}, {transform_indices = @transform_1, window_bounds = array<i64: 1, 1, 2048>}, {transform_indices = @transform_2, window_bounds = array<i64: 1, 3, 256>}]} {
    %get3A = arith.constant 0 : index
    %get3A_0 = arith.constant 0 : index
    %get3A_1 = arith.constant 0 : index
    %get3A_2 = vector.load %arg2[%get3A, %get3A_0, %get3A_1] : memref<1x1x2048xi32, #tpu.memory_space<vmem>>, vector<1x1x2048xi32>
    %get3A_3 = vector.shape_cast %get3A_2 : vector<1x1x2048xi32> to vector<2048xi32>
    %broadcast_in_dim3A = vector.shape_cast %get3A_3 : vector<2048xi32> to vector<1x2048xi32>
    %iota3A = tpu.iota {dimensions = array<i32: 0>} : vector<3x2048xi32>
    %eq3A = vector.broadcast %broadcast_in_dim3A : vector<1x2048xi32> to vector<3x2048xi32>
    %eq3A_4 = arith.cmpi eq, %eq3A, %iota3A : vector<3x2048xi32>
    %jit3A = arith.constant 1.000000e+00 : f32
    %jit3A_5 = arith.constant 0.000000e+00 : f32
    %broadcast_in_dim3A_6 = vector.broadcast %jit3A : f32 to vector<3x2048xf32>
    %broadcast_in_dim3A_7 = vector.broadcast %jit3A_5 : f32 to vector<3x2048xf32>
    %select_n3A = arith.select %eq3A_4, %broadcast_in_dim3A_6, %broadcast_in_dim3A_7 : vector<3x2048xi1>, vector<3x2048xf32>
    %get3A_8 = arith.constant 0 : index
    %get3A_9 = arith.constant 0 : index
    %get3A_10 = arith.constant 0 : index
    %get3A_11 = vector.load %arg1[%get3A_8, %get3A_9, %get3A_10] : memref<1x2048x256xf32, #tpu.memory_space<vmem>>, vector<1x2048x256xf32>
    %get3A_12 = vector.shape_cast %get3A_11 : vector<1x2048x256xf32> to vector<2048x256xf32>
    %dot_general3A = arith.constant dense<0.000000e+00> : vector<3x256xf32>
    %dot_general3A_13 = tpu.matmul %select_n3A, %get3A_12, %dot_general3A {dimension_numbers = #tpu.dot_dimension_numbers<[1], [0], [0], [1], [0, 0, 1, 1], [], []>, precision = #tpu.contract_precision<fp32>, transpose_lhs_hint = false} : vector<3x2048xf32>, vector<2048x256xf32>, vector<3x256xf32> -> vector<3x256xf32>
    %reduce_sum3A = arith.constant dense<0.000000e+00> : vector<3xf32>
    %reduce_sum3A_14 = vector.multi_reduction <add>, %select_n3A, %reduce_sum3A [1] : vector<3x2048xf32> to vector<3xf32>
    %broadcast_in_dim3A_15 = vector.shape_cast %reduce_sum3A_14 : vector<3xf32> to vector<3x1xf32>
    %max3A = arith.constant 1.000000e+00 : f32
    %max3A_16 = vector.broadcast %max3A : f32 to vector<3x1xf32>
    %max3A_17 = arith.maximumf %broadcast_in_dim3A_15, %max3A_16 : vector<3x1xf32>
    %div3A = vector.broadcast %max3A_17 : vector<3x1xf32> to vector<3x256xf32>
    %div3A_18 = arith.divf %dot_general3A_13, %div3A : vector<3x256xf32>
    %swap3A = arith.constant 0 : index
    %swap3A_19 = arith.constant 0 : index
    %swap3A_20 = arith.constant 0 : index
    %swap3A_21 = vector.load %arg3[%swap3A, %swap3A_19, %swap3A_20] : memref<1x3x256xf32, #tpu.memory_space<vmem>>, vector<1x3x256xf32>
    %swap3A_22 = vector.shape_cast %swap3A_21 : vector<1x3x256xf32> to vector<3x256xf32>
    %swap3A_23 = vector.shape_cast %div3A_18 : vector<3x256xf32> to vector<1x3x256xf32>
    tpu.vector_store %arg3[%swap3A, %swap3A_19, %swap3A_20], %swap3A_23 {strides = array<i32>} : memref<1x3x256xf32, #tpu.memory_space<vmem>>, vector<1x3x256xf32>,
    return
  }
  func.func @transform_0(%arg0: i32) -> (i32, i32, i32) {
    %add3A = arith.constant 0 : i32
    %add3A_0 = arith.addi %arg0, %add3A : i32
    %c0_i32 = arith.constant 0 : i32
    %c0_i32_1 = arith.constant 0 : i32
    %c0_i32_2 = arith.constant 0 : i32
    return %add3A_0, %c0_i32, %c0_i32_1 : i32, i32, i32
  }
  func.func @transform_1(%arg0: i32) -> (i32, i32, i32) {
    %c0_i32 = arith.constant 0 : i32
    %c0_i32_0 = arith.constant 0 : i32
    %c0_i32_1 = arith.constant 0 : i32
    return %arg0, %c0_i32, %c0_i32_0 : i32, i32, i32
  }
  func.func @transform_2(%arg0: i32) -> (i32, i32, i32) {
    %c0_i32 = arith.constant 0 : i32
    %c0_i32_0 = arith.constant 0 : i32
    %c0_i32_1 = arith.constant 0 : i32
    return %arg0, %c0_i32, %c0_i32_0 : i32, i32, i32
  }
}

module attributes {stable_mosaic.version = 14 : i64} {
  func.func @_heatmap_body(%arg0: i32, %arg1: memref<1x2048x256xf32, #tpu.memory_space<vmem>>, %arg2: memref<2048xf32, #tpu.memory_space<vmem>>) attributes {dimension_semantics = [#tpu.dimension_semantics<arbitrary>], iteration_bounds = array<i64: 8>, scalar_prefetch = 0 : i64, scratch_operands = 0 : i64, tpu.core_type = #tpu.core_type<tc>, window_params = [{transform_indices = @transform_0, window_bounds = array<i64: 1, 2048, 256>}, {transform_indices = @transform_1, window_bounds = array<i64: 2048>}]} {
    %get3A = arith.constant 0 : index
    %get3A_0 = arith.constant 0 : index
    %get3A_1 = arith.constant 0 : index
    %get3A_2 = vector.load %arg1[%get3A, %get3A_0, %get3A_1] : memref<1x2048x256xf32, #tpu.memory_space<vmem>>, vector<1x2048x256xf32>
    %get3A_3 = vector.shape_cast %get3A_2 : vector<1x2048x256xf32> to vector<2048x256xf32>
    %reduce_sum3A = arith.constant dense<0.000000e+00> : vector<2048xf32>
    %reduce_sum3A_4 = vector.multi_reduction <add>, %get3A_3, %reduce_sum3A [1] : vector<2048x256xf32> to vector<2048xf32>
    %mul3A = arith.constant 3.906250e-03 : f32
    %mul3A_5 = vector.broadcast %mul3A : f32 to vector<2048xf32>
    %mul3A_6 = arith.mulf %reduce_sum3A_4, %mul3A_5 : vector<2048xf32>
    %swap3A = arith.constant 0 : index
    %swap3A_7 = vector.load %arg2[%swap3A] : memref<2048xf32, #tpu.memory_space<vmem>>, vector<2048xf32>
    tpu.vector_store %arg2[%swap3A], %mul3A_6 {strides = array<i32>} : memref<2048xf32, #tpu.memory_space<vmem>>, vector<2048xf32>,
    return
  }
  func.func @transform_0(%arg0: i32) -> (i32, i32, i32) {
    %add3A = arith.constant 0 : i32
    %add3A_0 = arith.addi %arg0, %add3A : i32
    %c0_i32 = arith.constant 0 : i32
    %c0_i32_1 = arith.constant 0 : i32
    %c0_i32_2 = arith.constant 0 : i32
    return %add3A_0, %c0_i32, %c0_i32_1 : i32, i32, i32
  }
  func.func @transform_1(%arg0: i32) -> i32 {
    %c0_i32 = arith.constant 0 : i32
    return %arg0 : i32
  }
}

module attributes {stable_mosaic.version = 14 : i64} {
  func.func @_pool_body(%arg0: i32, %arg1: memref<1x2048x256xf32, #tpu.memory_space<vmem>>, %arg2: memref<1x1x2048xi32, #tpu.memory_space<vmem>>, %arg3: memref<1x3x256xf32, #tpu.memory_space<vmem>>) attributes {dimension_semantics = [#tpu.dimension_semantics<arbitrary>], iteration_bounds = array<i64: 8>, scalar_prefetch = 0 : i64, scratch_operands = 0 : i64, tpu.core_type = #tpu.core_type<tc>, window_params = [{transform_indices = @transform_0, window_bounds = array<i64: 1, 2048, 256>}, {transform_indices = @transform_1, window_bounds = array<i64: 1, 1, 2048>}, {transform_indices = @transform_2, window_bounds = array<i64: 1, 3, 256>}]} {
    %get3A = arith.constant 0 : index
    %get3A_0 = arith.constant 0 : index
    %get3A_1 = arith.constant 0 : index
    %get3A_2 = vector.load %arg2[%get3A, %get3A_0, %get3A_1] : memref<1x1x2048xi32, #tpu.memory_space<vmem>>, vector<1x1x2048xi32>
    %get3A_3 = vector.shape_cast %get3A_2 : vector<1x1x2048xi32> to vector<2048xi32>
    %broadcast_in_dim3A = vector.shape_cast %get3A_3 : vector<2048xi32> to vector<1x2048xi32>
    %iota3A = tpu.iota {dimensions = array<i32: 0>} : vector<3x2048xi32>
    %eq3A = vector.broadcast %broadcast_in_dim3A : vector<1x2048xi32> to vector<3x2048xi32>
    %eq3A_4 = arith.cmpi eq, %eq3A, %iota3A : vector<3x2048xi32>
    %jit3A = arith.constant 1.000000e+00 : f32
    %jit3A_5 = arith.constant 0.000000e+00 : f32
    %broadcast_in_dim3A_6 = vector.broadcast %jit3A : f32 to vector<3x2048xf32>
    %broadcast_in_dim3A_7 = vector.broadcast %jit3A_5 : f32 to vector<3x2048xf32>
    %select_n3A = arith.select %eq3A_4, %broadcast_in_dim3A_6, %broadcast_in_dim3A_7 : vector<3x2048xi1>, vector<3x2048xf32>
    %get3A_8 = arith.constant 0 : index
    %get3A_9 = arith.constant 0 : index
    %get3A_10 = arith.constant 0 : index
    %get3A_11 = vector.load %arg1[%get3A_8, %get3A_9, %get3A_10] : memref<1x2048x256xf32, #tpu.memory_space<vmem>>, vector<1x2048x256xf32>
    %get3A_12 = vector.shape_cast %get3A_11 : vector<1x2048x256xf32> to vector<2048x256xf32>
    %dot_general3A = arith.constant dense<0.000000e+00> : vector<3x256xf32>
    %dot_general3A_13 = tpu.matmul %select_n3A, %get3A_12, %dot_general3A {dimension_numbers = #tpu.dot_dimension_numbers<[1], [0], [0], [1], [0, 0, 1, 1], [], []>, precision = #tpu.contract_precision<fp32>, transpose_lhs_hint = false} : vector<3x2048xf32>, vector<2048x256xf32>, vector<3x256xf32> -> vector<3x256xf32>
    %reduce_sum3A = arith.constant dense<0.000000e+00> : vector<3xf32>
    %reduce_sum3A_14 = vector.multi_reduction <add>, %select_n3A, %reduce_sum3A [1] : vector<3x2048xf32> to vector<3xf32>
    %broadcast_in_dim3A_15 = vector.shape_cast %reduce_sum3A_14 : vector<3xf32> to vector<3x1xf32>
    %max3A = arith.constant 1.000000e+00 : f32
    %max3A_16 = vector.broadcast %max3A : f32 to vector<3x1xf32>
    %max3A_17 = arith.maximumf %broadcast_in_dim3A_15, %max3A_16 : vector<3x1xf32>
    %div3A = vector.broadcast %max3A_17 : vector<3x1xf32> to vector<3x256xf32>
    %div3A_18 = arith.divf %dot_general3A_13, %div3A : vector<3x256xf32>
    %swap3A = arith.constant 0 : index
    %swap3A_19 = arith.constant 0 : index
    %swap3A_20 = arith.constant 0 : index
    %swap3A_21 = vector.load %arg3[%swap3A, %swap3A_19, %swap3A_20] : memref<1x3x256xf32, #tpu.memory_space<vmem>>, vector<1x3x256xf32>
    %swap3A_22 = vector.shape_cast %swap3A_21 : vector<1x3x256xf32> to vector<3x256xf32>
    %swap3A_23 = vector.shape_cast %div3A_18 : vector<3x256xf32> to vector<1x3x256xf32>
    tpu.vector_store %arg3[%swap3A, %swap3A_19, %swap3A_20], %swap3A_23 {strides = array<i32>} : memref<1x3x256xf32, #tpu.memory_space<vmem>>, vector<1x3x256xf32>,
    return
  }
  func.func @transform_0(%arg0: i32) -> (i32, i32, i32) {
    %add3A = arith.constant 8 : i32
    %add3A_0 = arith.addi %arg0, %add3A : i32
    %c0_i32 = arith.constant 0 : i32
    %c0_i32_1 = arith.constant 0 : i32
    %c0_i32_2 = arith.constant 0 : i32
    return %add3A_0, %c0_i32, %c0_i32_1 : i32, i32, i32
  }
  func.func @transform_1(%arg0: i32) -> (i32, i32, i32) {
    %c0_i32 = arith.constant 0 : i32
    %c0_i32_0 = arith.constant 0 : i32
    %c0_i32_1 = arith.constant 0 : i32
    return %arg0, %c0_i32, %c0_i32_0 : i32, i32, i32
  }
  func.func @transform_2(%arg0: i32) -> (i32, i32, i32) {
    %c0_i32 = arith.constant 0 : i32
    %c0_i32_0 = arith.constant 0 : i32
    %c0_i32_1 = arith.constant 0 : i32
    return %arg0, %c0_i32, %c0_i32_0 : i32, i32, i32
  }
}

</mosaic_0001>

<sc_bundles>
// kernel: kernel.11.cloned.1.call-start
scs
__scs_entry_jumppad:
0x0: {  	(pc) =	sbr.rel $0x88, $3  }
0x1: {  	(tag) =	ssettag $0x0;
	lr =	simm.s32 $0x1  }
0x2: {  	[smem:$0x3FA0] =	sst lr;
	_ =	strace $0xD0000000  }
0x3: {  	_ = 	snop  }
0x4: {  	_ = 	snop  }
0x5: {  	_ = 	snop  }
0x6: {  	_ = 	snop  }
0x7: {  	_ = 	snop  }
__scs_overlays_trampoline_lowered:
0x8: {  	[smem:$0x3FAF] =	sst s0  }
0x9: {  	[smem:$0x3FB0] =	sst s1  }
0xa: {  	[smem:$0x3FB1] =	sst s2  }
0xb: {  	[smem:$0x3FB2] =	sst s3  }
0xc: {  	[smem:$0x3FB3] =	sst s4  }
0xd: {  	[smem:$0x3FB4] =	sst s5  }
0xe: {  	[smem:$0x3FB5] =	sst s6  }
0xf: {  	[smem:$0x3FB6] =	sst s7  }
0x10: {  	[smem:$0x3FB7] =	sst s8  }
0x11: {  	[smem:$0x3FB8] =	sst s9;
	s0 =	simm.s32 @!p0 $0x0  }
0x12: {  	s1 =	sld [smem:$0x3F9E];
	s0 =	simm.s32 @p0 $0x1  }
0x13: {  	[smem:$0x3FB9] =	sst s0;
	s0 =	simm.s32 @!p1 $0x0  }
0x14: {  	s2 =	sld [smem:$0x3F9D];
	s0 =	simm.s32 @p1 $0x1  }
0x15: {  	[smem:$0x3FBA] =	sst s0;
	s0 =	simm.s32 @!p2 $0x0  }
0x16: {  	s3 =	sld [smem:$0x3FDB];
	s0 =	simm.s32 @p2 $0x1  }
0x17: {  	s4 =	simm.s32 $0x1BF5;
	[smem:$0x3FBC] =	sst s0  }
0x18: {  	s0 =	sld [smem:$0x3F9F];
	_ =	swait.ge [sflag:s4], $0x0  }
0x19: {  	s7 =	sld [smem:$0x3FA0]  }
0x1a: {  	s8 =	sadd.s32 $0xFFFFE003, lr  }
0x1b: {  	s9 =	sadd.s32 $0xFFFFFEF7, lr;
	s5 =	simm.s32 $0xFFFFFFFF;
	p2 =	slt.u32 s8, $0xFFFFF086  }
0x1c: {  	p1 =	slt.u32 s9, $0xF7A;
	s5 =	simm.s32 @!p2 $0x0  }
0x1d: {  	s5 =	simm.s32 @p1 $0x1;
	p0 =	seq.s32 s7, s2  }
0x1e: {  	s7 =	smul.u32 @!p0 $0xF7A, s2;
	p2 =	seq.s32 @!p0 s5, $0x0  }
0x1f: {  	s9 =	smul.u32 $0xF7A, s1;
	s8 =	simm.s32 @!p0 $0x1BF5;
	p2 =	por !p2, p0  }
0x20: {  	[sflag:s8] =	ssyncset.s32 @!p0 $0xFFFFF086;
	s6 =	sadd.s32 @!p0 s3, s7;
	s7 =	simm.s32 @!p0 $0x108  }
0x21: {  	s3 =	sadd.s32 s3, s9;
	s6 =	sadd.s32 @!p0 $0x88, s6;
	s7 =	simm.s32 @p2 $0x1082  }
0x22: {  	[simem:s7], [sflag:s8] =	dma.local @!p0 [hbm:s6], $0xF7A  }
0x23: {  	s9 =	sor.u32 $0xD0000000, s2;
	s6 =	simm.s32 $0x108;
	_ =	swait.ge @!p0 [sflag:s8], $0x0  }
0x24: {  	s3 =	sadd.s32 $0x88, s3;
	s6 =	simm.s32 @!p1 $0x1082;
	[sflag:s4] =	ssyncset.s32 $0xFFFFF086  }
0x25: {  	[simem:s6], [sflag:s4] =	dma.local [hbm:s3], $0xF7A  }
0x26: {  	[smem:$0x3FA0] =	sst s1;
	(tag) =	ssettag s2;
	_ =	strace s9  }
0x27: {  	s1 =	sld [smem:$0x3FB0]  }
0x28: {  	s2 =	sld [smem:$0x3FB1]  }
0x29: {  	s4 =	sld [smem:$0x3FB3]  }
0x2a: {  	p0 =	seq.s32 s5, $0x0;
	s5 =	sld [smem:$0x3FB4]  }
0x2b: {  	s6 =	sld [smem:$0x3FB5]  }
0x2c: {  	s7 =	sld [smem:$0x3FB6]  }
0x2d: {  	s3 =	simm.s32 $0x108;
	s8 =	sld [smem:$0x3FB7]  }
0x2e: {  	s3 =	simm.s32 @!p0 $0x1082;
	s9 =	sld [smem:$0x3FB8]  }
0x2f: {  	lr =	sadd.s32 s0, s3;
	s0 =	sld [smem:$0x3FAF]  }
0x30: {  	s3 =	sld [smem:$0x3FB2]  }
0x31: {  	[smem:$0x3FBB] =	sst s10  }
0x32: {  	s10 =	sld [smem:$0x3FB9];
	_ =	sdelay $0x3  }
0x33: {  	p0 =	seq.s32 s10, $0x1;
	s10 =	sld [smem:$0x3FBB];
	_ =	sdelay $0x3  }
0x34: {  	[smem:$0x3FBB] =	sst s10  }
0x35: {  	s10 =	sld [smem:$0x3FBA];
	_ =	sdelay $0x3  }
0x36: {  	p1 =	seq.s32 s10, $0x1;
	s10 =	sld [smem:$0x3FBB];
	_ =	sdelay $0x3  }
0x37: {  	[smem:$0x3FBB] =	sst s10  }
0x38: {  	s10 =	sld [smem:$0x3FBC]  }
0x39: {  	_ = 	snop;
	(pc) =	sbr.ind lr, $3  }
0x3a: {  	_ = 	snop  }
0x3b: {  	_ = 	snop  }
0x3c: {  	p2 =	seq.s32 s10, $0x1;
	s10 =	sld [smem:$0x3FBB]  }
0x3d: {  	_ =	shalt  }
0x3e: {  	_ =	shalt  }
0x3f: {  	_ =	shalt  }
0x40: {  	_ =	shalt  }
0x41: {  	_ =	shalt  }
0x42: {  	_ =	shalt  }
0x43: {  	_ =	shalt  }
0x44: {  	_ =	shalt  }
0x45: {  	_ =	shalt  }
0x46: {  	_ =	shalt  }
0x47: {  	_ =	shalt  }
0x48: {  	_ =	shalt  }
0x49: {  	_ =	shalt  }
0x4a: {  	_ =	shalt  }
0x4b: {  	_ =	shalt  }
0x4c: {  	_ =	shalt  }
0x4d: {  	_ =	shalt  }
0x4e: {  	_ =	shalt  }
0x4f: {  	_ =	shalt  }
0x50: {  	_ =	shalt  }
0x51: {  	_ =	shalt  }
0x52: {  	_ =	shalt  }
0x53: {  	_ =	shalt  }
0x54: {  	_ =	shalt  }
0x55: {  	_ =	shalt  }
0x56: {  	_ =	shalt  }
0x57: {  	_ =	shalt  }
0x58: {  	_ =	shalt  }
0x59: {  	_ =	shalt  }
0x5a: {  	_ =	shalt  }
0x5b: {  	_ =	shalt  }
0x5c: {  	_ =	shalt  }
0x5d: {  	_ =	shalt  }
0x5e: {  	_ =	shalt  }
0x5f: {  	_ =	shalt  }
0x60: {  	_ =	shalt  }
0x61: {  	_ =	shalt  }
0x62: {  	_ =	shalt  }
0x63: {  	_ =	shalt  }
0x64: {  	_ =	shalt  }
0x65: {  	_ =	shalt  }
0x66: {  	_ =	shalt  }
0x67: {  	_ =	shalt  }
0x68: {  	_ =	shalt  }
0x69: {  	_ =	shalt  }
0x6a: {  	_ =	shalt  }
0x6b: {  	_ =	shalt  }
0x6c: {  	_ =	shalt  }
0x6d: {  	_ =	shalt  }
0x6e: {  	_ =	shalt  }
0x6f: {  	_ =	shalt  }
0x70: {  	_ =	shalt  }
0x71: {  	_ =	shalt  }
0x72: {  	_ =	shalt  }
0x73: {  	_ =	shalt  }
0x74: {  	_ =	shalt  }
0x75: {  	_ =	shalt  }
0x76: {  	_ =	shalt  }
0x77: {  	_ =	shalt  }
0x78: {  	_ =	shalt  }
0x79: {  	_ =	shalt  }
0x7a: {  	_ =	shalt  }
0x7b: {  	_ =	shalt  }
0x7c: {  	_ =	shalt  }
0x7d: {  	_ =	shalt  }
0x7e: {  	_ =	shalt  }
0x7f: {  	_ =	shalt  }
0x80: {  	_ =	shalt  }
0x81: {  	_ =	shalt  }
0x82: {  	_ =	shalt  }
0x83: {  	_ =	shalt  }
0x84: {  	_ =	shalt  }
0x85: {  	_ =	shalt  }
0x86: {  	_ =	shalt  }
0x87: {  	_ =	shalt  }
.Lfunc_end0:
.L_simem_size_0:
called_computation.1_lowered:
.L_overlay_start_0:
0x88: {  	s2 =	sld [smem:$0x3FD9]  }
0x89: {  	s3 =	sld [smem:$0x3FFE];
	_ =	sdelay $0x1  }
0x8a: {  	s1 =	srdreg.scid  }
0x8b: {  	s0 =	sand.u32 $0x1, s1  }
0x8c: {  	s15 =	sshll.u32 s0, $0xA;
	s2 =	sadd.s32 s3, s2  }
0x8d: {  	s2 =	sadd.s32 s2, s15  }
0x8e: {  	[smem:$0x3FC7] =	sst s2  }
0x8f: {  	_ = 	snop  }
0x90: {  	s2 =	sld [smem:$0x3FD0];
	_ =	sdelay $0x2  }
0x91: {  	s16 =	simm.s32 $0xB;
	s4 =	simm.s32 $0x10  }
0x92: {  	[smem:s4], [sflag:s16] =	dma.local [hbm:s2], $0x1  }
0x93: {  	_ =	swait.eq [sflag:s16], $0x1  }
0x94: {  	[sflag:s16] =	ssyncset.done $0x0  }
0x95: {  	[sflag:s16] =	ssyncadd.s32 $0xFFFFFFFF  }
0x96: {  	s17 =	sld [smem:$0x11];
	(tm) =	ssettm $0x1  }
0x97: {  	s18 =	sld [smem:$0x3FFB];
	_ =	sdelay $0x3  }
0x98: {  	_ =	strace s18  }
0x99: {  	s2 =	sld [smem:$0x3FFC];
	_ =	sdelay $0x3  }
0x9a: {  	_ =	strace s2  }
0x9b: {  	s2 =	sld [smem:$0x3FFD];
	_ =	sdelay $0x3  }
0x9c: {  	_ =	strace s2  }
0x9d: {  	_ =	strace $0x8FFFFFFF  }
0x9e: {  	s19 =	sld [smem:$0x3FDB];
	_ =	sdelay $0x1  }
0x9f: {  	s20 =	simm.s32 $_scs_section_size  }
0xa0: {  	s5 =	simm.s32 $_size__tile_overlayer_lowered;
	s6 =	simm.s32 $_tile_overlayer_lowered  }
0xa1: {  	s7 =	simm.s32 $0x1BFF;
	s21 =	sshll.u32 s6, $0x1;
	s4 =	sadd.s32 s20, s19  }
0xa2: {  	s22 =	simm.s32 $0x0;
	s5 =	sshll.u32 s5, $0x1;
	s6 =	sadd.s32 s21, s4  }
0xa3: {  	[timem:s22], [sflag:s7] =	dma.local [hbm:s6], s5  }
0xa4: {  	_ =	swait.ge [sflag:s7], s5  }
0xa5: {  	s5 =	ssub.s32 $0x0, s5;
	[sflag:s7] =	ssyncset.done $0x0  }
0xa6: {  	[sflag:s7] =	ssyncadd.s32 s5;
	_ =	sdelay $0x1  }
0xa7: {  	s23 =	simm.s32 $0x1B8B  }
0xa8: {  	_ =	swait.ge [sflag:s23], $0x1  }
0xa9: {  	[sflag:s23] =	ssyncset.done $0x0  }
0xaa: {  	[sflag:s23] =	ssyncadd.s32 $0xFFFFFFFF  }
0xab: {  	s5 =	sld [smem:$0x0]  }
0xac: {  	s6 =	sand.u32 $0xFFFFFFFE, s1  }
0xad: {  	p0 =	sne.s32 s1, s6  }
0xae: {  	s6 =	sshll.u32 @p0 s6, $0xE  }
0xaf: {  	s6 =	sadd.s32 @p0 $0x11B8D, s6;
	s7 =	sshll.u32 @p0 s5, $0x11  }
0xb0: {  	s6 =	sor.u32 @p0 s7, s6  }
0xb1: {  	[sflag:s6] =	ssyncadd.remote.s32 @p0 $0x1;
	_ =	sdelay $0x1  }
0xb2: {  	s6 =	simm.s32 @p0 $0x1B8D  }
0xb3: {  	_ =	swait.eq @p0 [sflag:s6], $0x1  }
0xb4: {  	[sflag:s6] =	ssyncadd.s32 @p0 $0xFFFFFFFF  }
0xb5: {  	s7 =	sshll.u32 @!p0 s1, $0xE  }
0xb6: {  	s7 =	sor.u32 @!p0 $0x4000, s7;
	s6 =	simm.s32 @!p0 $0x1B8D  }
0xb7: {  	s5 =	sshll.u32 @!p0 s5, $0x11;
	s7 =	sadd.s32 @!p0 $0x11B8D, s7;
	_ =	swait.eq @!p0 [sflag:s6], $0x1  }
0xb8: {  	s5 =	sor.u32 @!p0 s5, s7;
	[sflag:s6] =	ssyncadd.s32 @!p0 $0xFFFFFFFF  }
0xb9: {  	s25 =	simm.s32 $0x1B8E;
	s24 =	sld [smem:$0x3FFE];
	[sflag:s5] =	ssyncadd.remote.s32 @!p0 $0x1  }
0xba: {  	s26 =	simm.s32 $execute0_lowered;
	[smem:$0x3FD2] =	sst s25  }
0xbb: {  	s6 =	sshll.u32 s26, $0x1;
	_ =	strace $0x80000049;
	[dreg:$0x1] =	wrdreg $0xFFFFFFFF  }
0xbc: {  	s28 =	simm.s32 $_size_execute0_lowered;
	s4 =	sadd.s32 s4, s6;
	[dreg:$0x0] =	wrdreg $0x0  }
0xbd: {  	s6 =	sshll.u32 s28, $0x1;
	[dreg:$0x2] =	wrdreg s4  }
0xbe: {  	[dreg:$0x3] =	wrdreg s6  }
0xbf: {  	[dreg:$0x4] =	wrdreg $0xC0  }
0xc0: {  	_ =	task [dreg:s22], $0x5FFFF  }
0xc1: {  	[dreg:$0x1] =	wrdreg $0xFFFFFFFF  }
0xc2: {  	[dreg:$0x0] =	wrdreg $0x60  }
0xc3: {  	[dreg:$0x2] =	wrdreg s24  }
0xc4: {  	[dreg:$0x3] =	wrdreg s17  }
0xc5: {  	[dreg:$0x4] =	wrdreg $0xC800  }
0xc6: {  	[dreg:$0x5] =	wrdreg $0xA  }
0xc7: {  	_ =	task.clear_ibuf [dreg:s22], $0x6FFFF;
	_ =	strace $0x90000049  }
0xc8: {  	s29 =	simm.s32 $0xA;
	_ =	strace $0x8000004B  }
0xc9: {  	_ =	swait.ge [sflag:s29], $0x1  }
0xca: {  	[sflag:s29] =	ssyncadd.s32 $0xFFFFFFFF  }
0xcb: {  	_ =	strace $0x9000004B  }
0xcc: {  	_ =	sfence  }
0xcd: {  	s30 =	sld [smem:$0x0];
	_ =	sdelay $0x2  }
0xce: {  	s31 =	sshll.u32 s1, $0xD;
	s1 =	sshrl.u32 s1, $0x2  }
0xcf: {  	s4 =	sand.u32 $0x4000, s31;
	s1 =	sadd.s32 s1, s30  }
0xd0: {  	s0 =	sor.u32 s4, s0;
	s1 =	sshll.u32 s1, $0x11  }
0xd1: {  	s0 =	sor.u32 s1, s0  }
0xd2: {  	s0 =	sadd.s32 $0x8F2B, s0  }
0xd3: {  	[sflag:s0] =	ssyncadd.remote.s32 $0x1  }
0xd4: {  	_ =	sfence.sel $0xFFFF  }
0xd5: {  	[dreg:$0x0] =	wrdreg $0xFFFFFFFF;
	(pc) =	sbr.abs _section_cstart, $3  }
0xd6: {  	[dreg:$0x1] =	wrdreg $0xFFFFFFFF  }
0xd7: {  	_ =	task.clear_ibuf [dreg:s22], $0x2FFFF;
	_ =	strace $0x9FFFFFFF  }
0xd8: {  	(tm) =	ssettm $0x7FFFFFFF  }
0xd9: {  	_ =	shalt  }
tec
execute0_lowered:
.L_overlay_start_1:
0x0: {  	(tag) =	ssettag $0x1  }
0x1: {  	s3 =	rddreg [dreg:$0x0]  }
0x2: {  	s9 =	rddreg [dreg:$0x1]  }
0x3: {  	s5 =	rddreg [dreg:$0x2]  }
0x4: {  	s0 =	rddreg [dreg:$0x3]  }
0x5: {  	s2 =	simm.s32 $0x0;
	s4 =	srdreg.scid;
	s1 =	stileid.u32  }
0x6: {  	s15 =	simm.s32 $0xCC0;
	s16 =	simm.s32 $0x0;
	[smem:$0x7FF] =	sst s2  }
0x7: {  	s8 =	sand.u32 $0x1, s4;
	s26 =	sshll.u32 s1, $0xA;
	s7 =	sand.u32 $0x1, s1  }
0x8: {  	s28 =	sshll.u32 s1, $0x7;
	s31 =	sshll.u32 s1, $0x5;
	p1 =	sgt.u32 s1, $0x7  }
0x9: {  	s6 =	sshll.u32 s8, $0xD;
	s4 =	sand.u32 $0x1800, s26;
	_ =	strace $0x8000004A  }
0xa: {  	s11 =	sshll.u32 s7, $0xA;
	s10 =	ssub.s32 $0x2, s8;
	p0 =	seq.s32 s7, $0x1  }
0xb: {  	s29 =	sxor.u32 $0x80, s28;
	s30 =	scvt.s32.f32 s7;
	s14 =	sshll.u32 s8, $0x4  }
0xc: {  	s4 =	sor.u32 s6, s4;
	s12 =	sshrl.u32 s10, $0x1;
	s9 =	sadd.s32 s9, s14  }
0xd: {  	s14 =	simm.s32 $0xC20;
	s6 =	sshrl.u32 s4, $0x3;
	s4 =	sor.u32 s11, s4  }
0xe: {  	s10 =	ssub.s32 s10, s12;
	s9 =	sadd.s32 s31, s9;
	s11 =	sor.u32 $0x40, s11  }
0xf: {  	v0 =	vmov s30;
	s12 =	simm.s32 $0x1;
	s6 =	sadd.s32 s6, s3;
	s4 =	sshrl.u32 s4, $0x3  }
0x10: {  	v0 =	vadd.f32 $1.024000000e+03, v0;
	s10 =	smax.u32 s10, $0x1;
	s13 =	sadd.s32 s4, s3;
	s4 =	sadd.s32 s28, s5  }
0x11: {  	vm0 =	vmxor vm0, vm0;
	v1 =	vimm.f32 $0.0e+00;
	s3 =	sadd.s32 $0x2C00, s6;
	s5 =	sadd.s32 s29, s5;
	s6 =	sadd.s32 $0x20, s4  }
0x12: {  	v2 =	vimm.s32 $0x0;
	vm0 =	vmneg @p0 vm0;
	s7 =	sadd.s32 $0x20, s5;
	s8 =	sadd.s32 $0x3400, s13;
	s13 =	simm.s32 $0xC00;
	v0 =	vbroadcast v0, $0x0  }
.LBB2_1:
0x13: {  	[tilespmem:s2], [sflag:$0x1] =	stream.linear.gather [hbm4b:s3+s2], $0x800, $0x38;
	[tilespmem:$0xD40] =	vst v63  }
0x14: {  	_ =	swait.ge [sflag:s12], $0x800  }
0x15: {  	[sflag:s12] =	ssyncset.done $0x0  }
0x16: {  	[sflag:s12] =	ssyncadd.s32 $0xFFFFF800  }
0x17: {  	v3 =	vld [tilespmem:$0x0]  }
0x18: {  	s18 =	simm.s32 $0x50;
	v6 =	vld [tilespmem:$0x10]  }
0x19: {  	v7 =	vld [tilespmem:s18+$0xFFFFFFD0]  }
0x1a: {  	v8 =	vld [tilespmem:s18+$0xFFFFFFE0]  }
0x1b: {  	v9 =	vld [tilespmem:s18+$0xFFFFFFF0]  }
0x1c: {  	v4 =	vld [tilespmem:s18+$0x0]  }
0x1d: {  	v5 =	vld [tilespmem:s18+$0x10];
	v10 =	vmin.f32 v3, v6;
	v11 =	vmax.f32 v3, v6  }
0x1e: {  	v10 =	vmin.f32 v10, v7;
	v12 =	vmax.f32 v11, v7;
	v7 =	vadd.f32 v7, v3;
	v11 =	vld [tilespmem:s18+$0x20]  }
0x1f: {  	v14 =	vadd.f32 v8, v6;
	v3 =	vmin.f32 v10, v8;
	v10 =	vmax.f32 v12, v8;
	v12 =	vld [tilespmem:s18+$0x30]  }
0x20: {  	s17 =	simm.s32 $0x1;
	v13 =	vld [tilespmem:s18+$0x40];
	s18 =	simm.s32 $0xD0;
	v3 =	vmin.f32 v3, v9;
	v6 =	vmax.f32 v10, v9;
	v15 =	vadd.f32 v9, v7  }
.LBB2_2:
0x21: {  	v7 =	vld [tilespmem:s18+$0xFFFFFFD0];
	s17 =	sadd.s32 $0x4, s17;
	v3 =	vmin.f32 v3, v4;
	v6 =	vmax.f32 v6, v4;
	v4 =	vadd.f32 v4, v14  }
0x22: {  	v8 =	vld [tilespmem:s18+$0xFFFFFFE0];
	p2 =	slt.u32 s17, $0x39;
	v3 =	vmin.f32 v3, v5;
	v6 =	vmax.f32 v6, v5;
	v5 =	vadd.f32 v5, v15  }
0x23: {  	v9 =	vld [tilespmem:s18+$0xFFFFFFF0];
	v3 =	vmin.f32 v3, v11;
	v6 =	vmax.f32 v6, v11;
	v10 =	vadd.f32 v11, v4  }
.Ltmp0:
0x24: {  	v4 =	vld [tilespmem:s18+$0x0];
	v3 =	vmin.f32 v3, v12;
	v6 =	vmax.f32 v6, v12;
	v11 =	vadd.f32 v12, v5;
	(pc) =	sbr.rel @p2 .LBB2_2-.Ltmp0, $4  }
0x25: {  	v5 =	vld [tilespmem:s18+$0x10];
	v3 =	vmin.f32 v3, v13;
	v6 =	vmax.f32 v6, v13;
	v10 =	vadd.f32 v13, v10  }
0x26: {  	v3 =	vmin.f32 v3, v7;
	v6 =	vmax.f32 v6, v7;
	v7 =	vadd.f32 v7, v11;
	v11 =	vld [tilespmem:s18+$0x20]  }
0x27: {  	v3 =	vmin.f32 v3, v8;
	v6 =	vmax.f32 v6, v8;
	v14 =	vadd.f32 v8, v10;
	v12 =	vld [tilespmem:s18+$0x30]  }
0x28: {  	v3 =	vmin.f32 v3, v9;
	v6 =	vmax.f32 v6, v9;
	v15 =	vadd.f32 v9, v7;
	v13 =	vld [tilespmem:s18+$0x40];
	s18 =	sadd.s32 $0x80, s18  }
0x29: {  	v7 =	vmin.f32 v3, v4;
	v3 =	vld [tilespmem:$0x7A0]  }
0x2a: {  	v8 =	vmax.f32 v6, v4;
	v6 =	vld [tilespmem:$0x7B0];
	v7 =	vmin.f32 v7, v5  }
0x2b: {  	v8 =	vmax.f32 v8, v5;
	v9 =	vmin.f32 v7, v11;
	v7 =	vld [tilespmem:$0x7C0]  }
0x2c: {  	v10 =	vmax.f32 v8, v11;
	v8 =	vld [tilespmem:$0x7D0];
	v9 =	vmin.f32 v9, v12  }
0x2d: {  	v10 =	vmax.f32 v10, v12;
	v16 =	vmin.f32 v9, v13;
	v9 =	vld [tilespmem:$0x7E0]  }
0x2e: {  	v17 =	vmax.f32 v10, v13;
	v10 =	vld [tilespmem:$0x7F0];
	v16 =	vmin.f32 v16, v3  }
0x2f: {  	v17 =	vmax.f32 v17, v3;
	v16 =	vmin.f32 v16, v6  }
0x30: {  	v17 =	vmax.f32 v17, v6;
	v16 =	vmin.f32 v16, v7  }
0x31: {  	v17 =	vmax.f32 v17, v7;
	v16 =	vmin.f32 v16, v8  }
0x32: {  	v17 =	vmax.f32 v17, v8;
	v16 =	vmin.f32 v16, v9  }
0x33: {  	v17 =	vmax.f32 v17, v9;
	v16 =	vmin.f32 v16, v10  }
0x34: {  	v62 =	vmax.f32 v17, v10;
	(xrf0) =	vmin.scan.msk.f32 $0xffff, v16  }
0x35: {  	(xrf0) =	vmax.scan.msk.f32 $0xffff, v62;
	_ =	sdelay $0x2  }
0x36: {  	v4 =	vadd.f32 v4, v14;
	_ =	sdelay $0x1  }
0x37: {  	v11 =	vadd.f32 v11, v4;
	v63, _, _ =	vpop (xrf0)  }
0x38: {  	v14 =	vadd.f32 v5, v15;
	v15, _, _ =	vpop (xrf0)  }
0x39: {  	v5 =	vbroadcast v63, $0xF;
	v4 =	vbroadcast v15, $0xF  }
0x3a: {  	v12 =	vadd.f32 v12, v14  }
0x3b: {  	s17 =	simm.s32 $0x0;
	v13 =	vadd.f32 v13, v11;
	v14 =	vadd.f32 $-1.000000000e+00, v5;
	v11 =	vmov v4  }
.LBB2_4:
0x3c: {  	s19 =	simm.s32 $0x40  }
0x3d: {  	v16 =	vld [tilespmem:s19+$0xFFFFFFC0]  }
0x3e: {  	v15 =	vadd.f32 v11, v14;
	v17 =	vld [tilespmem:s19+$0xFFFFFFD0]  }
0x3f: {  	v20 =	vld [tilespmem:s19+$0xFFFFFFE0]  }
0x40: {  	v19 =	vld [tilespmem:s19+$0xFFFFFFF0];
	v15 =	vmul.f32 $5.000000000e-01, v15  }
0x41: {  	v18 =	vld [tilespmem:s19+$0x0]  }
0x42: {  	vm1 =	vle.f32 v16, v15;
	v16 =	vld [tilespmem:s19+$0x10]  }
0x43: {  	v21 =	vimm.f32 $0.0e+00;
	v24 =	vimm.f32 $0.0e+00;
	vm2 =	vle.f32 v17, v15;
	v17 =	vld [tilespmem:s19+$0x20]  }
0x44: {  	s18 =	simm.s32 $0x0;
	v22 =	vsel vm1, $0x3F800000, v1;
	v23 =	vsel vm2, $0x3F800000, v1;
	vm1 =	vle.f32 v20, v15;
	v20 =	vld [tilespmem:s19+$0x30];
	s19 =	simm.s32 $0xC0  }
.LBB2_5:
0x45: {  	v25 =	vld [tilespmem:s19+$0xFFFFFFC0];
	v21 =	vadd.f32 v22, v21;
	v22 =	vadd.f32 v23, v24;
	vm2 =	vle.f32 v19, v15  }
0x46: {  	s18 =	sadd.s32 $0x4, s18;
	v19 =	vsel vm1, $0x3F800000, v1;
	v23 =	vld [tilespmem:s19+$0xFFFFFFD0];
	v24 =	vsel vm2, $0x3F800000, v1;
	vm1 =	vle.f32 v18, v15  }
0x47: {  	p2 =	slt.u32 s18, $0x3C;
	v26 =	vld [tilespmem:s19+$0xFFFFFFE0];
	v21 =	vadd.f32 v19, v21;
	v22 =	vadd.f32 v24, v22;
	vm2 =	vle.f32 v16, v15  }
.Ltmp1:
0x48: {  	v16 =	vsel vm1, $0x3F800000, v1;
	v19 =	vld [tilespmem:s19+$0xFFFFFFF0];
	v24 =	vsel vm2, $0x3F800000, v1;
	vm1 =	vle.f32 v17, v15;
	(pc) =	sbr.rel @p2 .LBB2_5-.Ltmp1, $4  }
0x49: {  	v18 =	vld [tilespmem:s19+$0x0];
	v21 =	vadd.f32 v16, v21;
	v22 =	vadd.f32 v24, v22;
	vm2 =	vle.f32 v20, v15  }
0x4a: {  	v20 =	vsel vm1, $0x3F800000, v1;
	vm3 =	vle.f32 v25, v15;
	v16 =	vld [tilespmem:s19+$0x10];
	v24 =	vsel vm2, $0x3F800000, v1  }
0x4b: {  	vm1 =	vle.f32 v23, v15;
	v17 =	vld [tilespmem:s19+$0x20];
	v21 =	vadd.f32 v20, v21;
	v24 =	vadd.f32 v24, v22  }
0x4c: {  	v22 =	vsel vm3, $0x3F800000, v1;
	v23 =	vsel vm1, $0x3F800000, v1;
	vm1 =	vle.f32 v26, v15;
	v20 =	vld [tilespmem:s19+$0x30];
	s19 =	sadd.s32 $0x80, s19  }
0x4d: {  	v21 =	vadd.f32 v22, v21;
	v54 =	vadd.f32 v23, v24;
	vm2 =	vle.f32 v19, v15  }
0x4e: {  	v55 =	vsel vm1, $0x3F800000, v1;
	v56 =	vsel vm2, $0x3F800000, v1;
	vm1 =	vle.f32 v18, v15  }
0x4f: {  	v57 =	vadd.f32 v55, v21;
	v58 =	vadd.f32 v56, v54;
	vm2 =	vle.f32 v16, v15  }
0x50: {  	v59 =	vsel vm1, $0x3F800000, v1;
	v60 =	vsel vm2, $0x3F800000, v1;
	vm1 =	vle.f32 v17, v15  }
0x51: {  	v16 =	vadd.f32 v59, v57;
	v61 =	vadd.f32 v60, v58;
	vm2 =	vle.f32 v20, v15  }
0x52: {  	v62 =	vsel vm1, $0x3F800000, v1;
	v63 =	vsel vm2, $0x3F800000, v1  }
0x53: {  	v16 =	vadd.f32 v62, v16;
	v17 =	vadd.f32 v63, v61;
	_ =	sdelay $0x1  }
0x54: {  	v16 =	vadd.f32 v17, v16;
	_ =	sdelay $0x1  }
0x55: {  	(xrf2) =	vadd.scan.msk.f32 $0xffff, v16;
	_ =	sdelay $0x7  }
0x56: {  	s17 =	sadd.s32 $0x1, s17  }
0x57: {  	p2 =	sne.s32 s17, $0x1B  }
.Ltmp2:
0x58: {  	v16, _, _ =	vpop (xrf2);
	(pc) =	sbr.rel @p2 .LBB2_4-.Ltmp2, $3  }
0x59: {  	v16 =	vbroadcast v16, $0xF;
	_ =	sdelay $0x1  }
0x5a: {  	vm1 =	vge.f32 v16, v0  }
0x5b: {  	v14 =	vsel vm1, v14, v15;
	v11 =	vsel vm1, v15, v11  }
0x5c: {  	v3 =	vadd.f32 v3, v12;
	v6 =	vadd.f32 v6, v13;
	_ =	sdelay $0x1  }
0x5d: {  	v3 =	vadd.f32 v7, v3;
	v6 =	vadd.f32 v8, v6;
	_ =	sdelay $0x1  }
0x5e: {  	v3 =	vadd.f32 v9, v3;
	v6 =	vadd.f32 v10, v6;
	_ =	sdelay $0x1  }
0x5f: {  	v3 =	vadd.f32 v6, v3;
	_ =	sdelay $0x1  }
0x60: {  	(xrf2) =	vadd.scan.msk.f32 $0xffff, v3;
	_ =	sdelay $0x7  }
0x61: {  	[tilespmem:$0xC00] =	vst v11  }
0x62: {  	[tilespmem:$0xC10] =	vst v11  }
0x63: {  	[spmem:s4] =	stream.linear.scatter [tilespmem:s13], [sflag:$0x1], $0x20, $0x38;
	v3, _, _ =	vpop (xrf2);
	[tilespmem:$0xD40] =	vst v63  }
0x64: {  	_ =	swait.ge [sflag:s12], $0x20  }
0x65: {  	[sflag:s12] =	ssyncset.done $0x0  }
0x66: {  	[sflag:s12] =	ssyncadd.s32 $0xFFFFFFE0  }
0x67: {  	[bflag:$0x0] =	sbarrier.arrive $0xFFFF  }
0x68: {  	[tilespmem:s14], [sflag:$0x1] =	stream.linear.gather [spmem:s5], $0x20, $0x38;
	[tilespmem:$0xD40] =	vst v63  }
0x69: {  	_ =	swait.ge [sflag:s12], $0x20  }
0x6a: {  	[sflag:s12] =	ssyncset.done $0x0  }
0x6b: {  	[sflag:s12] =	ssyncadd.s32 $0xFFFFFFE0  }
0x6c: {  	v6 =	vld [tilespmem:$0xC20];
	_ =	sdelay $0x4  }
0x6d: {  	v6 =	vadd.f32 v6, v11;
	_ =	sdelay $0x1  }
0x6e: {  	s17 =	simm.s32 $0x0;
	v3 =	vbroadcast v3, $0xF;
	v6 =	vmul.f32 $5.000000000e-01, v6  }
.LBB2_8:
0x6f: {  	s18 =	simm.s32 $0x40  }
0x70: {  	v15 =	vld [tilespmem:s18+$0x20]  }
0x71: {  	v7 =	vld [tilespmem:s18+$0x30]  }
0x72: {  	v16 =	vld [tilespmem:s18+$0x0]  }
0x73: {  	v8 =	vld [tilespmem:s18+$0x10]  }
0x74: {  	v9 =	vpsel p0, v4, v5;
	v11 =	vld [tilespmem:s18+$0xFFFFFFE0]  }
0x75: {  	v10 =	vadd.f32 v9, v6;
	v9 =	vld [tilespmem:s18+$0xFFFFFFF0]  }
0x76: {  	v12 =	vld [tilespmem:s18+$0xFFFFFFC0]  }
0x77: {  	v13 =	vld [tilespmem:s18+$0xFFFFFFD0];
	v10 =	vmul.f32 $5.000000000e-01, v10  }
0x78: {  	v14 =	vimm.f32 $0.0e+00;
	v18 =	vimm.f32 $0.0e+00  }
0x79: {  	v20 =	vimm.f32 $0.0e+00;
	v19 =	vimm.f32 $0.0e+00;
	vm1 =	vle.f32 v15, v10  }
0x7a: {  	vm2 =	vle.f32 v16, v10;
	vm3 =	vle.f32 v8, v10;
	vm4 =	vle.f32 v7, v10  }
0x7b: {  	vm5 =	vle.f32 v12, v10;
	vm6 =	vle.f32 v11, v10;
	vm8 =	vle.f32 v9, v10  }
0x7c: {  	vm9 =	vle.f32 v13, v10;
	vm10 =	vmxor vm0, vm1;
	vm1 =	vmxor vm0, vm4  }
0x7d: {  	vm6 =	vmxor vm0, vm6;
	vm7 =	vmxor vm0, vm2;
	vm2 =	vmxor vm0, vm3  }
0x7e: {  	vm5 =	vmxor vm0, vm5;
	vm4 =	vmxor vm0, vm9;
	vm3 =	vmxor vm0, vm8  }
0x7f: {  	s19 =	simm.s32 $0xC0;
	s18 =	simm.s32 $0x0;
	v17 =	vnsel vm7, $0x0, v16;
	v16 =	vnsel vm10, $0x0, v15;
	v15 =	vsel vm10, $0x3F800000, v1  }
.LBB2_9:
0x80: {  	v21 =	vld [tilespmem:s19+$0x20];
	v22 =	vnsel vm6, $0x0, v11;
	v23 =	vsel vm6, $0x3F800000, v1;
	v24 =	vsel vm7, $0x3F800000, v1  }
0x81: {  	v11 =	vnsel vm5, $0x0, v12;
	v12 =	vsel vm5, $0x3F800000, v1;
	v13 =	vnsel vm4, $0x0, v13;
	v25 =	vld [tilespmem:s19+$0x30]  }
0x82: {  	v14 =	vadd.f32 v11, v14;
	v12 =	vadd.f32 v12, v18;
	v11 =	vsel vm4, $0x3F800000, v1;
	v26 =	vld [tilespmem:s19+$0x0]  }
0x83: {  	v13 =	vadd.f32 v13, v20;
	v18 =	vadd.f32 v11, v19;
	v19 =	vnsel vm3, $0x0, v9;
	v27 =	vld [tilespmem:s19+$0x10]  }
0x84: {  	v14 =	vadd.f32 v22, v14;
	v20 =	vadd.f32 v23, v12;
	v12 =	vsel vm3, $0x3F800000, v1;
	v11 =	vld [tilespmem:s19+$0xFFFFFFE0]  }
0x85: {  	v8 =	vnsel vm2, $0x0, v8;
	v19 =	vadd.f32 v19, v13;
	v18 =	vadd.f32 v12, v18;
	v9 =	vld [tilespmem:s19+$0xFFFFFFF0]  }
0x86: {  	v14 =	vadd.f32 v17, v14;
	v17 =	vadd.f32 v24, v20;
	v20 =	vsel vm2, $0x3F800000, v1;
	v12 =	vld [tilespmem:s19+$0xFFFFFFC0]  }
0x87: {  	v19 =	vadd.f32 v8, v19;
	v22 =	vadd.f32 v20, v18;
	v20 =	vnsel vm1, $0x0, v7;
	v7 =	vmovc v25;
	v13 =	vld [tilespmem:s19+$0xFFFFFFD0]  }
0x88: {  	v14 =	vadd.f32 v16, v14;
	v18 =	vadd.f32 v15, v17;
	v15 =	vsel vm1, $0x3F800000, v1;
	v8 =	vmovc v27  }
0x89: {  	s18 =	sadd.s32 $0x4, s18;
	vm1 =	vle.f32 v21, v10;
	v20 =	vadd.f32 v20, v19;
	v19 =	vadd.f32 v15, v22  }
0x8a: {  	p2 =	slt.u32 s18, $0x3C;
	vm2 =	vle.f32 v26, v10;
	vm4 =	vle.f32 v7, v10;
	vm3 =	vle.f32 v8, v10  }
.Ltmp3:
0x8b: {  	vm6 =	vle.f32 v11, v10;
	vm8 =	vle.f32 v9, v10;
	vm5 =	vle.f32 v12, v10;
	(pc) =	sbr.rel @p2 .LBB2_9-.Ltmp3, $4  }
0x8c: {  	vm10 =	vmxor vm0, vm1;
	vm1 =	vmxor vm0, vm4;
	vm9 =	vle.f32 v13, v10  }
0x8d: {  	vm7 =	vmxor vm0, vm2;
	vm6 =	vmxor vm0, vm6;
	vm2 =	vmxor vm0, vm3  }
0x8e: {  	vm3 =	vmxor vm0, vm8;
	vm5 =	vmxor vm0, vm5;
	vm4 =	vmxor vm0, vm9  }
0x8f: {  	s19 =	sadd.s32 $0x80, s19;
	v17 =	vnsel vm7, $0x0, v26;
	v16 =	vnsel vm10, $0x0, v21;
	v15 =	vsel vm10, $0x3F800000, v1  }
0x90: {  	v10 =	vnsel vm6, $0x0, v11;
	v11 =	vsel vm6, $0x3F800000, v1;
	v21 =	vsel vm7, $0x3F800000, v1  }
0x91: {  	v12 =	vnsel vm5, $0x0, v12;
	v22 =	vsel vm5, $0x3F800000, v1;
	v13 =	vnsel vm4, $0x0, v13  }
0x92: {  	v12 =	vadd.f32 v12, v14;
	v14 =	vsel vm4, $0x3F800000, v1;
	v13 =	vadd.f32 v13, v20  }
0x93: {  	v9 =	vnsel vm3, $0x0, v9;
	v18 =	vadd.f32 v22, v18;
	v14 =	vadd.f32 v14, v19  }
0x94: {  	v10 =	vadd.f32 v10, v12;
	v12 =	vsel vm3, $0x3F800000, v1;
	v9 =	vadd.f32 v9, v13  }
0x95: {  	v8 =	vnsel vm2, $0x0, v8;
	v11 =	vadd.f32 v11, v18;
	v12 =	vadd.f32 v12, v14  }
0x96: {  	v13 =	vsel vm2, $0x3F800000, v1;
	v10 =	vadd.f32 v17, v10;
	v8 =	vadd.f32 v8, v9  }
0x97: {  	v7 =	vnsel vm1, $0x0, v7;
	v9 =	vadd.f32 v21, v11;
	v11 =	vadd.f32 v13, v12  }
0x98: {  	v12 =	vsel vm1, $0x3F800000, v1;
	v10 =	vadd.f32 v16, v10;
	v7 =	vadd.f32 v7, v8  }
0x99: {  	v8 =	vadd.f32 v15, v9;
	v9 =	vadd.f32 v12, v11  }
0x9a: {  	v7 =	vadd.f32 v7, v10  }
0x9b: {  	v8 =	vadd.f32 v9, v8  }
0x9c: {  	(xrf2) =	vadd.scan.msk.f32 $0xffff, v7  }
0x9d: {  	(xrf2) =	vadd.scan.msk.f32 $0xffff, v8;
	_ =	sdelay $0x8  }
0x9e: {  	v7, _, _ =	vpop (xrf2)  }
0x9f: {  	v7 =	vbroadcast v7, $0xF;
	v8, _, _ =	vpop (xrf2)  }
0xa0: {  	v8 =	vbroadcast v8, $0xF  }
0xa1: {  	[tilespmem:$0xC00] =	vst v7  }
0xa2: {  	[tilespmem:$0xC10] =	vst v8  }
0xa3: {  	[spmem:s6] =	stream.linear.scatter [tilespmem:s13], [sflag:$0x1], $0x20, $0x38;
	[tilespmem:$0xD40] =	vst v63  }
0xa4: {  	_ =	swait.ge [sflag:s12], $0x20  }
0xa5: {  	[sflag:s12] =	ssyncset.done $0x0  }
0xa6: {  	[sflag:s12] =	ssyncadd.s32 $0xFFFFFFE0  }
0xa7: {  	[bflag:$0x0] =	sbarrier.arrive $0xFFFF  }
0xa8: {  	[tilespmem:s14], [sflag:$0x1] =	stream.linear.gather [spmem:s7], $0x20, $0x38;
	[tilespmem:$0xD40] =	vst v63  }
0xa9: {  	_ =	swait.ge [sflag:s12], $0x20  }
0xaa: {  	[sflag:s12] =	ssyncset.done $0x0  }
0xab: {  	[sflag:s12] =	ssyncadd.s32 $0xFFFFFFE0  }
0xac: {  	v9 =	vld [tilespmem:$0xC30];
	_ =	sdelay $0x4  }
0xad: {  	v10 =	vpsel p0, v9, v8  }
0xae: {  	v11 =	vsub.f32 $2.048000000e+03, v10  }
0xaf: {  	v8 =	vpsel p0, v8, v9  }
0xb0: {  	v9 =	vsub.f32 v11, v8  }
0xb1: {  	v11 =	vmax.f32 v10, $1.000000000e+00  }
0xb2: {  	(erf) = vrcp.f32 v11;
	v11 =	vmax.f32 v9, $1.000000000e+00  }
0xb3: {  	(erf) = vrcp.f32 v11;
	v11 =	vmax.f32 v8, $1.000000000e+00  }
0xb4: {  	(erf) = vrcp.f32 v11;
	v11 =	vld [tilespmem:$0xC20];
	_ =	sdelay $0x4  }
0xb5: {  	v12 =	vpsel p0, v11, v7  }
0xb6: {  	v14 =	vsub.f32 v3, v12;
	_ =	sdelay $0x1  }
0xb7: {  	v13 =	vpop (erf)  }
0xb8: {  	s18 =	simm.s32 $0x40;
	v7 =	vpsel p0, v7, v11;
	v15 =	vpop (erf)  }
0xb9: {  	v16 =	vld [tilespmem:s18+$0x20];
	v12 =	vmul.f32 v13, v12;
	v11 =	vsub.f32 v14, v7;
	v14 =	vpop (erf)  }
0xba: {  	vm1 =	vgt.f32 v10, $0.0e+00;
	vm2 =	vgt.f32 v8, $0.0e+00;
	v8 =	vld [tilespmem:s18+$0x10];
	v13 =	vmul.f32 v14, v7  }
0xbb: {  	v5 =	vsel vm1, v12, v5;
	v12 =	vld [tilespmem:s18+$0xFFFFFFC0];
	v10 =	vmul.f32 v15, v11  }
0xbc: {  	vm1 =	vgt.f32 v9, $0.0e+00;
	v15 =	vld [tilespmem:s18+$0x0];
	v4 =	vsel vm2, v13, v4  }
0xbd: {  	v11 =	vld [tilespmem:s18+$0xFFFFFFE0];
	v6 =	vsel vm1, v10, v6;
	v9 =	vpsel p0, v4, v5  }
0xbe: {  	v7 =	vld [tilespmem:s18+$0x30];
	v10 =	vadd.f32 v6, v9  }
0xbf: {  	v13 =	vld [tilespmem:s18+$0xFFFFFFD0]  }
0xc0: {  	v9 =	vld [tilespmem:s18+$0xFFFFFFF0];
	v10 =	vmul.f32 $5.000000000e-01, v10  }
0xc1: {  	v20 =	vimm.f32 $0.0e+00;
	v19 =	vimm.f32 $0.0e+00  }
0xc2: {  	v18 =	vimm.f32 $0.0e+00;
	v14 =	vimm.f32 $0.0e+00;
	vm1 =	vle.f32 v16, v10  }
0xc3: {  	vm2 =	vle.f32 v15, v10;
	vm3 =	vle.f32 v8, v10;
	vm4 =	vle.f32 v7, v10  }
0xc4: {  	vm5 =	vle.f32 v12, v10;
	vm6 =	vle.f32 v11, v10;
	vm9 =	vle.f32 v13, v10  }
0xc5: {  	vm8 =	vle.f32 v9, v10;
	vm10 =	vmxor vm0, vm1;
	vm1 =	vmxor vm0, vm4  }
0xc6: {  	vm6 =	vmxor vm0, vm6;
	vm7 =	vmxor vm0, vm2;
	vm2 =	vmxor vm0, vm3  }
0xc7: {  	vm5 =	vmxor vm0, vm5;
	vm4 =	vmxor vm0, vm9;
	vm3 =	vmxor vm0, vm8  }
0xc8: {  	s19 =	simm.s32 $0xC0;
	s18 =	simm.s32 $0x0;
	v17 =	vnsel vm7, $0x0, v15;
	v16 =	vnsel vm10, $0x0, v16;
	v15 =	vsel vm10, $0x3F800000, v1  }
.LBB2_11:
0xc9: {  	v21 =	vld [tilespmem:s19+$0x20];
	v22 =	vnsel vm6, $0x0, v11;
	v23 =	vsel vm6, $0x3F800000, v1;
	v24 =	vsel vm7, $0x3F800000, v1  }
0xca: {  	v11 =	vnsel vm5, $0x0, v12;
	v12 =	vsel vm5, $0x3F800000, v1;
	v13 =	vnsel vm4, $0x0, v13;
	v25 =	vld [tilespmem:s19+$0x30]  }
0xcb: {  	v14 =	vadd.f32 v11, v14;
	v12 =	vadd.f32 v12, v18;
	v11 =	vsel vm4, $0x3F800000, v1;
	v26 =	vld [tilespmem:s19+$0x0]  }
0xcc: {  	v13 =	vadd.f32 v13, v20;
	v18 =	vadd.f32 v11, v19;
	v19 =	vnsel vm3, $0x0, v9;
	v27 =	vld [tilespmem:s19+$0x10]  }
0xcd: {  	v14 =	vadd.f32 v22, v14;
	v20 =	vadd.f32 v23, v12;
	v12 =	vsel vm3, $0x3F800000, v1;
	v11 =	vld [tilespmem:s19+$0xFFFFFFE0]  }
0xce: {  	v8 =	vnsel vm2, $0x0, v8;
	v19 =	vadd.f32 v19, v13;
	v18 =	vadd.f32 v12, v18;
	v9 =	vld [tilespmem:s19+$0xFFFFFFF0]  }
0xcf: {  	v14 =	vadd.f32 v17, v14;
	v17 =	vadd.f32 v24, v20;
	v20 =	vsel vm2, $0x3F800000, v1;
	v12 =	vld [tilespmem:s19+$0xFFFFFFC0]  }
0xd0: {  	v19 =	vadd.f32 v8, v19;
	v22 =	vadd.f32 v20, v18;
	v20 =	vnsel vm1, $0x0, v7;
	v7 =	vmovc v25;
	v13 =	vld [tilespmem:s19+$0xFFFFFFD0]  }
0xd1: {  	v14 =	vadd.f32 v16, v14;
	v18 =	vadd.f32 v15, v17;
	v15 =	vsel vm1, $0x3F800000, v1;
	v8 =	vmovc v27  }
0xd2: {  	s18 =	sadd.s32 $0x4, s18;
	vm1 =	vle.f32 v21, v10;
	v20 =	vadd.f32 v20, v19;
	v19 =	vadd.f32 v15, v22  }
0xd3: {  	p2 =	slt.u32 s18, $0x3C;
	vm2 =	vle.f32 v26, v10;
	vm4 =	vle.f32 v7, v10;
	vm3 =	vle.f32 v8, v10  }
.Ltmp4:
0xd4: {  	vm6 =	vle.f32 v11, v10;
	vm8 =	vle.f32 v9, v10;
	vm5 =	vle.f32 v12, v10;
	(pc) =	sbr.rel @p2 .LBB2_11-.Ltmp4, $4  }
0xd5: {  	vm10 =	vmxor vm0, vm1;
	vm1 =	vmxor vm0, vm4;
	vm9 =	vle.f32 v13, v10  }
0xd6: {  	vm7 =	vmxor vm0, vm2;
	vm6 =	vmxor vm0, vm6;
	vm2 =	vmxor vm0, vm3  }
0xd7: {  	vm3 =	vmxor vm0, vm8;
	vm5 =	vmxor vm0, vm5;
	vm4 =	vmxor vm0, vm9  }
0xd8: {  	s19 =	sadd.s32 $0x80, s19;
	v17 =	vnsel vm7, $0x0, v26;
	v16 =	vnsel vm10, $0x0, v21;
	v15 =	vsel vm10, $0x3F800000, v1  }
0xd9: {  	v10 =	vnsel vm6, $0x0, v11;
	v44 =	vsel vm6, $0x3F800000, v1;
	v21 =	vsel vm7, $0x3F800000, v1  }
0xda: {  	v12 =	vnsel vm5, $0x0, v12;
	v22 =	vsel vm5, $0x3F800000, v1;
	v13 =	vnsel vm4, $0x0, v13  }
0xdb: {  	v45 =	vsel vm4, $0x3F800000, v1;
	v12 =	vadd.f32 v12, v14;
	v13 =	vadd.f32 v13, v20  }
0xdc: {  	v9 =	vnsel vm3, $0x0, v9;
	v18 =	vadd.f32 v22, v18;
	v14 =	vadd.f32 v45, v19  }
0xdd: {  	v46 =	vsel vm3, $0x3F800000, v1;
	v10 =	vadd.f32 v10, v12;
	v9 =	vadd.f32 v9, v13  }
0xde: {  	v8 =	vnsel vm2, $0x0, v8;
	v11 =	vadd.f32 v44, v18;
	v12 =	vadd.f32 v46, v14  }
0xdf: {  	v47 =	vsel vm2, $0x3F800000, v1;
	v10 =	vadd.f32 v17, v10;
	v8 =	vadd.f32 v8, v9  }
0xe0: {  	v7 =	vnsel vm1, $0x0, v7;
	v48 =	vadd.f32 v21, v11;
	v49 =	vadd.f32 v47, v12  }
0xe1: {  	v50 =	vsel vm1, $0x3F800000, v1;
	v10 =	vadd.f32 v16, v10;
	v7 =	vadd.f32 v7, v8  }
0xe2: {  	v8 =	vadd.f32 v15, v48;
	v51 =	vadd.f32 v50, v49  }
0xe3: {  	v7 =	vadd.f32 v7, v10  }
0xe4: {  	v8 =	vadd.f32 v51, v8  }
0xe5: {  	(xrf2) =	vadd.scan.msk.f32 $0xffff, v7  }
0xe6: {  	(xrf2) =	vadd.scan.msk.f32 $0xffff, v8;
	_ =	sdelay $0x8  }
0xe7: {  	v7, _, _ =	vpop (xrf2)  }
0xe8: {  	v7 =	vbroadcast v7, $0xF;
	v8, _, _ =	vpop (xrf2)  }
0xe9: {  	v8 =	vbroadcast v8, $0xF  }
0xea: {  	[tilespmem:$0xC00] =	vst v7  }
0xeb: {  	[tilespmem:$0xC10] =	vst v8  }
0xec: {  	[spmem:s4] =	stream.linear.scatter [tilespmem:s13], [sflag:$0x1], $0x20, $0x38;
	[tilespmem:$0xD40] =	vst v63  }
0xed: {  	_ =	swait.ge [sflag:s12], $0x20  }
0xee: {  	[sflag:s12] =	ssyncset.done $0x0  }
0xef: {  	[sflag:s12] =	ssyncadd.s32 $0xFFFFFFE0  }
0xf0: {  	[bflag:$0x0] =	sbarrier.arrive $0xFFFF  }
0xf1: {  	[tilespmem:s14], [sflag:$0x1] =	stream.linear.gather [spmem:s5], $0x20, $0x38;
	[tilespmem:$0xD40] =	vst v63  }
0xf2: {  	_ =	swait.ge [sflag:s12], $0x20  }
0xf3: {  	[sflag:s12] =	ssyncset.done $0x0  }
0xf4: {  	[sflag:s12] =	ssyncadd.s32 $0xFFFFFFE0  }
0xf5: {  	v52 =	vld [tilespmem:$0xC30];
	_ =	sdelay $0x4  }
0xf6: {  	v53 =	vpsel p0, v52, v8  }
0xf7: {  	v54 =	vsub.f32 $2.048000000e+03, v53  }
0xf8: {  	v8 =	vpsel p0, v8, v52  }
0xf9: {  	v9 =	vsub.f32 v54, v8  }
0xfa: {  	v55 =	vmax.f32 v53, $1.000000000e+00  }
0xfb: {  	(erf) = vrcp.f32 v55;
	v56 =	vmax.f32 v9, $1.000000000e+00  }
0xfc: {  	v57 =	vmax.f32 v8, $1.000000000e+00;
	(erf) = vrcp.f32 v56  }
0xfd: {  	v58 =	vld [tilespmem:$0xC20];
	(erf) = vrcp.f32 v57;
	_ =	sdelay $0x4  }
0xfe: {  	v59 =	vpsel p0, v58, v7  }
0xff: {  	s17 =	sadd.s32 $0x1, s17;
	v60 =	vsub.f32 v3, v59  }
0x100: {  	p2 =	sne.s32 s17, $0x5;
	v7 =	vpsel p0, v7, v58;
	v61 =	vpop (erf)  }
.Ltmp5:
0x101: {  	v13 =	vsub.f32 v60, v7;
	v62 =	vpop (erf);
	(pc) =	sbr.rel @p2 .LBB2_8-.Ltmp5, $4  }
0x102: {  	v11 =	vmul.f32 v61, v59;
	v63 =	vpop (erf)  }
0x103: {  	v12 =	vmul.f32 v62, v13;
	v7 =	vmul.f32 v63, v7  }
0x104: {  	vm1 =	vgt.f32 v53, $0.0e+00;
	vm3 =	vgt.f32 v8, $0.0e+00;
	vm2 =	vgt.f32 v9, $0.0e+00  }
0x105: {  	v5 =	vsel vm1, v11, v5;
	v6 =	vsel vm2, v12, v6;
	v4 =	vsel vm3, v7, v4  }
0x106: {  	v7 =	vadd.f32 v6, v5;
	vm1 =	vgt.f32 v5, v6;
	vm2 =	veq.f32 v5, v6  }
0x107: {  	v3 =	vsel vm1, $0x1, v2;
	vm1 =	vgt.f32 v4, v6;
	v8 =	vsel vm2, $0x1, v2  }
0x108: {  	v9 =	vadd.f32 v4, v6;
	v10 =	vsel vm1, $0x1, v2;
	v3 =	vadd.s32 v3, v8  }
0x109: {  	vm2 =	vgt.f32 v6, v4;
	vm1 =	vgt.f32 v5, v4;
	v3 =	vadd.s32 v10, v3;
	v10 =	vld [tilespmem:s11+$0xFFFFFFC0]  }
0x10a: {  	v11 =	vsel vm2, $0x1, v2;
	v7 =	vmul.f32 $5.000000000e-01, v7;
	v8 =	vsel vm1, $0x1, v2  }
0x10b: {  	vm2 =	veq.f32 v6, v4;
	vm1 =	veq.f32 v5, v4;
	v11 =	vadd.s32 v11, v8  }
0x10c: {  	v12 =	vsel vm1, $0x1, v2;
	v8 =	vmul.f32 $5.000000000e-01, v9;
	vm1 =	vgt.f32 v6, v5  }
0x10d: {  	v9 =	vadd.s32 v12, v11;
	v11 =	vsel vm1, $0x1, v2;
	vm1 =	vgt.f32 v4, v5  }
0x10e: {  	v4 =	vsel vm2, $0x1, v2;
	vm2 =	vgt.f32 v10, v7;
	vm3 =	vgt.f32 v10, v8  }
0x10f: {  	v5 =	vsel vm1, $0x1, v2;
	v4 =	vadd.s32 v4, v9;
	vm1 =	vmxor vm2, vm3  }
0x110: {  	v5 =	vadd.s32 v11, v5;
	vm2 =	vmor vm2, vm3;
	v6 =	vsel vm1, v3, v4  }
0x111: {  	s17 =	simm.s32 $0x840;
	v6 =	vsel vm2, v6, v5  }
0x112: {  	[tilespmem:s17+$0xFFFFFFC0] =	vst v6  }
0x113: {  	v6 =	vld [tilespmem:s11+$0xFFFFFFD0];
	_ =	sdelay $0x4  }
0x114: {  	vm1 =	vgt.f32 v6, v7;
	vm2 =	vgt.f32 v6, v8  }
0x115: {  	vm3 =	vmxor vm1, vm2  }
0x116: {  	vm1 =	vmor vm1, vm2;
	v6 =	vsel vm3, v3, v4  }
0x117: {  	v6 =	vsel vm1, v6, v5  }
0x118: {  	[tilespmem:s17+$0xFFFFFFD0] =	vst v6  }
0x119: {  	v6 =	vld [tilespmem:s11+$0xFFFFFFE0];
	_ =	sdelay $0x4  }
0x11a: {  	vm1 =	vgt.f32 v6, v7;
	vm2 =	vgt.f32 v6, v8  }
0x11b: {  	vm3 =	vmxor vm1, vm2  }
0x11c: {  	vm1 =	vmor vm1, vm2;
	v6 =	vsel vm3, v3, v4  }
0x11d: {  	v6 =	vsel vm1, v6, v5  }
0x11e: {  	[tilespmem:s17+$0xFFFFFFE0] =	vst v6  }
0x11f: {  	v6 =	vld [tilespmem:s11+$0xFFFFFFF0];
	_ =	sdelay $0x4  }
0x120: {  	vm1 =	vgt.f32 v6, v7;
	vm2 =	vgt.f32 v6, v8  }
0x121: {  	vm3 =	vmxor vm1, vm2  }
0x122: {  	vm1 =	vmor vm1, vm2;
	v6 =	vsel vm3, v3, v4  }
0x123: {  	v6 =	vsel vm1, v6, v5  }
0x124: {  	[tilespmem:s17+$0xFFFFFFF0] =	vst v6  }
0x125: {  	v6 =	vld [tilespmem:s11+$0x0];
	_ =	sdelay $0x4  }
0x126: {  	vm1 =	vgt.f32 v6, v7;
	vm2 =	vgt.f32 v6, v8  }
0x127: {  	vm3 =	vmxor vm1, vm2  }
0x128: {  	vm1 =	vmor vm1, vm2;
	v6 =	vsel vm3, v3, v4  }
0x129: {  	v6 =	vsel vm1, v6, v5  }
0x12a: {  	[tilespmem:s17+$0x0] =	vst v6  }
0x12b: {  	v6 =	vld [tilespmem:s11+$0x10];
	_ =	sdelay $0x4  }
0x12c: {  	vm1 =	vgt.f32 v6, v7;
	vm2 =	vgt.f32 v6, v8  }
0x12d: {  	vm3 =	vmxor vm1, vm2  }
0x12e: {  	vm1 =	vmor vm1, vm2;
	v6 =	vsel vm3, v3, v4  }
0x12f: {  	v6 =	vsel vm1, v6, v5  }
0x130: {  	[tilespmem:s17+$0x10] =	vst v6  }
0x131: {  	v6 =	vld [tilespmem:s11+$0x20];
	_ =	sdelay $0x4  }
0x132: {  	vm1 =	vgt.f32 v6, v7;
	vm2 =	vgt.f32 v6, v8  }
0x133: {  	vm3 =	vmxor vm1, vm2  }
0x134: {  	vm1 =	vmor vm1, vm2;
	v6 =	vsel vm3, v3, v4  }
0x135: {  	v6 =	vsel vm1, v6, v5  }
0x136: {  	[tilespmem:s17+$0x20] =	vst v6  }
0x137: {  	v6 =	vld [tilespmem:s11+$0x30];
	_ =	sdelay $0x4  }
0x138: {  	vm1 =	vgt.f32 v6, v7;
	vm2 =	vgt.f32 v6, v8  }
0x139: {  	vm3 =	vmxor vm1, vm2  }
0x13a: {  	vm1 =	vmor vm1, vm2;
	v6 =	vsel vm3, v3, v4  }
0x13b: {  	s18 =	simm.s32 $0x0;
	s19 =	smov.u32 s11;
	v6 =	vsel vm1, v6, v5  }
.LBB2_14:
0x13c: {  	s18 =	sadd.s32 $0x8, s18;
	[tilespmem:s17+$0x30] =	vst v6;
	s17 =	sadd.s32 $0x80, s17;
	s19 =	sadd.s32 $0x80, s19  }
0x13d: {  	v6 =	vld [tilespmem:s19+$0xFFFFFFC0];
	p2 =	slt.u32 s18, $0x38;
	_ =	sdelay $0x4  }
0x13e: {  	vm1 =	vgt.f32 v6, v7;
	vm2 =	vgt.f32 v6, v8  }
0x13f: {  	vm3 =	vmor vm1, vm2;
	vm1 =	vmxor vm1, vm2  }
0x140: {  	v6 =	vsel vm1, v3, v4  }
0x141: {  	v6 =	vsel vm3, v6, v5  }
0x142: {  	[tilespmem:s17+$0xFFFFFFC0] =	vst v6  }
0x143: {  	v6 =	vld [tilespmem:s19+$0xFFFFFFD0];
	_ =	sdelay $0x4  }
0x144: {  	vm1 =	vgt.f32 v6, v7;
	vm2 =	vgt.f32 v6, v8  }
0x145: {  	vm3 =	vmor vm1, vm2;
	vm1 =	vmxor vm1, vm2  }
0x146: {  	v6 =	vsel vm1, v3, v4  }
0x147: {  	v6 =	vsel vm3, v6, v5  }
0x148: {  	[tilespmem:s17+$0xFFFFFFD0] =	vst v6  }
0x149: {  	v6 =	vld [tilespmem:s19+$0xFFFFFFE0];
	_ =	sdelay $0x4  }
0x14a: {  	vm1 =	vgt.f32 v6, v7;
	vm2 =	vgt.f32 v6, v8  }
0x14b: {  	vm3 =	vmor vm1, vm2;
	vm1 =	vmxor vm1, vm2  }
0x14c: {  	v6 =	vsel vm1, v3, v4  }
0x14d: {  	v6 =	vsel vm3, v6, v5  }
0x14e: {  	[tilespmem:s17+$0xFFFFFFE0] =	vst v6  }
0x14f: {  	v6 =	vld [tilespmem:s19+$0xFFFFFFF0];
	_ =	sdelay $0x4  }
0x150: {  	vm1 =	vgt.f32 v6, v7;
	vm2 =	vgt.f32 v6, v8  }
0x151: {  	vm3 =	vmor vm1, vm2;
	vm1 =	vmxor vm1, vm2  }
0x152: {  	v6 =	vsel vm1, v3, v4  }
0x153: {  	v6 =	vsel vm3, v6, v5  }
0x154: {  	[tilespmem:s17+$0xFFFFFFF0] =	vst v6  }
0x155: {  	v6 =	vld [tilespmem:s19+$0x0];
	_ =	sdelay $0x4  }
0x156: {  	vm1 =	vgt.f32 v6, v7;
	vm2 =	vgt.f32 v6, v8  }
0x157: {  	vm3 =	vmor vm1, vm2;
	vm1 =	vmxor vm1, vm2  }
0x158: {  	v6 =	vsel vm1, v3, v4  }
0x159: {  	v6 =	vsel vm3, v6, v5  }
0x15a: {  	[tilespmem:s17+$0x0] =	vst v6  }
0x15b: {  	v6 =	vld [tilespmem:s19+$0x10];
	_ =	sdelay $0x4  }
0x15c: {  	vm1 =	vgt.f32 v6, v7;
	vm2 =	vgt.f32 v6, v8  }
0x15d: {  	vm3 =	vmor vm1, vm2;
	vm1 =	vmxor vm1, vm2  }
0x15e: {  	v6 =	vsel vm1, v3, v4  }
0x15f: {  	v6 =	vsel vm3, v6, v5  }
0x160: {  	[tilespmem:s17+$0x10] =	vst v6  }
0x161: {  	v6 =	vld [tilespmem:s19+$0x20];
	_ =	sdelay $0x4  }
0x162: {  	vm1 =	vgt.f32 v6, v7;
	vm2 =	vgt.f32 v6, v8  }
0x163: {  	vm3 =	vmor vm1, vm2;
	vm1 =	vmxor vm1, vm2  }
0x164: {  	v6 =	vsel vm1, v3, v4  }
0x165: {  	v6 =	vsel vm3, v6, v5  }
0x166: {  	[tilespmem:s17+$0x20] =	vst v6  }
0x167: {  	v6 =	vld [tilespmem:s19+$0x30];
	_ =	sdelay $0x3  }
.Ltmp6:
0x168: {  	(pc) =	sbr.rel @p2 .LBB2_14-.Ltmp6, $4  }
0x169: {  	vm1 =	vgt.f32 v6, v7;
	vm2 =	vgt.f32 v6, v8  }
0x16a: {  	vm3 =	vmor vm1, vm2;
	vm1 =	vmxor vm1, vm2  }
0x16b: {  	v6 =	vsel vm1, v3, v4  }
0x16c: {  	v6 =	vsel vm3, v6, v5  }
0x16d: {  	[tilespmem:s17+$0x30] =	vst v6;
	s17 =	simm.s32 @!p1 $0x0;
	s18 =	simm.s32 @!p1 $0x800  }
0x16e: {  	[hbm4b:s8+s17] =	stream.linear.scatter @!p1 [tilespmem:s18], [sflag:$0x1], $0x400, $0x38;
	[tilespmem:$0xD40] =	vst v63  }
0x16f: {  	s17 =	simm.s32 @!p1 $0x1  }
0x170: {  	_ =	swait.ge @!p1 [sflag:s17], $0x400  }
0x171: {  	[sflag:s17] =	ssyncset.done @!p1 $0x0  }
0x172: {  	[sflag:s17] =	ssyncadd.s32 @!p1 $0xFFFFFC00  }
0x173: {  	[tilespmem:$0xCC0] =	vst v1  }
0x174: {  	[tilespmem:$0xCD0] =	vst v1  }
0x175: {  	[tilespmem:$0xCE0] =	vst v1  }
0x176: {  	[tilespmem:$0xCF0] =	vst v1  }
0x177: {  	[tilespmem:$0xD00] =	vst v1  }
0x178: {  	s16 =	sadd.s32 $0x1, s16;
	[tilespmem:$0xD10] =	vst v1  }
0x179: {  	p2 =	sne.s32 s16, s10;
	[tilespmem:$0xD20] =	vst v1  }
.Ltmp7:
0x17a: {  	[tilespmem:$0xD30] =	vst v1;
	(pc) =	sbr.rel @p2 .LBB2_1-.Ltmp7, $4  }
0x17b: {  	[hbm4b:s9+s2] =	stream.linear.scatter [tilespmem:s15], [sflag:$0x1], $0x80, $0x38;
	[tilespmem:$0xD40] =	vst v63  }
0x17c: {  	_ =	swait.ge [sflag:s12], $0x80  }
0x17d: {  	[sflag:s12] =	ssyncset.done $0x0  }
0x17e: {  	[sflag:s12] =	ssyncadd.s32 $0xFFFFFF80  }
0x17f: {  	_ =	sfence.sel $0x180000  }
0x180: {  	[bflag:$0x0] =	sbarrier.arrive $0xFFFF  }
0x181: {  	p0 =	sne.s32 s1, $0x0;
	_ =	strace $0x9000004A  }
0x182: {  	s0 =	sadd.s32 @!p0 $0x100000, s0;
	[bflag:$0x2] =	sbarrier.arrive $0xFFFF  }
0x183: {  	[sflag:s0] =	ssyncadd.tile.s32 @!p0 $0x1;
	_ =	shalt  }
.Lfunc_end2:
_tile_overlayer_lowered:
.L_overlay_start_2:
0x184: {  	(tag) =	ssettag $0x2  }
0x185: {  	s0 =	rddreg [dreg:$0x0];
	s2 =	stileid.u32  }
0x186: {  	s1 =	rddreg [dreg:$0x1];
	p0 =	sne.s32 s2, $0x0  }
0x187: {  	s3 =	rddreg [dreg:$0x2];
	[bflag:$0x3] =	sbarrier.arrive $0xFFFF;
	s2 =	simm.s32 @!p0 $0x1C01  }
0x188: {  	[timem:s3], [sflag:s2] =	dma.local @!p0 [hbm:s0], s1  }
0x189: {  	s0 =	simm.s32 @!p0 $0x1  }
0x18a: {  	_ =	swait.ge @!p0 [sflag:s0], s1  }
0x18b: {  	s1 =	ssub.s32 @!p0 $0x0, s1;
	[sflag:s0] =	ssyncset.done @!p0 $0x0  }
0x18c: {  	[sflag:s0] =	ssyncadd.s32 @!p0 s1  }
0x18d: {  	[bflag:$0x3] =	sbarrier.arrive $0xFFFF  }
0x18e: {  	_ =	shalt  }

// kernel: kernel.8.cloned.1.call-start
scs
__scs_entry_jumppad:
0x0: {  	(pc) =	sbr.rel $0x88, $3  }
0x1: {  	(tag) =	ssettag $0x0;
	lr =	simm.s32 $0x1  }
0x2: {  	[smem:$0x3FA0] =	sst lr;
	_ =	strace $0xD0000000  }
0x3: {  	_ = 	snop  }
0x4: {  	_ = 	snop  }
0x5: {  	_ = 	snop  }
0x6: {  	_ = 	snop  }
0x7: {  	_ = 	snop  }
__scs_overlays_trampoline_lowered:
0x8: {  	[smem:$0x3FAF] =	sst s0  }
0x9: {  	[smem:$0x3FB0] =	sst s1  }
0xa: {  	[smem:$0x3FB1] =	sst s2  }
0xb: {  	[smem:$0x3FB2] =	sst s3  }
0xc: {  	[smem:$0x3FB3] =	sst s4  }
0xd: {  	[smem:$0x3FB4] =	sst s5  }
0xe: {  	[smem:$0x3FB5] =	sst s6  }
0xf: {  	[smem:$0x3FB6] =	sst s7  }
0x10: {  	[smem:$0x3FB7] =	sst s8  }
0x11: {  	[smem:$0x3FB8] =	sst s9;
	s0 =	simm.s32 @!p0 $0x0  }
0x12: {  	s1 =	sld [smem:$0x3F9E];
	s0 =	simm.s32 @p0 $0x1  }
0x13: {  	[smem:$0x3FB9] =	sst s0;
	s0 =	simm.s32 @!p1 $0x0  }
0x14: {  	s2 =	sld [smem:$0x3F9D];
	s0 =	simm.s32 @p1 $0x1  }
0x15: {  	[smem:$0x3FBA] =	sst s0;
	s0 =	simm.s32 @!p2 $0x0  }
0x16: {  	s3 =	sld [smem:$0x3FDB];
	s0 =	simm.s32 @p2 $0x1  }
0x17: {  	s4 =	simm.s32 $0x1BF5;
	[smem:$0x3FBC] =	sst s0  }
0x18: {  	s0 =	sld [smem:$0x3F9F];
	_ =	swait.ge [sflag:s4], $0x0  }
0x19: {  	s7 =	sld [smem:$0x3FA0]  }
0x1a: {  	s8 =	sadd.s32 $0xFFFFE003, lr  }
0x1b: {  	s9 =	sadd.s32 $0xFFFFFEF7, lr;
	s5 =	simm.s32 $0xFFFFFFFF;
	p2 =	slt.u32 s8, $0xFFFFF086  }
0x1c: {  	p1 =	slt.u32 s9, $0xF7A;
	s5 =	simm.s32 @!p2 $0x0  }
0x1d: {  	s5 =	simm.s32 @p1 $0x1;
	p0 =	seq.s32 s7, s2  }
0x1e: {  	s7 =	smul.u32 @!p0 $0xF7A, s2;
	p2 =	seq.s32 @!p0 s5, $0x0  }
0x1f: {  	s9 =	smul.u32 $0xF7A, s1;
	s8 =	simm.s32 @!p0 $0x1BF5;
	p2 =	por !p2, p0  }
0x20: {  	[sflag:s8] =	ssyncset.s32 @!p0 $0xFFFFF086;
	s6 =	sadd.s32 @!p0 s3, s7;
	s7 =	simm.s32 @!p0 $0x108  }
0x21: {  	s3 =	sadd.s32 s3, s9;
	s6 =	sadd.s32 @!p0 $0x88, s6;
	s7 =	simm.s32 @p2 $0x1082  }
0x22: {  	[simem:s7], [sflag:s8] =	dma.local @!p0 [hbm:s6], $0xF7A  }
0x23: {  	s9 =	sor.u32 $0xD0000000, s2;
	s6 =	simm.s32 $0x108;
	_ =	swait.ge @!p0 [sflag:s8], $0x0  }
0x24: {  	s3 =	sadd.s32 $0x88, s3;
	s6 =	simm.s32 @!p1 $0x1082;
	[sflag:s4] =	ssyncset.s32 $0xFFFFF086  }
0x25: {  	[simem:s6], [sflag:s4] =	dma.local [hbm:s3], $0xF7A  }
0x26: {  	[smem:$0x3FA0] =	sst s1;
	(tag) =	ssettag s2;
	_ =	strace s9  }
0x27: {  	s1 =	sld [smem:$0x3FB0]  }
0x28: {  	s2 =	sld [smem:$0x3FB1]  }
0x29: {  	s4 =	sld [smem:$0x3FB3]  }
0x2a: {  	p0 =	seq.s32 s5, $0x0;
	s5 =	sld [smem:$0x3FB4]  }
0x2b: {  	s6 =	sld [smem:$0x3FB5]  }
0x2c: {  	s7 =	sld [smem:$0x3FB6]  }
0x2d: {  	s3 =	simm.s32 $0x108;
	s8 =	sld [smem:$0x3FB7]  }
0x2e: {  	s3 =	simm.s32 @!p0 $0x1082;
	s9 =	sld [smem:$0x3FB8]  }
0x2f: {  	lr =	sadd.s32 s0, s3;
	s0 =	sld [smem:$0x3FAF]  }
0x30: {  	s3 =	sld [smem:$0x3FB2]  }
0x31: {  	[smem:$0x3FBB] =	sst s10  }
0x32: {  	s10 =	sld [smem:$0x3FB9];
	_ =	sdelay $0x3  }
0x33: {  	p0 =	seq.s32 s10, $0x1;
	s10 =	sld [smem:$0x3FBB];
	_ =	sdelay $0x3  }
0x34: {  	[smem:$0x3FBB] =	sst s10  }
0x35: {  	s10 =	sld [smem:$0x3FBA];
	_ =	sdelay $0x3  }
0x36: {  	p1 =	seq.s32 s10, $0x1;
	s10 =	sld [smem:$0x3FBB];
	_ =	sdelay $0x3  }
0x37: {  	[smem:$0x3FBB] =	sst s10  }
0x38: {  	s10 =	sld [smem:$0x3FBC]  }
0x39: {  	_ = 	snop;
	(pc) =	sbr.ind lr, $3  }
0x3a: {  	_ = 	snop  }
0x3b: {  	_ = 	snop  }
0x3c: {  	p2 =	seq.s32 s10, $0x1;
	s10 =	sld [smem:$0x3FBB]  }
0x3d: {  	_ =	shalt  }
0x3e: {  	_ =	shalt  }
0x3f: {  	_ =	shalt  }
0x40: {  	_ =	shalt  }
0x41: {  	_ =	shalt  }
0x42: {  	_ =	shalt  }
0x43: {  	_ =	shalt  }
0x44: {  	_ =	shalt  }
0x45: {  	_ =	shalt  }
0x46: {  	_ =	shalt  }
0x47: {  	_ =	shalt  }
0x48: {  	_ =	shalt  }
0x49: {  	_ =	shalt  }
0x4a: {  	_ =	shalt  }
0x4b: {  	_ =	shalt  }
0x4c: {  	_ =	shalt  }
0x4d: {  	_ =	shalt  }
0x4e: {  	_ =	shalt  }
0x4f: {  	_ =	shalt  }
0x50: {  	_ =	shalt  }
0x51: {  	_ =	shalt  }
0x52: {  	_ =	shalt  }
0x53: {  	_ =	shalt  }
0x54: {  	_ =	shalt  }
0x55: {  	_ =	shalt  }
0x56: {  	_ =	shalt  }
0x57: {  	_ =	shalt  }
0x58: {  	_ =	shalt  }
0x59: {  	_ =	shalt  }
0x5a: {  	_ =	shalt  }
0x5b: {  	_ =	shalt  }
0x5c: {  	_ =	shalt  }
0x5d: {  	_ =	shalt  }
0x5e: {  	_ =	shalt  }
0x5f: {  	_ =	shalt  }
0x60: {  	_ =	shalt  }
0x61: {  	_ =	shalt  }
0x62: {  	_ =	shalt  }
0x63: {  	_ =	shalt  }
0x64: {  	_ =	shalt  }
0x65: {  	_ =	shalt  }
0x66: {  	_ =	shalt  }
0x67: {  	_ =	shalt  }
0x68: {  	_ =	shalt  }
0x69: {  	_ =	shalt  }
0x6a: {  	_ =	shalt  }
0x6b: {  	_ =	shalt  }
0x6c: {  	_ =	shalt  }
0x6d: {  	_ =	shalt  }
0x6e: {  	_ =	shalt  }
0x6f: {  	_ =	shalt  }
0x70: {  	_ =	shalt  }
0x71: {  	_ =	shalt  }
0x72: {  	_ =	shalt  }
0x73: {  	_ =	shalt  }
0x74: {  	_ =	shalt  }
0x75: {  	_ =	shalt  }
0x76: {  	_ =	shalt  }
0x77: {  	_ =	shalt  }
0x78: {  	_ =	shalt  }
0x79: {  	_ =	shalt  }
0x7a: {  	_ =	shalt  }
0x7b: {  	_ =	shalt  }
0x7c: {  	_ =	shalt  }
0x7d: {  	_ =	shalt  }
0x7e: {  	_ =	shalt  }
0x7f: {  	_ =	shalt  }
0x80: {  	_ =	shalt  }
0x81: {  	_ =	shalt  }
0x82: {  	_ =	shalt  }
0x83: {  	_ =	shalt  }
0x84: {  	_ =	shalt  }
0x85: {  	_ =	shalt  }
0x86: {  	_ =	shalt  }
0x87: {  	_ =	shalt  }
.Lfunc_end0:
.L_simem_size_0:
called_computation_lowered:
.L_overlay_start_0:
0x88: {  	s2 =	sld [smem:$0x3FD9]  }
0x89: {  	s3 =	sld [smem:$0x3FFE];
	_ =	sdelay $0x1  }
0x8a: {  	s1 =	srdreg.scid  }
0x8b: {  	s0 =	sand.u32 $0x1, s1  }
0x8c: {  	s14 =	sshll.u32 s0, $0xA;
	s2 =	sadd.s32 s3, s2  }
0x8d: {  	s2 =	sadd.s32 s2, s14  }
0x8e: {  	[smem:$0x3FC7] =	sst s2  }
0x8f: {  	_ = 	snop  }
0x90: {  	s2 =	sld [smem:$0x3FD0];
	_ =	sdelay $0x2  }
0x91: {  	s15 =	simm.s32 $0xB;
	s4 =	simm.s32 $0x10  }
0x92: {  	[smem:s4], [sflag:s15] =	dma.local [hbm:s2], $0x1  }
0x93: {  	_ =	swait.eq [sflag:s15], $0x1  }
0x94: {  	[sflag:s15] =	ssyncset.done $0x0  }
0x95: {  	[sflag:s15] =	ssyncadd.s32 $0xFFFFFFFF  }
0x96: {  	s16 =	sld [smem:$0x12];
	(tm) =	ssettm $0x1  }
0x97: {  	s17 =	sld [smem:$0x3FFB];
	_ =	sdelay $0x3  }
0x98: {  	_ =	strace s17  }
0x99: {  	s3 =	sld [smem:$0x3FFC];
	_ =	sdelay $0x3  }
0x9a: {  	_ =	strace s3  }
0x9b: {  	s3 =	sld [smem:$0x3FFD];
	_ =	sdelay $0x3  }
0x9c: {  	_ =	strace s3  }
0x9d: {  	_ =	strace $0x8FFFFFFF  }
0x9e: {  	s18 =	sld [smem:$0x3FDB];
	_ =	sdelay $0x1  }
0x9f: {  	s19 =	simm.s32 $_scs_section_size  }
0xa0: {  	s5 =	simm.s32 $_size__tile_overlayer_lowered;
	s6 =	simm.s32 $_tile_overlayer_lowered  }
0xa1: {  	s22 =	simm.s32 $0x1BFF;
	s21 =	sshll.u32 s6, $0x1;
	s3 =	sadd.s32 s19, s18  }
0xa2: {  	s7 =	simm.s32 $0x0;
	s20 =	sshll.u32 s5, $0x1;
	s5 =	sadd.s32 s21, s3  }
0xa3: {  	[timem:s7], [sflag:s22] =	dma.local [hbm:s5], s20  }
0xa4: {  	_ =	swait.ge [sflag:s22], s20  }
0xa5: {  	s4 =	ssub.s32 $0x0, s20;
	[sflag:s22] =	ssyncset.done $0x0  }
0xa6: {  	[sflag:s22] =	ssyncadd.s32 s4;
	_ =	sdelay $0x1  }
0xa7: {  	s23 =	simm.s32 $0x1B8B  }
0xa8: {  	_ =	swait.ge [sflag:s23], $0x1  }
0xa9: {  	[sflag:s23] =	ssyncset.done $0x0  }
0xaa: {  	s25 =	simm.s32 $0x1B8E;
	s24 =	sld [smem:$0x3FFE];
	[sflag:s23] =	ssyncadd.s32 $0xFFFFFFFF  }
0xab: {  	s26 =	simm.s32 $execute0_lowered;
	[smem:$0x3FD2] =	sst s25  }
0xac: {  	s5 =	sshll.u32 s26, $0x1;
	_ =	strace $0x80000046;
	[dreg:$0x1] =	wrdreg $0xFFFFFFFF  }
0xad: {  	s28 =	simm.s32 $_size_execute0_lowered;
	s3 =	sadd.s32 s3, s5;
	[dreg:$0x0] =	wrdreg $0x0  }
0xae: {  	s5 =	sshll.u32 s28, $0x1;
	[dreg:$0x2] =	wrdreg s3  }
0xaf: {  	[dreg:$0x3] =	wrdreg s5  }
0xb0: {  	[dreg:$0x4] =	wrdreg $0xC0  }
0xb1: {  	_ =	task [dreg:s7], $0x5FFFF  }
0xb2: {  	[dreg:$0x1] =	wrdreg $0xFFFFFFFF  }
0xb3: {  	[dreg:$0x0] =	wrdreg $0x60  }
0xb4: {  	[dreg:$0x2] =	wrdreg s24  }
0xb5: {  	[dreg:$0x3] =	wrdreg s16  }
0xb6: {  	[dreg:$0x4] =	wrdreg $0xC800  }
0xb7: {  	[dreg:$0x5] =	wrdreg $0x9  }
0xb8: {  	_ =	task.clear_ibuf [dreg:s7], $0x6FFFF;
	_ =	strace $0x90000046  }
0xb9: {  	s29 =	simm.s32 $0x9;
	_ =	strace $0x80000048  }
0xba: {  	_ =	swait.ge [sflag:s29], $0x1  }
0xbb: {  	[sflag:s29] =	ssyncadd.s32 $0xFFFFFFFF  }
0xbc: {  	_ =	strace $0x90000048  }
0xbd: {  	_ =	sfence  }
0xbe: {  	s30 =	sld [smem:$0x0];
	_ =	sdelay $0x2  }
0xbf: {  	s31 =	sshll.u32 s1, $0xD;
	s1 =	sshrl.u32 s1, $0x2  }
0xc0: {  	s3 =	sand.u32 $0x4000, s31;
	s1 =	sadd.s32 s1, s30  }
0xc1: {  	s0 =	sor.u32 s3, s0;
	s1 =	sshll.u32 s1, $0x11  }
0xc2: {  	s0 =	sor.u32 s1, s0  }
0xc3: {  	s0 =	sadd.s32 $0x8F2B, s0  }
0xc4: {  	[sflag:s0] =	ssyncadd.remote.s32 $0x1  }
0xc5: {  	_ =	sfence.sel $0xFFFF  }
0xc6: {  	[dreg:$0x0] =	wrdreg $0xFFFFFFFF;
	(pc) =	sbr.abs _section_cstart, $3  }
0xc7: {  	[dreg:$0x1] =	wrdreg $0xFFFFFFFF  }
0xc8: {  	_ =	task.clear_ibuf [dreg:s7], $0x2FFFF;
	_ =	strace $0x9FFFFFFF  }
0xc9: {  	(tm) =	ssettm $0x7FFFFFFF  }
tec
execute0_lowered:
.L_overlay_start_1:
0x0: {  	(tag) =	ssettag $0x1  }
0x1: {  	s3 =	rddreg [dreg:$0x0]  }
0x2: {  	s9 =	rddreg [dreg:$0x1]  }
0x3: {  	s5 =	rddreg [dreg:$0x2]  }
0x4: {  	s0 =	rddreg [dreg:$0x3]  }
0x5: {  	s2 =	simm.s32 $0x0;
	s4 =	srdreg.scid;
	s1 =	stileid.u32  }
0x6: {  	s15 =	simm.s32 $0xCC0;
	s16 =	simm.s32 $0x0;
	[smem:$0x7FF] =	sst s2  }
0x7: {  	s8 =	sand.u32 $0x1, s4;
	s26 =	sshll.u32 s1, $0xA;
	s7 =	sand.u32 $0x1, s1  }
0x8: {  	s28 =	sshll.u32 s1, $0x7;
	s31 =	sshll.u32 s1, $0x5;
	p1 =	sgt.u32 s1, $0x7  }
0x9: {  	s6 =	sshll.u32 s8, $0xD;
	s4 =	sand.u32 $0x1800, s26;
	_ =	strace $0x80000047  }
0xa: {  	s11 =	sshll.u32 s7, $0xA;
	s10 =	ssub.s32 $0x2, s8;
	p0 =	seq.s32 s7, $0x1  }
0xb: {  	s29 =	sxor.u32 $0x80, s28;
	s30 =	scvt.s32.f32 s7;
	s14 =	sshll.u32 s8, $0x4  }
0xc: {  	s4 =	sor.u32 s6, s4;
	s12 =	sshrl.u32 s10, $0x1;
	s9 =	sadd.s32 s9, s14  }
0xd: {  	s14 =	simm.s32 $0xC20;
	s6 =	sshrl.u32 s4, $0x3;
	s4 =	sor.u32 s11, s4  }
0xe: {  	s10 =	ssub.s32 s10, s12;
	s9 =	sadd.s32 s31, s9;
	s11 =	sor.u32 $0x40, s11  }
0xf: {  	v0 =	vmov s30;
	s12 =	simm.s32 $0x1;
	s6 =	sadd.s32 s6, s3;
	s4 =	sshrl.u32 s4, $0x3  }
0x10: {  	v0 =	vadd.f32 $1.024000000e+03, v0;
	s10 =	smax.u32 s10, $0x1;
	s13 =	sadd.s32 s4, s3;
	s4 =	sadd.s32 s28, s5  }
0x11: {  	vm0 =	vmxor vm0, vm0;
	v1 =	vimm.f32 $0.0e+00;
	s3 =	sadd.s32 $0x1C00, s6;
	s5 =	sadd.s32 s29, s5;
	s6 =	sadd.s32 $0x20, s4  }
0x12: {  	v2 =	vimm.s32 $0x0;
	vm0 =	vmneg @p0 vm0;
	s7 =	sadd.s32 $0x20, s5;
	s8 =	sadd.s32 $0x2400, s13;
	s13 =	simm.s32 $0xC00;
	v0 =	vbroadcast v0, $0x0  }
.LBB2_1:
0x13: {  	[tilespmem:s2], [sflag:$0x1] =	stream.linear.gather [hbm4b:s3+s2], $0x800, $0x38;
	[tilespmem:$0xD40] =	vst v63  }
0x14: {  	_ =	swait.ge [sflag:s12], $0x800  }
0x15: {  	[sflag:s12] =	ssyncset.done $0x0  }
0x16: {  	[sflag:s12] =	ssyncadd.s32 $0xFFFFF800  }
0x17: {  	v3 =	vld [tilespmem:$0x0]  }
0x18: {  	s18 =	simm.s32 $0x50;
	v6 =	vld [tilespmem:$0x10]  }
0x19: {  	v7 =	vld [tilespmem:s18+$0xFFFFFFD0]  }
0x1a: {  	v8 =	vld [tilespmem:s18+$0xFFFFFFE0]  }
0x1b: {  	v9 =	vld [tilespmem:s18+$0xFFFFFFF0]  }
0x1c: {  	v4 =	vld [tilespmem:s18+$0x0]  }
0x1d: {  	v5 =	vld [tilespmem:s18+$0x10];
	v10 =	vmin.f32 v3, v6;
	v11 =	vmax.f32 v3, v6  }
0x1e: {  	v10 =	vmin.f32 v10, v7;
	v12 =	vmax.f32 v11, v7;
	v7 =	vadd.f32 v7, v3;
	v11 =	vld [tilespmem:s18+$0x20]  }
0x1f: {  	v14 =	vadd.f32 v8, v6;
	v3 =	vmin.f32 v10, v8;
	v10 =	vmax.f32 v12, v8;
	v12 =	vld [tilespmem:s18+$0x30]  }
0x20: {  	s17 =	simm.s32 $0x1;
	v13 =	vld [tilespmem:s18+$0x40];
	s18 =	simm.s32 $0xD0;
	v3 =	vmin.f32 v3, v9;
	v6 =	vmax.f32 v10, v9;
	v15 =	vadd.f32 v9, v7  }
.LBB2_2:
0x21: {  	v7 =	vld [tilespmem:s18+$0xFFFFFFD0];
	s17 =	sadd.s32 $0x4, s17;
	v3 =	vmin.f32 v3, v4;
	v6 =	vmax.f32 v6, v4;
	v4 =	vadd.f32 v4, v14  }
0x22: {  	v8 =	vld [tilespmem:s18+$0xFFFFFFE0];
	p2 =	slt.u32 s17, $0x39;
	v3 =	vmin.f32 v3, v5;
	v6 =	vmax.f32 v6, v5;
	v5 =	vadd.f32 v5, v15  }
0x23: {  	v9 =	vld [tilespmem:s18+$0xFFFFFFF0];
	v3 =	vmin.f32 v3, v11;
	v6 =	vmax.f32 v6, v11;
	v10 =	vadd.f32 v11, v4  }
.Ltmp0:
0x24: {  	v4 =	vld [tilespmem:s18+$0x0];
	v3 =	vmin.f32 v3, v12;
	v6 =	vmax.f32 v6, v12;
	v11 =	vadd.f32 v12, v5;
	(pc) =	sbr.rel @p2 .LBB2_2-.Ltmp0, $4  }
0x25: {  	v5 =	vld [tilespmem:s18+$0x10];
	v3 =	vmin.f32 v3, v13;
	v6 =	vmax.f32 v6, v13;
	v10 =	vadd.f32 v13, v10  }
0x26: {  	v3 =	vmin.f32 v3, v7;
	v6 =	vmax.f32 v6, v7;
	v7 =	vadd.f32 v7, v11;
	v11 =	vld [tilespmem:s18+$0x20]  }
0x27: {  	v3 =	vmin.f32 v3, v8;
	v6 =	vmax.f32 v6, v8;
	v14 =	vadd.f32 v8, v10;
	v12 =	vld [tilespmem:s18+$0x30]  }
0x28: {  	v3 =	vmin.f32 v3, v9;
	v6 =	vmax.f32 v6, v9;
	v15 =	vadd.f32 v9, v7;
	v13 =	vld [tilespmem:s18+$0x40];
	s18 =	sadd.s32 $0x80, s18  }
0x29: {  	v7 =	vmin.f32 v3, v4;
	v3 =	vld [tilespmem:$0x7A0]  }
0x2a: {  	v8 =	vmax.f32 v6, v4;
	v6 =	vld [tilespmem:$0x7B0];
	v7 =	vmin.f32 v7, v5  }
0x2b: {  	v8 =	vmax.f32 v8, v5;
	v9 =	vmin.f32 v7, v11;
	v7 =	vld [tilespmem:$0x7C0]  }
0x2c: {  	v10 =	vmax.f32 v8, v11;
	v8 =	vld [tilespmem:$0x7D0];
	v9 =	vmin.f32 v9, v12  }
0x2d: {  	v10 =	vmax.f32 v10, v12;
	v16 =	vmin.f32 v9, v13;
	v9 =	vld [tilespmem:$0x7E0]  }
0x2e: {  	v17 =	vmax.f32 v10, v13;
	v10 =	vld [tilespmem:$0x7F0];
	v16 =	vmin.f32 v16, v3  }
0x2f: {  	v17 =	vmax.f32 v17, v3;
	v16 =	vmin.f32 v16, v6  }
0x30: {  	v17 =	vmax.f32 v17, v6;
	v16 =	vmin.f32 v16, v7  }
0x31: {  	v17 =	vmax.f32 v17, v7;
	v16 =	vmin.f32 v16, v8  }
0x32: {  	v17 =	vmax.f32 v17, v8;
	v16 =	vmin.f32 v16, v9  }
0x33: {  	v17 =	vmax.f32 v17, v9;
	v16 =	vmin.f32 v16, v10  }
0x34: {  	v62 =	vmax.f32 v17, v10;
	(xrf0) =	vmin.scan.msk.f32 $0xffff, v16  }
0x35: {  	(xrf0) =	vmax.scan.msk.f32 $0xffff, v62;
	_ =	sdelay $0x2  }
0x36: {  	v4 =	vadd.f32 v4, v14;
	_ =	sdelay $0x1  }
0x37: {  	v11 =	vadd.f32 v11, v4;
	v63, _, _ =	vpop (xrf0)  }
0x38: {  	v14 =	vadd.f32 v5, v15;
	v15, _, _ =	vpop (xrf0)  }
0x39: {  	v5 =	vbroadcast v63, $0xF;
	v4 =	vbroadcast v15, $0xF  }
0x3a: {  	v12 =	vadd.f32 v12, v14  }
0x3b: {  	s17 =	simm.s32 $0x0;
	v13 =	vadd.f32 v13, v11;
	v14 =	vadd.f32 $-1.000000000e+00, v5;
	v11 =	vmov v4  }
.LBB2_4:
0x3c: {  	s19 =	simm.s32 $0x40  }
0x3d: {  	v16 =	vld [tilespmem:s19+$0xFFFFFFC0]  }
0x3e: {  	v15 =	vadd.f32 v11, v14;
	v17 =	vld [tilespmem:s19+$0xFFFFFFD0]  }
0x3f: {  	v20 =	vld [tilespmem:s19+$0xFFFFFFE0]  }
0x40: {  	v19 =	vld [tilespmem:s19+$0xFFFFFFF0];
	v15 =	vmul.f32 $5.000000000e-01, v15  }
0x41: {  	v18 =	vld [tilespmem:s19+$0x0]  }
0x42: {  	vm1 =	vle.f32 v16, v15;
	v16 =	vld [tilespmem:s19+$0x10]  }
0x43: {  	v21 =	vimm.f32 $0.0e+00;
	v24 =	vimm.f32 $0.0e+00;
	vm2 =	vle.f32 v17, v15;
	v17 =	vld [tilespmem:s19+$0x20]  }
0x44: {  	s18 =	simm.s32 $0x0;
	v22 =	vsel vm1, $0x3F800000, v1;
	v23 =	vsel vm2, $0x3F800000, v1;
	vm1 =	vle.f32 v20, v15;
	v20 =	vld [tilespmem:s19+$0x30];
	s19 =	simm.s32 $0xC0  }
.LBB2_5:
0x45: {  	v25 =	vld [tilespmem:s19+$0xFFFFFFC0];
	v21 =	vadd.f32 v22, v21;
	v22 =	vadd.f32 v23, v24;
	vm2 =	vle.f32 v19, v15  }
0x46: {  	s18 =	sadd.s32 $0x4, s18;
	v19 =	vsel vm1, $0x3F800000, v1;
	v23 =	vld [tilespmem:s19+$0xFFFFFFD0];
	v24 =	vsel vm2, $0x3F800000, v1;
	vm1 =	vle.f32 v18, v15  }
0x47: {  	p2 =	slt.u32 s18, $0x3C;
	v26 =	vld [tilespmem:s19+$0xFFFFFFE0];
	v21 =	vadd.f32 v19, v21;
	v22 =	vadd.f32 v24, v22;
	vm2 =	vle.f32 v16, v15  }
.Ltmp1:
0x48: {  	v16 =	vsel vm1, $0x3F800000, v1;
	v19 =	vld [tilespmem:s19+$0xFFFFFFF0];
	v24 =	vsel vm2, $0x3F800000, v1;
	vm1 =	vle.f32 v17, v15;
	(pc) =	sbr.rel @p2 .LBB2_5-.Ltmp1, $4  }
0x49: {  	v18 =	vld [tilespmem:s19+$0x0];
	v21 =	vadd.f32 v16, v21;
	v22 =	vadd.f32 v24, v22;
	vm2 =	vle.f32 v20, v15  }
0x4a: {  	v20 =	vsel vm1, $0x3F800000, v1;
	vm3 =	vle.f32 v25, v15;
	v16 =	vld [tilespmem:s19+$0x10];
	v24 =	vsel vm2, $0x3F800000, v1  }
0x4b: {  	vm1 =	vle.f32 v23, v15;
	v17 =	vld [tilespmem:s19+$0x20];
	v21 =	vadd.f32 v20, v21;
	v24 =	vadd.f32 v24, v22  }
0x4c: {  	v22 =	vsel vm3, $0x3F800000, v1;
	v23 =	vsel vm1, $0x3F800000, v1;
	vm1 =	vle.f32 v26, v15;
	v20 =	vld [tilespmem:s19+$0x30];
	s19 =	sadd.s32 $0x80, s19  }
0x4d: {  	v21 =	vadd.f32 v22, v21;
	v54 =	vadd.f32 v23, v24;
	vm2 =	vle.f32 v19, v15  }
0x4e: {  	v55 =	vsel vm1, $0x3F800000, v1;
	v56 =	vsel vm2, $0x3F800000, v1;
	vm1 =	vle.f32 v18, v15  }
0x4f: {  	v57 =	vadd.f32 v55, v21;
	v58 =	vadd.f32 v56, v54;
	vm2 =	vle.f32 v16, v15  }
0x50: {  	v59 =	vsel vm1, $0x3F800000, v1;
	v60 =	vsel vm2, $0x3F800000, v1;
	vm1 =	vle.f32 v17, v15  }
0x51: {  	v16 =	vadd.f32 v59, v57;
	v61 =	vadd.f32 v60, v58;
	vm2 =	vle.f32 v20, v15  }
0x52: {  	v62 =	vsel vm1, $0x3F800000, v1;
	v63 =	vsel vm2, $0x3F800000, v1  }
0x53: {  	v16 =	vadd.f32 v62, v16;
	v17 =	vadd.f32 v63, v61;
	_ =	sdelay $0x1  }
0x54: {  	v16 =	vadd.f32 v17, v16;
	_ =	sdelay $0x1  }
0x55: {  	(xrf2) =	vadd.scan.msk.f32 $0xffff, v16;
	_ =	sdelay $0x7  }
0x56: {  	s17 =	sadd.s32 $0x1, s17  }
0x57: {  	p2 =	sne.s32 s17, $0x1B  }
.Ltmp2:
0x58: {  	v16, _, _ =	vpop (xrf2);
	(pc) =	sbr.rel @p2 .LBB2_4-.Ltmp2, $3  }
0x59: {  	v16 =	vbroadcast v16, $0xF;
	_ =	sdelay $0x1  }
0x5a: {  	vm1 =	vge.f32 v16, v0  }
0x5b: {  	v14 =	vsel vm1, v14, v15;
	v11 =	vsel vm1, v15, v11  }
0x5c: {  	v3 =	vadd.f32 v3, v12;
	v6 =	vadd.f32 v6, v13;
	_ =	sdelay $0x1  }
0x5d: {  	v3 =	vadd.f32 v7, v3;
	v6 =	vadd.f32 v8, v6;
	_ =	sdelay $0x1  }
0x5e: {  	v3 =	vadd.f32 v9, v3;
	v6 =	vadd.f32 v10, v6;
	_ =	sdelay $0x1  }
0x5f: {  	v3 =	vadd.f32 v6, v3;
	_ =	sdelay $0x1  }
0x60: {  	(xrf2) =	vadd.scan.msk.f32 $0xffff, v3;
	_ =	sdelay $0x7  }
0x61: {  	[tilespmem:$0xC00] =	vst v11  }
0x62: {  	[tilespmem:$0xC10] =	vst v11  }
0x63: {  	[spmem:s4] =	stream.linear.scatter [tilespmem:s13], [sflag:$0x1], $0x20, $0x38;
	v3, _, _ =	vpop (xrf2);
	[tilespmem:$0xD40] =	vst v63  }
0x64: {  	_ =	swait.ge [sflag:s12], $0x20  }
0x65: {  	[sflag:s12] =	ssyncset.done $0x0  }
0x66: {  	[sflag:s12] =	ssyncadd.s32 $0xFFFFFFE0  }
0x67: {  	[bflag:$0x0] =	sbarrier.arrive $0xFFFF  }
0x68: {  	[tilespmem:s14], [sflag:$0x1] =	stream.linear.gather [spmem:s5], $0x20, $0x38;
	[tilespmem:$0xD40] =	vst v63  }
0x69: {  	_ =	swait.ge [sflag:s12], $0x20  }
0x6a: {  	[sflag:s12] =	ssyncset.done $0x0  }
0x6b: {  	[sflag:s12] =	ssyncadd.s32 $0xFFFFFFE0  }
0x6c: {  	v6 =	vld [tilespmem:$0xC20];
	_ =	sdelay $0x4  }
0x6d: {  	v6 =	vadd.f32 v6, v11;
	_ =	sdelay $0x1  }
0x6e: {  	s17 =	simm.s32 $0x0;
	v3 =	vbroadcast v3, $0xF;
	v6 =	vmul.f32 $5.000000000e-01, v6  }
.LBB2_8:
0x6f: {  	s18 =	simm.s32 $0x40  }
0x70: {  	v15 =	vld [tilespmem:s18+$0x20]  }
0x71: {  	v7 =	vld [tilespmem:s18+$0x30]  }
0x72: {  	v16 =	vld [tilespmem:s18+$0x0]  }
0x73: {  	v8 =	vld [tilespmem:s18+$0x10]  }
0x74: {  	v9 =	vpsel p0, v4, v5;
	v11 =	vld [tilespmem:s18+$0xFFFFFFE0]  }
0x75: {  	v10 =	vadd.f32 v9, v6;
	v9 =	vld [tilespmem:s18+$0xFFFFFFF0]  }
0x76: {  	v12 =	vld [tilespmem:s18+$0xFFFFFFC0]  }
0x77: {  	v13 =	vld [tilespmem:s18+$0xFFFFFFD0];
	v10 =	vmul.f32 $5.000000000e-01, v10  }
0x78: {  	v14 =	vimm.f32 $0.0e+00;
	v18 =	vimm.f32 $0.0e+00  }
0x79: {  	v20 =	vimm.f32 $0.0e+00;
	v19 =	vimm.f32 $0.0e+00;
	vm1 =	vle.f32 v15, v10  }
0x7a: {  	vm2 =	vle.f32 v16, v10;
	vm3 =	vle.f32 v8, v10;
	vm4 =	vle.f32 v7, v10  }
0x7b: {  	vm5 =	vle.f32 v12, v10;
	vm6 =	vle.f32 v11, v10;
	vm8 =	vle.f32 v9, v10  }
0x7c: {  	vm9 =	vle.f32 v13, v10;
	vm10 =	vmxor vm0, vm1;
	vm1 =	vmxor vm0, vm4  }
0x7d: {  	vm6 =	vmxor vm0, vm6;
	vm7 =	vmxor vm0, vm2;
	vm2 =	vmxor vm0, vm3  }
0x7e: {  	vm5 =	vmxor vm0, vm5;
	vm4 =	vmxor vm0, vm9;
	vm3 =	vmxor vm0, vm8  }
0x7f: {  	s19 =	simm.s32 $0xC0;
	s18 =	simm.s32 $0x0;
	v17 =	vnsel vm7, $0x0, v16;
	v16 =	vnsel vm10, $0x0, v15;
	v15 =	vsel vm10, $0x3F800000, v1  }
.LBB2_9:
0x80: {  	v21 =	vld [tilespmem:s19+$0x20];
	v22 =	vnsel vm6, $0x0, v11;
	v23 =	vsel vm6, $0x3F800000, v1;
	v24 =	vsel vm7, $0x3F800000, v1  }
0x81: {  	v11 =	vnsel vm5, $0x0, v12;
	v12 =	vsel vm5, $0x3F800000, v1;
	v13 =	vnsel vm4, $0x0, v13;
	v25 =	vld [tilespmem:s19+$0x30]  }
0x82: {  	v14 =	vadd.f32 v11, v14;
	v12 =	vadd.f32 v12, v18;
	v11 =	vsel vm4, $0x3F800000, v1;
	v26 =	vld [tilespmem:s19+$0x0]  }
0x83: {  	v13 =	vadd.f32 v13, v20;
	v18 =	vadd.f32 v11, v19;
	v19 =	vnsel vm3, $0x0, v9;
	v27 =	vld [tilespmem:s19+$0x10]  }
0x84: {  	v14 =	vadd.f32 v22, v14;
	v20 =	vadd.f32 v23, v12;
	v12 =	vsel vm3, $0x3F800000, v1;
	v11 =	vld [tilespmem:s19+$0xFFFFFFE0]  }
0x85: {  	v8 =	vnsel vm2, $0x0, v8;
	v19 =	vadd.f32 v19, v13;
	v18 =	vadd.f32 v12, v18;
	v9 =	vld [tilespmem:s19+$0xFFFFFFF0]  }
0x86: {  	v14 =	vadd.f32 v17, v14;
	v17 =	vadd.f32 v24, v20;
	v20 =	vsel vm2, $0x3F800000, v1;
	v12 =	vld [tilespmem:s19+$0xFFFFFFC0]  }
0x87: {  	v19 =	vadd.f32 v8, v19;
	v22 =	vadd.f32 v20, v18;
	v20 =	vnsel vm1, $0x0, v7;
	v7 =	vmovc v25;
	v13 =	vld [tilespmem:s19+$0xFFFFFFD0]  }
0x88: {  	v14 =	vadd.f32 v16, v14;
	v18 =	vadd.f32 v15, v17;
	v15 =	vsel vm1, $0x3F800000, v1;
	v8 =	vmovc v27  }
0x89: {  	s18 =	sadd.s32 $0x4, s18;
	vm1 =	vle.f32 v21, v10;
	v20 =	vadd.f32 v20, v19;
	v19 =	vadd.f32 v15, v22  }
0x8a: {  	p2 =	slt.u32 s18, $0x3C;
	vm2 =	vle.f32 v26, v10;
	vm4 =	vle.f32 v7, v10;
	vm3 =	vle.f32 v8, v10  }
.Ltmp3:
0x8b: {  	vm6 =	vle.f32 v11, v10;
	vm8 =	vle.f32 v9, v10;
	vm5 =	vle.f32 v12, v10;
	(pc) =	sbr.rel @p2 .LBB2_9-.Ltmp3, $4  }
0x8c: {  	vm10 =	vmxor vm0, vm1;
	vm1 =	vmxor vm0, vm4;
	vm9 =	vle.f32 v13, v10  }
0x8d: {  	vm7 =	vmxor vm0, vm2;
	vm6 =	vmxor vm0, vm6;
	vm2 =	vmxor vm0, vm3  }
0x8e: {  	vm3 =	vmxor vm0, vm8;
	vm5 =	vmxor vm0, vm5;
	vm4 =	vmxor vm0, vm9  }
0x8f: {  	s19 =	sadd.s32 $0x80, s19;
	v17 =	vnsel vm7, $0x0, v26;
	v16 =	vnsel vm10, $0x0, v21;
	v15 =	vsel vm10, $0x3F800000, v1  }
0x90: {  	v10 =	vnsel vm6, $0x0, v11;
	v11 =	vsel vm6, $0x3F800000, v1;
	v21 =	vsel vm7, $0x3F800000, v1  }
0x91: {  	v12 =	vnsel vm5, $0x0, v12;
	v22 =	vsel vm5, $0x3F800000, v1;
	v13 =	vnsel vm4, $0x0, v13  }
0x92: {  	v12 =	vadd.f32 v12, v14;
	v14 =	vsel vm4, $0x3F800000, v1;
	v13 =	vadd.f32 v13, v20  }
0x93: {  	v9 =	vnsel vm3, $0x0, v9;
	v18 =	vadd.f32 v22, v18;
	v14 =	vadd.f32 v14, v19  }
0x94: {  	v10 =	vadd.f32 v10, v12;
	v12 =	vsel vm3, $0x3F800000, v1;
	v9 =	vadd.f32 v9, v13  }
0x95: {  	v8 =	vnsel vm2, $0x0, v8;
	v11 =	vadd.f32 v11, v18;
	v12 =	vadd.f32 v12, v14  }
0x96: {  	v13 =	vsel vm2, $0x3F800000, v1;
	v10 =	vadd.f32 v17, v10;
	v8 =	vadd.f32 v8, v9  }
0x97: {  	v7 =	vnsel vm1, $0x0, v7;
	v9 =	vadd.f32 v21, v11;
	v11 =	vadd.f32 v13, v12  }
0x98: {  	v12 =	vsel vm1, $0x3F800000, v1;
	v10 =	vadd.f32 v16, v10;
	v7 =	vadd.f32 v7, v8  }
0x99: {  	v8 =	vadd.f32 v15, v9;
	v9 =	vadd.f32 v12, v11  }
0x9a: {  	v7 =	vadd.f32 v7, v10  }
0x9b: {  	v8 =	vadd.f32 v9, v8  }
0x9c: {  	(xrf2) =	vadd.scan.msk.f32 $0xffff, v7  }
0x9d: {  	(xrf2) =	vadd.scan.msk.f32 $0xffff, v8;
	_ =	sdelay $0x8  }
0x9e: {  	v7, _, _ =	vpop (xrf2)  }
0x9f: {  	v7 =	vbroadcast v7, $0xF;
	v8, _, _ =	vpop (xrf2)  }
0xa0: {  	v8 =	vbroadcast v8, $0xF  }
0xa1: {  	[tilespmem:$0xC00] =	vst v7  }
0xa2: {  	[tilespmem:$0xC10] =	vst v8  }
0xa3: {  	[spmem:s6] =	stream.linear.scatter [tilespmem:s13], [sflag:$0x1], $0x20, $0x38;
	[tilespmem:$0xD40] =	vst v63  }
0xa4: {  	_ =	swait.ge [sflag:s12], $0x20  }
0xa5: {  	[sflag:s12] =	ssyncset.done $0x0  }
0xa6: {  	[sflag:s12] =	ssyncadd.s32 $0xFFFFFFE0  }
0xa7: {  	[bflag:$0x0] =	sbarrier.arrive $0xFFFF  }
0xa8: {  	[tilespmem:s14], [sflag:$0x1] =	stream.linear.gather [spmem:s7], $0x20, $0x38;
	[tilespmem:$0xD40] =	vst v63  }
0xa9: {  	_ =	swait.ge [sflag:s12], $0x20  }
0xaa: {  	[sflag:s12] =	ssyncset.done $0x0  }
0xab: {  	[sflag:s12] =	ssyncadd.s32 $0xFFFFFFE0  }
0xac: {  	v9 =	vld [tilespmem:$0xC30];
	_ =	sdelay $0x4  }
0xad: {  	v10 =	vpsel p0, v9, v8  }
0xae: {  	v11 =	vsub.f32 $2.048000000e+03, v10  }
0xaf: {  	v8 =	vpsel p0, v8, v9  }
0xb0: {  	v9 =	vsub.f32 v11, v8  }
0xb1: {  	v11 =	vmax.f32 v10, $1.000000000e+00  }
0xb2: {  	(erf) = vrcp.f32 v11;
	v11 =	vmax.f32 v9, $1.000000000e+00  }
0xb3: {  	(erf) = vrcp.f32 v11;
	v11 =	vmax.f32 v8, $1.000000000e+00  }
0xb4: {  	(erf) = vrcp.f32 v11;
	v11 =	vld [tilespmem:$0xC20];
	_ =	sdelay $0x4  }
0xb5: {  	v12 =	vpsel p0, v11, v7  }
0xb6: {  	v14 =	vsub.f32 v3, v12;
	_ =	sdelay $0x1  }
0xb7: {  	v13 =	vpop (erf)  }
0xb8: {  	s18 =	simm.s32 $0x40;
	v7 =	vpsel p0, v7, v11;
	v15 =	vpop (erf)  }
0xb9: {  	v16 =	vld [tilespmem:s18+$0x20];
	v12 =	vmul.f32 v13, v12;
	v11 =	vsub.f32 v14, v7;
	v14 =	vpop (erf)  }
0xba: {  	vm1 =	vgt.f32 v10, $0.0e+00;
	vm2 =	vgt.f32 v8, $0.0e+00;
	v8 =	vld [tilespmem:s18+$0x10];
	v13 =	vmul.f32 v14, v7  }
0xbb: {  	v5 =	vsel vm1, v12, v5;
	v12 =	vld [tilespmem:s18+$0xFFFFFFC0];
	v10 =	vmul.f32 v15, v11  }
0xbc: {  	vm1 =	vgt.f32 v9, $0.0e+00;
	v15 =	vld [tilespmem:s18+$0x0];
	v4 =	vsel vm2, v13, v4  }
0xbd: {  	v11 =	vld [tilespmem:s18+$0xFFFFFFE0];
	v6 =	vsel vm1, v10, v6;
	v9 =	vpsel p0, v4, v5  }
0xbe: {  	v7 =	vld [tilespmem:s18+$0x30];
	v10 =	vadd.f32 v6, v9  }
0xbf: {  	v13 =	vld [tilespmem:s18+$0xFFFFFFD0]  }
0xc0: {  	v9 =	vld [tilespmem:s18+$0xFFFFFFF0];
	v10 =	vmul.f32 $5.000000000e-01, v10  }
0xc1: {  	v20 =	vimm.f32 $0.0e+00;
	v19 =	vimm.f32 $0.0e+00  }
0xc2: {  	v18 =	vimm.f32 $0.0e+00;
	v14 =	vimm.f32 $0.0e+00;
	vm1 =	vle.f32 v16, v10  }
0xc3: {  	vm2 =	vle.f32 v15, v10;
	vm3 =	vle.f32 v8, v10;
	vm4 =	vle.f32 v7, v10  }
0xc4: {  	vm5 =	vle.f32 v12, v10;
	vm6 =	vle.f32 v11, v10;
	vm9 =	vle.f32 v13, v10  }
0xc5: {  	vm8 =	vle.f32 v9, v10;
	vm10 =	vmxor vm0, vm1;
	vm1 =	vmxor vm0, vm4  }
0xc6: {  	vm6 =	vmxor vm0, vm6;
	vm7 =	vmxor vm0, vm2;
	vm2 =	vmxor vm0, vm3  }
0xc7: {  	vm5 =	vmxor vm0, vm5;
	vm4 =	vmxor vm0, vm9;
	vm3 =	vmxor vm0, vm8  }
0xc8: {  	s19 =	simm.s32 $0xC0;
	s18 =	simm.s32 $0x0;
	v17 =	vnsel vm7, $0x0, v15;
	v16 =	vnsel vm10, $0x0, v16;
	v15 =	vsel vm10, $0x3F800000, v1  }
.LBB2_11:
0xc9: {  	v21 =	vld [tilespmem:s19+$0x20];
	v22 =	vnsel vm6, $0x0, v11;
	v23 =	vsel vm6, $0x3F800000, v1;
	v24 =	vsel vm7, $0x3F800000, v1  }
0xca: {  	v11 =	vnsel vm5, $0x0, v12;
	v12 =	vsel vm5, $0x3F800000, v1;
	v13 =	vnsel vm4, $0x0, v13;
	v25 =	vld [tilespmem:s19+$0x30]  }
0xcb: {  	v14 =	vadd.f32 v11, v14;
	v12 =	vadd.f32 v12, v18;
	v11 =	vsel vm4, $0x3F800000, v1;
	v26 =	vld [tilespmem:s19+$0x0]  }
0xcc: {  	v13 =	vadd.f32 v13, v20;
	v18 =	vadd.f32 v11, v19;
	v19 =	vnsel vm3, $0x0, v9;
	v27 =	vld [tilespmem:s19+$0x10]  }
0xcd: {  	v14 =	vadd.f32 v22, v14;
	v20 =	vadd.f32 v23, v12;
	v12 =	vsel vm3, $0x3F800000, v1;
	v11 =	vld [tilespmem:s19+$0xFFFFFFE0]  }
0xce: {  	v8 =	vnsel vm2, $0x0, v8;
	v19 =	vadd.f32 v19, v13;
	v18 =	vadd.f32 v12, v18;
	v9 =	vld [tilespmem:s19+$0xFFFFFFF0]  }
0xcf: {  	v14 =	vadd.f32 v17, v14;
	v17 =	vadd.f32 v24, v20;
	v20 =	vsel vm2, $0x3F800000, v1;
	v12 =	vld [tilespmem:s19+$0xFFFFFFC0]  }
0xd0: {  	v19 =	vadd.f32 v8, v19;
	v22 =	vadd.f32 v20, v18;
	v20 =	vnsel vm1, $0x0, v7;
	v7 =	vmovc v25;
	v13 =	vld [tilespmem:s19+$0xFFFFFFD0]  }
0xd1: {  	v14 =	vadd.f32 v16, v14;
	v18 =	vadd.f32 v15, v17;
	v15 =	vsel vm1, $0x3F800000, v1;
	v8 =	vmovc v27  }
0xd2: {  	s18 =	sadd.s32 $0x4, s18;
	vm1 =	vle.f32 v21, v10;
	v20 =	vadd.f32 v20, v19;
	v19 =	vadd.f32 v15, v22  }
0xd3: {  	p2 =	slt.u32 s18, $0x3C;
	vm2 =	vle.f32 v26, v10;
	vm4 =	vle.f32 v7, v10;
	vm3 =	vle.f32 v8, v10  }
.Ltmp4:
0xd4: {  	vm6 =	vle.f32 v11, v10;
	vm8 =	vle.f32 v9, v10;
	vm5 =	vle.f32 v12, v10;
	(pc) =	sbr.rel @p2 .LBB2_11-.Ltmp4, $4  }
0xd5: {  	vm10 =	vmxor vm0, vm1;
	vm1 =	vmxor vm0, vm4;
	vm9 =	vle.f32 v13, v10  }
0xd6: {  	vm7 =	vmxor vm0, vm2;
	vm6 =	vmxor vm0, vm6;
	vm2 =	vmxor vm0, vm3  }
0xd7: {  	vm3 =	vmxor vm0, vm8;
	vm5 =	vmxor vm0, vm5;
	vm4 =	vmxor vm0, vm9  }
0xd8: {  	s19 =	sadd.s32 $0x80, s19;
	v17 =	vnsel vm7, $0x0, v26;
	v16 =	vnsel vm10, $0x0, v21;
	v15 =	vsel vm10, $0x3F800000, v1  }
0xd9: {  	v10 =	vnsel vm6, $0x0, v11;
	v44 =	vsel vm6, $0x3F800000, v1;
	v21 =	vsel vm7, $0x3F800000, v1  }
0xda: {  	v12 =	vnsel vm5, $0x0, v12;
	v22 =	vsel vm5, $0x3F800000, v1;
	v13 =	vnsel vm4, $0x0, v13  }
0xdb: {  	v45 =	vsel vm4, $0x3F800000, v1;
	v12 =	vadd.f32 v12, v14;
	v13 =	vadd.f32 v13, v20  }
0xdc: {  	v9 =	vnsel vm3, $0x0, v9;
	v18 =	vadd.f32 v22, v18;
	v14 =	vadd.f32 v45, v19  }
0xdd: {  	v46 =	vsel vm3, $0x3F800000, v1;
	v10 =	vadd.f32 v10, v12;
	v9 =	vadd.f32 v9, v13  }
0xde: {  	v8 =	vnsel vm2, $0x0, v8;
	v11 =	vadd.f32 v44, v18;
	v12 =	vadd.f32 v46, v14  }
0xdf: {  	v47 =	vsel vm2, $0x3F800000, v1;
	v10 =	vadd.f32 v17, v10;
	v8 =	vadd.f32 v8, v9  }
0xe0: {  	v7 =	vnsel vm1, $0x0, v7;
	v48 =	vadd.f32 v21, v11;
	v49 =	vadd.f32 v47, v12  }
0xe1: {  	v50 =	vsel vm1, $0x3F800000, v1;
	v10 =	vadd.f32 v16, v10;
	v7 =	vadd.f32 v7, v8  }
0xe2: {  	v8 =	vadd.f32 v15, v48;
	v51 =	vadd.f32 v50, v49  }
0xe3: {  	v7 =	vadd.f32 v7, v10  }
0xe4: {  	v8 =	vadd.f32 v51, v8  }
0xe5: {  	(xrf2) =	vadd.scan.msk.f32 $0xffff, v7  }
0xe6: {  	(xrf2) =	vadd.scan.msk.f32 $0xffff, v8;
	_ =	sdelay $0x8  }
0xe7: {  	v7, _, _ =	vpop (xrf2)  }
0xe8: {  	v7 =	vbroadcast v7, $0xF;
	v8, _, _ =	vpop (xrf2)  }
0xe9: {  	v8 =	vbroadcast v8, $0xF  }
0xea: {  	[tilespmem:$0xC00] =	vst v7  }
0xeb: {  	[tilespmem:$0xC10] =	vst v8  }
0xec: {  	[spmem:s4] =	stream.linear.scatter [tilespmem:s13], [sflag:$0x1], $0x20, $0x38;
	[tilespmem:$0xD40] =	vst v63  }
0xed: {  	_ =	swait.ge [sflag:s12], $0x20  }
0xee: {  	[sflag:s12] =	ssyncset.done $0x0  }
0xef: {  	[sflag:s12] =	ssyncadd.s32 $0xFFFFFFE0  }
0xf0: {  	[bflag:$0x0] =	sbarrier.arrive $0xFFFF  }
0xf1: {  	[tilespmem:s14], [sflag:$0x1] =	stream.linear.gather [spmem:s5], $0x20, $0x38;
	[tilespmem:$0xD40] =	vst v63  }
0xf2: {  	_ =	swait.ge [sflag:s12], $0x20  }
0xf3: {  	[sflag:s12] =	ssyncset.done $0x0  }
0xf4: {  	[sflag:s12] =	ssyncadd.s32 $0xFFFFFFE0  }
0xf5: {  	v52 =	vld [tilespmem:$0xC30];
	_ =	sdelay $0x4  }
0xf6: {  	v53 =	vpsel p0, v52, v8  }
0xf7: {  	v54 =	vsub.f32 $2.048000000e+03, v53  }
0xf8: {  	v8 =	vpsel p0, v8, v52  }
0xf9: {  	v9 =	vsub.f32 v54, v8  }
0xfa: {  	v55 =	vmax.f32 v53, $1.000000000e+00  }
0xfb: {  	(erf) = vrcp.f32 v55;
	v56 =	vmax.f32 v9, $1.000000000e+00  }
0xfc: {  	v57 =	vmax.f32 v8, $1.000000000e+00;
	(erf) = vrcp.f32 v56  }
0xfd: {  	v58 =	vld [tilespmem:$0xC20];
	(erf) = vrcp.f32 v57;
	_ =	sdelay $0x4  }
0xfe: {  	v59 =	vpsel p0, v58, v7  }
0xff: {  	s17 =	sadd.s32 $0x1, s17;
	v60 =	vsub.f32 v3, v59  }
0x100: {  	p2 =	sne.s32 s17, $0x5;
	v7 =	vpsel p0, v7, v58;
	v61 =	vpop (erf)  }
.Ltmp5:
0x101: {  	v13 =	vsub.f32 v60, v7;
	v62 =	vpop (erf);
	(pc) =	sbr.rel @p2 .LBB2_8-.Ltmp5, $4  }
0x102: {  	v11 =	vmul.f32 v61, v59;
	v63 =	vpop (erf)  }
0x103: {  	v12 =	vmul.f32 v62, v13;
	v7 =	vmul.f32 v63, v7  }
0x104: {  	vm1 =	vgt.f32 v53, $0.0e+00;
	vm3 =	vgt.f32 v8, $0.0e+00;
	vm2 =	vgt.f32 v9, $0.0e+00  }
0x105: {  	v5 =	vsel vm1, v11, v5;
	v6 =	vsel vm2, v12, v6;
	v4 =	vsel vm3, v7, v4  }
0x106: {  	v7 =	vadd.f32 v6, v5;
	vm1 =	vgt.f32 v5, v6;
	vm2 =	veq.f32 v5, v6  }
0x107: {  	v3 =	vsel vm1, $0x1, v2;
	vm1 =	vgt.f32 v4, v6;
	v8 =	vsel vm2, $0x1, v2  }
0x108: {  	v9 =	vadd.f32 v4, v6;
	v10 =	vsel vm1, $0x1, v2;
	v3 =	vadd.s32 v3, v8  }
0x109: {  	vm2 =	vgt.f32 v6, v4;
	vm1 =	vgt.f32 v5, v4;
	v3 =	vadd.s32 v10, v3;
	v10 =	vld [tilespmem:s11+$0xFFFFFFC0]  }
0x10a: {  	v11 =	vsel vm2, $0x1, v2;
	v7 =	vmul.f32 $5.000000000e-01, v7;
	v8 =	vsel vm1, $0x1, v2  }
0x10b: {  	vm2 =	veq.f32 v6, v4;
	vm1 =	veq.f32 v5, v4;
	v11 =	vadd.s32 v11, v8  }
0x10c: {  	v12 =	vsel vm1, $0x1, v2;
	v8 =	vmul.f32 $5.000000000e-01, v9;
	vm1 =	vgt.f32 v6, v5  }
0x10d: {  	v9 =	vadd.s32 v12, v11;
	v11 =	vsel vm1, $0x1, v2;
	vm1 =	vgt.f32 v4, v5  }
0x10e: {  	v4 =	vsel vm2, $0x1, v2;
	vm2 =	vgt.f32 v10, v7;
	vm3 =	vgt.f32 v10, v8  }
0x10f: {  	v5 =	vsel vm1, $0x1, v2;
	v4 =	vadd.s32 v4, v9;
	vm1 =	vmxor vm2, vm3  }
0x110: {  	v5 =	vadd.s32 v11, v5;
	vm2 =	vmor vm2, vm3;
	v6 =	vsel vm1, v3, v4  }
0x111: {  	s17 =	simm.s32 $0x840;
	v6 =	vsel vm2, v6, v5  }
0x112: {  	[tilespmem:s17+$0xFFFFFFC0] =	vst v6  }
0x113: {  	v6 =	vld [tilespmem:s11+$0xFFFFFFD0];
	_ =	sdelay $0x4  }
0x114: {  	vm1 =	vgt.f32 v6, v7;
	vm2 =	vgt.f32 v6, v8  }
0x115: {  	vm3 =	vmxor vm1, vm2  }
0x116: {  	vm1 =	vmor vm1, vm2;
	v6 =	vsel vm3, v3, v4  }
0x117: {  	v6 =	vsel vm1, v6, v5  }
0x118: {  	[tilespmem:s17+$0xFFFFFFD0] =	vst v6  }
0x119: {  	v6 =	vld [tilespmem:s11+$0xFFFFFFE0];
	_ =	sdelay $0x4  }
0x11a: {  	vm1 =	vgt.f32 v6, v7;
	vm2 =	vgt.f32 v6, v8  }
0x11b: {  	vm3 =	vmxor vm1, vm2  }
0x11c: {  	vm1 =	vmor vm1, vm2;
	v6 =	vsel vm3, v3, v4  }
0x11d: {  	v6 =	vsel vm1, v6, v5  }
0x11e: {  	[tilespmem:s17+$0xFFFFFFE0] =	vst v6  }
0x11f: {  	v6 =	vld [tilespmem:s11+$0xFFFFFFF0];
	_ =	sdelay $0x4  }
0x120: {  	vm1 =	vgt.f32 v6, v7;
	vm2 =	vgt.f32 v6, v8  }
0x121: {  	vm3 =	vmxor vm1, vm2  }
0x122: {  	vm1 =	vmor vm1, vm2;
	v6 =	vsel vm3, v3, v4  }
0x123: {  	v6 =	vsel vm1, v6, v5  }
0x124: {  	[tilespmem:s17+$0xFFFFFFF0] =	vst v6  }
0x125: {  	v6 =	vld [tilespmem:s11+$0x0];
	_ =	sdelay $0x4  }
0x126: {  	vm1 =	vgt.f32 v6, v7;
	vm2 =	vgt.f32 v6, v8  }
0x127: {  	vm3 =	vmxor vm1, vm2  }
0x128: {  	vm1 =	vmor vm1, vm2;
	v6 =	vsel vm3, v3, v4  }
0x129: {  	v6 =	vsel vm1, v6, v5  }
0x12a: {  	[tilespmem:s17+$0x0] =	vst v6  }
0x12b: {  	v6 =	vld [tilespmem:s11+$0x10];
	_ =	sdelay $0x4  }
0x12c: {  	vm1 =	vgt.f32 v6, v7;
	vm2 =	vgt.f32 v6, v8  }
0x12d: {  	vm3 =	vmxor vm1, vm2  }
0x12e: {  	vm1 =	vmor vm1, vm2;
	v6 =	vsel vm3, v3, v4  }
0x12f: {  	v6 =	vsel vm1, v6, v5  }
0x130: {  	[tilespmem:s17+$0x10] =	vst v6  }
0x131: {  	v6 =	vld [tilespmem:s11+$0x20];
	_ =	sdelay $0x4  }
0x132: {  	vm1 =	vgt.f32 v6, v7;
	vm2 =	vgt.f32 v6, v8  }
0x133: {  	vm3 =	vmxor vm1, vm2  }
0x134: {  	vm1 =	vmor vm1, vm2;
	v6 =	vsel vm3, v3, v4  }
0x135: {  	v6 =	vsel vm1, v6, v5  }
0x136: {  	[tilespmem:s17+$0x20] =	vst v6  }
0x137: {  	v6 =	vld [tilespmem:s11+$0x30];
	_ =	sdelay $0x4  }
0x138: {  	vm1 =	vgt.f32 v6, v7;
	vm2 =	vgt.f32 v6, v8  }
0x139: {  	vm3 =	vmxor vm1, vm2  }
0x13a: {  	vm1 =	vmor vm1, vm2;
	v6 =	vsel vm3, v3, v4  }
0x13b: {  	s18 =	simm.s32 $0x0;
	s19 =	smov.u32 s11;
	v6 =	vsel vm1, v6, v5  }
.LBB2_14:
0x13c: {  	s18 =	sadd.s32 $0x8, s18;
	[tilespmem:s17+$0x30] =	vst v6;
	s17 =	sadd.s32 $0x80, s17;
	s19 =	sadd.s32 $0x80, s19  }
0x13d: {  	v6 =	vld [tilespmem:s19+$0xFFFFFFC0];
	p2 =	slt.u32 s18, $0x38;
	_ =	sdelay $0x4  }
0x13e: {  	vm1 =	vgt.f32 v6, v7;
	vm2 =	vgt.f32 v6, v8  }
0x13f: {  	vm3 =	vmor vm1, vm2;
	vm1 =	vmxor vm1, vm2  }
0x140: {  	v6 =	vsel vm1, v3, v4  }
0x141: {  	v6 =	vsel vm3, v6, v5  }
0x142: {  	[tilespmem:s17+$0xFFFFFFC0] =	vst v6  }
0x143: {  	v6 =	vld [tilespmem:s19+$0xFFFFFFD0];
	_ =	sdelay $0x4  }
0x144: {  	vm1 =	vgt.f32 v6, v7;
	vm2 =	vgt.f32 v6, v8  }
0x145: {  	vm3 =	vmor vm1, vm2;
	vm1 =	vmxor vm1, vm2  }
0x146: {  	v6 =	vsel vm1, v3, v4  }
0x147: {  	v6 =	vsel vm3, v6, v5  }
0x148: {  	[tilespmem:s17+$0xFFFFFFD0] =	vst v6  }
0x149: {  	v6 =	vld [tilespmem:s19+$0xFFFFFFE0];
	_ =	sdelay $0x4  }
0x14a: {  	vm1 =	vgt.f32 v6, v7;
	vm2 =	vgt.f32 v6, v8  }
0x14b: {  	vm3 =	vmor vm1, vm2;
	vm1 =	vmxor vm1, vm2  }
0x14c: {  	v6 =	vsel vm1, v3, v4  }
0x14d: {  	v6 =	vsel vm3, v6, v5  }
0x14e: {  	[tilespmem:s17+$0xFFFFFFE0] =	vst v6  }
0x14f: {  	v6 =	vld [tilespmem:s19+$0xFFFFFFF0];
	_ =	sdelay $0x4  }
0x150: {  	vm1 =	vgt.f32 v6, v7;
	vm2 =	vgt.f32 v6, v8  }
0x151: {  	vm3 =	vmor vm1, vm2;
	vm1 =	vmxor vm1, vm2  }
0x152: {  	v6 =	vsel vm1, v3, v4  }
0x153: {  	v6 =	vsel vm3, v6, v5  }
0x154: {  	[tilespmem:s17+$0xFFFFFFF0] =	vst v6  }
0x155: {  	v6 =	vld [tilespmem:s19+$0x0];
	_ =	sdelay $0x4  }
0x156: {  	vm1 =	vgt.f32 v6, v7;
	vm2 =	vgt.f32 v6, v8  }
0x157: {  	vm3 =	vmor vm1, vm2;
	vm1 =	vmxor vm1, vm2  }
0x158: {  	v6 =	vsel vm1, v3, v4  }
0x159: {  	v6 =	vsel vm3, v6, v5  }
0x15a: {  	[tilespmem:s17+$0x0] =	vst v6  }
0x15b: {  	v6 =	vld [tilespmem:s19+$0x10];
	_ =	sdelay $0x4  }
0x15c: {  	vm1 =	vgt.f32 v6, v7;
	vm2 =	vgt.f32 v6, v8  }
0x15d: {  	vm3 =	vmor vm1, vm2;
	vm1 =	vmxor vm1, vm2  }
0x15e: {  	v6 =	vsel vm1, v3, v4  }
0x15f: {  	v6 =	vsel vm3, v6, v5  }
0x160: {  	[tilespmem:s17+$0x10] =	vst v6  }
0x161: {  	v6 =	vld [tilespmem:s19+$0x20];
	_ =	sdelay $0x4  }
0x162: {  	vm1 =	vgt.f32 v6, v7;
	vm2 =	vgt.f32 v6, v8  }
0x163: {  	vm3 =	vmor vm1, vm2;
	vm1 =	vmxor vm1, vm2  }
0x164: {  	v6 =	vsel vm1, v3, v4  }
0x165: {  	v6 =	vsel vm3, v6, v5  }
0x166: {  	[tilespmem:s17+$0x20] =	vst v6  }
0x167: {  	v6 =	vld [tilespmem:s19+$0x30];
	_ =	sdelay $0x3  }
.Ltmp6:
0x168: {  	(pc) =	sbr.rel @p2 .LBB2_14-.Ltmp6, $4  }
0x169: {  	vm1 =	vgt.f32 v6, v7;
	vm2 =	vgt.f32 v6, v8  }
0x16a: {  	vm3 =	vmor vm1, vm2;
	vm1 =	vmxor vm1, vm2  }
0x16b: {  	v6 =	vsel vm1, v3, v4  }
0x16c: {  	v6 =	vsel vm3, v6, v5  }
0x16d: {  	[tilespmem:s17+$0x30] =	vst v6;
	s17 =	simm.s32 @!p1 $0x0;
	s18 =	simm.s32 @!p1 $0x800  }
0x16e: {  	[hbm4b:s8+s17] =	stream.linear.scatter @!p1 [tilespmem:s18], [sflag:$0x1], $0x400, $0x38;
	[tilespmem:$0xD40] =	vst v63  }
0x16f: {  	s17 =	simm.s32 @!p1 $0x1  }
0x170: {  	_ =	swait.ge @!p1 [sflag:s17], $0x400  }
0x171: {  	[sflag:s17] =	ssyncset.done @!p1 $0x0  }
0x172: {  	[sflag:s17] =	ssyncadd.s32 @!p1 $0xFFFFFC00  }
0x173: {  	[tilespmem:$0xCC0] =	vst v1  }
0x174: {  	[tilespmem:$0xCD0] =	vst v1  }
0x175: {  	[tilespmem:$0xCE0] =	vst v1  }
0x176: {  	[tilespmem:$0xCF0] =	vst v1  }
0x177: {  	[tilespmem:$0xD00] =	vst v1  }
0x178: {  	s16 =	sadd.s32 $0x1, s16;
	[tilespmem:$0xD10] =	vst v1  }
0x179: {  	p2 =	sne.s32 s16, s10;
	[tilespmem:$0xD20] =	vst v1  }
.Ltmp7:
0x17a: {  	[tilespmem:$0xD30] =	vst v1;
	(pc) =	sbr.rel @p2 .LBB2_1-.Ltmp7, $4  }
0x17b: {  	[hbm4b:s9+s2] =	stream.linear.scatter [tilespmem:s15], [sflag:$0x1], $0x80, $0x38;
	[tilespmem:$0xD40] =	vst v63  }
0x17c: {  	_ =	swait.ge [sflag:s12], $0x80  }
0x17d: {  	[sflag:s12] =	ssyncset.done $0x0  }
0x17e: {  	[sflag:s12] =	ssyncadd.s32 $0xFFFFFF80  }
0x17f: {  	_ =	sfence.sel $0x180000  }
0x180: {  	[bflag:$0x0] =	sbarrier.arrive $0xFFFF  }
0x181: {  	p0 =	sne.s32 s1, $0x0;
	_ =	strace $0x90000047  }
0x182: {  	s0 =	sadd.s32 @!p0 $0x100000, s0;
	[bflag:$0x2] =	sbarrier.arrive $0xFFFF  }
0x183: {  	[sflag:s0] =	ssyncadd.tile.s32 @!p0 $0x1;
	_ =	shalt  }
.Lfunc_end2:
_tile_overlayer_lowered:
.L_overlay_start_2:
0x184: {  	(tag) =	ssettag $0x2  }
0x185: {  	s0 =	rddreg [dreg:$0x0];
	s2 =	stileid.u32  }
0x186: {  	s1 =	rddreg [dreg:$0x1];
	p0 =	sne.s32 s2, $0x0  }
0x187: {  	s3 =	rddreg [dreg:$0x2];
	[bflag:$0x3] =	sbarrier.arrive $0xFFFF;
	s2 =	simm.s32 @!p0 $0x1C01  }
0x188: {  	[timem:s3], [sflag:s2] =	dma.local @!p0 [hbm:s0], s1  }
0x189: {  	s0 =	simm.s32 @!p0 $0x1  }
0x18a: {  	_ =	swait.ge @!p0 [sflag:s0], s1  }
0x18b: {  	s1 =	ssub.s32 @!p0 $0x0, s1;
	[sflag:s0] =	ssyncset.done @!p0 $0x0  }
0x18c: {  	[sflag:s0] =	ssyncadd.s32 @!p0 s1  }
0x18d: {  	[bflag:$0x3] =	sbarrier.arrive $0xFFFF  }
0x18e: {  	_ =	shalt  }

</sc_bundles>
